<compile_context>
chip_gen: v7x
topology: tpu7x:2x2x1
jax: 0.10.2.dev20260603
libtpu: 0.0.44.dev20260713+nightly
codegen_flags: <defaults>
</compile_context>

<pallas_src>
import functools

import jax
import jax.numpy as jnp
from jax import lax
from jax.experimental import pallas as pl
from jax.experimental.pallas import tpu as pltpu
from jax.experimental.pallas import tpu_sc as plsc

N_ATOMS = 10000
N_MOL = 500
H = 128
BOND_DIM = 16
DEPTH = 3

HALF = 80000
HALF_PAD = 81920
E_PAD = 2 * HALF_PAD
PAD = HALF_PAD - HALF

NC, NS = 2, 16
NW = NC * NS
PER_W = E_PAD // NW
CHUNK = 128
N_CHUNKS = PER_W // CHUNK
SUP = 256
SPC = SUP // CHUNK
N_SUP = PER_W // SUP
SUP_S = CHUNK
N_SUP_S = PER_W // SUP_S

N_A_PAD = 10240
ROWS_PER_SUB = N_A_PAD // NS
ZCHUNK = 64

BLK = 2048
NBLK = E_PAD // BLK
BLKA = 1000
NBLKA = N_ATOMS // BLKA

_HIGHEST = lax.Precision.HIGHEST



_sc_cache = {}


def _sc_kernels():
    if _sc_cache:
        return _sc_cache["g1"], _sc_cache["gsum"], _sc_cache["scat"]

    mesh = plsc.VectorSubcoreMesh(core_axis_name="c", subcore_axis_name="s",
                                  num_cores=NC, num_subcores=NS)

    @functools.partial(
        pl.kernel,
        out_type=jax.ShapeDtypeStruct((E_PAD, H), jnp.float32),
        mesh=mesh,
        scratch_types=[
            pltpu.VMEM((N_CHUNKS, CHUNK), jnp.int32),
            pltpu.VMEM((CHUNK, H), jnp.float32),
            pltpu.VMEM((CHUNK, H), jnp.float32),
            pltpu.VMEM_SHARED((N_A_PAD, H), jnp.float32),
            pltpu.SemaphoreType.DMA,
            pltpu.SemaphoreType.DMA,
            pltpu.SemaphoreType.DMA,
            pltpu.SemaphoreType.DMA,
        ],
    )
    def _sc_gather1(tab_hbm, idx_hbm, out_hbm, idx_v, b0, b1, tab_sh,
                    gs0, gs1, os0, os1):
        s = lax.axis_index("s")
        wid = lax.axis_index("c") * NS + lax.axis_index("s")
        base = wid * PER_W
        pltpu.sync_copy(idx_hbm.at[wid], idx_v)

        def stage(k, carry):
            r = s * ROWS_PER_SUB + k * CHUNK
            pltpu.sync_copy(tab_hbm.at[pl.ds(r, CHUNK)], b0)
            pltpu.sync_copy(b0, tab_sh.at[pl.ds(r, CHUNK)])
            return carry

        lax.fori_loop(0, ROWS_PER_SUB // CHUNK, stage, None)
        plsc.subcore_barrier()

        def fire_g(j, buf, sem):
            pltpu.async_copy(tab_sh.at[idx_v.at[j]], buf, sem)

        def drain_g(buf, sem):
            pltpu.make_async_copy(tab_sh.at[idx_v.at[0]], buf, sem).wait()

        def fire_out(j, buf, sem):
            pltpu.async_copy(buf, out_hbm.at[pl.ds(base + j * CHUNK, CHUNK)],
                             sem)

        def wait_out(buf, sem):
            pltpu.make_async_copy(buf, out_hbm.at[pl.ds(base, CHUNK)],
                                  sem).wait()

        fire_g(0, b0, gs0)

        def body(jj, carry):
            j0 = 2 * jj
            drain_g(b0, gs0)

            @pl.when(jj > 0)
            def _():
                wait_out(b1, os1)

            fire_g(j0 + 1, b1, gs1)
            fire_out(j0, b0, os0)
            drain_g(b1, gs1)
            wait_out(b0, os0)

            @pl.when(jj < N_CHUNKS // 2 - 1)
            def _():
                fire_g(j0 + 2, b0, gs0)

            fire_out(j0 + 1, b1, os1)
            return carry

        lax.fori_loop(0, N_CHUNKS // 2, body, None)
        wait_out(b1, os1)

    @functools.partial(
        pl.kernel,
        out_type=jax.ShapeDtypeStruct((E_PAD, H), jnp.float32),
        mesh=mesh,
        scratch_types=[
            pltpu.VMEM((N_CHUNKS, CHUNK), jnp.int32),
            pltpu.VMEM((CHUNK, H), jnp.float32),
            pltpu.VMEM((CHUNK, H), jnp.float32),
            pltpu.VMEM_SHARED((N_A_PAD, H), jnp.float32),
            pltpu.SemaphoreType.DMA,
            pltpu.SemaphoreType.DMA,
            pltpu.SemaphoreType.DMA,
            pltpu.SemaphoreType.DMA,
        ],
    )
    def _sc_gather_sum(tab2_hbm, idx_hbm, out_hbm, idx_v, b0, b1, tab_sh,
                       gs0, gs1, os0, os1):
        s = lax.axis_index("s")
        wid = lax.axis_index("c") * NS + lax.axis_index("s")
        base = wid * PER_W
        pltpu.sync_copy(idx_hbm.at[wid], idx_v)

        if True:
            def stage(k, carry):
                r = s * ROWS_PER_SUB + k * CHUNK
                pltpu.sync_copy(tab2_hbm.at[pl.ds(r, CHUNK)], b0)
                pltpu.sync_copy(tab2_hbm.at[pl.ds(N_A_PAD + r, CHUNK)], b1)

                def add_row(i, carry2):
                    for cc in range(H // 16):
                        sl = pl.ds(cc * 16, 16)
                        b0[i, sl] = b0[i, sl] + b1[i, sl]
                    return carry2

                lax.fori_loop(0, CHUNK, add_row, None)
                pltpu.sync_copy(b0, tab_sh.at[pl.ds(r, CHUNK)])
                return carry

            lax.fori_loop(0, ROWS_PER_SUB // CHUNK, stage, None)
            plsc.subcore_barrier()

            def fire_g(j, buf, sem):
                pltpu.async_copy(tab_sh.at[idx_v.at[j]], buf, sem)

            def drain_g(buf, sem):
                pltpu.make_async_copy(tab_sh.at[idx_v.at[0]], buf, sem).wait()

            def fire_out(j, buf, sem):
                pltpu.async_copy(buf,
                                 out_hbm.at[pl.ds(base + j * CHUNK, CHUNK)],
                                 sem)

            def wait_out(buf, sem):
                pltpu.make_async_copy(buf, out_hbm.at[pl.ds(base, CHUNK)],
                                      sem).wait()

            fire_g(0, b0, gs0)

            def body(jj, carry):
                j0 = 2 * jj
                drain_g(b0, gs0)

                @pl.when(jj > 0)
                def _():
                    wait_out(b1, os1)

                fire_g(j0 + 1, b1, gs1)
                fire_out(j0, b0, os0)
                drain_g(b1, gs1)
                wait_out(b0, os0)

                @pl.when(jj < N_CHUNKS // 2 - 1)
                def _():
                    fire_g(j0 + 2, b0, gs0)

                fire_out(j0 + 1, b1, os1)
                return carry

            lax.fori_loop(0, N_CHUNKS // 2, body, None)
            wait_out(b1, os1)


    @functools.partial(
        pl.kernel,
        out_type=jax.ShapeDtypeStruct((2 * N_A_PAD, H), jnp.float32),
        mesh=mesh,
        scratch_types=[
            pltpu.VMEM((N_CHUNKS, CHUNK), jnp.int32),
            pltpu.VMEM((SUP_S, H), jnp.float32),
            pltpu.VMEM((SUP_S, H), jnp.float32),
            pltpu.VMEM((ZCHUNK, H), jnp.float32),
            pltpu.VMEM_SHARED((N_A_PAD, H), jnp.float32),
            pltpu.SemaphoreType.DMA,
            pltpu.SemaphoreType.DMA,
            pltpu.SemaphoreType.DMA,
            pltpu.SemaphoreType.DMA,
        ],
    )
    def _sc_scatter(rows_hbm, idx_hbm, out_hbm, idx_v, b0, b1, zbuf_v,
                    agg_sh, ls0, ls1, ss0, ss1):
        c = lax.axis_index("c")
        s = lax.axis_index("s")
        wid = c * NS + s
        base = wid * PER_W

        def zrow(i, carry):
            for cc in range(H // 16):
                zbuf_v[i, pl.ds(cc * 16, 16)] = jnp.zeros((16,), jnp.float32)
            return carry

        lax.fori_loop(0, ZCHUNK, zrow, None)

        def zcp(k, carry):
            r = s * ROWS_PER_SUB + k * ZCHUNK
            pltpu.sync_copy(zbuf_v, agg_sh.at[pl.ds(r, ZCHUNK)])
            return carry

        lax.fori_loop(0, ROWS_PER_SUB // ZCHUNK, zcp, None)
        plsc.subcore_barrier()

        pltpu.sync_copy(idx_hbm.at[wid], idx_v)

        def fire_load(j, buf, sem):
            pltpu.async_copy(rows_hbm.at[pl.ds(base + j * SUP_S, SUP_S)],
                             buf, sem)

        def wait_load(buf, sem):
            pltpu.make_async_copy(rows_hbm.at[pl.ds(base, SUP_S)], buf,
                                  sem).wait()

        def fire_add(j, buf, sem):
            pltpu.async_copy(buf, agg_sh.at[idx_v.at[j]], sem, add=True)

        def drain_add(buf, sem):
            pltpu.make_async_copy(buf, agg_sh.at[idx_v.at[0]], sem).wait()

        fire_load(0, b0, ls0)

        def sup(jj, carry):
            j0 = 2 * jj
            wait_load(b0, ls0)
            fire_add(j0, b0, ss0)

            @pl.when(jj > 0)
            def _():
                drain_add(b1, ss1)

            fire_load(j0 + 1, b1, ls1)
            drain_add(b0, ss0)

            @pl.when(jj < N_SUP_S // 2 - 1)
            def _():
                fire_load(j0 + 2, b0, ls0)

            wait_load(b1, ls1)
            fire_add(j0 + 1, b1, ss1)
            return carry

        lax.fori_loop(0, N_SUP_S // 2, sup, None)
        drain_add(b1, ss1)
        plsc.subcore_barrier()

        def cp(k, carry):
            r = s * ROWS_PER_SUB + k * ZCHUNK
            pltpu.sync_copy(agg_sh.at[pl.ds(r, ZCHUNK)], zbuf_v)
            pltpu.sync_copy(zbuf_v, out_hbm.at[pl.ds(c * N_A_PAD + r, ZCHUNK)])
            return carry

        lax.fori_loop(0, ROWS_PER_SUB // ZCHUNK, cp, None)

    _sc_cache.update(g1=_sc_gather1, gsum=_sc_gather_sum, scat=_sc_scatter)
    return _sc_cache["g1"], _sc_cache["gsum"], _sc_cache["scat"]



def _pad_mask(i, blk):
    row = i * blk + lax.broadcasted_iota(jnp.int32, (blk, H), 0)
    return (row % HALF_PAD) < HALF


def _init_body(bond_ref, xg_ref, wb_ref, wx_ref, b_ref, out_ref):
    acc = jnp.dot(bond_ref[...], wb_ref[...],
                  preferred_element_type=jnp.float32, precision=_HIGHEST)
    acc += jnp.dot(xg_ref[...], wx_ref[...],
                   preferred_element_type=jnp.float32, precision=_HIGHEST)
    h0 = jnp.maximum(acc + b_ref[...], 0.0)
    out_ref[...] = jnp.where(_pad_mask(pl.program_id(0), BLK), h0, 0.0)


_tc_init = pl.pallas_call(
    _init_body,
    grid=(NBLK,),
    in_specs=[
        pl.BlockSpec((BLK, BOND_DIM), lambda i: (i, 0)),
        pl.BlockSpec((BLK, H), lambda i: (i, 0)),
        pl.BlockSpec((BOND_DIM, H), lambda i: (0, 0)),
        pl.BlockSpec((H, H), lambda i: (0, 0)),
        pl.BlockSpec((1, H), lambda i: (0, 0)),
    ],
    out_specs=pl.BlockSpec((BLK, H), lambda i: (i, 0)),
    out_shape=jax.ShapeDtypeStruct((E_PAD, H), jnp.float32),
)


def _depth_body(h0_ref, g_ref, hrev_ref, w_ref, b_ref, out_ref):
    m = g_ref[...] - hrev_ref[...]
    acc = jnp.dot(m, w_ref[...],
                  preferred_element_type=jnp.float32, precision=_HIGHEST)
    h = jnp.maximum(h0_ref[...] + acc + b_ref[...], 0.0)
    out_ref[...] = jnp.where(_pad_mask(pl.program_id(0), BLK), h, 0.0)


_tc_depth = pl.pallas_call(
    _depth_body,
    grid=(NBLK,),
    in_specs=[
        pl.BlockSpec((BLK, H), lambda i: (i, 0)),
        pl.BlockSpec((BLK, H), lambda i: (i, 0)),
        pl.BlockSpec((BLK, H), lambda i: ((i + NBLK // 2) % NBLK, 0)),
        pl.BlockSpec((H, H), lambda i: (0, 0)),
        pl.BlockSpec((1, H), lambda i: (0, 0)),
    ],
    out_specs=pl.BlockSpec((BLK, H), lambda i: (i, 0)),
    out_shape=jax.ShapeDtypeStruct((E_PAD, H), jnp.float32),
)


def _final_body(atom_ref, agga_ref, aggb_ref, a2m_ref, molf_ref,
                wx_ref, wm_ref, b_ref, out_ref):
    i = pl.program_id(0)
    mv = agga_ref[...] + aggb_ref[...]
    hv = jnp.dot(atom_ref[...], wx_ref[...],
                 preferred_element_type=jnp.float32, precision=_HIGHEST)
    hv += jnp.dot(mv, wm_ref[...],
                  preferred_element_type=jnp.float32, precision=_HIGHEST)
    hv = jnp.maximum(hv + b_ref[...], 0.0)
    seg = a2m_ref[0, 0, :]
    onehot = (lax.broadcasted_iota(jnp.int32, (N_MOL, BLKA), 0)
              == seg[None, :]).astype(jnp.float32)
    contrib = jnp.dot(onehot, hv,
                      preferred_element_type=jnp.float32, precision=_HIGHEST)

    @pl.when(i == 0)
    def _():
        out_ref[:, :H] = contrib
        out_ref[:, H:] = molf_ref[...]

    @pl.when(i != 0)
    def _():
        out_ref[:, :H] = out_ref[:, :H] + contrib


_tc_final = pl.pallas_call(
    _final_body,
    grid=(NBLKA,),
    in_specs=[
        pl.BlockSpec((BLKA, H), lambda i: (i, 0)),
        pl.BlockSpec((BLKA, H), lambda i: (i, 0)),
        pl.BlockSpec((BLKA, H), lambda i: (i, 0)),
        pl.BlockSpec((1, 1, BLKA), lambda i: (i, 0, 0)),
        pl.BlockSpec((N_MOL, H), lambda i: (0, 0)),
        pl.BlockSpec((H, H), lambda i: (0, 0)),
        pl.BlockSpec((H, H), lambda i: (0, 0)),
        pl.BlockSpec((1, H), lambda i: (0, 0)),
    ],
    out_specs=pl.BlockSpec((N_MOL, 2 * H), lambda i: (0, 0)),
    out_shape=jax.ShapeDtypeStruct((N_MOL, 2 * H), jnp.float32),
)



def _mid_pad(x):
    z = jnp.zeros((PAD,) + x.shape[1:], dtype=x.dtype)
    return jnp.concatenate([x[:HALF], z, x[HALF:], z], axis=0)


def _mid_pad_idx(x):
    z = jnp.arange(PAD, dtype=x.dtype) % N_ATOMS
    return jnp.concatenate([x[:HALF], z, x[HALF:], z], axis=0)


def kernel(atom_features, bond_features, molecule_features, Wi_w, Wi_b,
           Wm_w, Wm_b, Wa_w, Wa_b, bond_index, atom_to_molecule, b2rev):
    src = bond_index[0].astype(jnp.int32)
    dst = bond_index[1].astype(jnp.int32)

    src_p = _mid_pad_idx(src)
    dst_p = _mid_pad_idx(dst)
    bond_p = _mid_pad(bond_features)

    src_t = src_p.reshape(NW, N_CHUNKS, CHUNK)
    dst_t = dst_p.reshape(NW, N_CHUNKS, CHUNK)

    wi_t = Wi_w.T
    wb_t = wi_t[:BOND_DIM]
    wx_t = wi_t[BOND_DIM:]
    wm_t = Wm_w.T
    wa_t = Wa_w.T
    wax_t = wa_t[:H]
    wam_t = wa_t[H:]

    wi_b = Wi_b.reshape(1, H)
    wm_b = Wm_b.reshape(1, H)
    wa_b = Wa_b.reshape(1, H)

    a2m_t = atom_to_molecule.astype(jnp.int32).reshape(NBLKA, 1, BLKA)

    sc_gather1, sc_gather_sum, sc_scatter = _sc_kernels()

    xg = sc_gather1(atom_features, src_t)
    h0 = _tc_init(bond_p, xg, wb_t, wx_t, wi_b)

    h = h0
    for _ in range(DEPTH):
        agg2 = sc_scatter(h, dst_t)
        g = sc_gather_sum(agg2, src_t)
        h = _tc_depth(h0, g, h, wm_t, wm_b)

    agg2f = sc_scatter(h, src_t)
    return _tc_final(atom_features, agg2f[:N_ATOMS], agg2f[N_A_PAD:N_A_PAD + N_ATOMS],
                     a2m_t, molecule_features, wax_t, wam_t, wa_b)

# --- scband reference (transcript-rebuilt; emitter-appended) ---
"""Pipeline reference for scband-dmpnnencoder-2473901163248 (READ-ONLY COPY).

The authoritative reference and input builder live on the scoring server;
editing this copy changes nothing except your own understanding.
"""

import jax, jax.numpy as jnp
import numpy as np

N_ATOMS = 10000
N_EDGES = 160000
ATOM_DIM = 128
BOND_DIM = 16
HIDDEN = 128
N_MOL = 500
MOL_DIM = 128
DEPTH = 3


def setup_inputs(seed: int = 0) -> dict:
    key = jax.random.key(seed)
    ks = jax.random.split(key, 12)
    atom_features = jax.random.normal(ks[0], (N_ATOMS, ATOM_DIM), dtype=jnp.float32)
    bond_features = jax.random.normal(ks[1], (N_EDGES, BOND_DIM), dtype=jnp.float32)
    half = N_EDGES // 2
    src = jax.random.randint(ks[2], (half,), 0, N_ATOMS)
    dst = jax.random.randint(ks[3], (half,), 0, N_ATOMS)
    # D-MPNN requires every directed bond (u,v) to have its reverse (v,u) present
    bond_index = jnp.stack([jnp.concatenate([src, dst]), jnp.concatenate([dst, src])], axis=0)
    # structural reverse-bond map: edge i < half reverses to i+half and vice versa
    b2rev = jnp.concatenate([jnp.arange(half) + half, jnp.arange(half)])
    # every molecule id 0..N_MOL-1 appears at least once; sorted segment ids
    atom_to_molecule = jnp.sort(jnp.concatenate([
        jnp.arange(N_MOL),
        jax.random.randint(ks[4], (N_ATOMS - N_MOL,), 0, N_MOL),
    ]))
    molecule_features = jax.random.normal(ks[5], (N_MOL, MOL_DIM), dtype=jnp.float32)
    # learned parameters (nn.Linear convention: y = x @ W.T + b)
    Wi_w = jax.random.normal(ks[6], (HIDDEN, ATOM_DIM + BOND_DIM), dtype=jnp.float32) * 0.02
    Wi_b = jnp.zeros((HIDDEN,), dtype=jnp.float32)
    Wm_w = jax.random.normal(ks[7], (HIDDEN, HIDDEN), dtype=jnp.float32) * 0.02
    Wm_b = jnp.zeros((HIDDEN,), dtype=jnp.float32)
    Wa_w = jax.random.normal(ks[8], (HIDDEN, ATOM_DIM + HIDDEN), dtype=jnp.float32) * 0.02
    Wa_b = jnp.zeros((HIDDEN,), dtype=jnp.float32)
    return {
        'atom_features': atom_features,
        'bond_features': bond_features,
        'molecule_features': molecule_features,
        'Wi_w': Wi_w, 'Wi_b': Wi_b,
        'Wm_w': Wm_w, 'Wm_b': Wm_b,
        'Wa_w': Wa_w, 'Wa_b': Wa_b,
        'bond_index': bond_index,
        'atom_to_molecule': atom_to_molecule,
        'b2rev': b2rev,
    }


def reference(atom_features, bond_features, molecule_features, Wi_w, Wi_b, Wm_w, Wm_b, Wa_w, Wa_b, bond_index, atom_to_molecule, b2rev):
    src = bond_index[0]
    dst = bond_index[1]
    # initial bond hidden states: h_0 = relu(W_i([bond_feat ; atom_feat[src]]))
    expanded_x = jnp.take(atom_features, src, axis=0)
    edge_node_feat = jnp.concatenate([bond_features, expanded_x], axis=1)
    h0 = jax.nn.relu(edge_node_feat @ Wi_w.T + Wi_b)
    h = h0
    for _ in range(DEPTH):
        # sum of hidden states of all bonds incoming to each atom (grouped by dst)
        agg = jax.ops.segment_sum(h, dst, num_segments=N_ATOMS)
        # message for bond (v,w): incoming-to-v sum minus reverse bond (w,v)
        m = jnp.take(agg, src, axis=0) - jnp.take(h, b2rev, axis=0)
        h = jax.nn.relu(h0 + m @ Wm_w.T + Wm_b)
        # dropout_prob = 0.0 -> identity
    # atom readout: sum of bond hidden states originating at each atom (grouped by src)
    m_v = jax.ops.segment_sum(h, src, num_segments=N_ATOMS)
    node_feat_message = jnp.concatenate([atom_features, m_v], axis=1)
    h_v = jax.nn.relu(node_feat_message @ Wa_w.T + Wa_b)
    # molecule readout: sum atom states per molecule (all molecule ids present)
    h_mol = jax.ops.segment_sum(h_v, atom_to_molecule, num_segments=N_MOL)
    final_representation = jnp.concatenate([h_mol, molecule_features], axis=1)
    return final_representation

if __name__ == "__main__":
    import jax
    _d = setup_inputs()
    print(jax.jit(kernel)(*tuple(_d.values())))

</pallas_src>

<mosaic_0001>
#map = affine_map<(d0, d1) -> (0, 0)>
#map1 = affine_map<(d0, d1) -> (0, 0, 0)>
module attributes {stable_mosaic.version = 14 : i64} {
  func.func @_sc_gather1(%arg0: i32, %arg1: i32, %arg2: memref<10000x128xf32, #tpu.memory_space<hbm>>, %arg3: memref<32x40x128xi32, #tpu.memory_space<hbm>>, %arg4: memref<163840x128xf32, #tpu.memory_space<hbm>>, %arg5: memref<40x128xi32, #tpu.memory_space<vmem>>, %arg6: memref<128x128xf32, #tpu.memory_space<vmem>>, %arg7: memref<128x128xf32, #tpu.memory_space<vmem>>, %arg8: memref<10240x128xf32, #tpu.memory_space<vmem_shared>>, %arg9: memref<!tpu.dma_semaphore, #tpu.memory_space<semaphore_mem>>, %arg10: memref<!tpu.dma_semaphore, #tpu.memory_space<semaphore_mem>>, %arg11: memref<!tpu.dma_semaphore, #tpu.memory_space<semaphore_mem>>, %arg12: memref<!tpu.dma_semaphore, #tpu.memory_space<semaphore_mem>>) attributes {dimension_semantics = [#tpu.dimension_semantics<core_parallel>, #tpu.dimension_semantics<subcore_parallel>], iteration_bounds = array<i64: 2, 16>, scalar_prefetch = 0 : i64, scratch_operands = 8 : i64, tpu.core_type = #tpu.core_type<sc_vector_subcore>, window_params = [{transform_indices = #map}, {transform_indices = #map1}, {transform_indices = #map}]} {
    %mul3A = arith.constant 16 : i32
    %mul3A_0 = arith.muli %arg0, %mul3A : i32
    %add3A = arith.addi %mul3A_0, %arg1 : i32
    %mul3A_1 = arith.constant 5120 : i32
    %mul3A_2 = arith.muli %add3A, %mul3A_1 : i32
    "tpu.region"() ({
      %run_scoped3A = tpu.sem_alloc : memref<!tpu.dma_semaphore, #tpu.memory_space<semaphore_mem>>
      %dma_start3A_21 = arith.constant 0 : i32
      %dma_start3A_22 = arith.constant 0 : i32
      %dma_start3A_23 = tpu.memref_slice %arg3[%add3A, %dma_start3A_21, %dma_start3A_22] : memref<32x40x128xi32, #tpu.memory_space<hbm>> -> memref<1x40x128xi32, #tpu.memory_space<hbm>>
      %dma_start3A_24 = tpu.memref_squeeze %dma_start3A_23 : memref<1x40x128xi32, #tpu.memory_space<hbm>> -> memref<40x128xi32, #tpu.memory_space<hbm>>
      %dma_start3A_25 = arith.constant 0 : i32
      %dma_start3A_26 = arith.constant 0 : i32
      %dma_start3A_27 = tpu.memref_slice %arg3[%add3A, %dma_start3A_25, %dma_start3A_26] : memref<32x40x128xi32, #tpu.memory_space<hbm>> -> memref<1x40x128xi32, #tpu.memory_space<hbm>>
      %dma_start3A_28 = tpu.memref_squeeze %dma_start3A_27 : memref<1x40x128xi32, #tpu.memory_space<hbm>> -> memref<40x128xi32, #tpu.memory_space<hbm>>
      tpu.enqueue_dma source(%dma_start3A_28 : memref<40x128xi32, #tpu.memory_space<hbm>>) target(%arg5 : memref<40x128xi32, #tpu.memory_space<vmem>>) target_semaphore(%run_scoped3A : memref<!tpu.dma_semaphore, #tpu.memory_space<semaphore_mem>>)
      %dma_wait3A_29 = arith.constant 0 : i32
      %dma_wait3A_30 = arith.constant 0 : i32
      %dma_wait3A_31 = tpu.memref_slice %arg3[%add3A, %dma_wait3A_29, %dma_wait3A_30] : memref<32x40x128xi32, #tpu.memory_space<hbm>> -> memref<1x40x128xi32, #tpu.memory_space<hbm>>
      %dma_wait3A_32 = tpu.memref_squeeze %dma_wait3A_31 : memref<1x40x128xi32, #tpu.memory_space<hbm>> -> memref<40x128xi32, #tpu.memory_space<hbm>>
      %dma_wait3A_33 = arith.constant 0 : i32
      %dma_wait3A_34 = arith.constant 0 : i32
      %dma_wait3A_35 = tpu.memref_slice %arg3[%add3A, %dma_wait3A_33, %dma_wait3A_34] : memref<32x40x128xi32, #tpu.memory_space<hbm>> -> memref<1x40x128xi32, #tpu.memory_space<hbm>>
      %dma_wait3A_36 = tpu.memref_squeeze %dma_wait3A_35 : memref<1x40x128xi32, #tpu.memory_space<hbm>> -> memref<40x128xi32, #tpu.memory_space<hbm>>
      tpu.wait_dma2 semaphore(%run_scoped3A : memref<!tpu.dma_semaphore, #tpu.memory_space<semaphore_mem>>) src(%dma_wait3A_36 : memref<40x128xi32, #tpu.memory_space<hbm>>) dst(%arg5 : memref<40x128xi32, #tpu.memory_space<vmem>>)
      tpu.yield
    }) : () -> ()
    %scan3A = arith.constant 0 : i32
    %scan3A_3 = arith.constant 5 : i32
    %scan3A_4 = arith.addi %scan3A, %scan3A_3 : i32
    %scan3A_5 = arith.constant 1 : i32
    scf.for %scan3A_21 = %scan3A to %scan3A_4 step %scan3A_5  : i32 {
      %mul3A_22 = arith.constant 640 : i32
      %mul3A_23 = arith.muli %arg1, %mul3A_22 : i32
      %mul3A_24 = arith.constant 128 : i32
      %mul3A_25 = arith.muli %scan3A_21, %mul3A_24 : i32
      %add3A_26 = arith.addi %mul3A_23, %mul3A_25 : i32
      "tpu.region"() ({
        %run_scoped3A = tpu.sem_alloc : memref<!tpu.dma_semaphore, #tpu.memory_space<semaphore_mem>>
        %dma_start3A_27 = arith.constant 0 : i32
        %dma_start3A_28 = tpu.memref_slice %arg2[%add3A_26, %dma_start3A_27] : memref<10000x128xf32, #tpu.memory_space<hbm>> -> memref<128x128xf32, #tpu.memory_space<hbm>>
        %dma_start3A_29 = arith.constant 0 : i32
        %dma_start3A_30 = tpu.memref_slice %arg2[%add3A_26, %dma_start3A_29] : memref<10000x128xf32, #tpu.memory_space<hbm>> -> memref<128x128xf32, #tpu.memory_space<hbm>>
        tpu.enqueue_dma source(%dma_start3A_30 : memref<128x128xf32, #tpu.memory_space<hbm>>) target(%arg6 : memref<128x128xf32, #tpu.memory_space<vmem>>) target_semaphore(%run_scoped3A : memref<!tpu.dma_semaphore, #tpu.memory_space<semaphore_mem>>)
        %dma_wait3A_31 = arith.constant 0 : i32
        %dma_wait3A_32 = tpu.memref_slice %arg2[%add3A_26, %dma_wait3A_31] : memref<10000x128xf32, #tpu.memory_space<hbm>> -> memref<128x128xf32, #tpu.memory_space<hbm>>
        %dma_wait3A_33 = arith.constant 0 : i32
        %dma_wait3A_34 = tpu.memref_slice %arg2[%add3A_26, %dma_wait3A_33] : memref<10000x128xf32, #tpu.memory_space<hbm>> -> memref<128x128xf32, #tpu.memory_space<hbm>>
        tpu.wait_dma2 semaphore(%run_scoped3A : memref<!tpu.dma_semaphore, #tpu.memory_space<semaphore_mem>>) src(%dma_wait3A_34 : memref<128x128xf32, #tpu.memory_space<hbm>>) dst(%arg6 : memref<128x128xf32, #tpu.memory_space<vmem>>)
        tpu.yield
      }) : () -> ()
      "tpu.region"() ({
        %run_scoped3A = tpu.sem_alloc : memref<!tpu.dma_semaphore, #tpu.memory_space<semaphore_mem>>
        %dma_start3A_27 = arith.constant 0 : i32
        %dma_start3A_28 = tpu.memref_slice %arg8[%add3A_26, %dma_start3A_27] : memref<10240x128xf32, #tpu.memory_space<vmem_shared>> -> memref<128x128xf32, #tpu.memory_space<vmem_shared>>
        %dma_start3A_29 = arith.constant 0 : i32
        %dma_start3A_30 = tpu.memref_slice %arg8[%add3A_26, %dma_start3A_29] : memref<10240x128xf32, #tpu.memory_space<vmem_shared>> -> memref<128x128xf32, #tpu.memory_space<vmem_shared>>
        tpu.enqueue_dma source(%arg6 : memref<128x128xf32, #tpu.memory_space<vmem>>) target(%dma_start3A_30 : memref<128x128xf32, #tpu.memory_space<vmem_shared>>) target_semaphore(%run_scoped3A : memref<!tpu.dma_semaphore, #tpu.memory_space<semaphore_mem>>)
        %dma_wait3A_31 = arith.constant 0 : i32
        %dma_wait3A_32 = tpu.memref_slice %arg8[%add3A_26, %dma_wait3A_31] : memref<10240x128xf32, #tpu.memory_space<vmem_shared>> -> memref<128x128xf32, #tpu.memory_space<vmem_shared>>
        %dma_wait3A_33 = arith.constant 0 : i32
        %dma_wait3A_34 = tpu.memref_slice %arg8[%add3A_26, %dma_wait3A_33] : memref<10240x128xf32, #tpu.memory_space<vmem_shared>> -> memref<128x128xf32, #tpu.memory_space<vmem_shared>>
        tpu.wait_dma2 semaphore(%run_scoped3A : memref<!tpu.dma_semaphore, #tpu.memory_space<semaphore_mem>>) src(%arg6 : memref<128x128xf32, #tpu.memory_space<vmem>>) dst(%dma_wait3A_34 : memref<128x128xf32, #tpu.memory_space<vmem_shared>>)
        tpu.yield
      }) : () -> ()
    }
    %scan3A_6 = arith.constant 5 : i32
    %barrier3A = arith.constant 0 : index
    tpu.barrier barrier_id(%barrier3A)
    %dma_start3A = arith.constant 0 : i32
    %dma_start3A_7 = arith.constant 0 : i32
    %dma_start3A_8 = tpu.memref_slice %arg5[%dma_start3A, %dma_start3A_7] : memref<40x128xi32, #tpu.memory_space<vmem>> -> memref<1x128xi32, #tpu.memory_space<vmem>>
    %dma_start3A_9 = tpu.memref_squeeze %dma_start3A_8 : memref<1x128xi32, #tpu.memory_space<vmem>> -> memref<128xi32, #tpu.memory_space<vmem>>
    %dma_start3A_10 = arith.constant 0 : i32
    %dma_start3A_11 = arith.constant 0 : i32
    %dma_start3A_12 = tpu.memref_slice %arg8[%dma_start3A_10, %dma_start3A_11] : memref<10240x128xf32, #tpu.memory_space<vmem_shared>> -> memref<10240x128xf32, #tpu.memory_space<vmem_shared>>
    tpu.enqueue_indirect_dma source(%dma_start3A_12 : memref<10240x128xf32, #tpu.memory_space<vmem_shared>>) target(%arg6 : memref<128x128xf32, #tpu.memory_space<vmem>>) offsets(%dma_start3A_9 : memref<128xi32, #tpu.memory_space<vmem>>) semaphore(%arg9 : memref<!tpu.dma_semaphore, #tpu.memory_space<semaphore_mem>>)
    %scan3A_13 = arith.constant 0 : i32
    %scan3A_14 = arith.constant 20 : i32
    %scan3A_15 = arith.addi %scan3A_13, %scan3A_14 : i32
    %scan3A_16 = arith.constant 1 : i32
    scf.for %scan3A_21 = %scan3A_13 to %scan3A_15 step %scan3A_16  : i32 {
      %mul3A_22 = arith.constant 2 : i32
      %mul3A_23 = arith.muli %mul3A_22, %scan3A_21 : i32
      %dma_wait3A_24 = arith.constant 0 : i32
      %dma_wait3A_25 = arith.constant 0 : i32
      %dma_wait3A_26 = tpu.memref_slice %arg5[%dma_wait3A_24, %dma_wait3A_25] : memref<40x128xi32, #tpu.memory_space<vmem>> -> memref<1x128xi32, #tpu.memory_space<vmem>>
      %dma_wait3A_27 = tpu.memref_squeeze %dma_wait3A_26 : memref<1x128xi32, #tpu.memory_space<vmem>> -> memref<128xi32, #tpu.memory_space<vmem>>
      %dma_wait3A_28 = arith.constant 0 : i32
      %dma_wait3A_29 = arith.constant 0 : i32
      %dma_wait3A_30 = tpu.memref_slice %arg8[%dma_wait3A_28, %dma_wait3A_29] : memref<10240x128xf32, #tpu.memory_space<vmem_shared>> -> memref<10240x128xf32, #tpu.memory_space<vmem_shared>>
      tpu.wait_indirect_dma semaphore(%arg9 : memref<!tpu.dma_semaphore, #tpu.memory_space<semaphore_mem>>) src(%dma_wait3A_30 : memref<10240x128xf32, #tpu.memory_space<vmem_shared>>) dst(%arg6 : memref<128x128xf32, #tpu.memory_space<vmem>>)
      %gt3A = arith.constant 0 : i32
      %gt3A_31 = arith.cmpi sgt, %scan3A_21, %gt3A : i32
      %convert_element_type3A = arith.extui %gt3A_31 : i1 to i32
      %cond3A = arith.constant 0 : i32
      %cond3A_32 = arith.cmpi ne, %convert_element_type3A, %cond3A : i32
      scf.if %cond3A_32 {
        %dma_wait3A_72 = arith.constant 0 : i32
        %dma_wait3A_73 = tpu.memref_slice %arg4[%mul3A_2, %dma_wait3A_72] : memref<163840x128xf32, #tpu.memory_space<hbm>> -> memref<128x128xf32, #tpu.memory_space<hbm>>
        %dma_wait3A_74 = arith.constant 0 : i32
        %dma_wait3A_75 = tpu.memref_slice %arg4[%mul3A_2, %dma_wait3A_74] : memref<163840x128xf32, #tpu.memory_space<hbm>> -> memref<128x128xf32, #tpu.memory_space<hbm>>
        tpu.wait_dma2 semaphore(%arg12 : memref<!tpu.dma_semaphore, #tpu.memory_space<semaphore_mem>>) src(%arg7 : memref<128x128xf32, #tpu.memory_space<vmem>>) dst(%dma_wait3A_75 : memref<128x128xf32, #tpu.memory_space<hbm>>)
      } else {
      }
      %add3A_33 = arith.constant 1 : i32
      %add3A_34 = arith.addi %mul3A_23, %add3A_33 : i32
      %dma_start3A_35 = arith.constant 0 : i32
      %dma_start3A_36 = tpu.memref_slice %arg5[%add3A_34, %dma_start3A_35] : memref<40x128xi32, #tpu.memory_space<vmem>> -> memref<1x128xi32, #tpu.memory_space<vmem>>
      %dma_start3A_37 = tpu.memref_squeeze %dma_start3A_36 : memref<1x128xi32, #tpu.memory_space<vmem>> -> memref<128xi32, #tpu.memory_space<vmem>>
      %dma_start3A_38 = arith.constant 0 : i32
      %dma_start3A_39 = arith.constant 0 : i32
      %dma_start3A_40 = tpu.memref_slice %arg8[%dma_start3A_38, %dma_start3A_39] : memref<10240x128xf32, #tpu.memory_space<vmem_shared>> -> memref<10240x128xf32, #tpu.memory_space<vmem_shared>>
      tpu.enqueue_indirect_dma source(%dma_start3A_40 : memref<10240x128xf32, #tpu.memory_space<vmem_shared>>) target(%arg7 : memref<128x128xf32, #tpu.memory_space<vmem>>) offsets(%dma_start3A_37 : memref<128xi32, #tpu.memory_space<vmem>>) semaphore(%arg10 : memref<!tpu.dma_semaphore, #tpu.memory_space<semaphore_mem>>)
      %mul3A_41 = arith.constant 128 : i32
      %mul3A_42 = arith.muli %mul3A_23, %mul3A_41 : i32
      %add3A_43 = arith.addi %mul3A_2, %mul3A_42 : i32
      %dma_start3A_44 = arith.constant 0 : i32
      %dma_start3A_45 = tpu.memref_slice %arg4[%add3A_43, %dma_start3A_44] : memref<163840x128xf32, #tpu.memory_space<hbm>> -> memref<128x128xf32, #tpu.memory_space<hbm>>
      %dma_start3A_46 = arith.constant 0 : i32
      %dma_start3A_47 = tpu.memref_slice %arg4[%add3A_43, %dma_start3A_46] : memref<163840x128xf32, #tpu.memory_space<hbm>> -> memref<128x128xf32, #tpu.memory_space<hbm>>
      tpu.enqueue_dma source(%arg6 : memref<128x128xf32, #tpu.memory_space<vmem>>) target(%dma_start3A_47 : memref<128x128xf32, #tpu.memory_space<hbm>>) target_semaphore(%arg11 : memref<!tpu.dma_semaphore, #tpu.memory_space<semaphore_mem>>)
      %dma_wait3A_48 = arith.constant 0 : i32
      %dma_wait3A_49 = arith.constant 0 : i32
      %dma_wait3A_50 = tpu.memref_slice %arg5[%dma_wait3A_48, %dma_wait3A_49] : memref<40x128xi32, #tpu.memory_space<vmem>> -> memref<1x128xi32, #tpu.memory_space<vmem>>
      %dma_wait3A_51 = tpu.memref_squeeze %dma_wait3A_50 : memref<1x128xi32, #tpu.memory_space<vmem>> -> memref<128xi32, #tpu.memory_space<vmem>>
      %dma_wait3A_52 = arith.constant 0 : i32
      %dma_wait3A_53 = arith.constant 0 : i32
      %dma_wait3A_54 = tpu.memref_slice %arg8[%dma_wait3A_52, %dma_wait3A_53] : memref<10240x128xf32, #tpu.memory_space<vmem_shared>> -> memref<10240x128xf32, #tpu.memory_space<vmem_shared>>
      tpu.wait_indirect_dma semaphore(%arg10 : memref<!tpu.dma_semaphore, #tpu.memory_space<semaphore_mem>>) src(%dma_wait3A_54 : memref<10240x128xf32, #tpu.memory_space<vmem_shared>>) dst(%arg7 : memref<128x128xf32, #tpu.memory_space<vmem>>)
      %dma_wait3A_55 = arith.constant 0 : i32
      %dma_wait3A_56 = tpu.memref_slice %arg4[%mul3A_2, %dma_wait3A_55] : memref<163840x128xf32, #tpu.memory_space<hbm>> -> memref<128x128xf32, #tpu.memory_space<hbm>>
      %dma_wait3A_57 = arith.constant 0 : i32
      %dma_wait3A_58 = tpu.memref_slice %arg4[%mul3A_2, %dma_wait3A_57] : memref<163840x128xf32, #tpu.memory_space<hbm>> -> memref<128x128xf32, #tpu.memory_space<hbm>>
      tpu.wait_dma2 semaphore(%arg11 : memref<!tpu.dma_semaphore, #tpu.memory_space<semaphore_mem>>) src(%arg6 : memref<128x128xf32, #tpu.memory_space<vmem>>) dst(%dma_wait3A_58 : memref<128x128xf32, #tpu.memory_space<hbm>>)
      %lt3A = arith.constant 19 : i32
      %lt3A_59 = arith.cmpi slt, %scan3A_21, %lt3A : i32
      %convert_element_type3A_60 = arith.extui %lt3A_59 : i1 to i32
      %cond3A_61 = arith.constant 0 : i32
      %cond3A_62 = arith.cmpi ne, %convert_element_type3A_60, %cond3A_61 : i32
      scf.if %cond3A_62 {
        %add3A_72 = arith.constant 2 : i32
        %add3A_73 = arith.addi %mul3A_23, %add3A_72 : i32
        %dma_start3A_74 = arith.constant 0 : i32
        %dma_start3A_75 = tpu.memref_slice %arg5[%add3A_73, %dma_start3A_74] : memref<40x128xi32, #tpu.memory_space<vmem>> -> memref<1x128xi32, #tpu.memory_space<vmem>>
        %dma_start3A_76 = tpu.memref_squeeze %dma_start3A_75 : memref<1x128xi32, #tpu.memory_space<vmem>> -> memref<128xi32, #tpu.memory_space<vmem>>
        %dma_start3A_77 = arith.constant 0 : i32
        %dma_start3A_78 = arith.constant 0 : i32
        %dma_start3A_79 = tpu.memref_slice %arg8[%dma_start3A_77, %dma_start3A_78] : memref<10240x128xf32, #tpu.memory_space<vmem_shared>> -> memref<10240x128xf32, #tpu.memory_space<vmem_shared>>
        tpu.enqueue_indirect_dma source(%dma_start3A_79 : memref<10240x128xf32, #tpu.memory_space<vmem_shared>>) target(%arg6 : memref<128x128xf32, #tpu.memory_space<vmem>>) offsets(%dma_start3A_76 : memref<128xi32, #tpu.memory_space<vmem>>) semaphore(%arg9 : memref<!tpu.dma_semaphore, #tpu.memory_space<semaphore_mem>>)
      } else {
      }
      %add3A_63 = arith.constant 1 : i32
      %add3A_64 = arith.addi %mul3A_23, %add3A_63 : i32
      %mul3A_65 = arith.constant 128 : i32
      %mul3A_66 = arith.muli %add3A_64, %mul3A_65 : i32
      %add3A_67 = arith.addi %mul3A_2, %mul3A_66 : i32
      %dma_start3A_68 = arith.constant 0 : i32
      %dma_start3A_69 = tpu.memref_slice %arg4[%add3A_67, %dma_start3A_68] : memref<163840x128xf32, #tpu.memory_space<hbm>> -> memref<128x128xf32, #tpu.memory_space<hbm>>
      %dma_start3A_70 = arith.constant 0 : i32
      %dma_start3A_71 = tpu.memref_slice %arg4[%add3A_67, %dma_start3A_70] : memref<163840x128xf32, #tpu.memory_space<hbm>> -> memref<128x128xf32, #tpu.memory_space<hbm>>
      tpu.enqueue_dma source(%arg7 : memref<128x128xf32, #tpu.memory_space<vmem>>) target(%dma_start3A_71 : memref<128x128xf32, #tpu.memory_space<hbm>>) target_semaphore(%arg12 : memref<!tpu.dma_semaphore, #tpu.memory_space<semaphore_mem>>)
    }
    %scan3A_17 = arith.constant 20 : i32
    %dma_wait3A = arith.constant 0 : i32
    %dma_wait3A_18 = tpu.memref_slice %arg4[%mul3A_2, %dma_wait3A] : memref<163840x128xf32, #tpu.memory_space<hbm>> -> memref<128x128xf32, #tpu.memory_space<hbm>>
    %dma_wait3A_19 = arith.constant 0 : i32
    %dma_wait3A_20 = tpu.memref_slice %arg4[%mul3A_2, %dma_wait3A_19] : memref<163840x128xf32, #tpu.memory_space<hbm>> -> memref<128x128xf32, #tpu.memory_space<hbm>>
    tpu.wait_dma2 semaphore(%arg12 : memref<!tpu.dma_semaphore, #tpu.memory_space<semaphore_mem>>) src(%arg7 : memref<128x128xf32, #tpu.memory_space<vmem>>) dst(%dma_wait3A_20 : memref<128x128xf32, #tpu.memory_space<hbm>>)
    return
  }
}

#map = affine_map<(d0, d1) -> (0, 0)>
#map1 = affine_map<(d0, d1) -> (0, 0, 0)>
module attributes {stable_mosaic.version = 14 : i64} {
  func.func @_sc_scatter(%arg0: i32, %arg1: i32, %arg2: memref<163840x128xf32, #tpu.memory_space<hbm>>, %arg3: memref<32x40x128xi32, #tpu.memory_space<hbm>>, %arg4: memref<20480x128xf32, #tpu.memory_space<hbm>>, %arg5: memref<40x128xi32, #tpu.memory_space<vmem>>, %arg6: memref<128x128xf32, #tpu.memory_space<vmem>>, %arg7: memref<128x128xf32, #tpu.memory_space<vmem>>, %arg8: memref<64x128xf32, #tpu.memory_space<vmem>>, %arg9: memref<10240x128xf32, #tpu.memory_space<vmem_shared>>, %arg10: memref<!tpu.dma_semaphore, #tpu.memory_space<semaphore_mem>>, %arg11: memref<!tpu.dma_semaphore, #tpu.memory_space<semaphore_mem>>, %arg12: memref<!tpu.dma_semaphore, #tpu.memory_space<semaphore_mem>>, %arg13: memref<!tpu.dma_semaphore, #tpu.memory_space<semaphore_mem>>) attributes {dimension_semantics = [#tpu.dimension_semantics<core_parallel>, #tpu.dimension_semantics<subcore_parallel>], iteration_bounds = array<i64: 2, 16>, scalar_prefetch = 0 : i64, scratch_operands = 9 : i64, tpu.core_type = #tpu.core_type<sc_vector_subcore>, window_params = [{transform_indices = #map}, {transform_indices = #map1}, {transform_indices = #map}]} {
    %mul3A = arith.constant 16 : i32
    %mul3A_0 = arith.muli %arg0, %mul3A : i32
    %add3A = arith.addi %mul3A_0, %arg1 : i32
    %mul3A_1 = arith.constant 5120 : i32
    %mul3A_2 = arith.muli %add3A, %mul3A_1 : i32
    %scan3A = arith.constant 0 : i32
    %scan3A_3 = arith.constant 64 : i32
    %scan3A_4 = arith.addi %scan3A, %scan3A_3 : i32
    %scan3A_5 = arith.constant 1 : i32
    scf.for %scan3A_34 = %scan3A to %scan3A_4 step %scan3A_5  : i32 {
      %broadcast_in_dim3A = arith.constant 0.000000e+00 : f32
      %broadcast_in_dim3A_35 = vector.broadcast %broadcast_in_dim3A : f32 to vector<16xf32>
      %swap3A = arith.index_cast %scan3A_34 : i32 to index
      %swap3A_36 = arith.constant 0 : index
      %swap3A_37 = tpu.vector_load %arg8[%swap3A, %swap3A_36] {strides = array<i32>} : memref<64x128xf32, #tpu.memory_space<vmem>>, vector<1x16xf32>,
      %swap3A_38 = vector.shape_cast %swap3A_37 : vector<1x16xf32> to vector<16xf32>
      %swap3A_39 = vector.shape_cast %broadcast_in_dim3A_35 : vector<16xf32> to vector<1x16xf32>
      tpu.vector_store %arg8[%swap3A, %swap3A_36], %swap3A_39 {strides = array<i32>} : memref<64x128xf32, #tpu.memory_space<vmem>>, vector<1x16xf32>,
      %broadcast_in_dim3A_40 = arith.constant 0.000000e+00 : f32
      %broadcast_in_dim3A_41 = vector.broadcast %broadcast_in_dim3A_40 : f32 to vector<16xf32>
      %swap3A_42 = arith.index_cast %scan3A_34 : i32 to index
      %swap3A_43 = arith.constant 16 : index
      %swap3A_44 = tpu.vector_load %arg8[%swap3A_42, %swap3A_43] {strides = array<i32>} : memref<64x128xf32, #tpu.memory_space<vmem>>, vector<1x16xf32>,
      %swap3A_45 = vector.shape_cast %swap3A_44 : vector<1x16xf32> to vector<16xf32>
      %swap3A_46 = vector.shape_cast %broadcast_in_dim3A_41 : vector<16xf32> to vector<1x16xf32>
      tpu.vector_store %arg8[%swap3A_42, %swap3A_43], %swap3A_46 {strides = array<i32>} : memref<64x128xf32, #tpu.memory_space<vmem>>, vector<1x16xf32>,
      %broadcast_in_dim3A_47 = arith.constant 0.000000e+00 : f32
      %broadcast_in_dim3A_48 = vector.broadcast %broadcast_in_dim3A_47 : f32 to vector<16xf32>
      %swap3A_49 = arith.index_cast %scan3A_34 : i32 to index
      %swap3A_50 = arith.constant 32 : index
      %swap3A_51 = tpu.vector_load %arg8[%swap3A_49, %swap3A_50] {strides = array<i32>} : memref<64x128xf32, #tpu.memory_space<vmem>>, vector<1x16xf32>,
      %swap3A_52 = vector.shape_cast %swap3A_51 : vector<1x16xf32> to vector<16xf32>
      %swap3A_53 = vector.shape_cast %broadcast_in_dim3A_48 : vector<16xf32> to vector<1x16xf32>
      tpu.vector_store %arg8[%swap3A_49, %swap3A_50], %swap3A_53 {strides = array<i32>} : memref<64x128xf32, #tpu.memory_space<vmem>>, vector<1x16xf32>,
      %broadcast_in_dim3A_54 = arith.constant 0.000000e+00 : f32
      %broadcast_in_dim3A_55 = vector.broadcast %broadcast_in_dim3A_54 : f32 to vector<16xf32>
      %swap3A_56 = arith.index_cast %scan3A_34 : i32 to index
      %swap3A_57 = arith.constant 48 : index
      %swap3A_58 = tpu.vector_load %arg8[%swap3A_56, %swap3A_57] {strides = array<i32>} : memref<64x128xf32, #tpu.memory_space<vmem>>, vector<1x16xf32>,
      %swap3A_59 = vector.shape_cast %swap3A_58 : vector<1x16xf32> to vector<16xf32>
      %swap3A_60 = vector.shape_cast %broadcast_in_dim3A_55 : vector<16xf32> to vector<1x16xf32>
      tpu.vector_store %arg8[%swap3A_56, %swap3A_57], %swap3A_60 {strides = array<i32>} : memref<64x128xf32, #tpu.memory_space<vmem>>, vector<1x16xf32>,
      %broadcast_in_dim3A_61 = arith.constant 0.000000e+00 : f32
      %broadcast_in_dim3A_62 = vector.broadcast %broadcast_in_dim3A_61 : f32 to vector<16xf32>
      %swap3A_63 = arith.index_cast %scan3A_34 : i32 to index
      %swap3A_64 = arith.constant 64 : index
      %swap3A_65 = tpu.vector_load %arg8[%swap3A_63, %swap3A_64] {strides = array<i32>} : memref<64x128xf32, #tpu.memory_space<vmem>>, vector<1x16xf32>,
      %swap3A_66 = vector.shape_cast %swap3A_65 : vector<1x16xf32> to vector<16xf32>
      %swap3A_67 = vector.shape_cast %broadcast_in_dim3A_62 : vector<16xf32> to vector<1x16xf32>
      tpu.vector_store %arg8[%swap3A_63, %swap3A_64], %swap3A_67 {strides = array<i32>} : memref<64x128xf32, #tpu.memory_space<vmem>>, vector<1x16xf32>,
      %broadcast_in_dim3A_68 = arith.constant 0.000000e+00 : f32
      %broadcast_in_dim3A_69 = vector.broadcast %broadcast_in_dim3A_68 : f32 to vector<16xf32>
      %swap3A_70 = arith.index_cast %scan3A_34 : i32 to index
      %swap3A_71 = arith.constant 80 : index
      %swap3A_72 = tpu.vector_load %arg8[%swap3A_70, %swap3A_71] {strides = array<i32>} : memref<64x128xf32, #tpu.memory_space<vmem>>, vector<1x16xf32>,
      %swap3A_73 = vector.shape_cast %swap3A_72 : vector<1x16xf32> to vector<16xf32>
      %swap3A_74 = vector.shape_cast %broadcast_in_dim3A_69 : vector<16xf32> to vector<1x16xf32>
      tpu.vector_store %arg8[%swap3A_70, %swap3A_71], %swap3A_74 {strides = array<i32>} : memref<64x128xf32, #tpu.memory_space<vmem>>, vector<1x16xf32>,
      %broadcast_in_dim3A_75 = arith.constant 0.000000e+00 : f32
      %broadcast_in_dim3A_76 = vector.broadcast %broadcast_in_dim3A_75 : f32 to vector<16xf32>
      %swap3A_77 = arith.index_cast %scan3A_34 : i32 to index
      %swap3A_78 = arith.constant 96 : index
      %swap3A_79 = tpu.vector_load %arg8[%swap3A_77, %swap3A_78] {strides = array<i32>} : memref<64x128xf32, #tpu.memory_space<vmem>>, vector<1x16xf32>,
      %swap3A_80 = vector.shape_cast %swap3A_79 : vector<1x16xf32> to vector<16xf32>
      %swap3A_81 = vector.shape_cast %broadcast_in_dim3A_76 : vector<16xf32> to vector<1x16xf32>
      tpu.vector_store %arg8[%swap3A_77, %swap3A_78], %swap3A_81 {strides = array<i32>} : memref<64x128xf32, #tpu.memory_space<vmem>>, vector<1x16xf32>,
      %broadcast_in_dim3A_82 = arith.constant 0.000000e+00 : f32
      %broadcast_in_dim3A_83 = vector.broadcast %broadcast_in_dim3A_82 : f32 to vector<16xf32>
      %swap3A_84 = arith.index_cast %scan3A_34 : i32 to index
      %swap3A_85 = arith.constant 112 : index
      %swap3A_86 = tpu.vector_load %arg8[%swap3A_84, %swap3A_85] {strides = array<i32>} : memref<64x128xf32, #tpu.memory_space<vmem>>, vector<1x16xf32>,
      %swap3A_87 = vector.shape_cast %swap3A_86 : vector<1x16xf32> to vector<16xf32>
      %swap3A_88 = vector.shape_cast %broadcast_in_dim3A_83 : vector<16xf32> to vector<1x16xf32>
      tpu.vector_store %arg8[%swap3A_84, %swap3A_85], %swap3A_88 {strides = array<i32>} : memref<64x128xf32, #tpu.memory_space<vmem>>, vector<1x16xf32>,
    }
    %scan3A_6 = arith.constant 64 : i32
    %scan3A_7 = arith.constant 0 : i32
    %scan3A_8 = arith.constant 10 : i32
    %scan3A_9 = arith.addi %scan3A_7, %scan3A_8 : i32
    %scan3A_10 = arith.constant 1 : i32
    scf.for %scan3A_34 = %scan3A_7 to %scan3A_9 step %scan3A_10  : i32 {
      %mul3A_35 = arith.constant 640 : i32
      %mul3A_36 = arith.muli %arg1, %mul3A_35 : i32
      %mul3A_37 = arith.constant 64 : i32
      %mul3A_38 = arith.muli %scan3A_34, %mul3A_37 : i32
      %add3A_39 = arith.addi %mul3A_36, %mul3A_38 : i32
      "tpu.region"() ({
        %run_scoped3A = tpu.sem_alloc : memref<!tpu.dma_semaphore, #tpu.memory_space<semaphore_mem>>
        %dma_start3A_40 = arith.constant 0 : i32
        %dma_start3A_41 = tpu.memref_slice %arg9[%add3A_39, %dma_start3A_40] : memref<10240x128xf32, #tpu.memory_space<vmem_shared>> -> memref<64x128xf32, #tpu.memory_space<vmem_shared>>
        %dma_start3A_42 = arith.constant 0 : i32
        %dma_start3A_43 = tpu.memref_slice %arg9[%add3A_39, %dma_start3A_42] : memref<10240x128xf32, #tpu.memory_space<vmem_shared>> -> memref<64x128xf32, #tpu.memory_space<vmem_shared>>
        tpu.enqueue_dma source(%arg8 : memref<64x128xf32, #tpu.memory_space<vmem>>) target(%dma_start3A_43 : memref<64x128xf32, #tpu.memory_space<vmem_shared>>) target_semaphore(%run_scoped3A : memref<!tpu.dma_semaphore, #tpu.memory_space<semaphore_mem>>)
        %dma_wait3A_44 = arith.constant 0 : i32
        %dma_wait3A_45 = tpu.memref_slice %arg9[%add3A_39, %dma_wait3A_44] : memref<10240x128xf32, #tpu.memory_space<vmem_shared>> -> memref<64x128xf32, #tpu.memory_space<vmem_shared>>
        %dma_wait3A_46 = arith.constant 0 : i32
        %dma_wait3A_47 = tpu.memref_slice %arg9[%add3A_39, %dma_wait3A_46] : memref<10240x128xf32, #tpu.memory_space<vmem_shared>> -> memref<64x128xf32, #tpu.memory_space<vmem_shared>>
        tpu.wait_dma2 semaphore(%run_scoped3A : memref<!tpu.dma_semaphore, #tpu.memory_space<semaphore_mem>>) src(%arg8 : memref<64x128xf32, #tpu.memory_space<vmem>>) dst(%dma_wait3A_47 : memref<64x128xf32, #tpu.memory_space<vmem_shared>>)
        tpu.yield
      }) : () -> ()
    }
    %scan3A_11 = arith.constant 10 : i32
    %barrier3A = arith.constant 0 : index
    tpu.barrier barrier_id(%barrier3A)
    "tpu.region"() ({
      %run_scoped3A = tpu.sem_alloc : memref<!tpu.dma_semaphore, #tpu.memory_space<semaphore_mem>>
      %dma_start3A_34 = arith.constant 0 : i32
      %dma_start3A_35 = arith.constant 0 : i32
      %dma_start3A_36 = tpu.memref_slice %arg3[%add3A, %dma_start3A_34, %dma_start3A_35] : memref<32x40x128xi32, #tpu.memory_space<hbm>> -> memref<1x40x128xi32, #tpu.memory_space<hbm>>
      %dma_start3A_37 = tpu.memref_squeeze %dma_start3A_36 : memref<1x40x128xi32, #tpu.memory_space<hbm>> -> memref<40x128xi32, #tpu.memory_space<hbm>>
      %dma_start3A_38 = arith.constant 0 : i32
      %dma_start3A_39 = arith.constant 0 : i32
      %dma_start3A_40 = tpu.memref_slice %arg3[%add3A, %dma_start3A_38, %dma_start3A_39] : memref<32x40x128xi32, #tpu.memory_space<hbm>> -> memref<1x40x128xi32, #tpu.memory_space<hbm>>
      %dma_start3A_41 = tpu.memref_squeeze %dma_start3A_40 : memref<1x40x128xi32, #tpu.memory_space<hbm>> -> memref<40x128xi32, #tpu.memory_space<hbm>>
      tpu.enqueue_dma source(%dma_start3A_41 : memref<40x128xi32, #tpu.memory_space<hbm>>) target(%arg5 : memref<40x128xi32, #tpu.memory_space<vmem>>) target_semaphore(%run_scoped3A : memref<!tpu.dma_semaphore, #tpu.memory_space<semaphore_mem>>)
      %dma_wait3A_42 = arith.constant 0 : i32
      %dma_wait3A_43 = arith.constant 0 : i32
      %dma_wait3A_44 = tpu.memref_slice %arg3[%add3A, %dma_wait3A_42, %dma_wait3A_43] : memref<32x40x128xi32, #tpu.memory_space<hbm>> -> memref<1x40x128xi32, #tpu.memory_space<hbm>>
      %dma_wait3A_45 = tpu.memref_squeeze %dma_wait3A_44 : memref<1x40x128xi32, #tpu.memory_space<hbm>> -> memref<40x128xi32, #tpu.memory_space<hbm>>
      %dma_wait3A_46 = arith.constant 0 : i32
      %dma_wait3A_47 = arith.constant 0 : i32
      %dma_wait3A_48 = tpu.memref_slice %arg3[%add3A, %dma_wait3A_46, %dma_wait3A_47] : memref<32x40x128xi32, #tpu.memory_space<hbm>> -> memref<1x40x128xi32, #tpu.memory_space<hbm>>
      %dma_wait3A_49 = tpu.memref_squeeze %dma_wait3A_48 : memref<1x40x128xi32, #tpu.memory_space<hbm>> -> memref<40x128xi32, #tpu.memory_space<hbm>>
      tpu.wait_dma2 semaphore(%run_scoped3A : memref<!tpu.dma_semaphore, #tpu.memory_space<semaphore_mem>>) src(%dma_wait3A_49 : memref<40x128xi32, #tpu.memory_space<hbm>>) dst(%arg5 : memref<40x128xi32, #tpu.memory_space<vmem>>)
      tpu.yield
    }) : () -> ()
    %add3A_12 = arith.constant 0 : i32
    %add3A_13 = arith.addi %mul3A_2, %add3A_12 : i32
    %dma_start3A = arith.constant 0 : i32
    %dma_start3A_14 = tpu.memref_slice %arg2[%add3A_13, %dma_start3A] : memref<163840x128xf32, #tpu.memory_space<hbm>> -> memref<128x128xf32, #tpu.memory_space<hbm>>
    %dma_start3A_15 = arith.constant 0 : i32
    %dma_start3A_16 = tpu.memref_slice %arg2[%add3A_13, %dma_start3A_15] : memref<163840x128xf32, #tpu.memory_space<hbm>> -> memref<128x128xf32, #tpu.memory_space<hbm>>
    tpu.enqueue_dma source(%dma_start3A_16 : memref<128x128xf32, #tpu.memory_space<hbm>>) target(%arg6 : memref<128x128xf32, #tpu.memory_space<vmem>>) target_semaphore(%arg10 : memref<!tpu.dma_semaphore, #tpu.memory_space<semaphore_mem>>)
    %scan3A_17 = arith.constant 0 : i32
    %scan3A_18 = arith.constant 20 : i32
    %scan3A_19 = arith.addi %scan3A_17, %scan3A_18 : i32
    %scan3A_20 = arith.constant 1 : i32
    scf.for %scan3A_34 = %scan3A_17 to %scan3A_19 step %scan3A_20  : i32 {
      %mul3A_35 = arith.constant 2 : i32
      %mul3A_36 = arith.muli %mul3A_35, %scan3A_34 : i32
      %dma_wait3A_37 = arith.constant 0 : i32
      %dma_wait3A_38 = tpu.memref_slice %arg2[%mul3A_2, %dma_wait3A_37] : memref<163840x128xf32, #tpu.memory_space<hbm>> -> memref<128x128xf32, #tpu.memory_space<hbm>>
      %dma_wait3A_39 = arith.constant 0 : i32
      %dma_wait3A_40 = tpu.memref_slice %arg2[%mul3A_2, %dma_wait3A_39] : memref<163840x128xf32, #tpu.memory_space<hbm>> -> memref<128x128xf32, #tpu.memory_space<hbm>>
      tpu.wait_dma2 semaphore(%arg10 : memref<!tpu.dma_semaphore, #tpu.memory_space<semaphore_mem>>) src(%dma_wait3A_40 : memref<128x128xf32, #tpu.memory_space<hbm>>) dst(%arg6 : memref<128x128xf32, #tpu.memory_space<vmem>>)
      %dma_start3A_41 = arith.constant 0 : i32
      %dma_start3A_42 = tpu.memref_slice %arg5[%mul3A_36, %dma_start3A_41] : memref<40x128xi32, #tpu.memory_space<vmem>> -> memref<1x128xi32, #tpu.memory_space<vmem>>
      %dma_start3A_43 = tpu.memref_squeeze %dma_start3A_42 : memref<1x128xi32, #tpu.memory_space<vmem>> -> memref<128xi32, #tpu.memory_space<vmem>>
      %dma_start3A_44 = arith.constant 0 : i32
      %dma_start3A_45 = arith.constant 0 : i32
      %dma_start3A_46 = tpu.memref_slice %arg9[%dma_start3A_44, %dma_start3A_45] : memref<10240x128xf32, #tpu.memory_space<vmem_shared>> -> memref<10240x128xf32, #tpu.memory_space<vmem_shared>>
      tpu.enqueue_indirect_dma source(%arg6 : memref<128x128xf32, #tpu.memory_space<vmem>>) target(%dma_start3A_46 : memref<10240x128xf32, #tpu.memory_space<vmem_shared>>) offsets(%dma_start3A_43 : memref<128xi32, #tpu.memory_space<vmem>>) semaphore(%arg12 : memref<!tpu.dma_semaphore, #tpu.memory_space<semaphore_mem>>) {add = true}
      %gt3A = arith.constant 0 : i32
      %gt3A_47 = arith.cmpi sgt, %scan3A_34, %gt3A : i32
      %convert_element_type3A = arith.extui %gt3A_47 : i1 to i32
      %cond3A = arith.constant 0 : i32
      %cond3A_48 = arith.cmpi ne, %convert_element_type3A, %cond3A : i32
      scf.if %cond3A_48 {
        %dma_wait3A_81 = arith.constant 0 : i32
        %dma_wait3A_82 = arith.constant 0 : i32
        %dma_wait3A_83 = tpu.memref_slice %arg5[%dma_wait3A_81, %dma_wait3A_82] : memref<40x128xi32, #tpu.memory_space<vmem>> -> memref<1x128xi32, #tpu.memory_space<vmem>>
        %dma_wait3A_84 = tpu.memref_squeeze %dma_wait3A_83 : memref<1x128xi32, #tpu.memory_space<vmem>> -> memref<128xi32, #tpu.memory_space<vmem>>
        %dma_wait3A_85 = arith.constant 0 : i32
        %dma_wait3A_86 = arith.constant 0 : i32
        %dma_wait3A_87 = tpu.memref_slice %arg9[%dma_wait3A_85, %dma_wait3A_86] : memref<10240x128xf32, #tpu.memory_space<vmem_shared>> -> memref<10240x128xf32, #tpu.memory_space<vmem_shared>>
        tpu.wait_indirect_dma semaphore(%arg13 : memref<!tpu.dma_semaphore, #tpu.memory_space<semaphore_mem>>) src(%arg7 : memref<128x128xf32, #tpu.memory_space<vmem>>) dst(%dma_wait3A_87 : memref<10240x128xf32, #tpu.memory_space<vmem_shared>>)
      } else {
      }
      %add3A_49 = arith.constant 1 : i32
      %add3A_50 = arith.addi %mul3A_36, %add3A_49 : i32
      %mul3A_51 = arith.constant 128 : i32
      %mul3A_52 = arith.muli %add3A_50, %mul3A_51 : i32
      %add3A_53 = arith.addi %mul3A_2, %mul3A_52 : i32
      %dma_start3A_54 = arith.constant 0 : i32
      %dma_start3A_55 = tpu.memref_slice %arg2[%add3A_53, %dma_start3A_54] : memref<163840x128xf32, #tpu.memory_space<hbm>> -> memref<128x128xf32, #tpu.memory_space<hbm>>
      %dma_start3A_56 = arith.constant 0 : i32
      %dma_start3A_57 = tpu.memref_slice %arg2[%add3A_53, %dma_start3A_56] : memref<163840x128xf32, #tpu.memory_space<hbm>> -> memref<128x128xf32, #tpu.memory_space<hbm>>
      tpu.enqueue_dma source(%dma_start3A_57 : memref<128x128xf32, #tpu.memory_space<hbm>>) target(%arg7 : memref<128x128xf32, #tpu.memory_space<vmem>>) target_semaphore(%arg11 : memref<!tpu.dma_semaphore, #tpu.memory_space<semaphore_mem>>)
      %dma_wait3A_58 = arith.constant 0 : i32
      %dma_wait3A_59 = arith.constant 0 : i32
      %dma_wait3A_60 = tpu.memref_slice %arg5[%dma_wait3A_58, %dma_wait3A_59] : memref<40x128xi32, #tpu.memory_space<vmem>> -> memref<1x128xi32, #tpu.memory_space<vmem>>
      %dma_wait3A_61 = tpu.memref_squeeze %dma_wait3A_60 : memref<1x128xi32, #tpu.memory_space<vmem>> -> memref<128xi32, #tpu.memory_space<vmem>>
      %dma_wait3A_62 = arith.constant 0 : i32
      %dma_wait3A_63 = arith.constant 0 : i32
      %dma_wait3A_64 = tpu.memref_slice %arg9[%dma_wait3A_62, %dma_wait3A_63] : memref<10240x128xf32, #tpu.memory_space<vmem_shared>> -> memref<10240x128xf32, #tpu.memory_space<vmem_shared>>
      tpu.wait_indirect_dma semaphore(%arg12 : memref<!tpu.dma_semaphore, #tpu.memory_space<semaphore_mem>>) src(%arg6 : memref<128x128xf32, #tpu.memory_space<vmem>>) dst(%dma_wait3A_64 : memref<10240x128xf32, #tpu.memory_space<vmem_shared>>)
      %lt3A = arith.constant 19 : i32
      %lt3A_65 = arith.cmpi slt, %scan3A_34, %lt3A : i32
      %convert_element_type3A_66 = arith.extui %lt3A_65 : i1 to i32
      %cond3A_67 = arith.constant 0 : i32
      %cond3A_68 = arith.cmpi ne, %convert_element_type3A_66, %cond3A_67 : i32
      scf.if %cond3A_68 {
        %add3A_81 = arith.constant 2 : i32
        %add3A_82 = arith.addi %mul3A_36, %add3A_81 : i32
        %mul3A_83 = arith.constant 128 : i32
        %mul3A_84 = arith.muli %add3A_82, %mul3A_83 : i32
        %add3A_85 = arith.addi %mul3A_2, %mul3A_84 : i32
        %dma_start3A_86 = arith.constant 0 : i32
        %dma_start3A_87 = tpu.memref_slice %arg2[%add3A_85, %dma_start3A_86] : memref<163840x128xf32, #tpu.memory_space<hbm>> -> memref<128x128xf32, #tpu.memory_space<hbm>>
        %dma_start3A_88 = arith.constant 0 : i32
        %dma_start3A_89 = tpu.memref_slice %arg2[%add3A_85, %dma_start3A_88] : memref<163840x128xf32, #tpu.memory_space<hbm>> -> memref<128x128xf32, #tpu.memory_space<hbm>>
        tpu.enqueue_dma source(%dma_start3A_89 : memref<128x128xf32, #tpu.memory_space<hbm>>) target(%arg6 : memref<128x128xf32, #tpu.memory_space<vmem>>) target_semaphore(%arg10 : memref<!tpu.dma_semaphore, #tpu.memory_space<semaphore_mem>>)
      } else {
      }
      %dma_wait3A_69 = arith.constant 0 : i32
      %dma_wait3A_70 = tpu.memref_slice %arg2[%mul3A_2, %dma_wait3A_69] : memref<163840x128xf32, #tpu.memory_space<hbm>> -> memref<128x128xf32, #tpu.memory_space<hbm>>
      %dma_wait3A_71 = arith.constant 0 : i32
      %dma_wait3A_72 = tpu.memref_slice %arg2[%mul3A_2, %dma_wait3A_71] : memref<163840x128xf32, #tpu.memory_space<hbm>> -> memref<128x128xf32, #tpu.memory_space<hbm>>
      tpu.wait_dma2 semaphore(%arg11 : memref<!tpu.dma_semaphore, #tpu.memory_space<semaphore_mem>>) src(%dma_wait3A_72 : memref<128x128xf32, #tpu.memory_space<hbm>>) dst(%arg7 : memref<128x128xf32, #tpu.memory_space<vmem>>)
      %add3A_73 = arith.constant 1 : i32
      %add3A_74 = arith.addi %mul3A_36, %add3A_73 : i32
      %dma_start3A_75 = arith.constant 0 : i32
      %dma_start3A_76 = tpu.memref_slice %arg5[%add3A_74, %dma_start3A_75] : memref<40x128xi32, #tpu.memory_space<vmem>> -> memref<1x128xi32, #tpu.memory_space<vmem>>
      %dma_start3A_77 = tpu.memref_squeeze %dma_start3A_76 : memref<1x128xi32, #tpu.memory_space<vmem>> -> memref<128xi32, #tpu.memory_space<vmem>>
      %dma_start3A_78 = arith.constant 0 : i32
      %dma_start3A_79 = arith.constant 0 : i32
      %dma_start3A_80 = tpu.memref_slice %arg9[%dma_start3A_78, %dma_start3A_79] : memref<10240x128xf32, #tpu.memory_space<vmem_shared>> -> memref<10240x128xf32, #tpu.memory_space<vmem_shared>>
      tpu.enqueue_indirect_dma source(%arg7 : memref<128x128xf32, #tpu.memory_space<vmem>>) target(%dma_start3A_80 : memref<10240x128xf32, #tpu.memory_space<vmem_shared>>) offsets(%dma_start3A_77 : memref<128xi32, #tpu.memory_space<vmem>>) semaphore(%arg13 : memref<!tpu.dma_semaphore, #tpu.memory_space<semaphore_mem>>) {add = true}
    }
    %scan3A_21 = arith.constant 20 : i32
    %dma_wait3A = arith.constant 0 : i32
    %dma_wait3A_22 = arith.constant 0 : i32
    %dma_wait3A_23 = tpu.memref_slice %arg5[%dma_wait3A, %dma_wait3A_22] : memref<40x128xi32, #tpu.memory_space<vmem>> -> memref<1x128xi32, #tpu.memory_space<vmem>>
    %dma_wait3A_24 = tpu.memref_squeeze %dma_wait3A_23 : memref<1x128xi32, #tpu.memory_space<vmem>> -> memref<128xi32, #tpu.memory_space<vmem>>
    %dma_wait3A_25 = arith.constant 0 : i32
    %dma_wait3A_26 = arith.constant 0 : i32
    %dma_wait3A_27 = tpu.memref_slice %arg9[%dma_wait3A_25, %dma_wait3A_26] : memref<10240x128xf32, #tpu.memory_space<vmem_shared>> -> memref<10240x128xf32, #tpu.memory_space<vmem_shared>>
    tpu.wait_indirect_dma semaphore(%arg13 : memref<!tpu.dma_semaphore, #tpu.memory_space<semaphore_mem>>) src(%arg7 : memref<128x128xf32, #tpu.memory_space<vmem>>) dst(%dma_wait3A_27 : memref<10240x128xf32, #tpu.memory_space<vmem_shared>>)
    %barrier3A_28 = arith.constant 0 : index
    tpu.barrier barrier_id(%barrier3A_28)
    %scan3A_29 = arith.constant 0 : i32
    %scan3A_30 = arith.constant 10 : i32
    %scan3A_31 = arith.addi %scan3A_29, %scan3A_30 : i32
    %scan3A_32 = arith.constant 1 : i32
    scf.for %scan3A_34 = %scan3A_29 to %scan3A_31 step %scan3A_32  : i32 {
      %mul3A_35 = arith.constant 640 : i32
      %mul3A_36 = arith.muli %arg1, %mul3A_35 : i32
      %mul3A_37 = arith.constant 64 : i32
      %mul3A_38 = arith.muli %scan3A_34, %mul3A_37 : i32
      %add3A_39 = arith.addi %mul3A_36, %mul3A_38 : i32
      "tpu.region"() ({
        %run_scoped3A = tpu.sem_alloc : memref<!tpu.dma_semaphore, #tpu.memory_space<semaphore_mem>>
        %dma_start3A_43 = arith.constant 0 : i32
        %dma_start3A_44 = tpu.memref_slice %arg9[%add3A_39, %dma_start3A_43] : memref<10240x128xf32, #tpu.memory_space<vmem_shared>> -> memref<64x128xf32, #tpu.memory_space<vmem_shared>>
        %dma_start3A_45 = arith.constant 0 : i32
        %dma_start3A_46 = tpu.memref_slice %arg9[%add3A_39, %dma_start3A_45] : memref<10240x128xf32, #tpu.memory_space<vmem_shared>> -> memref<64x128xf32, #tpu.memory_space<vmem_shared>>
        tpu.enqueue_dma source(%dma_start3A_46 : memref<64x128xf32, #tpu.memory_space<vmem_shared>>) target(%arg8 : memref<64x128xf32, #tpu.memory_space<vmem>>) target_semaphore(%run_scoped3A : memref<!tpu.dma_semaphore, #tpu.memory_space<semaphore_mem>>)
        %dma_wait3A_47 = arith.constant 0 : i32
        %dma_wait3A_48 = tpu.memref_slice %arg9[%add3A_39, %dma_wait3A_47] : memref<10240x128xf32, #tpu.memory_space<vmem_shared>> -> memref<64x128xf32, #tpu.memory_space<vmem_shared>>
        %dma_wait3A_49 = arith.constant 0 : i32
        %dma_wait3A_50 = tpu.memref_slice %arg9[%add3A_39, %dma_wait3A_49] : memref<10240x128xf32, #tpu.memory_space<vmem_shared>> -> memref<64x128xf32, #tpu.memory_space<vmem_shared>>
        tpu.wait_dma2 semaphore(%run_scoped3A : memref<!tpu.dma_semaphore, #tpu.memory_space<semaphore_mem>>) src(%dma_wait3A_50 : memref<64x128xf32, #tpu.memory_space<vmem_shared>>) dst(%arg8 : memref<64x128xf32, #tpu.memory_space<vmem>>)
        tpu.yield
      }) : () -> ()
      %mul3A_40 = arith.constant 10240 : i32
      %mul3A_41 = arith.muli %arg0, %mul3A_40 : i32
      %add3A_42 = arith.addi %mul3A_41, %add3A_39 : i32
      "tpu.region"() ({
        %run_scoped3A = tpu.sem_alloc : memref<!tpu.dma_semaphore, #tpu.memory_space<semaphore_mem>>
        %dma_start3A_43 = arith.constant 0 : i32
        %dma_start3A_44 = tpu.memref_slice %arg4[%add3A_42, %dma_start3A_43] : memref<20480x128xf32, #tpu.memory_space<hbm>> -> memref<64x128xf32, #tpu.memory_space<hbm>>
        %dma_start3A_45 = arith.constant 0 : i32
        %dma_start3A_46 = tpu.memref_slice %arg4[%add3A_42, %dma_start3A_45] : memref<20480x128xf32, #tpu.memory_space<hbm>> -> memref<64x128xf32, #tpu.memory_space<hbm>>
        tpu.enqueue_dma source(%arg8 : memref<64x128xf32, #tpu.memory_space<vmem>>) target(%dma_start3A_46 : memref<64x128xf32, #tpu.memory_space<hbm>>) target_semaphore(%run_scoped3A : memref<!tpu.dma_semaphore, #tpu.memory_space<semaphore_mem>>)
        %dma_wait3A_47 = arith.constant 0 : i32
        %dma_wait3A_48 = tpu.memref_slice %arg4[%add3A_42, %dma_wait3A_47] : memref<20480x128xf32, #tpu.memory_space<hbm>> -> memref<64x128xf32, #tpu.memory_space<hbm>>
        %dma_wait3A_49 = arith.constant 0 : i32
        %dma_wait3A_50 = tpu.memref_slice %arg4[%add3A_42, %dma_wait3A_49] : memref<20480x128xf32, #tpu.memory_space<hbm>> -> memref<64x128xf32, #tpu.memory_space<hbm>>
        tpu.wait_dma2 semaphore(%run_scoped3A : memref<!tpu.dma_semaphore, #tpu.memory_space<semaphore_mem>>) src(%arg8 : memref<64x128xf32, #tpu.memory_space<vmem>>) dst(%dma_wait3A_50 : memref<64x128xf32, #tpu.memory_space<hbm>>)
        tpu.yield
      }) : () -> ()
    }
    %scan3A_33 = arith.constant 10 : i32
    return
  }
}

#map = affine_map<(d0, d1) -> (0, 0)>
#map1 = affine_map<(d0, d1) -> (0, 0, 0)>
module attributes {stable_mosaic.version = 14 : i64} {
  func.func @_sc_scatter(%arg0: i32, %arg1: i32, %arg2: memref<163840x128xf32, #tpu.memory_space<hbm>>, %arg3: memref<32x40x128xi32, #tpu.memory_space<hbm>>, %arg4: memref<20480x128xf32, #tpu.memory_space<hbm>>, %arg5: memref<40x128xi32, #tpu.memory_space<vmem>>, %arg6: memref<128x128xf32, #tpu.memory_space<vmem>>, %arg7: memref<128x128xf32, #tpu.memory_space<vmem>>, %arg8: memref<64x128xf32, #tpu.memory_space<vmem>>, %arg9: memref<10240x128xf32, #tpu.memory_space<vmem_shared>>, %arg10: memref<!tpu.dma_semaphore, #tpu.memory_space<semaphore_mem>>, %arg11: memref<!tpu.dma_semaphore, #tpu.memory_space<semaphore_mem>>, %arg12: memref<!tpu.dma_semaphore, #tpu.memory_space<semaphore_mem>>, %arg13: memref<!tpu.dma_semaphore, #tpu.memory_space<semaphore_mem>>) attributes {dimension_semantics = [#tpu.dimension_semantics<core_parallel>, #tpu.dimension_semantics<subcore_parallel>], iteration_bounds = array<i64: 2, 16>, scalar_prefetch = 0 : i64, scratch_operands = 9 : i64, tpu.core_type = #tpu.core_type<sc_vector_subcore>, window_params = [{transform_indices = #map}, {transform_indices = #map1}, {transform_indices = #map}]} {
    %mul3A = arith.constant 16 : i32
    %mul3A_0 = arith.muli %arg0, %mul3A : i32
    %add3A = arith.addi %mul3A_0, %arg1 : i32
    %mul3A_1 = arith.constant 5120 : i32
    %mul3A_2 = arith.muli %add3A, %mul3A_1 : i32
    %scan3A = arith.constant 0 : i32
    %scan3A_3 = arith.constant 64 : i32
    %scan3A_4 = arith.addi %scan3A, %scan3A_3 : i32
    %scan3A_5 = arith.constant 1 : i32
    scf.for %scan3A_34 = %scan3A to %scan3A_4 step %scan3A_5  : i32 {
      %broadcast_in_dim3A = arith.constant 0.000000e+00 : f32
      %broadcast_in_dim3A_35 = vector.broadcast %broadcast_in_dim3A : f32 to vector<16xf32>
      %swap3A = arith.index_cast %scan3A_34 : i32 to index
      %swap3A_36 = arith.constant 0 : index
      %swap3A_37 = tpu.vector_load %arg8[%swap3A, %swap3A_36] {strides = array<i32>} : memref<64x128xf32, #tpu.memory_space<vmem>>, vector<1x16xf32>,
      %swap3A_38 = vector.shape_cast %swap3A_37 : vector<1x16xf32> to vector<16xf32>
      %swap3A_39 = vector.shape_cast %broadcast_in_dim3A_35 : vector<16xf32> to vector<1x16xf32>
      tpu.vector_store %arg8[%swap3A, %swap3A_36], %swap3A_39 {strides = array<i32>} : memref<64x128xf32, #tpu.memory_space<vmem>>, vector<1x16xf32>,
      %broadcast_in_dim3A_40 = arith.constant 0.000000e+00 : f32
      %broadcast_in_dim3A_41 = vector.broadcast %broadcast_in_dim3A_40 : f32 to vector<16xf32>
      %swap3A_42 = arith.index_cast %scan3A_34 : i32 to index
      %swap3A_43 = arith.constant 16 : index
      %swap3A_44 = tpu.vector_load %arg8[%swap3A_42, %swap3A_43] {strides = array<i32>} : memref<64x128xf32, #tpu.memory_space<vmem>>, vector<1x16xf32>,
      %swap3A_45 = vector.shape_cast %swap3A_44 : vector<1x16xf32> to vector<16xf32>
      %swap3A_46 = vector.shape_cast %broadcast_in_dim3A_41 : vector<16xf32> to vector<1x16xf32>
      tpu.vector_store %arg8[%swap3A_42, %swap3A_43], %swap3A_46 {strides = array<i32>} : memref<64x128xf32, #tpu.memory_space<vmem>>, vector<1x16xf32>,
      %broadcast_in_dim3A_47 = arith.constant 0.000000e+00 : f32
      %broadcast_in_dim3A_48 = vector.broadcast %broadcast_in_dim3A_47 : f32 to vector<16xf32>
      %swap3A_49 = arith.index_cast %scan3A_34 : i32 to index
      %swap3A_50 = arith.constant 32 : index
      %swap3A_51 = tpu.vector_load %arg8[%swap3A_49, %swap3A_50] {strides = array<i32>} : memref<64x128xf32, #tpu.memory_space<vmem>>, vector<1x16xf32>,
      %swap3A_52 = vector.shape_cast %swap3A_51 : vector<1x16xf32> to vector<16xf32>
      %swap3A_53 = vector.shape_cast %broadcast_in_dim3A_48 : vector<16xf32> to vector<1x16xf32>
      tpu.vector_store %arg8[%swap3A_49, %swap3A_50], %swap3A_53 {strides = array<i32>} : memref<64x128xf32, #tpu.memory_space<vmem>>, vector<1x16xf32>,
      %broadcast_in_dim3A_54 = arith.constant 0.000000e+00 : f32
      %broadcast_in_dim3A_55 = vector.broadcast %broadcast_in_dim3A_54 : f32 to vector<16xf32>
      %swap3A_56 = arith.index_cast %scan3A_34 : i32 to index
      %swap3A_57 = arith.constant 48 : index
      %swap3A_58 = tpu.vector_load %arg8[%swap3A_56, %swap3A_57] {strides = array<i32>} : memref<64x128xf32, #tpu.memory_space<vmem>>, vector<1x16xf32>,
      %swap3A_59 = vector.shape_cast %swap3A_58 : vector<1x16xf32> to vector<16xf32>
      %swap3A_60 = vector.shape_cast %broadcast_in_dim3A_55 : vector<16xf32> to vector<1x16xf32>
      tpu.vector_store %arg8[%swap3A_56, %swap3A_57], %swap3A_60 {strides = array<i32>} : memref<64x128xf32, #tpu.memory_space<vmem>>, vector<1x16xf32>,
      %broadcast_in_dim3A_61 = arith.constant 0.000000e+00 : f32
      %broadcast_in_dim3A_62 = vector.broadcast %broadcast_in_dim3A_61 : f32 to vector<16xf32>
      %swap3A_63 = arith.index_cast %scan3A_34 : i32 to index
      %swap3A_64 = arith.constant 64 : index
      %swap3A_65 = tpu.vector_load %arg8[%swap3A_63, %swap3A_64] {strides = array<i32>} : memref<64x128xf32, #tpu.memory_space<vmem>>, vector<1x16xf32>,
      %swap3A_66 = vector.shape_cast %swap3A_65 : vector<1x16xf32> to vector<16xf32>
      %swap3A_67 = vector.shape_cast %broadcast_in_dim3A_62 : vector<16xf32> to vector<1x16xf32>
      tpu.vector_store %arg8[%swap3A_63, %swap3A_64], %swap3A_67 {strides = array<i32>} : memref<64x128xf32, #tpu.memory_space<vmem>>, vector<1x16xf32>,
      %broadcast_in_dim3A_68 = arith.constant 0.000000e+00 : f32
      %broadcast_in_dim3A_69 = vector.broadcast %broadcast_in_dim3A_68 : f32 to vector<16xf32>
      %swap3A_70 = arith.index_cast %scan3A_34 : i32 to index
      %swap3A_71 = arith.constant 80 : index
      %swap3A_72 = tpu.vector_load %arg8[%swap3A_70, %swap3A_71] {strides = array<i32>} : memref<64x128xf32, #tpu.memory_space<vmem>>, vector<1x16xf32>,
      %swap3A_73 = vector.shape_cast %swap3A_72 : vector<1x16xf32> to vector<16xf32>
      %swap3A_74 = vector.shape_cast %broadcast_in_dim3A_69 : vector<16xf32> to vector<1x16xf32>
      tpu.vector_store %arg8[%swap3A_70, %swap3A_71], %swap3A_74 {strides = array<i32>} : memref<64x128xf32, #tpu.memory_space<vmem>>, vector<1x16xf32>,
      %broadcast_in_dim3A_75 = arith.constant 0.000000e+00 : f32
      %broadcast_in_dim3A_76 = vector.broadcast %broadcast_in_dim3A_75 : f32 to vector<16xf32>
      %swap3A_77 = arith.index_cast %scan3A_34 : i32 to index
      %swap3A_78 = arith.constant 96 : index
      %swap3A_79 = tpu.vector_load %arg8[%swap3A_77, %swap3A_78] {strides = array<i32>} : memref<64x128xf32, #tpu.memory_space<vmem>>, vector<1x16xf32>,
      %swap3A_80 = vector.shape_cast %swap3A_79 : vector<1x16xf32> to vector<16xf32>
      %swap3A_81 = vector.shape_cast %broadcast_in_dim3A_76 : vector<16xf32> to vector<1x16xf32>
      tpu.vector_store %arg8[%swap3A_77, %swap3A_78], %swap3A_81 {strides = array<i32>} : memref<64x128xf32, #tpu.memory_space<vmem>>, vector<1x16xf32>,
      %broadcast_in_dim3A_82 = arith.constant 0.000000e+00 : f32
      %broadcast_in_dim3A_83 = vector.broadcast %broadcast_in_dim3A_82 : f32 to vector<16xf32>
      %swap3A_84 = arith.index_cast %scan3A_34 : i32 to index
      %swap3A_85 = arith.constant 112 : index
      %swap3A_86 = tpu.vector_load %arg8[%swap3A_84, %swap3A_85] {strides = array<i32>} : memref<64x128xf32, #tpu.memory_space<vmem>>, vector<1x16xf32>,
      %swap3A_87 = vector.shape_cast %swap3A_86 : vector<1x16xf32> to vector<16xf32>
      %swap3A_88 = vector.shape_cast %broadcast_in_dim3A_83 : vector<16xf32> to vector<1x16xf32>
      tpu.vector_store %arg8[%swap3A_84, %swap3A_85], %swap3A_88 {strides = array<i32>} : memref<64x128xf32, #tpu.memory_space<vmem>>, vector<1x16xf32>,
    }
    %scan3A_6 = arith.constant 64 : i32
    %scan3A_7 = arith.constant 0 : i32
    %scan3A_8 = arith.constant 10 : i32
    %scan3A_9 = arith.addi %scan3A_7, %scan3A_8 : i32
    %scan3A_10 = arith.constant 1 : i32
    scf.for %scan3A_34 = %scan3A_7 to %scan3A_9 step %scan3A_10  : i32 {
      %mul3A_35 = arith.constant 640 : i32
      %mul3A_36 = arith.muli %arg1, %mul3A_35 : i32
      %mul3A_37 = arith.constant 64 : i32
      %mul3A_38 = arith.muli %scan3A_34, %mul3A_37 : i32
      %add3A_39 = arith.addi %mul3A_36, %mul3A_38 : i32
      "tpu.region"() ({
        %run_scoped3A = tpu.sem_alloc : memref<!tpu.dma_semaphore, #tpu.memory_space<semaphore_mem>>
        %dma_start3A_40 = arith.constant 0 : i32
        %dma_start3A_41 = tpu.memref_slice %arg9[%add3A_39, %dma_start3A_40] : memref<10240x128xf32, #tpu.memory_space<vmem_shared>> -> memref<64x128xf32, #tpu.memory_space<vmem_shared>>
        %dma_start3A_42 = arith.constant 0 : i32
        %dma_start3A_43 = tpu.memref_slice %arg9[%add3A_39, %dma_start3A_42] : memref<10240x128xf32, #tpu.memory_space<vmem_shared>> -> memref<64x128xf32, #tpu.memory_space<vmem_shared>>
        tpu.enqueue_dma source(%arg8 : memref<64x128xf32, #tpu.memory_space<vmem>>) target(%dma_start3A_43 : memref<64x128xf32, #tpu.memory_space<vmem_shared>>) target_semaphore(%run_scoped3A : memref<!tpu.dma_semaphore, #tpu.memory_space<semaphore_mem>>)
        %dma_wait3A_44 = arith.constant 0 : i32
        %dma_wait3A_45 = tpu.memref_slice %arg9[%add3A_39, %dma_wait3A_44] : memref<10240x128xf32, #tpu.memory_space<vmem_shared>> -> memref<64x128xf32, #tpu.memory_space<vmem_shared>>
        %dma_wait3A_46 = arith.constant 0 : i32
        %dma_wait3A_47 = tpu.memref_slice %arg9[%add3A_39, %dma_wait3A_46] : memref<10240x128xf32, #tpu.memory_space<vmem_shared>> -> memref<64x128xf32, #tpu.memory_space<vmem_shared>>
        tpu.wait_dma2 semaphore(%run_scoped3A : memref<!tpu.dma_semaphore, #tpu.memory_space<semaphore_mem>>) src(%arg8 : memref<64x128xf32, #tpu.memory_space<vmem>>) dst(%dma_wait3A_47 : memref<64x128xf32, #tpu.memory_space<vmem_shared>>)
        tpu.yield
      }) : () -> ()
    }
    %scan3A_11 = arith.constant 10 : i32
    %barrier3A = arith.constant 0 : index
    tpu.barrier barrier_id(%barrier3A)
    "tpu.region"() ({
      %run_scoped3A = tpu.sem_alloc : memref<!tpu.dma_semaphore, #tpu.memory_space<semaphore_mem>>
      %dma_start3A_34 = arith.constant 0 : i32
      %dma_start3A_35 = arith.constant 0 : i32
      %dma_start3A_36 = tpu.memref_slice %arg3[%add3A, %dma_start3A_34, %dma_start3A_35] : memref<32x40x128xi32, #tpu.memory_space<hbm>> -> memref<1x40x128xi32, #tpu.memory_space<hbm>>
      %dma_start3A_37 = tpu.memref_squeeze %dma_start3A_36 : memref<1x40x128xi32, #tpu.memory_space<hbm>> -> memref<40x128xi32, #tpu.memory_space<hbm>>
      %dma_start3A_38 = arith.constant 0 : i32
      %dma_start3A_39 = arith.constant 0 : i32
      %dma_start3A_40 = tpu.memref_slice %arg3[%add3A, %dma_start3A_38, %dma_start3A_39] : memref<32x40x128xi32, #tpu.memory_space<hbm>> -> memref<1x40x128xi32, #tpu.memory_space<hbm>>
      %dma_start3A_41 = tpu.memref_squeeze %dma_start3A_40 : memref<1x40x128xi32, #tpu.memory_space<hbm>> -> memref<40x128xi32, #tpu.memory_space<hbm>>
      tpu.enqueue_dma source(%dma_start3A_41 : memref<40x128xi32, #tpu.memory_space<hbm>>) target(%arg5 : memref<40x128xi32, #tpu.memory_space<vmem>>) target_semaphore(%run_scoped3A : memref<!tpu.dma_semaphore, #tpu.memory_space<semaphore_mem>>)
      %dma_wait3A_42 = arith.constant 0 : i32
      %dma_wait3A_43 = arith.constant 0 : i32
      %dma_wait3A_44 = tpu.memref_slice %arg3[%add3A, %dma_wait3A_42, %dma_wait3A_43] : memref<32x40x128xi32, #tpu.memory_space<hbm>> -> memref<1x40x128xi32, #tpu.memory_space<hbm>>
      %dma_wait3A_45 = tpu.memref_squeeze %dma_wait3A_44 : memref<1x40x128xi32, #tpu.memory_space<hbm>> -> memref<40x128xi32, #tpu.memory_space<hbm>>
      %dma_wait3A_46 = arith.constant 0 : i32
      %dma_wait3A_47 = arith.constant 0 : i32
      %dma_wait3A_48 = tpu.memref_slice %arg3[%add3A, %dma_wait3A_46, %dma_wait3A_47] : memref<32x40x128xi32, #tpu.memory_space<hbm>> -> memref<1x40x128xi32, #tpu.memory_space<hbm>>
      %dma_wait3A_49 = tpu.memref_squeeze %dma_wait3A_48 : memref<1x40x128xi32, #tpu.memory_space<hbm>> -> memref<40x128xi32, #tpu.memory_space<hbm>>
      tpu.wait_dma2 semaphore(%run_scoped3A : memref<!tpu.dma_semaphore, #tpu.memory_space<semaphore_mem>>) src(%dma_wait3A_49 : memref<40x128xi32, #tpu.memory_space<hbm>>) dst(%arg5 : memref<40x128xi32, #tpu.memory_space<vmem>>)
      tpu.yield
    }) : () -> ()
    %add3A_12 = arith.constant 0 : i32
    %add3A_13 = arith.addi %mul3A_2, %add3A_12 : i32
    %dma_start3A = arith.constant 0 : i32
    %dma_start3A_14 = tpu.memref_slice %arg2[%add3A_13, %dma_start3A] : memref<163840x128xf32, #tpu.memory_space<hbm>> -> memref<128x128xf32, #tpu.memory_space<hbm>>
    %dma_start3A_15 = arith.constant 0 : i32
    %dma_start3A_16 = tpu.memref_slice %arg2[%add3A_13, %dma_start3A_15] : memref<163840x128xf32, #tpu.memory_space<hbm>> -> memref<128x128xf32, #tpu.memory_space<hbm>>
    tpu.enqueue_dma source(%dma_start3A_16 : memref<128x128xf32, #tpu.memory_space<hbm>>) target(%arg6 : memref<128x128xf32, #tpu.memory_space<vmem>>) target_semaphore(%arg10 : memref<!tpu.dma_semaphore, #tpu.memory_space<semaphore_mem>>)
    %scan3A_17 = arith.constant 0 : i32
    %scan3A_18 = arith.constant 20 : i32
    %scan3A_19 = arith.addi %scan3A_17, %scan3A_18 : i32
    %scan3A_20 = arith.constant 1 : i32
    scf.for %scan3A_34 = %scan3A_17 to %scan3A_19 step %scan3A_20  : i32 {
      %mul3A_35 = arith.constant 2 : i32
      %mul3A_36 = arith.muli %mul3A_35, %scan3A_34 : i32
      %dma_wait3A_37 = arith.constant 0 : i32
      %dma_wait3A_38 = tpu.memref_slice %arg2[%mul3A_2, %dma_wait3A_37] : memref<163840x128xf32, #tpu.memory_space<hbm>> -> memref<128x128xf32, #tpu.memory_space<hbm>>
      %dma_wait3A_39 = arith.constant 0 : i32
      %dma_wait3A_40 = tpu.memref_slice %arg2[%mul3A_2, %dma_wait3A_39] : memref<163840x128xf32, #tpu.memory_space<hbm>> -> memref<128x128xf32, #tpu.memory_space<hbm>>
      tpu.wait_dma2 semaphore(%arg10 : memref<!tpu.dma_semaphore, #tpu.memory_space<semaphore_mem>>) src(%dma_wait3A_40 : memref<128x128xf32, #tpu.memory_space<hbm>>) dst(%arg6 : memref<128x128xf32, #tpu.memory_space<vmem>>)
      %dma_start3A_41 = arith.constant 0 : i32
      %dma_start3A_42 = tpu.memref_slice %arg5[%mul3A_36, %dma_start3A_41] : memref<40x128xi32, #tpu.memory_space<vmem>> -> memref<1x128xi32, #tpu.memory_space<vmem>>
      %dma_start3A_43 = tpu.memref_squeeze %dma_start3A_42 : memref<1x128xi32, #tpu.memory_space<vmem>> -> memref<128xi32, #tpu.memory_space<vmem>>
      %dma_start3A_44 = arith.constant 0 : i32
      %dma_start3A_45 = arith.constant 0 : i32
      %dma_start3A_46 = tpu.memref_slice %arg9[%dma_start3A_44, %dma_start3A_45] : memref<10240x128xf32, #tpu.memory_space<vmem_shared>> -> memref<10240x128xf32, #tpu.memory_space<vmem_shared>>
      tpu.enqueue_indirect_dma source(%arg6 : memref<128x128xf32, #tpu.memory_space<vmem>>) target(%dma_start3A_46 : memref<10240x128xf32, #tpu.memory_space<vmem_shared>>) offsets(%dma_start3A_43 : memref<128xi32, #tpu.memory_space<vmem>>) semaphore(%arg12 : memref<!tpu.dma_semaphore, #tpu.memory_space<semaphore_mem>>) {add = true}
      %gt3A = arith.constant 0 : i32
      %gt3A_47 = arith.cmpi sgt, %scan3A_34, %gt3A : i32
      %convert_element_type3A = arith.extui %gt3A_47 : i1 to i32
      %cond3A = arith.constant 0 : i32
      %cond3A_48 = arith.cmpi ne, %convert_element_type3A, %cond3A : i32
      scf.if %cond3A_48 {
        %dma_wait3A_81 = arith.constant 0 : i32
        %dma_wait3A_82 = arith.constant 0 : i32
        %dma_wait3A_83 = tpu.memref_slice %arg5[%dma_wait3A_81, %dma_wait3A_82] : memref<40x128xi32, #tpu.memory_space<vmem>> -> memref<1x128xi32, #tpu.memory_space<vmem>>
        %dma_wait3A_84 = tpu.memref_squeeze %dma_wait3A_83 : memref<1x128xi32, #tpu.memory_space<vmem>> -> memref<128xi32, #tpu.memory_space<vmem>>
        %dma_wait3A_85 = arith.constant 0 : i32
        %dma_wait3A_86 = arith.constant 0 : i32
        %dma_wait3A_87 = tpu.memref_slice %arg9[%dma_wait3A_85, %dma_wait3A_86] : memref<10240x128xf32, #tpu.memory_space<vmem_shared>> -> memref<10240x128xf32, #tpu.memory_space<vmem_shared>>
        tpu.wait_indirect_dma semaphore(%arg13 : memref<!tpu.dma_semaphore, #tpu.memory_space<semaphore_mem>>) src(%arg7 : memref<128x128xf32, #tpu.memory_space<vmem>>) dst(%dma_wait3A_87 : memref<10240x128xf32, #tpu.memory_space<vmem_shared>>)
      } else {
      }
      %add3A_49 = arith.constant 1 : i32
      %add3A_50 = arith.addi %mul3A_36, %add3A_49 : i32
      %mul3A_51 = arith.constant 128 : i32
      %mul3A_52 = arith.muli %add3A_50, %mul3A_51 : i32
      %add3A_53 = arith.addi %mul3A_2, %mul3A_52 : i32
      %dma_start3A_54 = arith.constant 0 : i32
      %dma_start3A_55 = tpu.memref_slice %arg2[%add3A_53, %dma_start3A_54] : memref<163840x128xf32, #tpu.memory_space<hbm>> -> memref<128x128xf32, #tpu.memory_space<hbm>>
      %dma_start3A_56 = arith.constant 0 : i32
      %dma_start3A_57 = tpu.memref_slice %arg2[%add3A_53, %dma_start3A_56] : memref<163840x128xf32, #tpu.memory_space<hbm>> -> memref<128x128xf32, #tpu.memory_space<hbm>>
      tpu.enqueue_dma source(%dma_start3A_57 : memref<128x128xf32, #tpu.memory_space<hbm>>) target(%arg7 : memref<128x128xf32, #tpu.memory_space<vmem>>) target_semaphore(%arg11 : memref<!tpu.dma_semaphore, #tpu.memory_space<semaphore_mem>>)
      %dma_wait3A_58 = arith.constant 0 : i32
      %dma_wait3A_59 = arith.constant 0 : i32
      %dma_wait3A_60 = tpu.memref_slice %arg5[%dma_wait3A_58, %dma_wait3A_59] : memref<40x128xi32, #tpu.memory_space<vmem>> -> memref<1x128xi32, #tpu.memory_space<vmem>>
      %dma_wait3A_61 = tpu.memref_squeeze %dma_wait3A_60 : memref<1x128xi32, #tpu.memory_space<vmem>> -> memref<128xi32, #tpu.memory_space<vmem>>
      %dma_wait3A_62 = arith.constant 0 : i32
      %dma_wait3A_63 = arith.constant 0 : i32
      %dma_wait3A_64 = tpu.memref_slice %arg9[%dma_wait3A_62, %dma_wait3A_63] : memref<10240x128xf32, #tpu.memory_space<vmem_shared>> -> memref<10240x128xf32, #tpu.memory_space<vmem_shared>>
      tpu.wait_indirect_dma semaphore(%arg12 : memref<!tpu.dma_semaphore, #tpu.memory_space<semaphore_mem>>) src(%arg6 : memref<128x128xf32, #tpu.memory_space<vmem>>) dst(%dma_wait3A_64 : memref<10240x128xf32, #tpu.memory_space<vmem_shared>>)
      %lt3A = arith.constant 19 : i32
      %lt3A_65 = arith.cmpi slt, %scan3A_34, %lt3A : i32
      %convert_element_type3A_66 = arith.extui %lt3A_65 : i1 to i32
      %cond3A_67 = arith.constant 0 : i32
      %cond3A_68 = arith.cmpi ne, %convert_element_type3A_66, %cond3A_67 : i32
      scf.if %cond3A_68 {
        %add3A_81 = arith.constant 2 : i32
        %add3A_82 = arith.addi %mul3A_36, %add3A_81 : i32
        %mul3A_83 = arith.constant 128 : i32
        %mul3A_84 = arith.muli %add3A_82, %mul3A_83 : i32
        %add3A_85 = arith.addi %mul3A_2, %mul3A_84 : i32
        %dma_start3A_86 = arith.constant 0 : i32
        %dma_start3A_87 = tpu.memref_slice %arg2[%add3A_85, %dma_start3A_86] : memref<163840x128xf32, #tpu.memory_space<hbm>> -> memref<128x128xf32, #tpu.memory_space<hbm>>
        %dma_start3A_88 = arith.constant 0 : i32
        %dma_start3A_89 = tpu.memref_slice %arg2[%add3A_85, %dma_start3A_88] : memref<163840x128xf32, #tpu.memory_space<hbm>> -> memref<128x128xf32, #tpu.memory_space<hbm>>
        tpu.enqueue_dma source(%dma_start3A_89 : memref<128x128xf32, #tpu.memory_space<hbm>>) target(%arg6 : memref<128x128xf32, #tpu.memory_space<vmem>>) target_semaphore(%arg10 : memref<!tpu.dma_semaphore, #tpu.memory_space<semaphore_mem>>)
      } else {
      }
      %dma_wait3A_69 = arith.constant 0 : i32
      %dma_wait3A_70 = tpu.memref_slice %arg2[%mul3A_2, %dma_wait3A_69] : memref<163840x128xf32, #tpu.memory_space<hbm>> -> memref<128x128xf32, #tpu.memory_space<hbm>>
      %dma_wait3A_71 = arith.constant 0 : i32
      %dma_wait3A_72 = tpu.memref_slice %arg2[%mul3A_2, %dma_wait3A_71] : memref<163840x128xf32, #tpu.memory_space<hbm>> -> memref<128x128xf32, #tpu.memory_space<hbm>>
      tpu.wait_dma2 semaphore(%arg11 : memref<!tpu.dma_semaphore, #tpu.memory_space<semaphore_mem>>) src(%dma_wait3A_72 : memref<128x128xf32, #tpu.memory_space<hbm>>) dst(%arg7 : memref<128x128xf32, #tpu.memory_space<vmem>>)
      %add3A_73 = arith.constant 1 : i32
      %add3A_74 = arith.addi %mul3A_36, %add3A_73 : i32
      %dma_start3A_75 = arith.constant 0 : i32
      %dma_start3A_76 = tpu.memref_slice %arg5[%add3A_74, %dma_start3A_75] : memref<40x128xi32, #tpu.memory_space<vmem>> -> memref<1x128xi32, #tpu.memory_space<vmem>>
      %dma_start3A_77 = tpu.memref_squeeze %dma_start3A_76 : memref<1x128xi32, #tpu.memory_space<vmem>> -> memref<128xi32, #tpu.memory_space<vmem>>
      %dma_start3A_78 = arith.constant 0 : i32
      %dma_start3A_79 = arith.constant 0 : i32
      %dma_start3A_80 = tpu.memref_slice %arg9[%dma_start3A_78, %dma_start3A_79] : memref<10240x128xf32, #tpu.memory_space<vmem_shared>> -> memref<10240x128xf32, #tpu.memory_space<vmem_shared>>
      tpu.enqueue_indirect_dma source(%arg7 : memref<128x128xf32, #tpu.memory_space<vmem>>) target(%dma_start3A_80 : memref<10240x128xf32, #tpu.memory_space<vmem_shared>>) offsets(%dma_start3A_77 : memref<128xi32, #tpu.memory_space<vmem>>) semaphore(%arg13 : memref<!tpu.dma_semaphore, #tpu.memory_space<semaphore_mem>>) {add = true}
    }
    %scan3A_21 = arith.constant 20 : i32
    %dma_wait3A = arith.constant 0 : i32
    %dma_wait3A_22 = arith.constant 0 : i32
    %dma_wait3A_23 = tpu.memref_slice %arg5[%dma_wait3A, %dma_wait3A_22] : memref<40x128xi32, #tpu.memory_space<vmem>> -> memref<1x128xi32, #tpu.memory_space<vmem>>
    %dma_wait3A_24 = tpu.memref_squeeze %dma_wait3A_23 : memref<1x128xi32, #tpu.memory_space<vmem>> -> memref<128xi32, #tpu.memory_space<vmem>>
    %dma_wait3A_25 = arith.constant 0 : i32
    %dma_wait3A_26 = arith.constant 0 : i32
    %dma_wait3A_27 = tpu.memref_slice %arg9[%dma_wait3A_25, %dma_wait3A_26] : memref<10240x128xf32, #tpu.memory_space<vmem_shared>> -> memref<10240x128xf32, #tpu.memory_space<vmem_shared>>
    tpu.wait_indirect_dma semaphore(%arg13 : memref<!tpu.dma_semaphore, #tpu.memory_space<semaphore_mem>>) src(%arg7 : memref<128x128xf32, #tpu.memory_space<vmem>>) dst(%dma_wait3A_27 : memref<10240x128xf32, #tpu.memory_space<vmem_shared>>)
    %barrier3A_28 = arith.constant 0 : index
    tpu.barrier barrier_id(%barrier3A_28)
    %scan3A_29 = arith.constant 0 : i32
    %scan3A_30 = arith.constant 10 : i32
    %scan3A_31 = arith.addi %scan3A_29, %scan3A_30 : i32
    %scan3A_32 = arith.constant 1 : i32
    scf.for %scan3A_34 = %scan3A_29 to %scan3A_31 step %scan3A_32  : i32 {
      %mul3A_35 = arith.constant 640 : i32
      %mul3A_36 = arith.muli %arg1, %mul3A_35 : i32
      %mul3A_37 = arith.constant 64 : i32
      %mul3A_38 = arith.muli %scan3A_34, %mul3A_37 : i32
      %add3A_39 = arith.addi %mul3A_36, %mul3A_38 : i32
      "tpu.region"() ({
        %run_scoped3A = tpu.sem_alloc : memref<!tpu.dma_semaphore, #tpu.memory_space<semaphore_mem>>
        %dma_start3A_43 = arith.constant 0 : i32
        %dma_start3A_44 = tpu.memref_slice %arg9[%add3A_39, %dma_start3A_43] : memref<10240x128xf32, #tpu.memory_space<vmem_shared>> -> memref<64x128xf32, #tpu.memory_space<vmem_shared>>
        %dma_start3A_45 = arith.constant 0 : i32
        %dma_start3A_46 = tpu.memref_slice %arg9[%add3A_39, %dma_start3A_45] : memref<10240x128xf32, #tpu.memory_space<vmem_shared>> -> memref<64x128xf32, #tpu.memory_space<vmem_shared>>
        tpu.enqueue_dma source(%dma_start3A_46 : memref<64x128xf32, #tpu.memory_space<vmem_shared>>) target(%arg8 : memref<64x128xf32, #tpu.memory_space<vmem>>) target_semaphore(%run_scoped3A : memref<!tpu.dma_semaphore, #tpu.memory_space<semaphore_mem>>)
        %dma_wait3A_47 = arith.constant 0 : i32
        %dma_wait3A_48 = tpu.memref_slice %arg9[%add3A_39, %dma_wait3A_47] : memref<10240x128xf32, #tpu.memory_space<vmem_shared>> -> memref<64x128xf32, #tpu.memory_space<vmem_shared>>
        %dma_wait3A_49 = arith.constant 0 : i32
        %dma_wait3A_50 = tpu.memref_slice %arg9[%add3A_39, %dma_wait3A_49] : memref<10240x128xf32, #tpu.memory_space<vmem_shared>> -> memref<64x128xf32, #tpu.memory_space<vmem_shared>>
        tpu.wait_dma2 semaphore(%run_scoped3A : memref<!tpu.dma_semaphore, #tpu.memory_space<semaphore_mem>>) src(%dma_wait3A_50 : memref<64x128xf32, #tpu.memory_space<vmem_shared>>) dst(%arg8 : memref<64x128xf32, #tpu.memory_space<vmem>>)
        tpu.yield
      }) : () -> ()
      %mul3A_40 = arith.constant 10240 : i32
      %mul3A_41 = arith.muli %arg0, %mul3A_40 : i32
      %add3A_42 = arith.addi %mul3A_41, %add3A_39 : i32
      "tpu.region"() ({
        %run_scoped3A = tpu.sem_alloc : memref<!tpu.dma_semaphore, #tpu.memory_space<semaphore_mem>>
        %dma_start3A_43 = arith.constant 0 : i32
        %dma_start3A_44 = tpu.memref_slice %arg4[%add3A_42, %dma_start3A_43] : memref<20480x128xf32, #tpu.memory_space<hbm>> -> memref<64x128xf32, #tpu.memory_space<hbm>>
        %dma_start3A_45 = arith.constant 0 : i32
        %dma_start3A_46 = tpu.memref_slice %arg4[%add3A_42, %dma_start3A_45] : memref<20480x128xf32, #tpu.memory_space<hbm>> -> memref<64x128xf32, #tpu.memory_space<hbm>>
        tpu.enqueue_dma source(%arg8 : memref<64x128xf32, #tpu.memory_space<vmem>>) target(%dma_start3A_46 : memref<64x128xf32, #tpu.memory_space<hbm>>) target_semaphore(%run_scoped3A : memref<!tpu.dma_semaphore, #tpu.memory_space<semaphore_mem>>)
        %dma_wait3A_47 = arith.constant 0 : i32
        %dma_wait3A_48 = tpu.memref_slice %arg4[%add3A_42, %dma_wait3A_47] : memref<20480x128xf32, #tpu.memory_space<hbm>> -> memref<64x128xf32, #tpu.memory_space<hbm>>
        %dma_wait3A_49 = arith.constant 0 : i32
        %dma_wait3A_50 = tpu.memref_slice %arg4[%add3A_42, %dma_wait3A_49] : memref<20480x128xf32, #tpu.memory_space<hbm>> -> memref<64x128xf32, #tpu.memory_space<hbm>>
        tpu.wait_dma2 semaphore(%run_scoped3A : memref<!tpu.dma_semaphore, #tpu.memory_space<semaphore_mem>>) src(%arg8 : memref<64x128xf32, #tpu.memory_space<vmem>>) dst(%dma_wait3A_50 : memref<64x128xf32, #tpu.memory_space<hbm>>)
        tpu.yield
      }) : () -> ()
    }
    %scan3A_33 = arith.constant 10 : i32
    return
  }
}

#map = affine_map<(d0, d1) -> (0, 0)>
#map1 = affine_map<(d0, d1) -> (0, 0, 0)>
module attributes {stable_mosaic.version = 14 : i64} {
  func.func @_sc_gather_sum(%arg0: i32, %arg1: i32, %arg2: memref<20480x128xf32, #tpu.memory_space<hbm>>, %arg3: memref<32x40x128xi32, #tpu.memory_space<hbm>>, %arg4: memref<163840x128xf32, #tpu.memory_space<hbm>>, %arg5: memref<40x128xi32, #tpu.memory_space<vmem>>, %arg6: memref<128x128xf32, #tpu.memory_space<vmem>>, %arg7: memref<128x128xf32, #tpu.memory_space<vmem>>, %arg8: memref<10240x128xf32, #tpu.memory_space<vmem_shared>>, %arg9: memref<!tpu.dma_semaphore, #tpu.memory_space<semaphore_mem>>, %arg10: memref<!tpu.dma_semaphore, #tpu.memory_space<semaphore_mem>>, %arg11: memref<!tpu.dma_semaphore, #tpu.memory_space<semaphore_mem>>, %arg12: memref<!tpu.dma_semaphore, #tpu.memory_space<semaphore_mem>>) attributes {dimension_semantics = [#tpu.dimension_semantics<core_parallel>, #tpu.dimension_semantics<subcore_parallel>], iteration_bounds = array<i64: 2, 16>, scalar_prefetch = 0 : i64, scratch_operands = 8 : i64, tpu.core_type = #tpu.core_type<sc_vector_subcore>, window_params = [{transform_indices = #map}, {transform_indices = #map1}, {transform_indices = #map}]} {
    %mul3A = arith.constant 16 : i32
    %mul3A_0 = arith.muli %arg0, %mul3A : i32
    %add3A = arith.addi %mul3A_0, %arg1 : i32
    %mul3A_1 = arith.constant 5120 : i32
    %mul3A_2 = arith.muli %add3A, %mul3A_1 : i32
    "tpu.region"() ({
      %run_scoped3A = tpu.sem_alloc : memref<!tpu.dma_semaphore, #tpu.memory_space<semaphore_mem>>
      %dma_start3A_21 = arith.constant 0 : i32
      %dma_start3A_22 = arith.constant 0 : i32
      %dma_start3A_23 = tpu.memref_slice %arg3[%add3A, %dma_start3A_21, %dma_start3A_22] : memref<32x40x128xi32, #tpu.memory_space<hbm>> -> memref<1x40x128xi32, #tpu.memory_space<hbm>>
      %dma_start3A_24 = tpu.memref_squeeze %dma_start3A_23 : memref<1x40x128xi32, #tpu.memory_space<hbm>> -> memref<40x128xi32, #tpu.memory_space<hbm>>
      %dma_start3A_25 = arith.constant 0 : i32
      %dma_start3A_26 = arith.constant 0 : i32
      %dma_start3A_27 = tpu.memref_slice %arg3[%add3A, %dma_start3A_25, %dma_start3A_26] : memref<32x40x128xi32, #tpu.memory_space<hbm>> -> memref<1x40x128xi32, #tpu.memory_space<hbm>>
      %dma_start3A_28 = tpu.memref_squeeze %dma_start3A_27 : memref<1x40x128xi32, #tpu.memory_space<hbm>> -> memref<40x128xi32, #tpu.memory_space<hbm>>
      tpu.enqueue_dma source(%dma_start3A_28 : memref<40x128xi32, #tpu.memory_space<hbm>>) target(%arg5 : memref<40x128xi32, #tpu.memory_space<vmem>>) target_semaphore(%run_scoped3A : memref<!tpu.dma_semaphore, #tpu.memory_space<semaphore_mem>>)
      %dma_wait3A_29 = arith.constant 0 : i32
      %dma_wait3A_30 = arith.constant 0 : i32
      %dma_wait3A_31 = tpu.memref_slice %arg3[%add3A, %dma_wait3A_29, %dma_wait3A_30] : memref<32x40x128xi32, #tpu.memory_space<hbm>> -> memref<1x40x128xi32, #tpu.memory_space<hbm>>
      %dma_wait3A_32 = tpu.memref_squeeze %dma_wait3A_31 : memref<1x40x128xi32, #tpu.memory_space<hbm>> -> memref<40x128xi32, #tpu.memory_space<hbm>>
      %dma_wait3A_33 = arith.constant 0 : i32
      %dma_wait3A_34 = arith.constant 0 : i32
      %dma_wait3A_35 = tpu.memref_slice %arg3[%add3A, %dma_wait3A_33, %dma_wait3A_34] : memref<32x40x128xi32, #tpu.memory_space<hbm>> -> memref<1x40x128xi32, #tpu.memory_space<hbm>>
      %dma_wait3A_36 = tpu.memref_squeeze %dma_wait3A_35 : memref<1x40x128xi32, #tpu.memory_space<hbm>> -> memref<40x128xi32, #tpu.memory_space<hbm>>
      tpu.wait_dma2 semaphore(%run_scoped3A : memref<!tpu.dma_semaphore, #tpu.memory_space<semaphore_mem>>) src(%dma_wait3A_36 : memref<40x128xi32, #tpu.memory_space<hbm>>) dst(%arg5 : memref<40x128xi32, #tpu.memory_space<vmem>>)
      tpu.yield
    }) : () -> ()
    %scan3A = arith.constant 0 : i32
    %scan3A_3 = arith.constant 5 : i32
    %scan3A_4 = arith.addi %scan3A, %scan3A_3 : i32
    %scan3A_5 = arith.constant 1 : i32
    scf.for %scan3A_21 = %scan3A to %scan3A_4 step %scan3A_5  : i32 {
      %mul3A_22 = arith.constant 640 : i32
      %mul3A_23 = arith.muli %arg1, %mul3A_22 : i32
      %mul3A_24 = arith.constant 128 : i32
      %mul3A_25 = arith.muli %scan3A_21, %mul3A_24 : i32
      %add3A_26 = arith.addi %mul3A_23, %mul3A_25 : i32
      "tpu.region"() ({
        %run_scoped3A = tpu.sem_alloc : memref<!tpu.dma_semaphore, #tpu.memory_space<semaphore_mem>>
        %dma_start3A_34 = arith.constant 0 : i32
        %dma_start3A_35 = tpu.memref_slice %arg2[%add3A_26, %dma_start3A_34] : memref<20480x128xf32, #tpu.memory_space<hbm>> -> memref<128x128xf32, #tpu.memory_space<hbm>>
        %dma_start3A_36 = arith.constant 0 : i32
        %dma_start3A_37 = tpu.memref_slice %arg2[%add3A_26, %dma_start3A_36] : memref<20480x128xf32, #tpu.memory_space<hbm>> -> memref<128x128xf32, #tpu.memory_space<hbm>>
        tpu.enqueue_dma source(%dma_start3A_37 : memref<128x128xf32, #tpu.memory_space<hbm>>) target(%arg6 : memref<128x128xf32, #tpu.memory_space<vmem>>) target_semaphore(%run_scoped3A : memref<!tpu.dma_semaphore, #tpu.memory_space<semaphore_mem>>)
        %dma_wait3A_38 = arith.constant 0 : i32
        %dma_wait3A_39 = tpu.memref_slice %arg2[%add3A_26, %dma_wait3A_38] : memref<20480x128xf32, #tpu.memory_space<hbm>> -> memref<128x128xf32, #tpu.memory_space<hbm>>
        %dma_wait3A_40 = arith.constant 0 : i32
        %dma_wait3A_41 = tpu.memref_slice %arg2[%add3A_26, %dma_wait3A_40] : memref<20480x128xf32, #tpu.memory_space<hbm>> -> memref<128x128xf32, #tpu.memory_space<hbm>>
        tpu.wait_dma2 semaphore(%run_scoped3A : memref<!tpu.dma_semaphore, #tpu.memory_space<semaphore_mem>>) src(%dma_wait3A_41 : memref<128x128xf32, #tpu.memory_space<hbm>>) dst(%arg6 : memref<128x128xf32, #tpu.memory_space<vmem>>)
        tpu.yield
      }) : () -> ()
      %add3A_27 = arith.constant 10240 : i32
      %add3A_28 = arith.addi %add3A_27, %add3A_26 : i32
      "tpu.region"() ({
        %run_scoped3A = tpu.sem_alloc : memref<!tpu.dma_semaphore, #tpu.memory_space<semaphore_mem>>
        %dma_start3A_34 = arith.constant 0 : i32
        %dma_start3A_35 = tpu.memref_slice %arg2[%add3A_28, %dma_start3A_34] : memref<20480x128xf32, #tpu.memory_space<hbm>> -> memref<128x128xf32, #tpu.memory_space<hbm>>
        %dma_start3A_36 = arith.constant 0 : i32
        %dma_start3A_37 = tpu.memref_slice %arg2[%add3A_28, %dma_start3A_36] : memref<20480x128xf32, #tpu.memory_space<hbm>> -> memref<128x128xf32, #tpu.memory_space<hbm>>
        tpu.enqueue_dma source(%dma_start3A_37 : memref<128x128xf32, #tpu.memory_space<hbm>>) target(%arg7 : memref<128x128xf32, #tpu.memory_space<vmem>>) target_semaphore(%run_scoped3A : memref<!tpu.dma_semaphore, #tpu.memory_space<semaphore_mem>>)
        %dma_wait3A_38 = arith.constant 0 : i32
        %dma_wait3A_39 = tpu.memref_slice %arg2[%add3A_28, %dma_wait3A_38] : memref<20480x128xf32, #tpu.memory_space<hbm>> -> memref<128x128xf32, #tpu.memory_space<hbm>>
        %dma_wait3A_40 = arith.constant 0 : i32
        %dma_wait3A_41 = tpu.memref_slice %arg2[%add3A_28, %dma_wait3A_40] : memref<20480x128xf32, #tpu.memory_space<hbm>> -> memref<128x128xf32, #tpu.memory_space<hbm>>
        tpu.wait_dma2 semaphore(%run_scoped3A : memref<!tpu.dma_semaphore, #tpu.memory_space<semaphore_mem>>) src(%dma_wait3A_41 : memref<128x128xf32, #tpu.memory_space<hbm>>) dst(%arg7 : memref<128x128xf32, #tpu.memory_space<vmem>>)
        tpu.yield
      }) : () -> ()
      %scan3A_29 = arith.constant 0 : i32
      %scan3A_30 = arith.constant 128 : i32
      %scan3A_31 = arith.addi %scan3A_29, %scan3A_30 : i32
      %scan3A_32 = arith.constant 1 : i32
      scf.for %scan3A_34 = %scan3A_29 to %scan3A_31 step %scan3A_32  : i32 {
        %get3A = arith.index_cast %scan3A_34 : i32 to index
        %get3A_35 = arith.constant 0 : index
        %get3A_36 = tpu.vector_load %arg6[%get3A, %get3A_35] {strides = array<i32>} : memref<128x128xf32, #tpu.memory_space<vmem>>, vector<1x16xf32>,
        %get3A_37 = vector.shape_cast %get3A_36 : vector<1x16xf32> to vector<16xf32>
        %get3A_38 = arith.index_cast %scan3A_34 : i32 to index
        %get3A_39 = arith.constant 0 : index
        %get3A_40 = tpu.vector_load %arg7[%get3A_38, %get3A_39] {strides = array<i32>} : memref<128x128xf32, #tpu.memory_space<vmem>>, vector<1x16xf32>,
        %get3A_41 = vector.shape_cast %get3A_40 : vector<1x16xf32> to vector<16xf32>
        %add3A_42 = arith.addf %get3A_37, %get3A_41 : vector<16xf32>
        %swap3A = arith.index_cast %scan3A_34 : i32 to index
        %swap3A_43 = arith.constant 0 : index
        %swap3A_44 = tpu.vector_load %arg6[%swap3A, %swap3A_43] {strides = array<i32>} : memref<128x128xf32, #tpu.memory_space<vmem>>, vector<1x16xf32>,
        %swap3A_45 = vector.shape_cast %swap3A_44 : vector<1x16xf32> to vector<16xf32>
        %swap3A_46 = vector.shape_cast %add3A_42 : vector<16xf32> to vector<1x16xf32>
        tpu.vector_store %arg6[%swap3A, %swap3A_43], %swap3A_46 {strides = array<i32>} : memref<128x128xf32, #tpu.memory_space<vmem>>, vector<1x16xf32>,
        %get3A_47 = arith.index_cast %scan3A_34 : i32 to index
        %get3A_48 = arith.constant 16 : index
        %get3A_49 = tpu.vector_load %arg6[%get3A_47, %get3A_48] {strides = array<i32>} : memref<128x128xf32, #tpu.memory_space<vmem>>, vector<1x16xf32>,
        %get3A_50 = vector.shape_cast %get3A_49 : vector<1x16xf32> to vector<16xf32>
        %get3A_51 = arith.index_cast %scan3A_34 : i32 to index
        %get3A_52 = arith.constant 16 : index
        %get3A_53 = tpu.vector_load %arg7[%get3A_51, %get3A_52] {strides = array<i32>} : memref<128x128xf32, #tpu.memory_space<vmem>>, vector<1x16xf32>,
        %get3A_54 = vector.shape_cast %get3A_53 : vector<1x16xf32> to vector<16xf32>
        %add3A_55 = arith.addf %get3A_50, %get3A_54 : vector<16xf32>
        %swap3A_56 = arith.index_cast %scan3A_34 : i32 to index
        %swap3A_57 = arith.constant 16 : index
        %swap3A_58 = tpu.vector_load %arg6[%swap3A_56, %swap3A_57] {strides = array<i32>} : memref<128x128xf32, #tpu.memory_space<vmem>>, vector<1x16xf32>,
        %swap3A_59 = vector.shape_cast %swap3A_58 : vector<1x16xf32> to vector<16xf32>
        %swap3A_60 = vector.shape_cast %add3A_55 : vector<16xf32> to vector<1x16xf32>
        tpu.vector_store %arg6[%swap3A_56, %swap3A_57], %swap3A_60 {strides = array<i32>} : memref<128x128xf32, #tpu.memory_space<vmem>>, vector<1x16xf32>,
        %get3A_61 = arith.index_cast %scan3A_34 : i32 to index
        %get3A_62 = arith.constant 32 : index
        %get3A_63 = tpu.vector_load %arg6[%get3A_61, %get3A_62] {strides = array<i32>} : memref<128x128xf32, #tpu.memory_space<vmem>>, vector<1x16xf32>,
        %get3A_64 = vector.shape_cast %get3A_63 : vector<1x16xf32> to vector<16xf32>
        %get3A_65 = arith.index_cast %scan3A_34 : i32 to index
        %get3A_66 = arith.constant 32 : index
        %get3A_67 = tpu.vector_load %arg7[%get3A_65, %get3A_66] {strides = array<i32>} : memref<128x128xf32, #tpu.memory_space<vmem>>, vector<1x16xf32>,
        %get3A_68 = vector.shape_cast %get3A_67 : vector<1x16xf32> to vector<16xf32>
        %add3A_69 = arith.addf %get3A_64, %get3A_68 : vector<16xf32>
        %swap3A_70 = arith.index_cast %scan3A_34 : i32 to index
        %swap3A_71 = arith.constant 32 : index
        %swap3A_72 = tpu.vector_load %arg6[%swap3A_70, %swap3A_71] {strides = array<i32>} : memref<128x128xf32, #tpu.memory_space<vmem>>, vector<1x16xf32>,
        %swap3A_73 = vector.shape_cast %swap3A_72 : vector<1x16xf32> to vector<16xf32>
        %swap3A_74 = vector.shape_cast %add3A_69 : vector<16xf32> to vector<1x16xf32>
        tpu.vector_store %arg6[%swap3A_70, %swap3A_71], %swap3A_74 {strides = array<i32>} : memref<128x128xf32, #tpu.memory_space<vmem>>, vector<1x16xf32>,
        %get3A_75 = arith.index_cast %scan3A_34 : i32 to index
        %get3A_76 = arith.constant 48 : index
        %get3A_77 = tpu.vector_load %arg6[%get3A_75, %get3A_76] {strides = array<i32>} : memref<128x128xf32, #tpu.memory_space<vmem>>, vector<1x16xf32>,
        %get3A_78 = vector.shape_cast %get3A_77 : vector<1x16xf32> to vector<16xf32>
        %get3A_79 = arith.index_cast %scan3A_34 : i32 to index
        %get3A_80 = arith.constant 48 : index
        %get3A_81 = tpu.vector_load %arg7[%get3A_79, %get3A_80] {strides = array<i32>} : memref<128x128xf32, #tpu.memory_space<vmem>>, vector<1x16xf32>,
        %get3A_82 = vector.shape_cast %get3A_81 : vector<1x16xf32> to vector<16xf32>
        %add3A_83 = arith.addf %get3A_78, %get3A_82 : vector<16xf32>
        %swap3A_84 = arith.index_cast %scan3A_34 : i32 to index
        %swap3A_85 = arith.constant 48 : index
        %swap3A_86 = tpu.vector_load %arg6[%swap3A_84, %swap3A_85] {strides = array<i32>} : memref<128x128xf32, #tpu.memory_space<vmem>>, vector<1x16xf32>,
        %swap3A_87 = vector.shape_cast %swap3A_86 : vector<1x16xf32> to vector<16xf32>
        %swap3A_88 = vector.shape_cast %add3A_83 : vector<16xf32> to vector<1x16xf32>
        tpu.vector_store %arg6[%swap3A_84, %swap3A_85], %swap3A_88 {strides = array<i32>} : memref<128x128xf32, #tpu.memory_space<vmem>>, vector<1x16xf32>,
        %get3A_89 = arith.index_cast %scan3A_34 : i32 to index
        %get3A_90 = arith.constant 64 : index
        %get3A_91 = tpu.vector_load %arg6[%get3A_89, %get3A_90] {strides = array<i32>} : memref<128x128xf32, #tpu.memory_space<vmem>>, vector<1x16xf32>,
        %get3A_92 = vector.shape_cast %get3A_91 : vector<1x16xf32> to vector<16xf32>
        %get3A_93 = arith.index_cast %scan3A_34 : i32 to index
        %get3A_94 = arith.constant 64 : index
        %get3A_95 = tpu.vector_load %arg7[%get3A_93, %get3A_94] {strides = array<i32>} : memref<128x128xf32, #tpu.memory_space<vmem>>, vector<1x16xf32>,
        %get3A_96 = vector.shape_cast %get3A_95 : vector<1x16xf32> to vector<16xf32>
        %add3A_97 = arith.addf %get3A_92, %get3A_96 : vector<16xf32>
        %swap3A_98 = arith.index_cast %scan3A_34 : i32 to index
        %swap3A_99 = arith.constant 64 : index
        %swap3A_100 = tpu.vector_load %arg6[%swap3A_98, %swap3A_99] {strides = array<i32>} : memref<128x128xf32, #tpu.memory_space<vmem>>, vector<1x16xf32>,
        %swap3A_101 = vector.shape_cast %swap3A_100 : vector<1x16xf32> to vector<16xf32>
        %swap3A_102 = vector.shape_cast %add3A_97 : vector<16xf32> to vector<1x16xf32>
        tpu.vector_store %arg6[%swap3A_98, %swap3A_99], %swap3A_102 {strides = array<i32>} : memref<128x128xf32, #tpu.memory_space<vmem>>, vector<1x16xf32>,
        %get3A_103 = arith.index_cast %scan3A_34 : i32 to index
        %get3A_104 = arith.constant 80 : index
        %get3A_105 = tpu.vector_load %arg6[%get3A_103, %get3A_104] {strides = array<i32>} : memref<128x128xf32, #tpu.memory_space<vmem>>, vector<1x16xf32>,
        %get3A_106 = vector.shape_cast %get3A_105 : vector<1x16xf32> to vector<16xf32>
        %get3A_107 = arith.index_cast %scan3A_34 : i32 to index
        %get3A_108 = arith.constant 80 : index
        %get3A_109 = tpu.vector_load %arg7[%get3A_107, %get3A_108] {strides = array<i32>} : memref<128x128xf32, #tpu.memory_space<vmem>>, vector<1x16xf32>,
        %get3A_110 = vector.shape_cast %get3A_109 : vector<1x16xf32> to vector<16xf32>
        %add3A_111 = arith.addf %get3A_106, %get3A_110 : vector<16xf32>
        %swap3A_112 = arith.index_cast %scan3A_34 : i32 to index
        %swap3A_113 = arith.constant 80 : index
        %swap3A_114 = tpu.vector_load %arg6[%swap3A_112, %swap3A_113] {strides = array<i32>} : memref<128x128xf32, #tpu.memory_space<vmem>>, vector<1x16xf32>,
        %swap3A_115 = vector.shape_cast %swap3A_114 : vector<1x16xf32> to vector<16xf32>
        %swap3A_116 = vector.shape_cast %add3A_111 : vector<16xf32> to vector<1x16xf32>
        tpu.vector_store %arg6[%swap3A_112, %swap3A_113], %swap3A_116 {strides = array<i32>} : memref<128x128xf32, #tpu.memory_space<vmem>>, vector<1x16xf32>,
        %get3A_117 = arith.index_cast %scan3A_34 : i32 to index
        %get3A_118 = arith.constant 96 : index
        %get3A_119 = tpu.vector_load %arg6[%get3A_117, %get3A_118] {strides = array<i32>} : memref<128x128xf32, #tpu.memory_space<vmem>>, vector<1x16xf32>,
        %get3A_120 = vector.shape_cast %get3A_119 : vector<1x16xf32> to vector<16xf32>
        %get3A_121 = arith.index_cast %scan3A_34 : i32 to index
        %get3A_122 = arith.constant 96 : index
        %get3A_123 = tpu.vector_load %arg7[%get3A_121, %get3A_122] {strides = array<i32>} : memref<128x128xf32, #tpu.memory_space<vmem>>, vector<1x16xf32>,
        %get3A_124 = vector.shape_cast %get3A_123 : vector<1x16xf32> to vector<16xf32>
        %add3A_125 = arith.addf %get3A_120, %get3A_124 : vector<16xf32>
        %swap3A_126 = arith.index_cast %scan3A_34 : i32 to index
        %swap3A_127 = arith.constant 96 : index
        %swap3A_128 = tpu.vector_load %arg6[%swap3A_126, %swap3A_127] {strides = array<i32>} : memref<128x128xf32, #tpu.memory_space<vmem>>, vector<1x16xf32>,
        %swap3A_129 = vector.shape_cast %swap3A_128 : vector<1x16xf32> to vector<16xf32>
        %swap3A_130 = vector.shape_cast %add3A_125 : vector<16xf32> to vector<1x16xf32>
        tpu.vector_store %arg6[%swap3A_126, %swap3A_127], %swap3A_130 {strides = array<i32>} : memref<128x128xf32, #tpu.memory_space<vmem>>, vector<1x16xf32>,
        %get3A_131 = arith.index_cast %scan3A_34 : i32 to index
        %get3A_132 = arith.constant 112 : index
        %get3A_133 = tpu.vector_load %arg6[%get3A_131, %get3A_132] {strides = array<i32>} : memref<128x128xf32, #tpu.memory_space<vmem>>, vector<1x16xf32>,
        %get3A_134 = vector.shape_cast %get3A_133 : vector<1x16xf32> to vector<16xf32>
        %get3A_135 = arith.index_cast %scan3A_34 : i32 to index
        %get3A_136 = arith.constant 112 : index
        %get3A_137 = tpu.vector_load %arg7[%get3A_135, %get3A_136] {strides = array<i32>} : memref<128x128xf32, #tpu.memory_space<vmem>>, vector<1x16xf32>,
        %get3A_138 = vector.shape_cast %get3A_137 : vector<1x16xf32> to vector<16xf32>
        %add3A_139 = arith.addf %get3A_134, %get3A_138 : vector<16xf32>
        %swap3A_140 = arith.index_cast %scan3A_34 : i32 to index
        %swap3A_141 = arith.constant 112 : index
        %swap3A_142 = tpu.vector_load %arg6[%swap3A_140, %swap3A_141] {strides = array<i32>} : memref<128x128xf32, #tpu.memory_space<vmem>>, vector<1x16xf32>,
        %swap3A_143 = vector.shape_cast %swap3A_142 : vector<1x16xf32> to vector<16xf32>
        %swap3A_144 = vector.shape_cast %add3A_139 : vector<16xf32> to vector<1x16xf32>
        tpu.vector_store %arg6[%swap3A_140, %swap3A_141], %swap3A_144 {strides = array<i32>} : memref<128x128xf32, #tpu.memory_space<vmem>>, vector<1x16xf32>,
      }
      %scan3A_33 = arith.constant 128 : i32
      "tpu.region"() ({
        %run_scoped3A = tpu.sem_alloc : memref<!tpu.dma_semaphore, #tpu.memory_space<semaphore_mem>>
        %dma_start3A_34 = arith.constant 0 : i32
        %dma_start3A_35 = tpu.memref_slice %arg8[%add3A_26, %dma_start3A_34] : memref<10240x128xf32, #tpu.memory_space<vmem_shared>> -> memref<128x128xf32, #tpu.memory_space<vmem_shared>>
        %dma_start3A_36 = arith.constant 0 : i32
        %dma_start3A_37 = tpu.memref_slice %arg8[%add3A_26, %dma_start3A_36] : memref<10240x128xf32, #tpu.memory_space<vmem_shared>> -> memref<128x128xf32, #tpu.memory_space<vmem_shared>>
        tpu.enqueue_dma source(%arg6 : memref<128x128xf32, #tpu.memory_space<vmem>>) target(%dma_start3A_37 : memref<128x128xf32, #tpu.memory_space<vmem_shared>>) target_semaphore(%run_scoped3A : memref<!tpu.dma_semaphore, #tpu.memory_space<semaphore_mem>>)
        %dma_wait3A_38 = arith.constant 0 : i32
        %dma_wait3A_39 = tpu.memref_slice %arg8[%add3A_26, %dma_wait3A_38] : memref<10240x128xf32, #tpu.memory_space<vmem_shared>> -> memref<128x128xf32, #tpu.memory_space<vmem_shared>>
        %dma_wait3A_40 = arith.constant 0 : i32
        %dma_wait3A_41 = tpu.memref_slice %arg8[%add3A_26, %dma_wait3A_40] : memref<10240x128xf32, #tpu.memory_space<vmem_shared>> -> memref<128x128xf32, #tpu.memory_space<vmem_shared>>
        tpu.wait_dma2 semaphore(%run_scoped3A : memref<!tpu.dma_semaphore, #tpu.memory_space<semaphore_mem>>) src(%arg6 : memref<128x128xf32, #tpu.memory_space<vmem>>) dst(%dma_wait3A_41 : memref<128x128xf32, #tpu.memory_space<vmem_shared>>)
        tpu.yield
      }) : () -> ()
    }
    %scan3A_6 = arith.constant 5 : i32
    %barrier3A = arith.constant 0 : index
    tpu.barrier barrier_id(%barrier3A)
    %dma_start3A = arith.constant 0 : i32
    %dma_start3A_7 = arith.constant 0 : i32
    %dma_start3A_8 = tpu.memref_slice %arg5[%dma_start3A, %dma_start3A_7] : memref<40x128xi32, #tpu.memory_space<vmem>> -> memref<1x128xi32, #tpu.memory_space<vmem>>
    %dma_start3A_9 = tpu.memref_squeeze %dma_start3A_8 : memref<1x128xi32, #tpu.memory_space<vmem>> -> memref<128xi32, #tpu.memory_space<vmem>>
    %dma_start3A_10 = arith.constant 0 : i32
    %dma_start3A_11 = arith.constant 0 : i32
    %dma_start3A_12 = tpu.memref_slice %arg8[%dma_start3A_10, %dma_start3A_11] : memref<10240x128xf32, #tpu.memory_space<vmem_shared>> -> memref<10240x128xf32, #tpu.memory_space<vmem_shared>>
    tpu.enqueue_indirect_dma source(%dma_start3A_12 : memref<10240x128xf32, #tpu.memory_space<vmem_shared>>) target(%arg6 : memref<128x128xf32, #tpu.memory_space<vmem>>) offsets(%dma_start3A_9 : memref<128xi32, #tpu.memory_space<vmem>>) semaphore(%arg9 : memref<!tpu.dma_semaphore, #tpu.memory_space<semaphore_mem>>)
    %scan3A_13 = arith.constant 0 : i32
    %scan3A_14 = arith.constant 20 : i32
    %scan3A_15 = arith.addi %scan3A_13, %scan3A_14 : i32
    %scan3A_16 = arith.constant 1 : i32
    scf.for %scan3A_21 = %scan3A_13 to %scan3A_15 step %scan3A_16  : i32 {
      %mul3A_22 = arith.constant 2 : i32
      %mul3A_23 = arith.muli %mul3A_22, %scan3A_21 : i32
      %dma_wait3A_24 = arith.constant 0 : i32
      %dma_wait3A_25 = arith.constant 0 : i32
      %dma_wait3A_26 = tpu.memref_slice %arg5[%dma_wait3A_24, %dma_wait3A_25] : memref<40x128xi32, #tpu.memory_space<vmem>> -> memref<1x128xi32, #tpu.memory_space<vmem>>
      %dma_wait3A_27 = tpu.memref_squeeze %dma_wait3A_26 : memref<1x128xi32, #tpu.memory_space<vmem>> -> memref<128xi32, #tpu.memory_space<vmem>>
      %dma_wait3A_28 = arith.constant 0 : i32
      %dma_wait3A_29 = arith.constant 0 : i32
      %dma_wait3A_30 = tpu.memref_slice %arg8[%dma_wait3A_28, %dma_wait3A_29] : memref<10240x128xf32, #tpu.memory_space<vmem_shared>> -> memref<10240x128xf32, #tpu.memory_space<vmem_shared>>
      tpu.wait_indirect_dma semaphore(%arg9 : memref<!tpu.dma_semaphore, #tpu.memory_space<semaphore_mem>>) src(%dma_wait3A_30 : memref<10240x128xf32, #tpu.memory_space<vmem_shared>>) dst(%arg6 : memref<128x128xf32, #tpu.memory_space<vmem>>)
      %gt3A = arith.constant 0 : i32
      %gt3A_31 = arith.cmpi sgt, %scan3A_21, %gt3A : i32
      %convert_element_type3A = arith.extui %gt3A_31 : i1 to i32
      %cond3A = arith.constant 0 : i32
      %cond3A_32 = arith.cmpi ne, %convert_element_type3A, %cond3A : i32
      scf.if %cond3A_32 {
        %dma_wait3A_72 = arith.constant 0 : i32
        %dma_wait3A_73 = tpu.memref_slice %arg4[%mul3A_2, %dma_wait3A_72] : memref<163840x128xf32, #tpu.memory_space<hbm>> -> memref<128x128xf32, #tpu.memory_space<hbm>>
        %dma_wait3A_74 = arith.constant 0 : i32
        %dma_wait3A_75 = tpu.memref_slice %arg4[%mul3A_2, %dma_wait3A_74] : memref<163840x128xf32, #tpu.memory_space<hbm>> -> memref<128x128xf32, #tpu.memory_space<hbm>>
        tpu.wait_dma2 semaphore(%arg12 : memref<!tpu.dma_semaphore, #tpu.memory_space<semaphore_mem>>) src(%arg7 : memref<128x128xf32, #tpu.memory_space<vmem>>) dst(%dma_wait3A_75 : memref<128x128xf32, #tpu.memory_space<hbm>>)
      } else {
      }
      %add3A_33 = arith.constant 1 : i32
      %add3A_34 = arith.addi %mul3A_23, %add3A_33 : i32
      %dma_start3A_35 = arith.constant 0 : i32
      %dma_start3A_36 = tpu.memref_slice %arg5[%add3A_34, %dma_start3A_35] : memref<40x128xi32, #tpu.memory_space<vmem>> -> memref<1x128xi32, #tpu.memory_space<vmem>>
      %dma_start3A_37 = tpu.memref_squeeze %dma_start3A_36 : memref<1x128xi32, #tpu.memory_space<vmem>> -> memref<128xi32, #tpu.memory_space<vmem>>
      %dma_start3A_38 = arith.constant 0 : i32
      %dma_start3A_39 = arith.constant 0 : i32
      %dma_start3A_40 = tpu.memref_slice %arg8[%dma_start3A_38, %dma_start3A_39] : memref<10240x128xf32, #tpu.memory_space<vmem_shared>> -> memref<10240x128xf32, #tpu.memory_space<vmem_shared>>
      tpu.enqueue_indirect_dma source(%dma_start3A_40 : memref<10240x128xf32, #tpu.memory_space<vmem_shared>>) target(%arg7 : memref<128x128xf32, #tpu.memory_space<vmem>>) offsets(%dma_start3A_37 : memref<128xi32, #tpu.memory_space<vmem>>) semaphore(%arg10 : memref<!tpu.dma_semaphore, #tpu.memory_space<semaphore_mem>>)
      %mul3A_41 = arith.constant 128 : i32
      %mul3A_42 = arith.muli %mul3A_23, %mul3A_41 : i32
      %add3A_43 = arith.addi %mul3A_2, %mul3A_42 : i32
      %dma_start3A_44 = arith.constant 0 : i32
      %dma_start3A_45 = tpu.memref_slice %arg4[%add3A_43, %dma_start3A_44] : memref<163840x128xf32, #tpu.memory_space<hbm>> -> memref<128x128xf32, #tpu.memory_space<hbm>>
      %dma_start3A_46 = arith.constant 0 : i32
      %dma_start3A_47 = tpu.memref_slice %arg4[%add3A_43, %dma_start3A_46] : memref<163840x128xf32, #tpu.memory_space<hbm>> -> memref<128x128xf32, #tpu.memory_space<hbm>>
      tpu.enqueue_dma source(%arg6 : memref<128x128xf32, #tpu.memory_space<vmem>>) target(%dma_start3A_47 : memref<128x128xf32, #tpu.memory_space<hbm>>) target_semaphore(%arg11 : memref<!tpu.dma_semaphore, #tpu.memory_space<semaphore_mem>>)
      %dma_wait3A_48 = arith.constant 0 : i32
      %dma_wait3A_49 = arith.constant 0 : i32
      %dma_wait3A_50 = tpu.memref_slice %arg5[%dma_wait3A_48, %dma_wait3A_49] : memref<40x128xi32, #tpu.memory_space<vmem>> -> memref<1x128xi32, #tpu.memory_space<vmem>>
      %dma_wait3A_51 = tpu.memref_squeeze %dma_wait3A_50 : memref<1x128xi32, #tpu.memory_space<vmem>> -> memref<128xi32, #tpu.memory_space<vmem>>
      %dma_wait3A_52 = arith.constant 0 : i32
      %dma_wait3A_53 = arith.constant 0 : i32
      %dma_wait3A_54 = tpu.memref_slice %arg8[%dma_wait3A_52, %dma_wait3A_53] : memref<10240x128xf32, #tpu.memory_space<vmem_shared>> -> memref<10240x128xf32, #tpu.memory_space<vmem_shared>>
      tpu.wait_indirect_dma semaphore(%arg10 : memref<!tpu.dma_semaphore, #tpu.memory_space<semaphore_mem>>) src(%dma_wait3A_54 : memref<10240x128xf32, #tpu.memory_space<vmem_shared>>) dst(%arg7 : memref<128x128xf32, #tpu.memory_space<vmem>>)
      %dma_wait3A_55 = arith.constant 0 : i32
      %dma_wait3A_56 = tpu.memref_slice %arg4[%mul3A_2, %dma_wait3A_55] : memref<163840x128xf32, #tpu.memory_space<hbm>> -> memref<128x128xf32, #tpu.memory_space<hbm>>
      %dma_wait3A_57 = arith.constant 0 : i32
      %dma_wait3A_58 = tpu.memref_slice %arg4[%mul3A_2, %dma_wait3A_57] : memref<163840x128xf32, #tpu.memory_space<hbm>> -> memref<128x128xf32, #tpu.memory_space<hbm>>
      tpu.wait_dma2 semaphore(%arg11 : memref<!tpu.dma_semaphore, #tpu.memory_space<semaphore_mem>>) src(%arg6 : memref<128x128xf32, #tpu.memory_space<vmem>>) dst(%dma_wait3A_58 : memref<128x128xf32, #tpu.memory_space<hbm>>)
      %lt3A = arith.constant 19 : i32
      %lt3A_59 = arith.cmpi slt, %scan3A_21, %lt3A : i32
      %convert_element_type3A_60 = arith.extui %lt3A_59 : i1 to i32
      %cond3A_61 = arith.constant 0 : i32
      %cond3A_62 = arith.cmpi ne, %convert_element_type3A_60, %cond3A_61 : i32
      scf.if %cond3A_62 {
        %add3A_72 = arith.constant 2 : i32
        %add3A_73 = arith.addi %mul3A_23, %add3A_72 : i32
        %dma_start3A_74 = arith.constant 0 : i32
        %dma_start3A_75 = tpu.memref_slice %arg5[%add3A_73, %dma_start3A_74] : memref<40x128xi32, #tpu.memory_space<vmem>> -> memref<1x128xi32, #tpu.memory_space<vmem>>
        %dma_start3A_76 = tpu.memref_squeeze %dma_start3A_75 : memref<1x128xi32, #tpu.memory_space<vmem>> -> memref<128xi32, #tpu.memory_space<vmem>>
        %dma_start3A_77 = arith.constant 0 : i32
        %dma_start3A_78 = arith.constant 0 : i32
        %dma_start3A_79 = tpu.memref_slice %arg8[%dma_start3A_77, %dma_start3A_78] : memref<10240x128xf32, #tpu.memory_space<vmem_shared>> -> memref<10240x128xf32, #tpu.memory_space<vmem_shared>>
        tpu.enqueue_indirect_dma source(%dma_start3A_79 : memref<10240x128xf32, #tpu.memory_space<vmem_shared>>) target(%arg6 : memref<128x128xf32, #tpu.memory_space<vmem>>) offsets(%dma_start3A_76 : memref<128xi32, #tpu.memory_space<vmem>>) semaphore(%arg9 : memref<!tpu.dma_semaphore, #tpu.memory_space<semaphore_mem>>)
      } else {
      }
      %add3A_63 = arith.constant 1 : i32
      %add3A_64 = arith.addi %mul3A_23, %add3A_63 : i32
      %mul3A_65 = arith.constant 128 : i32
      %mul3A_66 = arith.muli %add3A_64, %mul3A_65 : i32
      %add3A_67 = arith.addi %mul3A_2, %mul3A_66 : i32
      %dma_start3A_68 = arith.constant 0 : i32
      %dma_start3A_69 = tpu.memref_slice %arg4[%add3A_67, %dma_start3A_68] : memref<163840x128xf32, #tpu.memory_space<hbm>> -> memref<128x128xf32, #tpu.memory_space<hbm>>
      %dma_start3A_70 = arith.constant 0 : i32
      %dma_start3A_71 = tpu.memref_slice %arg4[%add3A_67, %dma_start3A_70] : memref<163840x128xf32, #tpu.memory_space<hbm>> -> memref<128x128xf32, #tpu.memory_space<hbm>>
      tpu.enqueue_dma source(%arg7 : memref<128x128xf32, #tpu.memory_space<vmem>>) target(%dma_start3A_71 : memref<128x128xf32, #tpu.memory_space<hbm>>) target_semaphore(%arg12 : memref<!tpu.dma_semaphore, #tpu.memory_space<semaphore_mem>>)
    }
    %scan3A_17 = arith.constant 20 : i32
    %dma_wait3A = arith.constant 0 : i32
    %dma_wait3A_18 = tpu.memref_slice %arg4[%mul3A_2, %dma_wait3A] : memref<163840x128xf32, #tpu.memory_space<hbm>> -> memref<128x128xf32, #tpu.memory_space<hbm>>
    %dma_wait3A_19 = arith.constant 0 : i32
    %dma_wait3A_20 = tpu.memref_slice %arg4[%mul3A_2, %dma_wait3A_19] : memref<163840x128xf32, #tpu.memory_space<hbm>> -> memref<128x128xf32, #tpu.memory_space<hbm>>
    tpu.wait_dma2 semaphore(%arg12 : memref<!tpu.dma_semaphore, #tpu.memory_space<semaphore_mem>>) src(%arg7 : memref<128x128xf32, #tpu.memory_space<vmem>>) dst(%dma_wait3A_20 : memref<128x128xf32, #tpu.memory_space<hbm>>)
    return
  }
}

#map = affine_map<(d0, d1) -> (0, 0)>
#map1 = affine_map<(d0, d1) -> (0, 0, 0)>
module attributes {stable_mosaic.version = 14 : i64} {
  func.func @_sc_gather_sum(%arg0: i32, %arg1: i32, %arg2: memref<20480x128xf32, #tpu.memory_space<hbm>>, %arg3: memref<32x40x128xi32, #tpu.memory_space<hbm>>, %arg4: memref<163840x128xf32, #tpu.memory_space<hbm>>, %arg5: memref<40x128xi32, #tpu.memory_space<vmem>>, %arg6: memref<128x128xf32, #tpu.memory_space<vmem>>, %arg7: memref<128x128xf32, #tpu.memory_space<vmem>>, %arg8: memref<10240x128xf32, #tpu.memory_space<vmem_shared>>, %arg9: memref<!tpu.dma_semaphore, #tpu.memory_space<semaphore_mem>>, %arg10: memref<!tpu.dma_semaphore, #tpu.memory_space<semaphore_mem>>, %arg11: memref<!tpu.dma_semaphore, #tpu.memory_space<semaphore_mem>>, %arg12: memref<!tpu.dma_semaphore, #tpu.memory_space<semaphore_mem>>) attributes {dimension_semantics = [#tpu.dimension_semantics<core_parallel>, #tpu.dimension_semantics<subcore_parallel>], iteration_bounds = array<i64: 2, 16>, scalar_prefetch = 0 : i64, scratch_operands = 8 : i64, tpu.core_type = #tpu.core_type<sc_vector_subcore>, window_params = [{transform_indices = #map}, {transform_indices = #map1}, {transform_indices = #map}]} {
    %mul3A = arith.constant 16 : i32
    %mul3A_0 = arith.muli %arg0, %mul3A : i32
    %add3A = arith.addi %mul3A_0, %arg1 : i32
    %mul3A_1 = arith.constant 5120 : i32
    %mul3A_2 = arith.muli %add3A, %mul3A_1 : i32
    "tpu.region"() ({
      %run_scoped3A = tpu.sem_alloc : memref<!tpu.dma_semaphore, #tpu.memory_space<semaphore_mem>>
      %dma_start3A_21 = arith.constant 0 : i32
      %dma_start3A_22 = arith.constant 0 : i32
      %dma_start3A_23 = tpu.memref_slice %arg3[%add3A, %dma_start3A_21, %dma_start3A_22] : memref<32x40x128xi32, #tpu.memory_space<hbm>> -> memref<1x40x128xi32, #tpu.memory_space<hbm>>
      %dma_start3A_24 = tpu.memref_squeeze %dma_start3A_23 : memref<1x40x128xi32, #tpu.memory_space<hbm>> -> memref<40x128xi32, #tpu.memory_space<hbm>>
      %dma_start3A_25 = arith.constant 0 : i32
      %dma_start3A_26 = arith.constant 0 : i32
      %dma_start3A_27 = tpu.memref_slice %arg3[%add3A, %dma_start3A_25, %dma_start3A_26] : memref<32x40x128xi32, #tpu.memory_space<hbm>> -> memref<1x40x128xi32, #tpu.memory_space<hbm>>
      %dma_start3A_28 = tpu.memref_squeeze %dma_start3A_27 : memref<1x40x128xi32, #tpu.memory_space<hbm>> -> memref<40x128xi32, #tpu.memory_space<hbm>>
      tpu.enqueue_dma source(%dma_start3A_28 : memref<40x128xi32, #tpu.memory_space<hbm>>) target(%arg5 : memref<40x128xi32, #tpu.memory_space<vmem>>) target_semaphore(%run_scoped3A : memref<!tpu.dma_semaphore, #tpu.memory_space<semaphore_mem>>)
      %dma_wait3A_29 = arith.constant 0 : i32
      %dma_wait3A_30 = arith.constant 0 : i32
      %dma_wait3A_31 = tpu.memref_slice %arg3[%add3A, %dma_wait3A_29, %dma_wait3A_30] : memref<32x40x128xi32, #tpu.memory_space<hbm>> -> memref<1x40x128xi32, #tpu.memory_space<hbm>>
      %dma_wait3A_32 = tpu.memref_squeeze %dma_wait3A_31 : memref<1x40x128xi32, #tpu.memory_space<hbm>> -> memref<40x128xi32, #tpu.memory_space<hbm>>
      %dma_wait3A_33 = arith.constant 0 : i32
      %dma_wait3A_34 = arith.constant 0 : i32
      %dma_wait3A_35 = tpu.memref_slice %arg3[%add3A, %dma_wait3A_33, %dma_wait3A_34] : memref<32x40x128xi32, #tpu.memory_space<hbm>> -> memref<1x40x128xi32, #tpu.memory_space<hbm>>
      %dma_wait3A_36 = tpu.memref_squeeze %dma_wait3A_35 : memref<1x40x128xi32, #tpu.memory_space<hbm>> -> memref<40x128xi32, #tpu.memory_space<hbm>>
      tpu.wait_dma2 semaphore(%run_scoped3A : memref<!tpu.dma_semaphore, #tpu.memory_space<semaphore_mem>>) src(%dma_wait3A_36 : memref<40x128xi32, #tpu.memory_space<hbm>>) dst(%arg5 : memref<40x128xi32, #tpu.memory_space<vmem>>)
      tpu.yield
    }) : () -> ()
    %scan3A = arith.constant 0 : i32
    %scan3A_3 = arith.constant 5 : i32
    %scan3A_4 = arith.addi %scan3A, %scan3A_3 : i32
    %scan3A_5 = arith.constant 1 : i32
    scf.for %scan3A_21 = %scan3A to %scan3A_4 step %scan3A_5  : i32 {
      %mul3A_22 = arith.constant 640 : i32
      %mul3A_23 = arith.muli %arg1, %mul3A_22 : i32
      %mul3A_24 = arith.constant 128 : i32
      %mul3A_25 = arith.muli %scan3A_21, %mul3A_24 : i32
      %add3A_26 = arith.addi %mul3A_23, %mul3A_25 : i32
      "tpu.region"() ({
        %run_scoped3A = tpu.sem_alloc : memref<!tpu.dma_semaphore, #tpu.memory_space<semaphore_mem>>
        %dma_start3A_34 = arith.constant 0 : i32
        %dma_start3A_35 = tpu.memref_slice %arg2[%add3A_26, %dma_start3A_34] : memref<20480x128xf32, #tpu.memory_space<hbm>> -> memref<128x128xf32, #tpu.memory_space<hbm>>
        %dma_start3A_36 = arith.constant 0 : i32
        %dma_start3A_37 = tpu.memref_slice %arg2[%add3A_26, %dma_start3A_36] : memref<20480x128xf32, #tpu.memory_space<hbm>> -> memref<128x128xf32, #tpu.memory_space<hbm>>
        tpu.enqueue_dma source(%dma_start3A_37 : memref<128x128xf32, #tpu.memory_space<hbm>>) target(%arg6 : memref<128x128xf32, #tpu.memory_space<vmem>>) target_semaphore(%run_scoped3A : memref<!tpu.dma_semaphore, #tpu.memory_space<semaphore_mem>>)
        %dma_wait3A_38 = arith.constant 0 : i32
        %dma_wait3A_39 = tpu.memref_slice %arg2[%add3A_26, %dma_wait3A_38] : memref<20480x128xf32, #tpu.memory_space<hbm>> -> memref<128x128xf32, #tpu.memory_space<hbm>>
        %dma_wait3A_40 = arith.constant 0 : i32
        %dma_wait3A_41 = tpu.memref_slice %arg2[%add3A_26, %dma_wait3A_40] : memref<20480x128xf32, #tpu.memory_space<hbm>> -> memref<128x128xf32, #tpu.memory_space<hbm>>
        tpu.wait_dma2 semaphore(%run_scoped3A : memref<!tpu.dma_semaphore, #tpu.memory_space<semaphore_mem>>) src(%dma_wait3A_41 : memref<128x128xf32, #tpu.memory_space<hbm>>) dst(%arg6 : memref<128x128xf32, #tpu.memory_space<vmem>>)
        tpu.yield
      }) : () -> ()
      %add3A_27 = arith.constant 10240 : i32
      %add3A_28 = arith.addi %add3A_27, %add3A_26 : i32
      "tpu.region"() ({
        %run_scoped3A = tpu.sem_alloc : memref<!tpu.dma_semaphore, #tpu.memory_space<semaphore_mem>>
        %dma_start3A_34 = arith.constant 0 : i32
        %dma_start3A_35 = tpu.memref_slice %arg2[%add3A_28, %dma_start3A_34] : memref<20480x128xf32, #tpu.memory_space<hbm>> -> memref<128x128xf32, #tpu.memory_space<hbm>>
        %dma_start3A_36 = arith.constant 0 : i32
        %dma_start3A_37 = tpu.memref_slice %arg2[%add3A_28, %dma_start3A_36] : memref<20480x128xf32, #tpu.memory_space<hbm>> -> memref<128x128xf32, #tpu.memory_space<hbm>>
        tpu.enqueue_dma source(%dma_start3A_37 : memref<128x128xf32, #tpu.memory_space<hbm>>) target(%arg7 : memref<128x128xf32, #tpu.memory_space<vmem>>) target_semaphore(%run_scoped3A : memref<!tpu.dma_semaphore, #tpu.memory_space<semaphore_mem>>)
        %dma_wait3A_38 = arith.constant 0 : i32
        %dma_wait3A_39 = tpu.memref_slice %arg2[%add3A_28, %dma_wait3A_38] : memref<20480x128xf32, #tpu.memory_space<hbm>> -> memref<128x128xf32, #tpu.memory_space<hbm>>
        %dma_wait3A_40 = arith.constant 0 : i32
        %dma_wait3A_41 = tpu.memref_slice %arg2[%add3A_28, %dma_wait3A_40] : memref<20480x128xf32, #tpu.memory_space<hbm>> -> memref<128x128xf32, #tpu.memory_space<hbm>>
        tpu.wait_dma2 semaphore(%run_scoped3A : memref<!tpu.dma_semaphore, #tpu.memory_space<semaphore_mem>>) src(%dma_wait3A_41 : memref<128x128xf32, #tpu.memory_space<hbm>>) dst(%arg7 : memref<128x128xf32, #tpu.memory_space<vmem>>)
        tpu.yield
      }) : () -> ()
      %scan3A_29 = arith.constant 0 : i32
      %scan3A_30 = arith.constant 128 : i32
      %scan3A_31 = arith.addi %scan3A_29, %scan3A_30 : i32
      %scan3A_32 = arith.constant 1 : i32
      scf.for %scan3A_34 = %scan3A_29 to %scan3A_31 step %scan3A_32  : i32 {
        %get3A = arith.index_cast %scan3A_34 : i32 to index
        %get3A_35 = arith.constant 0 : index
        %get3A_36 = tpu.vector_load %arg6[%get3A, %get3A_35] {strides = array<i32>} : memref<128x128xf32, #tpu.memory_space<vmem>>, vector<1x16xf32>,
        %get3A_37 = vector.shape_cast %get3A_36 : vector<1x16xf32> to vector<16xf32>
        %get3A_38 = arith.index_cast %scan3A_34 : i32 to index
        %get3A_39 = arith.constant 0 : index
        %get3A_40 = tpu.vector_load %arg7[%get3A_38, %get3A_39] {strides = array<i32>} : memref<128x128xf32, #tpu.memory_space<vmem>>, vector<1x16xf32>,
        %get3A_41 = vector.shape_cast %get3A_40 : vector<1x16xf32> to vector<16xf32>
        %add3A_42 = arith.addf %get3A_37, %get3A_41 : vector<16xf32>
        %swap3A = arith.index_cast %scan3A_34 : i32 to index
        %swap3A_43 = arith.constant 0 : index
        %swap3A_44 = tpu.vector_load %arg6[%swap3A, %swap3A_43] {strides = array<i32>} : memref<128x128xf32, #tpu.memory_space<vmem>>, vector<1x16xf32>,
        %swap3A_45 = vector.shape_cast %swap3A_44 : vector<1x16xf32> to vector<16xf32>
        %swap3A_46 = vector.shape_cast %add3A_42 : vector<16xf32> to vector<1x16xf32>
        tpu.vector_store %arg6[%swap3A, %swap3A_43], %swap3A_46 {strides = array<i32>} : memref<128x128xf32, #tpu.memory_space<vmem>>, vector<1x16xf32>,
        %get3A_47 = arith.index_cast %scan3A_34 : i32 to index
        %get3A_48 = arith.constant 16 : index
        %get3A_49 = tpu.vector_load %arg6[%get3A_47, %get3A_48] {strides = array<i32>} : memref<128x128xf32, #tpu.memory_space<vmem>>, vector<1x16xf32>,
        %get3A_50 = vector.shape_cast %get3A_49 : vector<1x16xf32> to vector<16xf32>
        %get3A_51 = arith.index_cast %scan3A_34 : i32 to index
        %get3A_52 = arith.constant 16 : index
        %get3A_53 = tpu.vector_load %arg7[%get3A_51, %get3A_52] {strides = array<i32>} : memref<128x128xf32, #tpu.memory_space<vmem>>, vector<1x16xf32>,
        %get3A_54 = vector.shape_cast %get3A_53 : vector<1x16xf32> to vector<16xf32>
        %add3A_55 = arith.addf %get3A_50, %get3A_54 : vector<16xf32>
        %swap3A_56 = arith.index_cast %scan3A_34 : i32 to index
        %swap3A_57 = arith.constant 16 : index
        %swap3A_58 = tpu.vector_load %arg6[%swap3A_56, %swap3A_57] {strides = array<i32>} : memref<128x128xf32, #tpu.memory_space<vmem>>, vector<1x16xf32>,
        %swap3A_59 = vector.shape_cast %swap3A_58 : vector<1x16xf32> to vector<16xf32>
        %swap3A_60 = vector.shape_cast %add3A_55 : vector<16xf32> to vector<1x16xf32>
        tpu.vector_store %arg6[%swap3A_56, %swap3A_57], %swap3A_60 {strides = array<i32>} : memref<128x128xf32, #tpu.memory_space<vmem>>, vector<1x16xf32>,
        %get3A_61 = arith.index_cast %scan3A_34 : i32 to index
        %get3A_62 = arith.constant 32 : index
        %get3A_63 = tpu.vector_load %arg6[%get3A_61, %get3A_62] {strides = array<i32>} : memref<128x128xf32, #tpu.memory_space<vmem>>, vector<1x16xf32>,
        %get3A_64 = vector.shape_cast %get3A_63 : vector<1x16xf32> to vector<16xf32>
        %get3A_65 = arith.index_cast %scan3A_34 : i32 to index
        %get3A_66 = arith.constant 32 : index
        %get3A_67 = tpu.vector_load %arg7[%get3A_65, %get3A_66] {strides = array<i32>} : memref<128x128xf32, #tpu.memory_space<vmem>>, vector<1x16xf32>,
        %get3A_68 = vector.shape_cast %get3A_67 : vector<1x16xf32> to vector<16xf32>
        %add3A_69 = arith.addf %get3A_64, %get3A_68 : vector<16xf32>
        %swap3A_70 = arith.index_cast %scan3A_34 : i32 to index
        %swap3A_71 = arith.constant 32 : index
        %swap3A_72 = tpu.vector_load %arg6[%swap3A_70, %swap3A_71] {strides = array<i32>} : memref<128x128xf32, #tpu.memory_space<vmem>>, vector<1x16xf32>,
        %swap3A_73 = vector.shape_cast %swap3A_72 : vector<1x16xf32> to vector<16xf32>
        %swap3A_74 = vector.shape_cast %add3A_69 : vector<16xf32> to vector<1x16xf32>
        tpu.vector_store %arg6[%swap3A_70, %swap3A_71], %swap3A_74 {strides = array<i32>} : memref<128x128xf32, #tpu.memory_space<vmem>>, vector<1x16xf32>,
        %get3A_75 = arith.index_cast %scan3A_34 : i32 to index
        %get3A_76 = arith.constant 48 : index
        %get3A_77 = tpu.vector_load %arg6[%get3A_75, %get3A_76] {strides = array<i32>} : memref<128x128xf32, #tpu.memory_space<vmem>>, vector<1x16xf32>,
        %get3A_78 = vector.shape_cast %get3A_77 : vector<1x16xf32> to vector<16xf32>
        %get3A_79 = arith.index_cast %scan3A_34 : i32 to index
        %get3A_80 = arith.constant 48 : index
        %get3A_81 = tpu.vector_load %arg7[%get3A_79, %get3A_80] {strides = array<i32>} : memref<128x128xf32, #tpu.memory_space<vmem>>, vector<1x16xf32>,
        %get3A_82 = vector.shape_cast %get3A_81 : vector<1x16xf32> to vector<16xf32>
        %add3A_83 = arith.addf %get3A_78, %get3A_82 : vector<16xf32>
        %swap3A_84 = arith.index_cast %scan3A_34 : i32 to index
        %swap3A_85 = arith.constant 48 : index
        %swap3A_86 = tpu.vector_load %arg6[%swap3A_84, %swap3A_85] {strides = array<i32>} : memref<128x128xf32, #tpu.memory_space<vmem>>, vector<1x16xf32>,
        %swap3A_87 = vector.shape_cast %swap3A_86 : vector<1x16xf32> to vector<16xf32>
        %swap3A_88 = vector.shape_cast %add3A_83 : vector<16xf32> to vector<1x16xf32>
        tpu.vector_store %arg6[%swap3A_84, %swap3A_85], %swap3A_88 {strides = array<i32>} : memref<128x128xf32, #tpu.memory_space<vmem>>, vector<1x16xf32>,
        %get3A_89 = arith.index_cast %scan3A_34 : i32 to index
        %get3A_90 = arith.constant 64 : index
        %get3A_91 = tpu.vector_load %arg6[%get3A_89, %get3A_90] {strides = array<i32>} : memref<128x128xf32, #tpu.memory_space<vmem>>, vector<1x16xf32>,
        %get3A_92 = vector.shape_cast %get3A_91 : vector<1x16xf32> to vector<16xf32>
        %get3A_93 = arith.index_cast %scan3A_34 : i32 to index
        %get3A_94 = arith.constant 64 : index
        %get3A_95 = tpu.vector_load %arg7[%get3A_93, %get3A_94] {strides = array<i32>} : memref<128x128xf32, #tpu.memory_space<vmem>>, vector<1x16xf32>,
        %get3A_96 = vector.shape_cast %get3A_95 : vector<1x16xf32> to vector<16xf32>
        %add3A_97 = arith.addf %get3A_92, %get3A_96 : vector<16xf32>
        %swap3A_98 = arith.index_cast %scan3A_34 : i32 to index
        %swap3A_99 = arith.constant 64 : index
        %swap3A_100 = tpu.vector_load %arg6[%swap3A_98, %swap3A_99] {strides = array<i32>} : memref<128x128xf32, #tpu.memory_space<vmem>>, vector<1x16xf32>,
        %swap3A_101 = vector.shape_cast %swap3A_100 : vector<1x16xf32> to vector<16xf32>
        %swap3A_102 = vector.shape_cast %add3A_97 : vector<16xf32> to vector<1x16xf32>
        tpu.vector_store %arg6[%swap3A_98, %swap3A_99], %swap3A_102 {strides = array<i32>} : memref<128x128xf32, #tpu.memory_space<vmem>>, vector<1x16xf32>,
        %get3A_103 = arith.index_cast %scan3A_34 : i32 to index
        %get3A_104 = arith.constant 80 : index
        %get3A_105 = tpu.vector_load %arg6[%get3A_103, %get3A_104] {strides = array<i32>} : memref<128x128xf32, #tpu.memory_space<vmem>>, vector<1x16xf32>,
        %get3A_106 = vector.shape_cast %get3A_105 : vector<1x16xf32> to vector<16xf32>
        %get3A_107 = arith.index_cast %scan3A_34 : i32 to index
        %get3A_108 = arith.constant 80 : index
        %get3A_109 = tpu.vector_load %arg7[%get3A_107, %get3A_108] {strides = array<i32>} : memref<128x128xf32, #tpu.memory_space<vmem>>, vector<1x16xf32>,
        %get3A_110 = vector.shape_cast %get3A_109 : vector<1x16xf32> to vector<16xf32>
        %add3A_111 = arith.addf %get3A_106, %get3A_110 : vector<16xf32>
        %swap3A_112 = arith.index_cast %scan3A_34 : i32 to index
        %swap3A_113 = arith.constant 80 : index
        %swap3A_114 = tpu.vector_load %arg6[%swap3A_112, %swap3A_113] {strides = array<i32>} : memref<128x128xf32, #tpu.memory_space<vmem>>, vector<1x16xf32>,
        %swap3A_115 = vector.shape_cast %swap3A_114 : vector<1x16xf32> to vector<16xf32>
        %swap3A_116 = vector.shape_cast %add3A_111 : vector<16xf32> to vector<1x16xf32>
        tpu.vector_store %arg6[%swap3A_112, %swap3A_113], %swap3A_116 {strides = array<i32>} : memref<128x128xf32, #tpu.memory_space<vmem>>, vector<1x16xf32>,
        %get3A_117 = arith.index_cast %scan3A_34 : i32 to index
        %get3A_118 = arith.constant 96 : index
        %get3A_119 = tpu.vector_load %arg6[%get3A_117, %get3A_118] {strides = array<i32>} : memref<128x128xf32, #tpu.memory_space<vmem>>, vector<1x16xf32>,
        %get3A_120 = vector.shape_cast %get3A_119 : vector<1x16xf32> to vector<16xf32>
        %get3A_121 = arith.index_cast %scan3A_34 : i32 to index
        %get3A_122 = arith.constant 96 : index
        %get3A_123 = tpu.vector_load %arg7[%get3A_121, %get3A_122] {strides = array<i32>} : memref<128x128xf32, #tpu.memory_space<vmem>>, vector<1x16xf32>,
        %get3A_124 = vector.shape_cast %get3A_123 : vector<1x16xf32> to vector<16xf32>
        %add3A_125 = arith.addf %get3A_120, %get3A_124 : vector<16xf32>
        %swap3A_126 = arith.index_cast %scan3A_34 : i32 to index
        %swap3A_127 = arith.constant 96 : index
        %swap3A_128 = tpu.vector_load %arg6[%swap3A_126, %swap3A_127] {strides = array<i32>} : memref<128x128xf32, #tpu.memory_space<vmem>>, vector<1x16xf32>,
        %swap3A_129 = vector.shape_cast %swap3A_128 : vector<1x16xf32> to vector<16xf32>
        %swap3A_130 = vector.shape_cast %add3A_125 : vector<16xf32> to vector<1x16xf32>
        tpu.vector_store %arg6[%swap3A_126, %swap3A_127], %swap3A_130 {strides = array<i32>} : memref<128x128xf32, #tpu.memory_space<vmem>>, vector<1x16xf32>,
        %get3A_131 = arith.index_cast %scan3A_34 : i32 to index
        %get3A_132 = arith.constant 112 : index
        %get3A_133 = tpu.vector_load %arg6[%get3A_131, %get3A_132] {strides = array<i32>} : memref<128x128xf32, #tpu.memory_space<vmem>>, vector<1x16xf32>,
        %get3A_134 = vector.shape_cast %get3A_133 : vector<1x16xf32> to vector<16xf32>
        %get3A_135 = arith.index_cast %scan3A_34 : i32 to index
        %get3A_136 = arith.constant 112 : index
        %get3A_137 = tpu.vector_load %arg7[%get3A_135, %get3A_136] {strides = array<i32>} : memref<128x128xf32, #tpu.memory_space<vmem>>, vector<1x16xf32>,
        %get3A_138 = vector.shape_cast %get3A_137 : vector<1x16xf32> to vector<16xf32>
        %add3A_139 = arith.addf %get3A_134, %get3A_138 : vector<16xf32>
        %swap3A_140 = arith.index_cast %scan3A_34 : i32 to index
        %swap3A_141 = arith.constant 112 : index
        %swap3A_142 = tpu.vector_load %arg6[%swap3A_140, %swap3A_141] {strides = array<i32>} : memref<128x128xf32, #tpu.memory_space<vmem>>, vector<1x16xf32>,
        %swap3A_143 = vector.shape_cast %swap3A_142 : vector<1x16xf32> to vector<16xf32>
        %swap3A_144 = vector.shape_cast %add3A_139 : vector<16xf32> to vector<1x16xf32>
        tpu.vector_store %arg6[%swap3A_140, %swap3A_141], %swap3A_144 {strides = array<i32>} : memref<128x128xf32, #tpu.memory_space<vmem>>, vector<1x16xf32>,
      }
      %scan3A_33 = arith.constant 128 : i32
      "tpu.region"() ({
        %run_scoped3A = tpu.sem_alloc : memref<!tpu.dma_semaphore, #tpu.memory_space<semaphore_mem>>
        %dma_start3A_34 = arith.constant 0 : i32
        %dma_start3A_35 = tpu.memref_slice %arg8[%add3A_26, %dma_start3A_34] : memref<10240x128xf32, #tpu.memory_space<vmem_shared>> -> memref<128x128xf32, #tpu.memory_space<vmem_shared>>
        %dma_start3A_36 = arith.constant 0 : i32
        %dma_start3A_37 = tpu.memref_slice %arg8[%add3A_26, %dma_start3A_36] : memref<10240x128xf32, #tpu.memory_space<vmem_shared>> -> memref<128x128xf32, #tpu.memory_space<vmem_shared>>
        tpu.enqueue_dma source(%arg6 : memref<128x128xf32, #tpu.memory_space<vmem>>) target(%dma_start3A_37 : memref<128x128xf32, #tpu.memory_space<vmem_shared>>) target_semaphore(%run_scoped3A : memref<!tpu.dma_semaphore, #tpu.memory_space<semaphore_mem>>)
        %dma_wait3A_38 = arith.constant 0 : i32
        %dma_wait3A_39 = tpu.memref_slice %arg8[%add3A_26, %dma_wait3A_38] : memref<10240x128xf32, #tpu.memory_space<vmem_shared>> -> memref<128x128xf32, #tpu.memory_space<vmem_shared>>
        %dma_wait3A_40 = arith.constant 0 : i32
        %dma_wait3A_41 = tpu.memref_slice %arg8[%add3A_26, %dma_wait3A_40] : memref<10240x128xf32, #tpu.memory_space<vmem_shared>> -> memref<128x128xf32, #tpu.memory_space<vmem_shared>>
        tpu.wait_dma2 semaphore(%run_scoped3A : memref<!tpu.dma_semaphore, #tpu.memory_space<semaphore_mem>>) src(%arg6 : memref<128x128xf32, #tpu.memory_space<vmem>>) dst(%dma_wait3A_41 : memref<128x128xf32, #tpu.memory_space<vmem_shared>>)
        tpu.yield
      }) : () -> ()
    }
    %scan3A_6 = arith.constant 5 : i32
    %barrier3A = arith.constant 0 : index
    tpu.barrier barrier_id(%barrier3A)
    %dma_start3A = arith.constant 0 : i32
    %dma_start3A_7 = arith.constant 0 : i32
    %dma_start3A_8 = tpu.memref_slice %arg5[%dma_start3A, %dma_start3A_7] : memref<40x128xi32, #tpu.memory_space<vmem>> -> memref<1x128xi32, #tpu.memory_space<vmem>>
    %dma_start3A_9 = tpu.memref_squeeze %dma_start3A_8 : memref<1x128xi32, #tpu.memory_space<vmem>> -> memref<128xi32, #tpu.memory_space<vmem>>
    %dma_start3A_10 = arith.constant 0 : i32
    %dma_start3A_11 = arith.constant 0 : i32
    %dma_start3A_12 = tpu.memref_slice %arg8[%dma_start3A_10, %dma_start3A_11] : memref<10240x128xf32, #tpu.memory_space<vmem_shared>> -> memref<10240x128xf32, #tpu.memory_space<vmem_shared>>
    tpu.enqueue_indirect_dma source(%dma_start3A_12 : memref<10240x128xf32, #tpu.memory_space<vmem_shared>>) target(%arg6 : memref<128x128xf32, #tpu.memory_space<vmem>>) offsets(%dma_start3A_9 : memref<128xi32, #tpu.memory_space<vmem>>) semaphore(%arg9 : memref<!tpu.dma_semaphore, #tpu.memory_space<semaphore_mem>>)
    %scan3A_13 = arith.constant 0 : i32
    %scan3A_14 = arith.constant 20 : i32
    %scan3A_15 = arith.addi %scan3A_13, %scan3A_14 : i32
    %scan3A_16 = arith.constant 1 : i32
    scf.for %scan3A_21 = %scan3A_13 to %scan3A_15 step %scan3A_16  : i32 {
      %mul3A_22 = arith.constant 2 : i32
      %mul3A_23 = arith.muli %mul3A_22, %scan3A_21 : i32
      %dma_wait3A_24 = arith.constant 0 : i32
      %dma_wait3A_25 = arith.constant 0 : i32
      %dma_wait3A_26 = tpu.memref_slice %arg5[%dma_wait3A_24, %dma_wait3A_25] : memref<40x128xi32, #tpu.memory_space<vmem>> -> memref<1x128xi32, #tpu.memory_space<vmem>>
      %dma_wait3A_27 = tpu.memref_squeeze %dma_wait3A_26 : memref<1x128xi32, #tpu.memory_space<vmem>> -> memref<128xi32, #tpu.memory_space<vmem>>
      %dma_wait3A_28 = arith.constant 0 : i32
      %dma_wait3A_29 = arith.constant 0 : i32
      %dma_wait3A_30 = tpu.memref_slice %arg8[%dma_wait3A_28, %dma_wait3A_29] : memref<10240x128xf32, #tpu.memory_space<vmem_shared>> -> memref<10240x128xf32, #tpu.memory_space<vmem_shared>>
      tpu.wait_indirect_dma semaphore(%arg9 : memref<!tpu.dma_semaphore, #tpu.memory_space<semaphore_mem>>) src(%dma_wait3A_30 : memref<10240x128xf32, #tpu.memory_space<vmem_shared>>) dst(%arg6 : memref<128x128xf32, #tpu.memory_space<vmem>>)
      %gt3A = arith.constant 0 : i32
      %gt3A_31 = arith.cmpi sgt, %scan3A_21, %gt3A : i32
      %convert_element_type3A = arith.extui %gt3A_31 : i1 to i32
      %cond3A = arith.constant 0 : i32
      %cond3A_32 = arith.cmpi ne, %convert_element_type3A, %cond3A : i32
      scf.if %cond3A_32 {
        %dma_wait3A_72 = arith.constant 0 : i32
        %dma_wait3A_73 = tpu.memref_slice %arg4[%mul3A_2, %dma_wait3A_72] : memref<163840x128xf32, #tpu.memory_space<hbm>> -> memref<128x128xf32, #tpu.memory_space<hbm>>
        %dma_wait3A_74 = arith.constant 0 : i32
        %dma_wait3A_75 = tpu.memref_slice %arg4[%mul3A_2, %dma_wait3A_74] : memref<163840x128xf32, #tpu.memory_space<hbm>> -> memref<128x128xf32, #tpu.memory_space<hbm>>
        tpu.wait_dma2 semaphore(%arg12 : memref<!tpu.dma_semaphore, #tpu.memory_space<semaphore_mem>>) src(%arg7 : memref<128x128xf32, #tpu.memory_space<vmem>>) dst(%dma_wait3A_75 : memref<128x128xf32, #tpu.memory_space<hbm>>)
      } else {
      }
      %add3A_33 = arith.constant 1 : i32
      %add3A_34 = arith.addi %mul3A_23, %add3A_33 : i32
      %dma_start3A_35 = arith.constant 0 : i32
      %dma_start3A_36 = tpu.memref_slice %arg5[%add3A_34, %dma_start3A_35] : memref<40x128xi32, #tpu.memory_space<vmem>> -> memref<1x128xi32, #tpu.memory_space<vmem>>
      %dma_start3A_37 = tpu.memref_squeeze %dma_start3A_36 : memref<1x128xi32, #tpu.memory_space<vmem>> -> memref<128xi32, #tpu.memory_space<vmem>>
      %dma_start3A_38 = arith.constant 0 : i32
      %dma_start3A_39 = arith.constant 0 : i32
      %dma_start3A_40 = tpu.memref_slice %arg8[%dma_start3A_38, %dma_start3A_39] : memref<10240x128xf32, #tpu.memory_space<vmem_shared>> -> memref<10240x128xf32, #tpu.memory_space<vmem_shared>>
      tpu.enqueue_indirect_dma source(%dma_start3A_40 : memref<10240x128xf32, #tpu.memory_space<vmem_shared>>) target(%arg7 : memref<128x128xf32, #tpu.memory_space<vmem>>) offsets(%dma_start3A_37 : memref<128xi32, #tpu.memory_space<vmem>>) semaphore(%arg10 : memref<!tpu.dma_semaphore, #tpu.memory_space<semaphore_mem>>)
      %mul3A_41 = arith.constant 128 : i32
      %mul3A_42 = arith.muli %mul3A_23, %mul3A_41 : i32
      %add3A_43 = arith.addi %mul3A_2, %mul3A_42 : i32
      %dma_start3A_44 = arith.constant 0 : i32
      %dma_start3A_45 = tpu.memref_slice %arg4[%add3A_43, %dma_start3A_44] : memref<163840x128xf32, #tpu.memory_space<hbm>> -> memref<128x128xf32, #tpu.memory_space<hbm>>
      %dma_start3A_46 = arith.constant 0 : i32
      %dma_start3A_47 = tpu.memref_slice %arg4[%add3A_43, %dma_start3A_46] : memref<163840x128xf32, #tpu.memory_space<hbm>> -> memref<128x128xf32, #tpu.memory_space<hbm>>
      tpu.enqueue_dma source(%arg6 : memref<128x128xf32, #tpu.memory_space<vmem>>) target(%dma_start3A_47 : memref<128x128xf32, #tpu.memory_space<hbm>>) target_semaphore(%arg11 : memref<!tpu.dma_semaphore, #tpu.memory_space<semaphore_mem>>)
      %dma_wait3A_48 = arith.constant 0 : i32
      %dma_wait3A_49 = arith.constant 0 : i32
      %dma_wait3A_50 = tpu.memref_slice %arg5[%dma_wait3A_48, %dma_wait3A_49] : memref<40x128xi32, #tpu.memory_space<vmem>> -> memref<1x128xi32, #tpu.memory_space<vmem>>
      %dma_wait3A_51 = tpu.memref_squeeze %dma_wait3A_50 : memref<1x128xi32, #tpu.memory_space<vmem>> -> memref<128xi32, #tpu.memory_space<vmem>>
      %dma_wait3A_52 = arith.constant 0 : i32
      %dma_wait3A_53 = arith.constant 0 : i32
      %dma_wait3A_54 = tpu.memref_slice %arg8[%dma_wait3A_52, %dma_wait3A_53] : memref<10240x128xf32, #tpu.memory_space<vmem_shared>> -> memref<10240x128xf32, #tpu.memory_space<vmem_shared>>
      tpu.wait_indirect_dma semaphore(%arg10 : memref<!tpu.dma_semaphore, #tpu.memory_space<semaphore_mem>>) src(%dma_wait3A_54 : memref<10240x128xf32, #tpu.memory_space<vmem_shared>>) dst(%arg7 : memref<128x128xf32, #tpu.memory_space<vmem>>)
      %dma_wait3A_55 = arith.constant 0 : i32
      %dma_wait3A_56 = tpu.memref_slice %arg4[%mul3A_2, %dma_wait3A_55] : memref<163840x128xf32, #tpu.memory_space<hbm>> -> memref<128x128xf32, #tpu.memory_space<hbm>>
      %dma_wait3A_57 = arith.constant 0 : i32
      %dma_wait3A_58 = tpu.memref_slice %arg4[%mul3A_2, %dma_wait3A_57] : memref<163840x128xf32, #tpu.memory_space<hbm>> -> memref<128x128xf32, #tpu.memory_space<hbm>>
      tpu.wait_dma2 semaphore(%arg11 : memref<!tpu.dma_semaphore, #tpu.memory_space<semaphore_mem>>) src(%arg6 : memref<128x128xf32, #tpu.memory_space<vmem>>) dst(%dma_wait3A_58 : memref<128x128xf32, #tpu.memory_space<hbm>>)
      %lt3A = arith.constant 19 : i32
      %lt3A_59 = arith.cmpi slt, %scan3A_21, %lt3A : i32
      %convert_element_type3A_60 = arith.extui %lt3A_59 : i1 to i32
      %cond3A_61 = arith.constant 0 : i32
      %cond3A_62 = arith.cmpi ne, %convert_element_type3A_60, %cond3A_61 : i32
      scf.if %cond3A_62 {
        %add3A_72 = arith.constant 2 : i32
        %add3A_73 = arith.addi %mul3A_23, %add3A_72 : i32
        %dma_start3A_74 = arith.constant 0 : i32
        %dma_start3A_75 = tpu.memref_slice %arg5[%add3A_73, %dma_start3A_74] : memref<40x128xi32, #tpu.memory_space<vmem>> -> memref<1x128xi32, #tpu.memory_space<vmem>>
        %dma_start3A_76 = tpu.memref_squeeze %dma_start3A_75 : memref<1x128xi32, #tpu.memory_space<vmem>> -> memref<128xi32, #tpu.memory_space<vmem>>
        %dma_start3A_77 = arith.constant 0 : i32
        %dma_start3A_78 = arith.constant 0 : i32
        %dma_start3A_79 = tpu.memref_slice %arg8[%dma_start3A_77, %dma_start3A_78] : memref<10240x128xf32, #tpu.memory_space<vmem_shared>> -> memref<10240x128xf32, #tpu.memory_space<vmem_shared>>
        tpu.enqueue_indirect_dma source(%dma_start3A_79 : memref<10240x128xf32, #tpu.memory_space<vmem_shared>>) target(%arg6 : memref<128x128xf32, #tpu.memory_space<vmem>>) offsets(%dma_start3A_76 : memref<128xi32, #tpu.memory_space<vmem>>) semaphore(%arg9 : memref<!tpu.dma_semaphore, #tpu.memory_space<semaphore_mem>>)
      } else {
      }
      %add3A_63 = arith.constant 1 : i32
      %add3A_64 = arith.addi %mul3A_23, %add3A_63 : i32
      %mul3A_65 = arith.constant 128 : i32
      %mul3A_66 = arith.muli %add3A_64, %mul3A_65 : i32
      %add3A_67 = arith.addi %mul3A_2, %mul3A_66 : i32
      %dma_start3A_68 = arith.constant 0 : i32
      %dma_start3A_69 = tpu.memref_slice %arg4[%add3A_67, %dma_start3A_68] : memref<163840x128xf32, #tpu.memory_space<hbm>> -> memref<128x128xf32, #tpu.memory_space<hbm>>
      %dma_start3A_70 = arith.constant 0 : i32
      %dma_start3A_71 = tpu.memref_slice %arg4[%add3A_67, %dma_start3A_70] : memref<163840x128xf32, #tpu.memory_space<hbm>> -> memref<128x128xf32, #tpu.memory_space<hbm>>
      tpu.enqueue_dma source(%arg7 : memref<128x128xf32, #tpu.memory_space<vmem>>) target(%dma_start3A_71 : memref<128x128xf32, #tpu.memory_space<hbm>>) target_semaphore(%arg12 : memref<!tpu.dma_semaphore, #tpu.memory_space<semaphore_mem>>)
    }
    %scan3A_17 = arith.constant 20 : i32
    %dma_wait3A = arith.constant 0 : i32
    %dma_wait3A_18 = tpu.memref_slice %arg4[%mul3A_2, %dma_wait3A] : memref<163840x128xf32, #tpu.memory_space<hbm>> -> memref<128x128xf32, #tpu.memory_space<hbm>>
    %dma_wait3A_19 = arith.constant 0 : i32
    %dma_wait3A_20 = tpu.memref_slice %arg4[%mul3A_2, %dma_wait3A_19] : memref<163840x128xf32, #tpu.memory_space<hbm>> -> memref<128x128xf32, #tpu.memory_space<hbm>>
    tpu.wait_dma2 semaphore(%arg12 : memref<!tpu.dma_semaphore, #tpu.memory_space<semaphore_mem>>) src(%arg7 : memref<128x128xf32, #tpu.memory_space<vmem>>) dst(%dma_wait3A_20 : memref<128x128xf32, #tpu.memory_space<hbm>>)
    return
  }
}

#map = affine_map<(d0, d1) -> (0, 0)>
#map1 = affine_map<(d0, d1) -> (0, 0, 0)>
module attributes {stable_mosaic.version = 14 : i64} {
  func.func @_sc_scatter(%arg0: i32, %arg1: i32, %arg2: memref<163840x128xf32, #tpu.memory_space<hbm>>, %arg3: memref<32x40x128xi32, #tpu.memory_space<hbm>>, %arg4: memref<20480x128xf32, #tpu.memory_space<hbm>>, %arg5: memref<40x128xi32, #tpu.memory_space<vmem>>, %arg6: memref<128x128xf32, #tpu.memory_space<vmem>>, %arg7: memref<128x128xf32, #tpu.memory_space<vmem>>, %arg8: memref<64x128xf32, #tpu.memory_space<vmem>>, %arg9: memref<10240x128xf32, #tpu.memory_space<vmem_shared>>, %arg10: memref<!tpu.dma_semaphore, #tpu.memory_space<semaphore_mem>>, %arg11: memref<!tpu.dma_semaphore, #tpu.memory_space<semaphore_mem>>, %arg12: memref<!tpu.dma_semaphore, #tpu.memory_space<semaphore_mem>>, %arg13: memref<!tpu.dma_semaphore, #tpu.memory_space<semaphore_mem>>) attributes {dimension_semantics = [#tpu.dimension_semantics<core_parallel>, #tpu.dimension_semantics<subcore_parallel>], iteration_bounds = array<i64: 2, 16>, scalar_prefetch = 0 : i64, scratch_operands = 9 : i64, tpu.core_type = #tpu.core_type<sc_vector_subcore>, window_params = [{transform_indices = #map}, {transform_indices = #map1}, {transform_indices = #map}]} {
    %mul3A = arith.constant 16 : i32
    %mul3A_0 = arith.muli %arg0, %mul3A : i32
    %add3A = arith.addi %mul3A_0, %arg1 : i32
    %mul3A_1 = arith.constant 5120 : i32
    %mul3A_2 = arith.muli %add3A, %mul3A_1 : i32
    %scan3A = arith.constant 0 : i32
    %scan3A_3 = arith.constant 64 : i32
    %scan3A_4 = arith.addi %scan3A, %scan3A_3 : i32
    %scan3A_5 = arith.constant 1 : i32
    scf.for %scan3A_34 = %scan3A to %scan3A_4 step %scan3A_5  : i32 {
      %broadcast_in_dim3A = arith.constant 0.000000e+00 : f32
      %broadcast_in_dim3A_35 = vector.broadcast %broadcast_in_dim3A : f32 to vector<16xf32>
      %swap3A = arith.index_cast %scan3A_34 : i32 to index
      %swap3A_36 = arith.constant 0 : index
      %swap3A_37 = tpu.vector_load %arg8[%swap3A, %swap3A_36] {strides = array<i32>} : memref<64x128xf32, #tpu.memory_space<vmem>>, vector<1x16xf32>,
      %swap3A_38 = vector.shape_cast %swap3A_37 : vector<1x16xf32> to vector<16xf32>
      %swap3A_39 = vector.shape_cast %broadcast_in_dim3A_35 : vector<16xf32> to vector<1x16xf32>
      tpu.vector_store %arg8[%swap3A, %swap3A_36], %swap3A_39 {strides = array<i32>} : memref<64x128xf32, #tpu.memory_space<vmem>>, vector<1x16xf32>,
      %broadcast_in_dim3A_40 = arith.constant 0.000000e+00 : f32
      %broadcast_in_dim3A_41 = vector.broadcast %broadcast_in_dim3A_40 : f32 to vector<16xf32>
      %swap3A_42 = arith.index_cast %scan3A_34 : i32 to index
      %swap3A_43 = arith.constant 16 : index
      %swap3A_44 = tpu.vector_load %arg8[%swap3A_42, %swap3A_43] {strides = array<i32>} : memref<64x128xf32, #tpu.memory_space<vmem>>, vector<1x16xf32>,
      %swap3A_45 = vector.shape_cast %swap3A_44 : vector<1x16xf32> to vector<16xf32>
      %swap3A_46 = vector.shape_cast %broadcast_in_dim3A_41 : vector<16xf32> to vector<1x16xf32>
      tpu.vector_store %arg8[%swap3A_42, %swap3A_43], %swap3A_46 {strides = array<i32>} : memref<64x128xf32, #tpu.memory_space<vmem>>, vector<1x16xf32>,
      %broadcast_in_dim3A_47 = arith.constant 0.000000e+00 : f32
      %broadcast_in_dim3A_48 = vector.broadcast %broadcast_in_dim3A_47 : f32 to vector<16xf32>
      %swap3A_49 = arith.index_cast %scan3A_34 : i32 to index
      %swap3A_50 = arith.constant 32 : index
      %swap3A_51 = tpu.vector_load %arg8[%swap3A_49, %swap3A_50] {strides = array<i32>} : memref<64x128xf32, #tpu.memory_space<vmem>>, vector<1x16xf32>,
      %swap3A_52 = vector.shape_cast %swap3A_51 : vector<1x16xf32> to vector<16xf32>
      %swap3A_53 = vector.shape_cast %broadcast_in_dim3A_48 : vector<16xf32> to vector<1x16xf32>
      tpu.vector_store %arg8[%swap3A_49, %swap3A_50], %swap3A_53 {strides = array<i32>} : memref<64x128xf32, #tpu.memory_space<vmem>>, vector<1x16xf32>,
      %broadcast_in_dim3A_54 = arith.constant 0.000000e+00 : f32
      %broadcast_in_dim3A_55 = vector.broadcast %broadcast_in_dim3A_54 : f32 to vector<16xf32>
      %swap3A_56 = arith.index_cast %scan3A_34 : i32 to index
      %swap3A_57 = arith.constant 48 : index
      %swap3A_58 = tpu.vector_load %arg8[%swap3A_56, %swap3A_57] {strides = array<i32>} : memref<64x128xf32, #tpu.memory_space<vmem>>, vector<1x16xf32>,
      %swap3A_59 = vector.shape_cast %swap3A_58 : vector<1x16xf32> to vector<16xf32>
      %swap3A_60 = vector.shape_cast %broadcast_in_dim3A_55 : vector<16xf32> to vector<1x16xf32>
      tpu.vector_store %arg8[%swap3A_56, %swap3A_57], %swap3A_60 {strides = array<i32>} : memref<64x128xf32, #tpu.memory_space<vmem>>, vector<1x16xf32>,
      %broadcast_in_dim3A_61 = arith.constant 0.000000e+00 : f32
      %broadcast_in_dim3A_62 = vector.broadcast %broadcast_in_dim3A_61 : f32 to vector<16xf32>
      %swap3A_63 = arith.index_cast %scan3A_34 : i32 to index
      %swap3A_64 = arith.constant 64 : index
      %swap3A_65 = tpu.vector_load %arg8[%swap3A_63, %swap3A_64] {strides = array<i32>} : memref<64x128xf32, #tpu.memory_space<vmem>>, vector<1x16xf32>,
      %swap3A_66 = vector.shape_cast %swap3A_65 : vector<1x16xf32> to vector<16xf32>
      %swap3A_67 = vector.shape_cast %broadcast_in_dim3A_62 : vector<16xf32> to vector<1x16xf32>
      tpu.vector_store %arg8[%swap3A_63, %swap3A_64], %swap3A_67 {strides = array<i32>} : memref<64x128xf32, #tpu.memory_space<vmem>>, vector<1x16xf32>,
      %broadcast_in_dim3A_68 = arith.constant 0.000000e+00 : f32
      %broadcast_in_dim3A_69 = vector.broadcast %broadcast_in_dim3A_68 : f32 to vector<16xf32>
      %swap3A_70 = arith.index_cast %scan3A_34 : i32 to index
      %swap3A_71 = arith.constant 80 : index
      %swap3A_72 = tpu.vector_load %arg8[%swap3A_70, %swap3A_71] {strides = array<i32>} : memref<64x128xf32, #tpu.memory_space<vmem>>, vector<1x16xf32>,
      %swap3A_73 = vector.shape_cast %swap3A_72 : vector<1x16xf32> to vector<16xf32>
      %swap3A_74 = vector.shape_cast %broadcast_in_dim3A_69 : vector<16xf32> to vector<1x16xf32>
      tpu.vector_store %arg8[%swap3A_70, %swap3A_71], %swap3A_74 {strides = array<i32>} : memref<64x128xf32, #tpu.memory_space<vmem>>, vector<1x16xf32>,
      %broadcast_in_dim3A_75 = arith.constant 0.000000e+00 : f32
      %broadcast_in_dim3A_76 = vector.broadcast %broadcast_in_dim3A_75 : f32 to vector<16xf32>
      %swap3A_77 = arith.index_cast %scan3A_34 : i32 to index
      %swap3A_78 = arith.constant 96 : index
      %swap3A_79 = tpu.vector_load %arg8[%swap3A_77, %swap3A_78] {strides = array<i32>} : memref<64x128xf32, #tpu.memory_space<vmem>>, vector<1x16xf32>,
      %swap3A_80 = vector.shape_cast %swap3A_79 : vector<1x16xf32> to vector<16xf32>
      %swap3A_81 = vector.shape_cast %broadcast_in_dim3A_76 : vector<16xf32> to vector<1x16xf32>
      tpu.vector_store %arg8[%swap3A_77, %swap3A_78], %swap3A_81 {strides = array<i32>} : memref<64x128xf32, #tpu.memory_space<vmem>>, vector<1x16xf32>,
      %broadcast_in_dim3A_82 = arith.constant 0.000000e+00 : f32
      %broadcast_in_dim3A_83 = vector.broadcast %broadcast_in_dim3A_82 : f32 to vector<16xf32>
      %swap3A_84 = arith.index_cast %scan3A_34 : i32 to index
      %swap3A_85 = arith.constant 112 : index
      %swap3A_86 = tpu.vector_load %arg8[%swap3A_84, %swap3A_85] {strides = array<i32>} : memref<64x128xf32, #tpu.memory_space<vmem>>, vector<1x16xf32>,
      %swap3A_87 = vector.shape_cast %swap3A_86 : vector<1x16xf32> to vector<16xf32>
      %swap3A_88 = vector.shape_cast %broadcast_in_dim3A_83 : vector<16xf32> to vector<1x16xf32>
      tpu.vector_store %arg8[%swap3A_84, %swap3A_85], %swap3A_88 {strides = array<i32>} : memref<64x128xf32, #tpu.memory_space<vmem>>, vector<1x16xf32>,
    }
    %scan3A_6 = arith.constant 64 : i32
    %scan3A_7 = arith.constant 0 : i32
    %scan3A_8 = arith.constant 10 : i32
    %scan3A_9 = arith.addi %scan3A_7, %scan3A_8 : i32
    %scan3A_10 = arith.constant 1 : i32
    scf.for %scan3A_34 = %scan3A_7 to %scan3A_9 step %scan3A_10  : i32 {
      %mul3A_35 = arith.constant 640 : i32
      %mul3A_36 = arith.muli %arg1, %mul3A_35 : i32
      %mul3A_37 = arith.constant 64 : i32
      %mul3A_38 = arith.muli %scan3A_34, %mul3A_37 : i32
      %add3A_39 = arith.addi %mul3A_36, %mul3A_38 : i32
      "tpu.region"() ({
        %run_scoped3A = tpu.sem_alloc : memref<!tpu.dma_semaphore, #tpu.memory_space<semaphore_mem>>
        %dma_start3A_40 = arith.constant 0 : i32
        %dma_start3A_41 = tpu.memref_slice %arg9[%add3A_39, %dma_start3A_40] : memref<10240x128xf32, #tpu.memory_space<vmem_shared>> -> memref<64x128xf32, #tpu.memory_space<vmem_shared>>
        %dma_start3A_42 = arith.constant 0 : i32
        %dma_start3A_43 = tpu.memref_slice %arg9[%add3A_39, %dma_start3A_42] : memref<10240x128xf32, #tpu.memory_space<vmem_shared>> -> memref<64x128xf32, #tpu.memory_space<vmem_shared>>
        tpu.enqueue_dma source(%arg8 : memref<64x128xf32, #tpu.memory_space<vmem>>) target(%dma_start3A_43 : memref<64x128xf32, #tpu.memory_space<vmem_shared>>) target_semaphore(%run_scoped3A : memref<!tpu.dma_semaphore, #tpu.memory_space<semaphore_mem>>)
        %dma_wait3A_44 = arith.constant 0 : i32
        %dma_wait3A_45 = tpu.memref_slice %arg9[%add3A_39, %dma_wait3A_44] : memref<10240x128xf32, #tpu.memory_space<vmem_shared>> -> memref<64x128xf32, #tpu.memory_space<vmem_shared>>
        %dma_wait3A_46 = arith.constant 0 : i32
        %dma_wait3A_47 = tpu.memref_slice %arg9[%add3A_39, %dma_wait3A_46] : memref<10240x128xf32, #tpu.memory_space<vmem_shared>> -> memref<64x128xf32, #tpu.memory_space<vmem_shared>>
        tpu.wait_dma2 semaphore(%run_scoped3A : memref<!tpu.dma_semaphore, #tpu.memory_space<semaphore_mem>>) src(%arg8 : memref<64x128xf32, #tpu.memory_space<vmem>>) dst(%dma_wait3A_47 : memref<64x128xf32, #tpu.memory_space<vmem_shared>>)
        tpu.yield
      }) : () -> ()
    }
    %scan3A_11 = arith.constant 10 : i32
    %barrier3A = arith.constant 0 : index
    tpu.barrier barrier_id(%barrier3A)
    "tpu.region"() ({
      %run_scoped3A = tpu.sem_alloc : memref<!tpu.dma_semaphore, #tpu.memory_space<semaphore_mem>>
      %dma_start3A_34 = arith.constant 0 : i32
      %dma_start3A_35 = arith.constant 0 : i32
      %dma_start3A_36 = tpu.memref_slice %arg3[%add3A, %dma_start3A_34, %dma_start3A_35] : memref<32x40x128xi32, #tpu.memory_space<hbm>> -> memref<1x40x128xi32, #tpu.memory_space<hbm>>
      %dma_start3A_37 = tpu.memref_squeeze %dma_start3A_36 : memref<1x40x128xi32, #tpu.memory_space<hbm>> -> memref<40x128xi32, #tpu.memory_space<hbm>>
      %dma_start3A_38 = arith.constant 0 : i32
      %dma_start3A_39 = arith.constant 0 : i32
      %dma_start3A_40 = tpu.memref_slice %arg3[%add3A, %dma_start3A_38, %dma_start3A_39] : memref<32x40x128xi32, #tpu.memory_space<hbm>> -> memref<1x40x128xi32, #tpu.memory_space<hbm>>
      %dma_start3A_41 = tpu.memref_squeeze %dma_start3A_40 : memref<1x40x128xi32, #tpu.memory_space<hbm>> -> memref<40x128xi32, #tpu.memory_space<hbm>>
      tpu.enqueue_dma source(%dma_start3A_41 : memref<40x128xi32, #tpu.memory_space<hbm>>) target(%arg5 : memref<40x128xi32, #tpu.memory_space<vmem>>) target_semaphore(%run_scoped3A : memref<!tpu.dma_semaphore, #tpu.memory_space<semaphore_mem>>)
      %dma_wait3A_42 = arith.constant 0 : i32
      %dma_wait3A_43 = arith.constant 0 : i32
      %dma_wait3A_44 = tpu.memref_slice %arg3[%add3A, %dma_wait3A_42, %dma_wait3A_43] : memref<32x40x128xi32, #tpu.memory_space<hbm>> -> memref<1x40x128xi32, #tpu.memory_space<hbm>>
      %dma_wait3A_45 = tpu.memref_squeeze %dma_wait3A_44 : memref<1x40x128xi32, #tpu.memory_space<hbm>> -> memref<40x128xi32, #tpu.memory_space<hbm>>
      %dma_wait3A_46 = arith.constant 0 : i32
      %dma_wait3A_47 = arith.constant 0 : i32
      %dma_wait3A_48 = tpu.memref_slice %arg3[%add3A, %dma_wait3A_46, %dma_wait3A_47] : memref<32x40x128xi32, #tpu.memory_space<hbm>> -> memref<1x40x128xi32, #tpu.memory_space<hbm>>
      %dma_wait3A_49 = tpu.memref_squeeze %dma_wait3A_48 : memref<1x40x128xi32, #tpu.memory_space<hbm>> -> memref<40x128xi32, #tpu.memory_space<hbm>>
      tpu.wait_dma2 semaphore(%run_scoped3A : memref<!tpu.dma_semaphore, #tpu.memory_space<semaphore_mem>>) src(%dma_wait3A_49 : memref<40x128xi32, #tpu.memory_space<hbm>>) dst(%arg5 : memref<40x128xi32, #tpu.memory_space<vmem>>)
      tpu.yield
    }) : () -> ()
    %add3A_12 = arith.constant 0 : i32
    %add3A_13 = arith.addi %mul3A_2, %add3A_12 : i32
    %dma_start3A = arith.constant 0 : i32
    %dma_start3A_14 = tpu.memref_slice %arg2[%add3A_13, %dma_start3A] : memref<163840x128xf32, #tpu.memory_space<hbm>> -> memref<128x128xf32, #tpu.memory_space<hbm>>
    %dma_start3A_15 = arith.constant 0 : i32
    %dma_start3A_16 = tpu.memref_slice %arg2[%add3A_13, %dma_start3A_15] : memref<163840x128xf32, #tpu.memory_space<hbm>> -> memref<128x128xf32, #tpu.memory_space<hbm>>
    tpu.enqueue_dma source(%dma_start3A_16 : memref<128x128xf32, #tpu.memory_space<hbm>>) target(%arg6 : memref<128x128xf32, #tpu.memory_space<vmem>>) target_semaphore(%arg10 : memref<!tpu.dma_semaphore, #tpu.memory_space<semaphore_mem>>)
    %scan3A_17 = arith.constant 0 : i32
    %scan3A_18 = arith.constant 20 : i32
    %scan3A_19 = arith.addi %scan3A_17, %scan3A_18 : i32
    %scan3A_20 = arith.constant 1 : i32
    scf.for %scan3A_34 = %scan3A_17 to %scan3A_19 step %scan3A_20  : i32 {
      %mul3A_35 = arith.constant 2 : i32
      %mul3A_36 = arith.muli %mul3A_35, %scan3A_34 : i32
      %dma_wait3A_37 = arith.constant 0 : i32
      %dma_wait3A_38 = tpu.memref_slice %arg2[%mul3A_2, %dma_wait3A_37] : memref<163840x128xf32, #tpu.memory_space<hbm>> -> memref<128x128xf32, #tpu.memory_space<hbm>>
      %dma_wait3A_39 = arith.constant 0 : i32
      %dma_wait3A_40 = tpu.memref_slice %arg2[%mul3A_2, %dma_wait3A_39] : memref<163840x128xf32, #tpu.memory_space<hbm>> -> memref<128x128xf32, #tpu.memory_space<hbm>>
      tpu.wait_dma2 semaphore(%arg10 : memref<!tpu.dma_semaphore, #tpu.memory_space<semaphore_mem>>) src(%dma_wait3A_40 : memref<128x128xf32, #tpu.memory_space<hbm>>) dst(%arg6 : memref<128x128xf32, #tpu.memory_space<vmem>>)
      %dma_start3A_41 = arith.constant 0 : i32
      %dma_start3A_42 = tpu.memref_slice %arg5[%mul3A_36, %dma_start3A_41] : memref<40x128xi32, #tpu.memory_space<vmem>> -> memref<1x128xi32, #tpu.memory_space<vmem>>
      %dma_start3A_43 = tpu.memref_squeeze %dma_start3A_42 : memref<1x128xi32, #tpu.memory_space<vmem>> -> memref<128xi32, #tpu.memory_space<vmem>>
      %dma_start3A_44 = arith.constant 0 : i32
      %dma_start3A_45 = arith.constant 0 : i32
      %dma_start3A_46 = tpu.memref_slice %arg9[%dma_start3A_44, %dma_start3A_45] : memref<10240x128xf32, #tpu.memory_space<vmem_shared>> -> memref<10240x128xf32, #tpu.memory_space<vmem_shared>>
      tpu.enqueue_indirect_dma source(%arg6 : memref<128x128xf32, #tpu.memory_space<vmem>>) target(%dma_start3A_46 : memref<10240x128xf32, #tpu.memory_space<vmem_shared>>) offsets(%dma_start3A_43 : memref<128xi32, #tpu.memory_space<vmem>>) semaphore(%arg12 : memref<!tpu.dma_semaphore, #tpu.memory_space<semaphore_mem>>) {add = true}
      %gt3A = arith.constant 0 : i32
      %gt3A_47 = arith.cmpi sgt, %scan3A_34, %gt3A : i32
      %convert_element_type3A = arith.extui %gt3A_47 : i1 to i32
      %cond3A = arith.constant 0 : i32
      %cond3A_48 = arith.cmpi ne, %convert_element_type3A, %cond3A : i32
      scf.if %cond3A_48 {
        %dma_wait3A_81 = arith.constant 0 : i32
        %dma_wait3A_82 = arith.constant 0 : i32
        %dma_wait3A_83 = tpu.memref_slice %arg5[%dma_wait3A_81, %dma_wait3A_82] : memref<40x128xi32, #tpu.memory_space<vmem>> -> memref<1x128xi32, #tpu.memory_space<vmem>>
        %dma_wait3A_84 = tpu.memref_squeeze %dma_wait3A_83 : memref<1x128xi32, #tpu.memory_space<vmem>> -> memref<128xi32, #tpu.memory_space<vmem>>
        %dma_wait3A_85 = arith.constant 0 : i32
        %dma_wait3A_86 = arith.constant 0 : i32
        %dma_wait3A_87 = tpu.memref_slice %arg9[%dma_wait3A_85, %dma_wait3A_86] : memref<10240x128xf32, #tpu.memory_space<vmem_shared>> -> memref<10240x128xf32, #tpu.memory_space<vmem_shared>>
        tpu.wait_indirect_dma semaphore(%arg13 : memref<!tpu.dma_semaphore, #tpu.memory_space<semaphore_mem>>) src(%arg7 : memref<128x128xf32, #tpu.memory_space<vmem>>) dst(%dma_wait3A_87 : memref<10240x128xf32, #tpu.memory_space<vmem_shared>>)
      } else {
      }
      %add3A_49 = arith.constant 1 : i32
      %add3A_50 = arith.addi %mul3A_36, %add3A_49 : i32
      %mul3A_51 = arith.constant 128 : i32
      %mul3A_52 = arith.muli %add3A_50, %mul3A_51 : i32
      %add3A_53 = arith.addi %mul3A_2, %mul3A_52 : i32
      %dma_start3A_54 = arith.constant 0 : i32
      %dma_start3A_55 = tpu.memref_slice %arg2[%add3A_53, %dma_start3A_54] : memref<163840x128xf32, #tpu.memory_space<hbm>> -> memref<128x128xf32, #tpu.memory_space<hbm>>
      %dma_start3A_56 = arith.constant 0 : i32
      %dma_start3A_57 = tpu.memref_slice %arg2[%add3A_53, %dma_start3A_56] : memref<163840x128xf32, #tpu.memory_space<hbm>> -> memref<128x128xf32, #tpu.memory_space<hbm>>
      tpu.enqueue_dma source(%dma_start3A_57 : memref<128x128xf32, #tpu.memory_space<hbm>>) target(%arg7 : memref<128x128xf32, #tpu.memory_space<vmem>>) target_semaphore(%arg11 : memref<!tpu.dma_semaphore, #tpu.memory_space<semaphore_mem>>)
      %dma_wait3A_58 = arith.constant 0 : i32
      %dma_wait3A_59 = arith.constant 0 : i32
      %dma_wait3A_60 = tpu.memref_slice %arg5[%dma_wait3A_58, %dma_wait3A_59] : memref<40x128xi32, #tpu.memory_space<vmem>> -> memref<1x128xi32, #tpu.memory_space<vmem>>
      %dma_wait3A_61 = tpu.memref_squeeze %dma_wait3A_60 : memref<1x128xi32, #tpu.memory_space<vmem>> -> memref<128xi32, #tpu.memory_space<vmem>>
      %dma_wait3A_62 = arith.constant 0 : i32
      %dma_wait3A_63 = arith.constant 0 : i32
      %dma_wait3A_64 = tpu.memref_slice %arg9[%dma_wait3A_62, %dma_wait3A_63] : memref<10240x128xf32, #tpu.memory_space<vmem_shared>> -> memref<10240x128xf32, #tpu.memory_space<vmem_shared>>
      tpu.wait_indirect_dma semaphore(%arg12 : memref<!tpu.dma_semaphore, #tpu.memory_space<semaphore_mem>>) src(%arg6 : memref<128x128xf32, #tpu.memory_space<vmem>>) dst(%dma_wait3A_64 : memref<10240x128xf32, #tpu.memory_space<vmem_shared>>)
      %lt3A = arith.constant 19 : i32
      %lt3A_65 = arith.cmpi slt, %scan3A_34, %lt3A : i32
      %convert_element_type3A_66 = arith.extui %lt3A_65 : i1 to i32
      %cond3A_67 = arith.constant 0 : i32
      %cond3A_68 = arith.cmpi ne, %convert_element_type3A_66, %cond3A_67 : i32
      scf.if %cond3A_68 {
        %add3A_81 = arith.constant 2 : i32
        %add3A_82 = arith.addi %mul3A_36, %add3A_81 : i32
        %mul3A_83 = arith.constant 128 : i32
        %mul3A_84 = arith.muli %add3A_82, %mul3A_83 : i32
        %add3A_85 = arith.addi %mul3A_2, %mul3A_84 : i32
        %dma_start3A_86 = arith.constant 0 : i32
        %dma_start3A_87 = tpu.memref_slice %arg2[%add3A_85, %dma_start3A_86] : memref<163840x128xf32, #tpu.memory_space<hbm>> -> memref<128x128xf32, #tpu.memory_space<hbm>>
        %dma_start3A_88 = arith.constant 0 : i32
        %dma_start3A_89 = tpu.memref_slice %arg2[%add3A_85, %dma_start3A_88] : memref<163840x128xf32, #tpu.memory_space<hbm>> -> memref<128x128xf32, #tpu.memory_space<hbm>>
        tpu.enqueue_dma source(%dma_start3A_89 : memref<128x128xf32, #tpu.memory_space<hbm>>) target(%arg6 : memref<128x128xf32, #tpu.memory_space<vmem>>) target_semaphore(%arg10 : memref<!tpu.dma_semaphore, #tpu.memory_space<semaphore_mem>>)
      } else {
      }
      %dma_wait3A_69 = arith.constant 0 : i32
      %dma_wait3A_70 = tpu.memref_slice %arg2[%mul3A_2, %dma_wait3A_69] : memref<163840x128xf32, #tpu.memory_space<hbm>> -> memref<128x128xf32, #tpu.memory_space<hbm>>
      %dma_wait3A_71 = arith.constant 0 : i32
      %dma_wait3A_72 = tpu.memref_slice %arg2[%mul3A_2, %dma_wait3A_71] : memref<163840x128xf32, #tpu.memory_space<hbm>> -> memref<128x128xf32, #tpu.memory_space<hbm>>
      tpu.wait_dma2 semaphore(%arg11 : memref<!tpu.dma_semaphore, #tpu.memory_space<semaphore_mem>>) src(%dma_wait3A_72 : memref<128x128xf32, #tpu.memory_space<hbm>>) dst(%arg7 : memref<128x128xf32, #tpu.memory_space<vmem>>)
      %add3A_73 = arith.constant 1 : i32
      %add3A_74 = arith.addi %mul3A_36, %add3A_73 : i32
      %dma_start3A_75 = arith.constant 0 : i32
      %dma_start3A_76 = tpu.memref_slice %arg5[%add3A_74, %dma_start3A_75] : memref<40x128xi32, #tpu.memory_space<vmem>> -> memref<1x128xi32, #tpu.memory_space<vmem>>
      %dma_start3A_77 = tpu.memref_squeeze %dma_start3A_76 : memref<1x128xi32, #tpu.memory_space<vmem>> -> memref<128xi32, #tpu.memory_space<vmem>>
      %dma_start3A_78 = arith.constant 0 : i32
      %dma_start3A_79 = arith.constant 0 : i32
      %dma_start3A_80 = tpu.memref_slice %arg9[%dma_start3A_78, %dma_start3A_79] : memref<10240x128xf32, #tpu.memory_space<vmem_shared>> -> memref<10240x128xf32, #tpu.memory_space<vmem_shared>>
      tpu.enqueue_indirect_dma source(%arg7 : memref<128x128xf32, #tpu.memory_space<vmem>>) target(%dma_start3A_80 : memref<10240x128xf32, #tpu.memory_space<vmem_shared>>) offsets(%dma_start3A_77 : memref<128xi32, #tpu.memory_space<vmem>>) semaphore(%arg13 : memref<!tpu.dma_semaphore, #tpu.memory_space<semaphore_mem>>) {add = true}
    }
    %scan3A_21 = arith.constant 20 : i32
    %dma_wait3A = arith.constant 0 : i32
    %dma_wait3A_22 = arith.constant 0 : i32
    %dma_wait3A_23 = tpu.memref_slice %arg5[%dma_wait3A, %dma_wait3A_22] : memref<40x128xi32, #tpu.memory_space<vmem>> -> memref<1x128xi32, #tpu.memory_space<vmem>>
    %dma_wait3A_24 = tpu.memref_squeeze %dma_wait3A_23 : memref<1x128xi32, #tpu.memory_space<vmem>> -> memref<128xi32, #tpu.memory_space<vmem>>
    %dma_wait3A_25 = arith.constant 0 : i32
    %dma_wait3A_26 = arith.constant 0 : i32
    %dma_wait3A_27 = tpu.memref_slice %arg9[%dma_wait3A_25, %dma_wait3A_26] : memref<10240x128xf32, #tpu.memory_space<vmem_shared>> -> memref<10240x128xf32, #tpu.memory_space<vmem_shared>>
    tpu.wait_indirect_dma semaphore(%arg13 : memref<!tpu.dma_semaphore, #tpu.memory_space<semaphore_mem>>) src(%arg7 : memref<128x128xf32, #tpu.memory_space<vmem>>) dst(%dma_wait3A_27 : memref<10240x128xf32, #tpu.memory_space<vmem_shared>>)
    %barrier3A_28 = arith.constant 0 : index
    tpu.barrier barrier_id(%barrier3A_28)
    %scan3A_29 = arith.constant 0 : i32
    %scan3A_30 = arith.constant 10 : i32
    %scan3A_31 = arith.addi %scan3A_29, %scan3A_30 : i32
    %scan3A_32 = arith.constant 1 : i32
    scf.for %scan3A_34 = %scan3A_29 to %scan3A_31 step %scan3A_32  : i32 {
      %mul3A_35 = arith.constant 640 : i32
      %mul3A_36 = arith.muli %arg1, %mul3A_35 : i32
      %mul3A_37 = arith.constant 64 : i32
      %mul3A_38 = arith.muli %scan3A_34, %mul3A_37 : i32
      %add3A_39 = arith.addi %mul3A_36, %mul3A_38 : i32
      "tpu.region"() ({
        %run_scoped3A = tpu.sem_alloc : memref<!tpu.dma_semaphore, #tpu.memory_space<semaphore_mem>>
        %dma_start3A_43 = arith.constant 0 : i32
        %dma_start3A_44 = tpu.memref_slice %arg9[%add3A_39, %dma_start3A_43] : memref<10240x128xf32, #tpu.memory_space<vmem_shared>> -> memref<64x128xf32, #tpu.memory_space<vmem_shared>>
        %dma_start3A_45 = arith.constant 0 : i32
        %dma_start3A_46 = tpu.memref_slice %arg9[%add3A_39, %dma_start3A_45] : memref<10240x128xf32, #tpu.memory_space<vmem_shared>> -> memref<64x128xf32, #tpu.memory_space<vmem_shared>>
        tpu.enqueue_dma source(%dma_start3A_46 : memref<64x128xf32, #tpu.memory_space<vmem_shared>>) target(%arg8 : memref<64x128xf32, #tpu.memory_space<vmem>>) target_semaphore(%run_scoped3A : memref<!tpu.dma_semaphore, #tpu.memory_space<semaphore_mem>>)
        %dma_wait3A_47 = arith.constant 0 : i32
        %dma_wait3A_48 = tpu.memref_slice %arg9[%add3A_39, %dma_wait3A_47] : memref<10240x128xf32, #tpu.memory_space<vmem_shared>> -> memref<64x128xf32, #tpu.memory_space<vmem_shared>>
        %dma_wait3A_49 = arith.constant 0 : i32
        %dma_wait3A_50 = tpu.memref_slice %arg9[%add3A_39, %dma_wait3A_49] : memref<10240x128xf32, #tpu.memory_space<vmem_shared>> -> memref<64x128xf32, #tpu.memory_space<vmem_shared>>
        tpu.wait_dma2 semaphore(%run_scoped3A : memref<!tpu.dma_semaphore, #tpu.memory_space<semaphore_mem>>) src(%dma_wait3A_50 : memref<64x128xf32, #tpu.memory_space<vmem_shared>>) dst(%arg8 : memref<64x128xf32, #tpu.memory_space<vmem>>)
        tpu.yield
      }) : () -> ()
      %mul3A_40 = arith.constant 10240 : i32
      %mul3A_41 = arith.muli %arg0, %mul3A_40 : i32
      %add3A_42 = arith.addi %mul3A_41, %add3A_39 : i32
      "tpu.region"() ({
        %run_scoped3A = tpu.sem_alloc : memref<!tpu.dma_semaphore, #tpu.memory_space<semaphore_mem>>
        %dma_start3A_43 = arith.constant 0 : i32
        %dma_start3A_44 = tpu.memref_slice %arg4[%add3A_42, %dma_start3A_43] : memref<20480x128xf32, #tpu.memory_space<hbm>> -> memref<64x128xf32, #tpu.memory_space<hbm>>
        %dma_start3A_45 = arith.constant 0 : i32
        %dma_start3A_46 = tpu.memref_slice %arg4[%add3A_42, %dma_start3A_45] : memref<20480x128xf32, #tpu.memory_space<hbm>> -> memref<64x128xf32, #tpu.memory_space<hbm>>
        tpu.enqueue_dma source(%arg8 : memref<64x128xf32, #tpu.memory_space<vmem>>) target(%dma_start3A_46 : memref<64x128xf32, #tpu.memory_space<hbm>>) target_semaphore(%run_scoped3A : memref<!tpu.dma_semaphore, #tpu.memory_space<semaphore_mem>>)
        %dma_wait3A_47 = arith.constant 0 : i32
        %dma_wait3A_48 = tpu.memref_slice %arg4[%add3A_42, %dma_wait3A_47] : memref<20480x128xf32, #tpu.memory_space<hbm>> -> memref<64x128xf32, #tpu.memory_space<hbm>>
        %dma_wait3A_49 = arith.constant 0 : i32
        %dma_wait3A_50 = tpu.memref_slice %arg4[%add3A_42, %dma_wait3A_49] : memref<20480x128xf32, #tpu.memory_space<hbm>> -> memref<64x128xf32, #tpu.memory_space<hbm>>
        tpu.wait_dma2 semaphore(%run_scoped3A : memref<!tpu.dma_semaphore, #tpu.memory_space<semaphore_mem>>) src(%arg8 : memref<64x128xf32, #tpu.memory_space<vmem>>) dst(%dma_wait3A_50 : memref<64x128xf32, #tpu.memory_space<hbm>>)
        tpu.yield
      }) : () -> ()
    }
    %scan3A_33 = arith.constant 10 : i32
    return
  }
}

#map = affine_map<(d0, d1) -> (0, 0)>
#map1 = affine_map<(d0, d1) -> (0, 0, 0)>
module attributes {stable_mosaic.version = 14 : i64} {
  func.func @_sc_gather_sum(%arg0: i32, %arg1: i32, %arg2: memref<20480x128xf32, #tpu.memory_space<hbm>>, %arg3: memref<32x40x128xi32, #tpu.memory_space<hbm>>, %arg4: memref<163840x128xf32, #tpu.memory_space<hbm>>, %arg5: memref<40x128xi32, #tpu.memory_space<vmem>>, %arg6: memref<128x128xf32, #tpu.memory_space<vmem>>, %arg7: memref<128x128xf32, #tpu.memory_space<vmem>>, %arg8: memref<10240x128xf32, #tpu.memory_space<vmem_shared>>, %arg9: memref<!tpu.dma_semaphore, #tpu.memory_space<semaphore_mem>>, %arg10: memref<!tpu.dma_semaphore, #tpu.memory_space<semaphore_mem>>, %arg11: memref<!tpu.dma_semaphore, #tpu.memory_space<semaphore_mem>>, %arg12: memref<!tpu.dma_semaphore, #tpu.memory_space<semaphore_mem>>) attributes {dimension_semantics = [#tpu.dimension_semantics<core_parallel>, #tpu.dimension_semantics<subcore_parallel>], iteration_bounds = array<i64: 2, 16>, scalar_prefetch = 0 : i64, scratch_operands = 8 : i64, tpu.core_type = #tpu.core_type<sc_vector_subcore>, window_params = [{transform_indices = #map}, {transform_indices = #map1}, {transform_indices = #map}]} {
    %mul3A = arith.constant 16 : i32
    %mul3A_0 = arith.muli %arg0, %mul3A : i32
    %add3A = arith.addi %mul3A_0, %arg1 : i32
    %mul3A_1 = arith.constant 5120 : i32
    %mul3A_2 = arith.muli %add3A, %mul3A_1 : i32
    "tpu.region"() ({
      %run_scoped3A = tpu.sem_alloc : memref<!tpu.dma_semaphore, #tpu.memory_space<semaphore_mem>>
      %dma_start3A_21 = arith.constant 0 : i32
      %dma_start3A_22 = arith.constant 0 : i32
      %dma_start3A_23 = tpu.memref_slice %arg3[%add3A, %dma_start3A_21, %dma_start3A_22] : memref<32x40x128xi32, #tpu.memory_space<hbm>> -> memref<1x40x128xi32, #tpu.memory_space<hbm>>
      %dma_start3A_24 = tpu.memref_squeeze %dma_start3A_23 : memref<1x40x128xi32, #tpu.memory_space<hbm>> -> memref<40x128xi32, #tpu.memory_space<hbm>>
      %dma_start3A_25 = arith.constant 0 : i32
      %dma_start3A_26 = arith.constant 0 : i32
      %dma_start3A_27 = tpu.memref_slice %arg3[%add3A, %dma_start3A_25, %dma_start3A_26] : memref<32x40x128xi32, #tpu.memory_space<hbm>> -> memref<1x40x128xi32, #tpu.memory_space<hbm>>
      %dma_start3A_28 = tpu.memref_squeeze %dma_start3A_27 : memref<1x40x128xi32, #tpu.memory_space<hbm>> -> memref<40x128xi32, #tpu.memory_space<hbm>>
      tpu.enqueue_dma source(%dma_start3A_28 : memref<40x128xi32, #tpu.memory_space<hbm>>) target(%arg5 : memref<40x128xi32, #tpu.memory_space<vmem>>) target_semaphore(%run_scoped3A : memref<!tpu.dma_semaphore, #tpu.memory_space<semaphore_mem>>)
      %dma_wait3A_29 = arith.constant 0 : i32
      %dma_wait3A_30 = arith.constant 0 : i32
      %dma_wait3A_31 = tpu.memref_slice %arg3[%add3A, %dma_wait3A_29, %dma_wait3A_30] : memref<32x40x128xi32, #tpu.memory_space<hbm>> -> memref<1x40x128xi32, #tpu.memory_space<hbm>>
      %dma_wait3A_32 = tpu.memref_squeeze %dma_wait3A_31 : memref<1x40x128xi32, #tpu.memory_space<hbm>> -> memref<40x128xi32, #tpu.memory_space<hbm>>
      %dma_wait3A_33 = arith.constant 0 : i32
      %dma_wait3A_34 = arith.constant 0 : i32
      %dma_wait3A_35 = tpu.memref_slice %arg3[%add3A, %dma_wait3A_33, %dma_wait3A_34] : memref<32x40x128xi32, #tpu.memory_space<hbm>> -> memref<1x40x128xi32, #tpu.memory_space<hbm>>
      %dma_wait3A_36 = tpu.memref_squeeze %dma_wait3A_35 : memref<1x40x128xi32, #tpu.memory_space<hbm>> -> memref<40x128xi32, #tpu.memory_space<hbm>>
      tpu.wait_dma2 semaphore(%run_scoped3A : memref<!tpu.dma_semaphore, #tpu.memory_space<semaphore_mem>>) src(%dma_wait3A_36 : memref<40x128xi32, #tpu.memory_space<hbm>>) dst(%arg5 : memref<40x128xi32, #tpu.memory_space<vmem>>)
      tpu.yield
    }) : () -> ()
    %scan3A = arith.constant 0 : i32
    %scan3A_3 = arith.constant 5 : i32
    %scan3A_4 = arith.addi %scan3A, %scan3A_3 : i32
    %scan3A_5 = arith.constant 1 : i32
    scf.for %scan3A_21 = %scan3A to %scan3A_4 step %scan3A_5  : i32 {
      %mul3A_22 = arith.constant 640 : i32
      %mul3A_23 = arith.muli %arg1, %mul3A_22 : i32
      %mul3A_24 = arith.constant 128 : i32
      %mul3A_25 = arith.muli %scan3A_21, %mul3A_24 : i32
      %add3A_26 = arith.addi %mul3A_23, %mul3A_25 : i32
      "tpu.region"() ({
        %run_scoped3A = tpu.sem_alloc : memref<!tpu.dma_semaphore, #tpu.memory_space<semaphore_mem>>
        %dma_start3A_34 = arith.constant 0 : i32
        %dma_start3A_35 = tpu.memref_slice %arg2[%add3A_26, %dma_start3A_34] : memref<20480x128xf32, #tpu.memory_space<hbm>> -> memref<128x128xf32, #tpu.memory_space<hbm>>
        %dma_start3A_36 = arith.constant 0 : i32
        %dma_start3A_37 = tpu.memref_slice %arg2[%add3A_26, %dma_start3A_36] : memref<20480x128xf32, #tpu.memory_space<hbm>> -> memref<128x128xf32, #tpu.memory_space<hbm>>
        tpu.enqueue_dma source(%dma_start3A_37 : memref<128x128xf32, #tpu.memory_space<hbm>>) target(%arg6 : memref<128x128xf32, #tpu.memory_space<vmem>>) target_semaphore(%run_scoped3A : memref<!tpu.dma_semaphore, #tpu.memory_space<semaphore_mem>>)
        %dma_wait3A_38 = arith.constant 0 : i32
        %dma_wait3A_39 = tpu.memref_slice %arg2[%add3A_26, %dma_wait3A_38] : memref<20480x128xf32, #tpu.memory_space<hbm>> -> memref<128x128xf32, #tpu.memory_space<hbm>>
        %dma_wait3A_40 = arith.constant 0 : i32
        %dma_wait3A_41 = tpu.memref_slice %arg2[%add3A_26, %dma_wait3A_40] : memref<20480x128xf32, #tpu.memory_space<hbm>> -> memref<128x128xf32, #tpu.memory_space<hbm>>
        tpu.wait_dma2 semaphore(%run_scoped3A : memref<!tpu.dma_semaphore, #tpu.memory_space<semaphore_mem>>) src(%dma_wait3A_41 : memref<128x128xf32, #tpu.memory_space<hbm>>) dst(%arg6 : memref<128x128xf32, #tpu.memory_space<vmem>>)
        tpu.yield
      }) : () -> ()
      %add3A_27 = arith.constant 10240 : i32
      %add3A_28 = arith.addi %add3A_27, %add3A_26 : i32
      "tpu.region"() ({
        %run_scoped3A = tpu.sem_alloc : memref<!tpu.dma_semaphore, #tpu.memory_space<semaphore_mem>>
        %dma_start3A_34 = arith.constant 0 : i32
        %dma_start3A_35 = tpu.memref_slice %arg2[%add3A_28, %dma_start3A_34] : memref<20480x128xf32, #tpu.memory_space<hbm>> -> memref<128x128xf32, #tpu.memory_space<hbm>>
        %dma_start3A_36 = arith.constant 0 : i32
        %dma_start3A_37 = tpu.memref_slice %arg2[%add3A_28, %dma_start3A_36] : memref<20480x128xf32, #tpu.memory_space<hbm>> -> memref<128x128xf32, #tpu.memory_space<hbm>>
        tpu.enqueue_dma source(%dma_start3A_37 : memref<128x128xf32, #tpu.memory_space<hbm>>) target(%arg7 : memref<128x128xf32, #tpu.memory_space<vmem>>) target_semaphore(%run_scoped3A : memref<!tpu.dma_semaphore, #tpu.memory_space<semaphore_mem>>)
        %dma_wait3A_38 = arith.constant 0 : i32
        %dma_wait3A_39 = tpu.memref_slice %arg2[%add3A_28, %dma_wait3A_38] : memref<20480x128xf32, #tpu.memory_space<hbm>> -> memref<128x128xf32, #tpu.memory_space<hbm>>
        %dma_wait3A_40 = arith.constant 0 : i32
        %dma_wait3A_41 = tpu.memref_slice %arg2[%add3A_28, %dma_wait3A_40] : memref<20480x128xf32, #tpu.memory_space<hbm>> -> memref<128x128xf32, #tpu.memory_space<hbm>>
        tpu.wait_dma2 semaphore(%run_scoped3A : memref<!tpu.dma_semaphore, #tpu.memory_space<semaphore_mem>>) src(%dma_wait3A_41 : memref<128x128xf32, #tpu.memory_space<hbm>>) dst(%arg7 : memref<128x128xf32, #tpu.memory_space<vmem>>)
        tpu.yield
      }) : () -> ()
      %scan3A_29 = arith.constant 0 : i32
      %scan3A_30 = arith.constant 128 : i32
      %scan3A_31 = arith.addi %scan3A_29, %scan3A_30 : i32
      %scan3A_32 = arith.constant 1 : i32
      scf.for %scan3A_34 = %scan3A_29 to %scan3A_31 step %scan3A_32  : i32 {
        %get3A = arith.index_cast %scan3A_34 : i32 to index
        %get3A_35 = arith.constant 0 : index
        %get3A_36 = tpu.vector_load %arg6[%get3A, %get3A_35] {strides = array<i32>} : memref<128x128xf32, #tpu.memory_space<vmem>>, vector<1x16xf32>,
        %get3A_37 = vector.shape_cast %get3A_36 : vector<1x16xf32> to vector<16xf32>
        %get3A_38 = arith.index_cast %scan3A_34 : i32 to index
        %get3A_39 = arith.constant 0 : index
        %get3A_40 = tpu.vector_load %arg7[%get3A_38, %get3A_39] {strides = array<i32>} : memref<128x128xf32, #tpu.memory_space<vmem>>, vector<1x16xf32>,
        %get3A_41 = vector.shape_cast %get3A_40 : vector<1x16xf32> to vector<16xf32>
        %add3A_42 = arith.addf %get3A_37, %get3A_41 : vector<16xf32>
        %swap3A = arith.index_cast %scan3A_34 : i32 to index
        %swap3A_43 = arith.constant 0 : index
        %swap3A_44 = tpu.vector_load %arg6[%swap3A, %swap3A_43] {strides = array<i32>} : memref<128x128xf32, #tpu.memory_space<vmem>>, vector<1x16xf32>,
        %swap3A_45 = vector.shape_cast %swap3A_44 : vector<1x16xf32> to vector<16xf32>
        %swap3A_46 = vector.shape_cast %add3A_42 : vector<16xf32> to vector<1x16xf32>
        tpu.vector_store %arg6[%swap3A, %swap3A_43], %swap3A_46 {strides = array<i32>} : memref<128x128xf32, #tpu.memory_space<vmem>>, vector<1x16xf32>,
        %get3A_47 = arith.index_cast %scan3A_34 : i32 to index
        %get3A_48 = arith.constant 16 : index
        %get3A_49 = tpu.vector_load %arg6[%get3A_47, %get3A_48] {strides = array<i32>} : memref<128x128xf32, #tpu.memory_space<vmem>>, vector<1x16xf32>,
        %get3A_50 = vector.shape_cast %get3A_49 : vector<1x16xf32> to vector<16xf32>
        %get3A_51 = arith.index_cast %scan3A_34 : i32 to index
        %get3A_52 = arith.constant 16 : index
        %get3A_53 = tpu.vector_load %arg7[%get3A_51, %get3A_52] {strides = array<i32>} : memref<128x128xf32, #tpu.memory_space<vmem>>, vector<1x16xf32>,
        %get3A_54 = vector.shape_cast %get3A_53 : vector<1x16xf32> to vector<16xf32>
        %add3A_55 = arith.addf %get3A_50, %get3A_54 : vector<16xf32>
        %swap3A_56 = arith.index_cast %scan3A_34 : i32 to index
        %swap3A_57 = arith.constant 16 : index
        %swap3A_58 = tpu.vector_load %arg6[%swap3A_56, %swap3A_57] {strides = array<i32>} : memref<128x128xf32, #tpu.memory_space<vmem>>, vector<1x16xf32>,
        %swap3A_59 = vector.shape_cast %swap3A_58 : vector<1x16xf32> to vector<16xf32>
        %swap3A_60 = vector.shape_cast %add3A_55 : vector<16xf32> to vector<1x16xf32>
        tpu.vector_store %arg6[%swap3A_56, %swap3A_57], %swap3A_60 {strides = array<i32>} : memref<128x128xf32, #tpu.memory_space<vmem>>, vector<1x16xf32>,
        %get3A_61 = arith.index_cast %scan3A_34 : i32 to index
        %get3A_62 = arith.constant 32 : index
        %get3A_63 = tpu.vector_load %arg6[%get3A_61, %get3A_62] {strides = array<i32>} : memref<128x128xf32, #tpu.memory_space<vmem>>, vector<1x16xf32>,
        %get3A_64 = vector.shape_cast %get3A_63 : vector<1x16xf32> to vector<16xf32>
        %get3A_65 = arith.index_cast %scan3A_34 : i32 to index
        %get3A_66 = arith.constant 32 : index
        %get3A_67 = tpu.vector_load %arg7[%get3A_65, %get3A_66] {strides = array<i32>} : memref<128x128xf32, #tpu.memory_space<vmem>>, vector<1x16xf32>,
        %get3A_68 = vector.shape_cast %get3A_67 : vector<1x16xf32> to vector<16xf32>
        %add3A_69 = arith.addf %get3A_64, %get3A_68 : vector<16xf32>
        %swap3A_70 = arith.index_cast %scan3A_34 : i32 to index
        %swap3A_71 = arith.constant 32 : index
        %swap3A_72 = tpu.vector_load %arg6[%swap3A_70, %swap3A_71] {strides = array<i32>} : memref<128x128xf32, #tpu.memory_space<vmem>>, vector<1x16xf32>,
        %swap3A_73 = vector.shape_cast %swap3A_72 : vector<1x16xf32> to vector<16xf32>
        %swap3A_74 = vector.shape_cast %add3A_69 : vector<16xf32> to vector<1x16xf32>
        tpu.vector_store %arg6[%swap3A_70, %swap3A_71], %swap3A_74 {strides = array<i32>} : memref<128x128xf32, #tpu.memory_space<vmem>>, vector<1x16xf32>,
        %get3A_75 = arith.index_cast %scan3A_34 : i32 to index
        %get3A_76 = arith.constant 48 : index
        %get3A_77 = tpu.vector_load %arg6[%get3A_75, %get3A_76] {strides = array<i32>} : memref<128x128xf32, #tpu.memory_space<vmem>>, vector<1x16xf32>,
        %get3A_78 = vector.shape_cast %get3A_77 : vector<1x16xf32> to vector<16xf32>
        %get3A_79 = arith.index_cast %scan3A_34 : i32 to index
        %get3A_80 = arith.constant 48 : index
        %get3A_81 = tpu.vector_load %arg7[%get3A_79, %get3A_80] {strides = array<i32>} : memref<128x128xf32, #tpu.memory_space<vmem>>, vector<1x16xf32>,
        %get3A_82 = vector.shape_cast %get3A_81 : vector<1x16xf32> to vector<16xf32>
        %add3A_83 = arith.addf %get3A_78, %get3A_82 : vector<16xf32>
        %swap3A_84 = arith.index_cast %scan3A_34 : i32 to index
        %swap3A_85 = arith.constant 48 : index
        %swap3A_86 = tpu.vector_load %arg6[%swap3A_84, %swap3A_85] {strides = array<i32>} : memref<128x128xf32, #tpu.memory_space<vmem>>, vector<1x16xf32>,
        %swap3A_87 = vector.shape_cast %swap3A_86 : vector<1x16xf32> to vector<16xf32>
        %swap3A_88 = vector.shape_cast %add3A_83 : vector<16xf32> to vector<1x16xf32>
        tpu.vector_store %arg6[%swap3A_84, %swap3A_85], %swap3A_88 {strides = array<i32>} : memref<128x128xf32, #tpu.memory_space<vmem>>, vector<1x16xf32>,
        %get3A_89 = arith.index_cast %scan3A_34 : i32 to index
        %get3A_90 = arith.constant 64 : index
        %get3A_91 = tpu.vector_load %arg6[%get3A_89, %get3A_90] {strides = array<i32>} : memref<128x128xf32, #tpu.memory_space<vmem>>, vector<1x16xf32>,
        %get3A_92 = vector.shape_cast %get3A_91 : vector<1x16xf32> to vector<16xf32>
        %get3A_93 = arith.index_cast %scan3A_34 : i32 to index
        %get3A_94 = arith.constant 64 : index
        %get3A_95 = tpu.vector_load %arg7[%get3A_93, %get3A_94] {strides = array<i32>} : memref<128x128xf32, #tpu.memory_space<vmem>>, vector<1x16xf32>,
        %get3A_96 = vector.shape_cast %get3A_95 : vector<1x16xf32> to vector<16xf32>
        %add3A_97 = arith.addf %get3A_92, %get3A_96 : vector<16xf32>
        %swap3A_98 = arith.index_cast %scan3A_34 : i32 to index
        %swap3A_99 = arith.constant 64 : index
        %swap3A_100 = tpu.vector_load %arg6[%swap3A_98, %swap3A_99] {strides = array<i32>} : memref<128x128xf32, #tpu.memory_space<vmem>>, vector<1x16xf32>,
        %swap3A_101 = vector.shape_cast %swap3A_100 : vector<1x16xf32> to vector<16xf32>
        %swap3A_102 = vector.shape_cast %add3A_97 : vector<16xf32> to vector<1x16xf32>
        tpu.vector_store %arg6[%swap3A_98, %swap3A_99], %swap3A_102 {strides = array<i32>} : memref<128x128xf32, #tpu.memory_space<vmem>>, vector<1x16xf32>,
        %get3A_103 = arith.index_cast %scan3A_34 : i32 to index
        %get3A_104 = arith.constant 80 : index
        %get3A_105 = tpu.vector_load %arg6[%get3A_103, %get3A_104] {strides = array<i32>} : memref<128x128xf32, #tpu.memory_space<vmem>>, vector<1x16xf32>,
        %get3A_106 = vector.shape_cast %get3A_105 : vector<1x16xf32> to vector<16xf32>
        %get3A_107 = arith.index_cast %scan3A_34 : i32 to index
        %get3A_108 = arith.constant 80 : index
        %get3A_109 = tpu.vector_load %arg7[%get3A_107, %get3A_108] {strides = array<i32>} : memref<128x128xf32, #tpu.memory_space<vmem>>, vector<1x16xf32>,
        %get3A_110 = vector.shape_cast %get3A_109 : vector<1x16xf32> to vector<16xf32>
        %add3A_111 = arith.addf %get3A_106, %get3A_110 : vector<16xf32>
        %swap3A_112 = arith.index_cast %scan3A_34 : i32 to index
        %swap3A_113 = arith.constant 80 : index
        %swap3A_114 = tpu.vector_load %arg6[%swap3A_112, %swap3A_113] {strides = array<i32>} : memref<128x128xf32, #tpu.memory_space<vmem>>, vector<1x16xf32>,
        %swap3A_115 = vector.shape_cast %swap3A_114 : vector<1x16xf32> to vector<16xf32>
        %swap3A_116 = vector.shape_cast %add3A_111 : vector<16xf32> to vector<1x16xf32>
        tpu.vector_store %arg6[%swap3A_112, %swap3A_113], %swap3A_116 {strides = array<i32>} : memref<128x128xf32, #tpu.memory_space<vmem>>, vector<1x16xf32>,
        %get3A_117 = arith.index_cast %scan3A_34 : i32 to index
        %get3A_118 = arith.constant 96 : index
        %get3A_119 = tpu.vector_load %arg6[%get3A_117, %get3A_118] {strides = array<i32>} : memref<128x128xf32, #tpu.memory_space<vmem>>, vector<1x16xf32>,
        %get3A_120 = vector.shape_cast %get3A_119 : vector<1x16xf32> to vector<16xf32>
        %get3A_121 = arith.index_cast %scan3A_34 : i32 to index
        %get3A_122 = arith.constant 96 : index
        %get3A_123 = tpu.vector_load %arg7[%get3A_121, %get3A_122] {strides = array<i32>} : memref<128x128xf32, #tpu.memory_space<vmem>>, vector<1x16xf32>,
        %get3A_124 = vector.shape_cast %get3A_123 : vector<1x16xf32> to vector<16xf32>
        %add3A_125 = arith.addf %get3A_120, %get3A_124 : vector<16xf32>
        %swap3A_126 = arith.index_cast %scan3A_34 : i32 to index
        %swap3A_127 = arith.constant 96 : index
        %swap3A_128 = tpu.vector_load %arg6[%swap3A_126, %swap3A_127] {strides = array<i32>} : memref<128x128xf32, #tpu.memory_space<vmem>>, vector<1x16xf32>,
        %swap3A_129 = vector.shape_cast %swap3A_128 : vector<1x16xf32> to vector<16xf32>
        %swap3A_130 = vector.shape_cast %add3A_125 : vector<16xf32> to vector<1x16xf32>
        tpu.vector_store %arg6[%swap3A_126, %swap3A_127], %swap3A_130 {strides = array<i32>} : memref<128x128xf32, #tpu.memory_space<vmem>>, vector<1x16xf32>,
        %get3A_131 = arith.index_cast %scan3A_34 : i32 to index
        %get3A_132 = arith.constant 112 : index
        %get3A_133 = tpu.vector_load %arg6[%get3A_131, %get3A_132] {strides = array<i32>} : memref<128x128xf32, #tpu.memory_space<vmem>>, vector<1x16xf32>,
        %get3A_134 = vector.shape_cast %get3A_133 : vector<1x16xf32> to vector<16xf32>
        %get3A_135 = arith.index_cast %scan3A_34 : i32 to index
        %get3A_136 = arith.constant 112 : index
        %get3A_137 = tpu.vector_load %arg7[%get3A_135, %get3A_136] {strides = array<i32>} : memref<128x128xf32, #tpu.memory_space<vmem>>, vector<1x16xf32>,
        %get3A_138 = vector.shape_cast %get3A_137 : vector<1x16xf32> to vector<16xf32>
        %add3A_139 = arith.addf %get3A_134, %get3A_138 : vector<16xf32>
        %swap3A_140 = arith.index_cast %scan3A_34 : i32 to index
        %swap3A_141 = arith.constant 112 : index
        %swap3A_142 = tpu.vector_load %arg6[%swap3A_140, %swap3A_141] {strides = array<i32>} : memref<128x128xf32, #tpu.memory_space<vmem>>, vector<1x16xf32>,
        %swap3A_143 = vector.shape_cast %swap3A_142 : vector<1x16xf32> to vector<16xf32>
        %swap3A_144 = vector.shape_cast %add3A_139 : vector<16xf32> to vector<1x16xf32>
        tpu.vector_store %arg6[%swap3A_140, %swap3A_141], %swap3A_144 {strides = array<i32>} : memref<128x128xf32, #tpu.memory_space<vmem>>, vector<1x16xf32>,
      }
      %scan3A_33 = arith.constant 128 : i32
      "tpu.region"() ({
        %run_scoped3A = tpu.sem_alloc : memref<!tpu.dma_semaphore, #tpu.memory_space<semaphore_mem>>
        %dma_start3A_34 = arith.constant 0 : i32
        %dma_start3A_35 = tpu.memref_slice %arg8[%add3A_26, %dma_start3A_34] : memref<10240x128xf32, #tpu.memory_space<vmem_shared>> -> memref<128x128xf32, #tpu.memory_space<vmem_shared>>
        %dma_start3A_36 = arith.constant 0 : i32
        %dma_start3A_37 = tpu.memref_slice %arg8[%add3A_26, %dma_start3A_36] : memref<10240x128xf32, #tpu.memory_space<vmem_shared>> -> memref<128x128xf32, #tpu.memory_space<vmem_shared>>
        tpu.enqueue_dma source(%arg6 : memref<128x128xf32, #tpu.memory_space<vmem>>) target(%dma_start3A_37 : memref<128x128xf32, #tpu.memory_space<vmem_shared>>) target_semaphore(%run_scoped3A : memref<!tpu.dma_semaphore, #tpu.memory_space<semaphore_mem>>)
        %dma_wait3A_38 = arith.constant 0 : i32
        %dma_wait3A_39 = tpu.memref_slice %arg8[%add3A_26, %dma_wait3A_38] : memref<10240x128xf32, #tpu.memory_space<vmem_shared>> -> memref<128x128xf32, #tpu.memory_space<vmem_shared>>
        %dma_wait3A_40 = arith.constant 0 : i32
        %dma_wait3A_41 = tpu.memref_slice %arg8[%add3A_26, %dma_wait3A_40] : memref<10240x128xf32, #tpu.memory_space<vmem_shared>> -> memref<128x128xf32, #tpu.memory_space<vmem_shared>>
        tpu.wait_dma2 semaphore(%run_scoped3A : memref<!tpu.dma_semaphore, #tpu.memory_space<semaphore_mem>>) src(%arg6 : memref<128x128xf32, #tpu.memory_space<vmem>>) dst(%dma_wait3A_41 : memref<128x128xf32, #tpu.memory_space<vmem_shared>>)
        tpu.yield
      }) : () -> ()
    }
    %scan3A_6 = arith.constant 5 : i32
    %barrier3A = arith.constant 0 : index
    tpu.barrier barrier_id(%barrier3A)
    %dma_start3A = arith.constant 0 : i32
    %dma_start3A_7 = arith.constant 0 : i32
    %dma_start3A_8 = tpu.memref_slice %arg5[%dma_start3A, %dma_start3A_7] : memref<40x128xi32, #tpu.memory_space<vmem>> -> memref<1x128xi32, #tpu.memory_space<vmem>>
    %dma_start3A_9 = tpu.memref_squeeze %dma_start3A_8 : memref<1x128xi32, #tpu.memory_space<vmem>> -> memref<128xi32, #tpu.memory_space<vmem>>
    %dma_start3A_10 = arith.constant 0 : i32
    %dma_start3A_11 = arith.constant 0 : i32
    %dma_start3A_12 = tpu.memref_slice %arg8[%dma_start3A_10, %dma_start3A_11] : memref<10240x128xf32, #tpu.memory_space<vmem_shared>> -> memref<10240x128xf32, #tpu.memory_space<vmem_shared>>
    tpu.enqueue_indirect_dma source(%dma_start3A_12 : memref<10240x128xf32, #tpu.memory_space<vmem_shared>>) target(%arg6 : memref<128x128xf32, #tpu.memory_space<vmem>>) offsets(%dma_start3A_9 : memref<128xi32, #tpu.memory_space<vmem>>) semaphore(%arg9 : memref<!tpu.dma_semaphore, #tpu.memory_space<semaphore_mem>>)
    %scan3A_13 = arith.constant 0 : i32
    %scan3A_14 = arith.constant 20 : i32
    %scan3A_15 = arith.addi %scan3A_13, %scan3A_14 : i32
    %scan3A_16 = arith.constant 1 : i32
    scf.for %scan3A_21 = %scan3A_13 to %scan3A_15 step %scan3A_16  : i32 {
      %mul3A_22 = arith.constant 2 : i32
      %mul3A_23 = arith.muli %mul3A_22, %scan3A_21 : i32
      %dma_wait3A_24 = arith.constant 0 : i32
      %dma_wait3A_25 = arith.constant 0 : i32
      %dma_wait3A_26 = tpu.memref_slice %arg5[%dma_wait3A_24, %dma_wait3A_25] : memref<40x128xi32, #tpu.memory_space<vmem>> -> memref<1x128xi32, #tpu.memory_space<vmem>>
      %dma_wait3A_27 = tpu.memref_squeeze %dma_wait3A_26 : memref<1x128xi32, #tpu.memory_space<vmem>> -> memref<128xi32, #tpu.memory_space<vmem>>
      %dma_wait3A_28 = arith.constant 0 : i32
      %dma_wait3A_29 = arith.constant 0 : i32
      %dma_wait3A_30 = tpu.memref_slice %arg8[%dma_wait3A_28, %dma_wait3A_29] : memref<10240x128xf32, #tpu.memory_space<vmem_shared>> -> memref<10240x128xf32, #tpu.memory_space<vmem_shared>>
      tpu.wait_indirect_dma semaphore(%arg9 : memref<!tpu.dma_semaphore, #tpu.memory_space<semaphore_mem>>) src(%dma_wait3A_30 : memref<10240x128xf32, #tpu.memory_space<vmem_shared>>) dst(%arg6 : memref<128x128xf32, #tpu.memory_space<vmem>>)
      %gt3A = arith.constant 0 : i32
      %gt3A_31 = arith.cmpi sgt, %scan3A_21, %gt3A : i32
      %convert_element_type3A = arith.extui %gt3A_31 : i1 to i32
      %cond3A = arith.constant 0 : i32
      %cond3A_32 = arith.cmpi ne, %convert_element_type3A, %cond3A : i32
      scf.if %cond3A_32 {
        %dma_wait3A_72 = arith.constant 0 : i32
        %dma_wait3A_73 = tpu.memref_slice %arg4[%mul3A_2, %dma_wait3A_72] : memref<163840x128xf32, #tpu.memory_space<hbm>> -> memref<128x128xf32, #tpu.memory_space<hbm>>
        %dma_wait3A_74 = arith.constant 0 : i32
        %dma_wait3A_75 = tpu.memref_slice %arg4[%mul3A_2, %dma_wait3A_74] : memref<163840x128xf32, #tpu.memory_space<hbm>> -> memref<128x128xf32, #tpu.memory_space<hbm>>
        tpu.wait_dma2 semaphore(%arg12 : memref<!tpu.dma_semaphore, #tpu.memory_space<semaphore_mem>>) src(%arg7 : memref<128x128xf32, #tpu.memory_space<vmem>>) dst(%dma_wait3A_75 : memref<128x128xf32, #tpu.memory_space<hbm>>)
      } else {
      }
      %add3A_33 = arith.constant 1 : i32
      %add3A_34 = arith.addi %mul3A_23, %add3A_33 : i32
      %dma_start3A_35 = arith.constant 0 : i32
      %dma_start3A_36 = tpu.memref_slice %arg5[%add3A_34, %dma_start3A_35] : memref<40x128xi32, #tpu.memory_space<vmem>> -> memref<1x128xi32, #tpu.memory_space<vmem>>
      %dma_start3A_37 = tpu.memref_squeeze %dma_start3A_36 : memref<1x128xi32, #tpu.memory_space<vmem>> -> memref<128xi32, #tpu.memory_space<vmem>>
      %dma_start3A_38 = arith.constant 0 : i32
      %dma_start3A_39 = arith.constant 0 : i32
      %dma_start3A_40 = tpu.memref_slice %arg8[%dma_start3A_38, %dma_start3A_39] : memref<10240x128xf32, #tpu.memory_space<vmem_shared>> -> memref<10240x128xf32, #tpu.memory_space<vmem_shared>>
      tpu.enqueue_indirect_dma source(%dma_start3A_40 : memref<10240x128xf32, #tpu.memory_space<vmem_shared>>) target(%arg7 : memref<128x128xf32, #tpu.memory_space<vmem>>) offsets(%dma_start3A_37 : memref<128xi32, #tpu.memory_space<vmem>>) semaphore(%arg10 : memref<!tpu.dma_semaphore, #tpu.memory_space<semaphore_mem>>)
      %mul3A_41 = arith.constant 128 : i32
      %mul3A_42 = arith.muli %mul3A_23, %mul3A_41 : i32
      %add3A_43 = arith.addi %mul3A_2, %mul3A_42 : i32
      %dma_start3A_44 = arith.constant 0 : i32
      %dma_start3A_45 = tpu.memref_slice %arg4[%add3A_43, %dma_start3A_44] : memref<163840x128xf32, #tpu.memory_space<hbm>> -> memref<128x128xf32, #tpu.memory_space<hbm>>
      %dma_start3A_46 = arith.constant 0 : i32
      %dma_start3A_47 = tpu.memref_slice %arg4[%add3A_43, %dma_start3A_46] : memref<163840x128xf32, #tpu.memory_space<hbm>> -> memref<128x128xf32, #tpu.memory_space<hbm>>
      tpu.enqueue_dma source(%arg6 : memref<128x128xf32, #tpu.memory_space<vmem>>) target(%dma_start3A_47 : memref<128x128xf32, #tpu.memory_space<hbm>>) target_semaphore(%arg11 : memref<!tpu.dma_semaphore, #tpu.memory_space<semaphore_mem>>)
      %dma_wait3A_48 = arith.constant 0 : i32
      %dma_wait3A_49 = arith.constant 0 : i32
      %dma_wait3A_50 = tpu.memref_slice %arg5[%dma_wait3A_48, %dma_wait3A_49] : memref<40x128xi32, #tpu.memory_space<vmem>> -> memref<1x128xi32, #tpu.memory_space<vmem>>
      %dma_wait3A_51 = tpu.memref_squeeze %dma_wait3A_50 : memref<1x128xi32, #tpu.memory_space<vmem>> -> memref<128xi32, #tpu.memory_space<vmem>>
      %dma_wait3A_52 = arith.constant 0 : i32
      %dma_wait3A_53 = arith.constant 0 : i32
      %dma_wait3A_54 = tpu.memref_slice %arg8[%dma_wait3A_52, %dma_wait3A_53] : memref<10240x128xf32, #tpu.memory_space<vmem_shared>> -> memref<10240x128xf32, #tpu.memory_space<vmem_shared>>
      tpu.wait_indirect_dma semaphore(%arg10 : memref<!tpu.dma_semaphore, #tpu.memory_space<semaphore_mem>>) src(%dma_wait3A_54 : memref<10240x128xf32, #tpu.memory_space<vmem_shared>>) dst(%arg7 : memref<128x128xf32, #tpu.memory_space<vmem>>)
      %dma_wait3A_55 = arith.constant 0 : i32
      %dma_wait3A_56 = tpu.memref_slice %arg4[%mul3A_2, %dma_wait3A_55] : memref<163840x128xf32, #tpu.memory_space<hbm>> -> memref<128x128xf32, #tpu.memory_space<hbm>>
      %dma_wait3A_57 = arith.constant 0 : i32
      %dma_wait3A_58 = tpu.memref_slice %arg4[%mul3A_2, %dma_wait3A_57] : memref<163840x128xf32, #tpu.memory_space<hbm>> -> memref<128x128xf32, #tpu.memory_space<hbm>>
      tpu.wait_dma2 semaphore(%arg11 : memref<!tpu.dma_semaphore, #tpu.memory_space<semaphore_mem>>) src(%arg6 : memref<128x128xf32, #tpu.memory_space<vmem>>) dst(%dma_wait3A_58 : memref<128x128xf32, #tpu.memory_space<hbm>>)
      %lt3A = arith.constant 19 : i32
      %lt3A_59 = arith.cmpi slt, %scan3A_21, %lt3A : i32
      %convert_element_type3A_60 = arith.extui %lt3A_59 : i1 to i32
      %cond3A_61 = arith.constant 0 : i32
      %cond3A_62 = arith.cmpi ne, %convert_element_type3A_60, %cond3A_61 : i32
      scf.if %cond3A_62 {
        %add3A_72 = arith.constant 2 : i32
        %add3A_73 = arith.addi %mul3A_23, %add3A_72 : i32
        %dma_start3A_74 = arith.constant 0 : i32
        %dma_start3A_75 = tpu.memref_slice %arg5[%add3A_73, %dma_start3A_74] : memref<40x128xi32, #tpu.memory_space<vmem>> -> memref<1x128xi32, #tpu.memory_space<vmem>>
        %dma_start3A_76 = tpu.memref_squeeze %dma_start3A_75 : memref<1x128xi32, #tpu.memory_space<vmem>> -> memref<128xi32, #tpu.memory_space<vmem>>
        %dma_start3A_77 = arith.constant 0 : i32
        %dma_start3A_78 = arith.constant 0 : i32
        %dma_start3A_79 = tpu.memref_slice %arg8[%dma_start3A_77, %dma_start3A_78] : memref<10240x128xf32, #tpu.memory_space<vmem_shared>> -> memref<10240x128xf32, #tpu.memory_space<vmem_shared>>
        tpu.enqueue_indirect_dma source(%dma_start3A_79 : memref<10240x128xf32, #tpu.memory_space<vmem_shared>>) target(%arg6 : memref<128x128xf32, #tpu.memory_space<vmem>>) offsets(%dma_start3A_76 : memref<128xi32, #tpu.memory_space<vmem>>) semaphore(%arg9 : memref<!tpu.dma_semaphore, #tpu.memory_space<semaphore_mem>>)
      } else {
      }
      %add3A_63 = arith.constant 1 : i32
      %add3A_64 = arith.addi %mul3A_23, %add3A_63 : i32
      %mul3A_65 = arith.constant 128 : i32
      %mul3A_66 = arith.muli %add3A_64, %mul3A_65 : i32
      %add3A_67 = arith.addi %mul3A_2, %mul3A_66 : i32
      %dma_start3A_68 = arith.constant 0 : i32
      %dma_start3A_69 = tpu.memref_slice %arg4[%add3A_67, %dma_start3A_68] : memref<163840x128xf32, #tpu.memory_space<hbm>> -> memref<128x128xf32, #tpu.memory_space<hbm>>
      %dma_start3A_70 = arith.constant 0 : i32
      %dma_start3A_71 = tpu.memref_slice %arg4[%add3A_67, %dma_start3A_70] : memref<163840x128xf32, #tpu.memory_space<hbm>> -> memref<128x128xf32, #tpu.memory_space<hbm>>
      tpu.enqueue_dma source(%arg7 : memref<128x128xf32, #tpu.memory_space<vmem>>) target(%dma_start3A_71 : memref<128x128xf32, #tpu.memory_space<hbm>>) target_semaphore(%arg12 : memref<!tpu.dma_semaphore, #tpu.memory_space<semaphore_mem>>)
    }
    %scan3A_17 = arith.constant 20 : i32
    %dma_wait3A = arith.constant 0 : i32
    %dma_wait3A_18 = tpu.memref_slice %arg4[%mul3A_2, %dma_wait3A] : memref<163840x128xf32, #tpu.memory_space<hbm>> -> memref<128x128xf32, #tpu.memory_space<hbm>>
    %dma_wait3A_19 = arith.constant 0 : i32
    %dma_wait3A_20 = tpu.memref_slice %arg4[%mul3A_2, %dma_wait3A_19] : memref<163840x128xf32, #tpu.memory_space<hbm>> -> memref<128x128xf32, #tpu.memory_space<hbm>>
    tpu.wait_dma2 semaphore(%arg12 : memref<!tpu.dma_semaphore, #tpu.memory_space<semaphore_mem>>) src(%arg7 : memref<128x128xf32, #tpu.memory_space<vmem>>) dst(%dma_wait3A_20 : memref<128x128xf32, #tpu.memory_space<hbm>>)
    return
  }
}

#map = affine_map<(d0, d1) -> (0, 0)>
#map1 = affine_map<(d0, d1) -> (0, 0, 0)>
module attributes {stable_mosaic.version = 14 : i64} {
  func.func @_sc_scatter(%arg0: i32, %arg1: i32, %arg2: memref<163840x128xf32, #tpu.memory_space<hbm>>, %arg3: memref<32x40x128xi32, #tpu.memory_space<hbm>>, %arg4: memref<20480x128xf32, #tpu.memory_space<hbm>>, %arg5: memref<40x128xi32, #tpu.memory_space<vmem>>, %arg6: memref<128x128xf32, #tpu.memory_space<vmem>>, %arg7: memref<128x128xf32, #tpu.memory_space<vmem>>, %arg8: memref<64x128xf32, #tpu.memory_space<vmem>>, %arg9: memref<10240x128xf32, #tpu.memory_space<vmem_shared>>, %arg10: memref<!tpu.dma_semaphore, #tpu.memory_space<semaphore_mem>>, %arg11: memref<!tpu.dma_semaphore, #tpu.memory_space<semaphore_mem>>, %arg12: memref<!tpu.dma_semaphore, #tpu.memory_space<semaphore_mem>>, %arg13: memref<!tpu.dma_semaphore, #tpu.memory_space<semaphore_mem>>) attributes {dimension_semantics = [#tpu.dimension_semantics<core_parallel>, #tpu.dimension_semantics<subcore_parallel>], iteration_bounds = array<i64: 2, 16>, scalar_prefetch = 0 : i64, scratch_operands = 9 : i64, tpu.core_type = #tpu.core_type<sc_vector_subcore>, window_params = [{transform_indices = #map}, {transform_indices = #map1}, {transform_indices = #map}]} {
    %mul3A = arith.constant 16 : i32
    %mul3A_0 = arith.muli %arg0, %mul3A : i32
    %add3A = arith.addi %mul3A_0, %arg1 : i32
    %mul3A_1 = arith.constant 5120 : i32
    %mul3A_2 = arith.muli %add3A, %mul3A_1 : i32
    %scan3A = arith.constant 0 : i32
    %scan3A_3 = arith.constant 64 : i32
    %scan3A_4 = arith.addi %scan3A, %scan3A_3 : i32
    %scan3A_5 = arith.constant 1 : i32
    scf.for %scan3A_34 = %scan3A to %scan3A_4 step %scan3A_5  : i32 {
      %broadcast_in_dim3A = arith.constant 0.000000e+00 : f32
      %broadcast_in_dim3A_35 = vector.broadcast %broadcast_in_dim3A : f32 to vector<16xf32>
      %swap3A = arith.index_cast %scan3A_34 : i32 to index
      %swap3A_36 = arith.constant 0 : index
      %swap3A_37 = tpu.vector_load %arg8[%swap3A, %swap3A_36] {strides = array<i32>} : memref<64x128xf32, #tpu.memory_space<vmem>>, vector<1x16xf32>,
      %swap3A_38 = vector.shape_cast %swap3A_37 : vector<1x16xf32> to vector<16xf32>
      %swap3A_39 = vector.shape_cast %broadcast_in_dim3A_35 : vector<16xf32> to vector<1x16xf32>
      tpu.vector_store %arg8[%swap3A, %swap3A_36], %swap3A_39 {strides = array<i32>} : memref<64x128xf32, #tpu.memory_space<vmem>>, vector<1x16xf32>,
      %broadcast_in_dim3A_40 = arith.constant 0.000000e+00 : f32
      %broadcast_in_dim3A_41 = vector.broadcast %broadcast_in_dim3A_40 : f32 to vector<16xf32>
      %swap3A_42 = arith.index_cast %scan3A_34 : i32 to index
      %swap3A_43 = arith.constant 16 : index
      %swap3A_44 = tpu.vector_load %arg8[%swap3A_42, %swap3A_43] {strides = array<i32>} : memref<64x128xf32, #tpu.memory_space<vmem>>, vector<1x16xf32>,
      %swap3A_45 = vector.shape_cast %swap3A_44 : vector<1x16xf32> to vector<16xf32>
      %swap3A_46 = vector.shape_cast %broadcast_in_dim3A_41 : vector<16xf32> to vector<1x16xf32>
      tpu.vector_store %arg8[%swap3A_42, %swap3A_43], %swap3A_46 {strides = array<i32>} : memref<64x128xf32, #tpu.memory_space<vmem>>, vector<1x16xf32>,
      %broadcast_in_dim3A_47 = arith.constant 0.000000e+00 : f32
      %broadcast_in_dim3A_48 = vector.broadcast %broadcast_in_dim3A_47 : f32 to vector<16xf32>
      %swap3A_49 = arith.index_cast %scan3A_34 : i32 to index
      %swap3A_50 = arith.constant 32 : index
      %swap3A_51 = tpu.vector_load %arg8[%swap3A_49, %swap3A_50] {strides = array<i32>} : memref<64x128xf32, #tpu.memory_space<vmem>>, vector<1x16xf32>,
      %swap3A_52 = vector.shape_cast %swap3A_51 : vector<1x16xf32> to vector<16xf32>
      %swap3A_53 = vector.shape_cast %broadcast_in_dim3A_48 : vector<16xf32> to vector<1x16xf32>
      tpu.vector_store %arg8[%swap3A_49, %swap3A_50], %swap3A_53 {strides = array<i32>} : memref<64x128xf32, #tpu.memory_space<vmem>>, vector<1x16xf32>,
      %broadcast_in_dim3A_54 = arith.constant 0.000000e+00 : f32
      %broadcast_in_dim3A_55 = vector.broadcast %broadcast_in_dim3A_54 : f32 to vector<16xf32>
      %swap3A_56 = arith.index_cast %scan3A_34 : i32 to index
      %swap3A_57 = arith.constant 48 : index
      %swap3A_58 = tpu.vector_load %arg8[%swap3A_56, %swap3A_57] {strides = array<i32>} : memref<64x128xf32, #tpu.memory_space<vmem>>, vector<1x16xf32>,
      %swap3A_59 = vector.shape_cast %swap3A_58 : vector<1x16xf32> to vector<16xf32>
      %swap3A_60 = vector.shape_cast %broadcast_in_dim3A_55 : vector<16xf32> to vector<1x16xf32>
      tpu.vector_store %arg8[%swap3A_56, %swap3A_57], %swap3A_60 {strides = array<i32>} : memref<64x128xf32, #tpu.memory_space<vmem>>, vector<1x16xf32>,
      %broadcast_in_dim3A_61 = arith.constant 0.000000e+00 : f32
      %broadcast_in_dim3A_62 = vector.broadcast %broadcast_in_dim3A_61 : f32 to vector<16xf32>
      %swap3A_63 = arith.index_cast %scan3A_34 : i32 to index
      %swap3A_64 = arith.constant 64 : index
      %swap3A_65 = tpu.vector_load %arg8[%swap3A_63, %swap3A_64] {strides = array<i32>} : memref<64x128xf32, #tpu.memory_space<vmem>>, vector<1x16xf32>,
      %swap3A_66 = vector.shape_cast %swap3A_65 : vector<1x16xf32> to vector<16xf32>
      %swap3A_67 = vector.shape_cast %broadcast_in_dim3A_62 : vector<16xf32> to vector<1x16xf32>
      tpu.vector_store %arg8[%swap3A_63, %swap3A_64], %swap3A_67 {strides = array<i32>} : memref<64x128xf32, #tpu.memory_space<vmem>>, vector<1x16xf32>,
      %broadcast_in_dim3A_68 = arith.constant 0.000000e+00 : f32
      %broadcast_in_dim3A_69 = vector.broadcast %broadcast_in_dim3A_68 : f32 to vector<16xf32>
      %swap3A_70 = arith.index_cast %scan3A_34 : i32 to index
      %swap3A_71 = arith.constant 80 : index
      %swap3A_72 = tpu.vector_load %arg8[%swap3A_70, %swap3A_71] {strides = array<i32>} : memref<64x128xf32, #tpu.memory_space<vmem>>, vector<1x16xf32>,
      %swap3A_73 = vector.shape_cast %swap3A_72 : vector<1x16xf32> to vector<16xf32>
      %swap3A_74 = vector.shape_cast %broadcast_in_dim3A_69 : vector<16xf32> to vector<1x16xf32>
      tpu.vector_store %arg8[%swap3A_70, %swap3A_71], %swap3A_74 {strides = array<i32>} : memref<64x128xf32, #tpu.memory_space<vmem>>, vector<1x16xf32>,
      %broadcast_in_dim3A_75 = arith.constant 0.000000e+00 : f32
      %broadcast_in_dim3A_76 = vector.broadcast %broadcast_in_dim3A_75 : f32 to vector<16xf32>
      %swap3A_77 = arith.index_cast %scan3A_34 : i32 to index
      %swap3A_78 = arith.constant 96 : index
      %swap3A_79 = tpu.vector_load %arg8[%swap3A_77, %swap3A_78] {strides = array<i32>} : memref<64x128xf32, #tpu.memory_space<vmem>>, vector<1x16xf32>,
      %swap3A_80 = vector.shape_cast %swap3A_79 : vector<1x16xf32> to vector<16xf32>
      %swap3A_81 = vector.shape_cast %broadcast_in_dim3A_76 : vector<16xf32> to vector<1x16xf32>
      tpu.vector_store %arg8[%swap3A_77, %swap3A_78], %swap3A_81 {strides = array<i32>} : memref<64x128xf32, #tpu.memory_space<vmem>>, vector<1x16xf32>,
      %broadcast_in_dim3A_82 = arith.constant 0.000000e+00 : f32
      %broadcast_in_dim3A_83 = vector.broadcast %broadcast_in_dim3A_82 : f32 to vector<16xf32>
      %swap3A_84 = arith.index_cast %scan3A_34 : i32 to index
      %swap3A_85 = arith.constant 112 : index
      %swap3A_86 = tpu.vector_load %arg8[%swap3A_84, %swap3A_85] {strides = array<i32>} : memref<64x128xf32, #tpu.memory_space<vmem>>, vector<1x16xf32>,
      %swap3A_87 = vector.shape_cast %swap3A_86 : vector<1x16xf32> to vector<16xf32>
      %swap3A_88 = vector.shape_cast %broadcast_in_dim3A_83 : vector<16xf32> to vector<1x16xf32>
      tpu.vector_store %arg8[%swap3A_84, %swap3A_85], %swap3A_88 {strides = array<i32>} : memref<64x128xf32, #tpu.memory_space<vmem>>, vector<1x16xf32>,
    }
    %scan3A_6 = arith.constant 64 : i32
    %scan3A_7 = arith.constant 0 : i32
    %scan3A_8 = arith.constant 10 : i32
    %scan3A_9 = arith.addi %scan3A_7, %scan3A_8 : i32
    %scan3A_10 = arith.constant 1 : i32
    scf.for %scan3A_34 = %scan3A_7 to %scan3A_9 step %scan3A_10  : i32 {
      %mul3A_35 = arith.constant 640 : i32
      %mul3A_36 = arith.muli %arg1, %mul3A_35 : i32
      %mul3A_37 = arith.constant 64 : i32
      %mul3A_38 = arith.muli %scan3A_34, %mul3A_37 : i32
      %add3A_39 = arith.addi %mul3A_36, %mul3A_38 : i32
      "tpu.region"() ({
        %run_scoped3A = tpu.sem_alloc : memref<!tpu.dma_semaphore, #tpu.memory_space<semaphore_mem>>
        %dma_start3A_40 = arith.constant 0 : i32
        %dma_start3A_41 = tpu.memref_slice %arg9[%add3A_39, %dma_start3A_40] : memref<10240x128xf32, #tpu.memory_space<vmem_shared>> -> memref<64x128xf32, #tpu.memory_space<vmem_shared>>
        %dma_start3A_42 = arith.constant 0 : i32
        %dma_start3A_43 = tpu.memref_slice %arg9[%add3A_39, %dma_start3A_42] : memref<10240x128xf32, #tpu.memory_space<vmem_shared>> -> memref<64x128xf32, #tpu.memory_space<vmem_shared>>
        tpu.enqueue_dma source(%arg8 : memref<64x128xf32, #tpu.memory_space<vmem>>) target(%dma_start3A_43 : memref<64x128xf32, #tpu.memory_space<vmem_shared>>) target_semaphore(%run_scoped3A : memref<!tpu.dma_semaphore, #tpu.memory_space<semaphore_mem>>)
        %dma_wait3A_44 = arith.constant 0 : i32
        %dma_wait3A_45 = tpu.memref_slice %arg9[%add3A_39, %dma_wait3A_44] : memref<10240x128xf32, #tpu.memory_space<vmem_shared>> -> memref<64x128xf32, #tpu.memory_space<vmem_shared>>
        %dma_wait3A_46 = arith.constant 0 : i32
        %dma_wait3A_47 = tpu.memref_slice %arg9[%add3A_39, %dma_wait3A_46] : memref<10240x128xf32, #tpu.memory_space<vmem_shared>> -> memref<64x128xf32, #tpu.memory_space<vmem_shared>>
        tpu.wait_dma2 semaphore(%run_scoped3A : memref<!tpu.dma_semaphore, #tpu.memory_space<semaphore_mem>>) src(%arg8 : memref<64x128xf32, #tpu.memory_space<vmem>>) dst(%dma_wait3A_47 : memref<64x128xf32, #tpu.memory_space<vmem_shared>>)
        tpu.yield
      }) : () -> ()
    }
    %scan3A_11 = arith.constant 10 : i32
    %barrier3A = arith.constant 0 : index
    tpu.barrier barrier_id(%barrier3A)
    "tpu.region"() ({
      %run_scoped3A = tpu.sem_alloc : memref<!tpu.dma_semaphore, #tpu.memory_space<semaphore_mem>>
      %dma_start3A_34 = arith.constant 0 : i32
      %dma_start3A_35 = arith.constant 0 : i32
      %dma_start3A_36 = tpu.memref_slice %arg3[%add3A, %dma_start3A_34, %dma_start3A_35] : memref<32x40x128xi32, #tpu.memory_space<hbm>> -> memref<1x40x128xi32, #tpu.memory_space<hbm>>
      %dma_start3A_37 = tpu.memref_squeeze %dma_start3A_36 : memref<1x40x128xi32, #tpu.memory_space<hbm>> -> memref<40x128xi32, #tpu.memory_space<hbm>>
      %dma_start3A_38 = arith.constant 0 : i32
      %dma_start3A_39 = arith.constant 0 : i32
      %dma_start3A_40 = tpu.memref_slice %arg3[%add3A, %dma_start3A_38, %dma_start3A_39] : memref<32x40x128xi32, #tpu.memory_space<hbm>> -> memref<1x40x128xi32, #tpu.memory_space<hbm>>
      %dma_start3A_41 = tpu.memref_squeeze %dma_start3A_40 : memref<1x40x128xi32, #tpu.memory_space<hbm>> -> memref<40x128xi32, #tpu.memory_space<hbm>>
      tpu.enqueue_dma source(%dma_start3A_41 : memref<40x128xi32, #tpu.memory_space<hbm>>) target(%arg5 : memref<40x128xi32, #tpu.memory_space<vmem>>) target_semaphore(%run_scoped3A : memref<!tpu.dma_semaphore, #tpu.memory_space<semaphore_mem>>)
      %dma_wait3A_42 = arith.constant 0 : i32
      %dma_wait3A_43 = arith.constant 0 : i32
      %dma_wait3A_44 = tpu.memref_slice %arg3[%add3A, %dma_wait3A_42, %dma_wait3A_43] : memref<32x40x128xi32, #tpu.memory_space<hbm>> -> memref<1x40x128xi32, #tpu.memory_space<hbm>>
      %dma_wait3A_45 = tpu.memref_squeeze %dma_wait3A_44 : memref<1x40x128xi32, #tpu.memory_space<hbm>> -> memref<40x128xi32, #tpu.memory_space<hbm>>
      %dma_wait3A_46 = arith.constant 0 : i32
      %dma_wait3A_47 = arith.constant 0 : i32
      %dma_wait3A_48 = tpu.memref_slice %arg3[%add3A, %dma_wait3A_46, %dma_wait3A_47] : memref<32x40x128xi32, #tpu.memory_space<hbm>> -> memref<1x40x128xi32, #tpu.memory_space<hbm>>
      %dma_wait3A_49 = tpu.memref_squeeze %dma_wait3A_48 : memref<1x40x128xi32, #tpu.memory_space<hbm>> -> memref<40x128xi32, #tpu.memory_space<hbm>>
      tpu.wait_dma2 semaphore(%run_scoped3A : memref<!tpu.dma_semaphore, #tpu.memory_space<semaphore_mem>>) src(%dma_wait3A_49 : memref<40x128xi32, #tpu.memory_space<hbm>>) dst(%arg5 : memref<40x128xi32, #tpu.memory_space<vmem>>)
      tpu.yield
    }) : () -> ()
    %add3A_12 = arith.constant 0 : i32
    %add3A_13 = arith.addi %mul3A_2, %add3A_12 : i32
    %dma_start3A = arith.constant 0 : i32
    %dma_start3A_14 = tpu.memref_slice %arg2[%add3A_13, %dma_start3A] : memref<163840x128xf32, #tpu.memory_space<hbm>> -> memref<128x128xf32, #tpu.memory_space<hbm>>
    %dma_start3A_15 = arith.constant 0 : i32
    %dma_start3A_16 = tpu.memref_slice %arg2[%add3A_13, %dma_start3A_15] : memref<163840x128xf32, #tpu.memory_space<hbm>> -> memref<128x128xf32, #tpu.memory_space<hbm>>
    tpu.enqueue_dma source(%dma_start3A_16 : memref<128x128xf32, #tpu.memory_space<hbm>>) target(%arg6 : memref<128x128xf32, #tpu.memory_space<vmem>>) target_semaphore(%arg10 : memref<!tpu.dma_semaphore, #tpu.memory_space<semaphore_mem>>)
    %scan3A_17 = arith.constant 0 : i32
    %scan3A_18 = arith.constant 20 : i32
    %scan3A_19 = arith.addi %scan3A_17, %scan3A_18 : i32
    %scan3A_20 = arith.constant 1 : i32
    scf.for %scan3A_34 = %scan3A_17 to %scan3A_19 step %scan3A_20  : i32 {
      %mul3A_35 = arith.constant 2 : i32
      %mul3A_36 = arith.muli %mul3A_35, %scan3A_34 : i32
      %dma_wait3A_37 = arith.constant 0 : i32
      %dma_wait3A_38 = tpu.memref_slice %arg2[%mul3A_2, %dma_wait3A_37] : memref<163840x128xf32, #tpu.memory_space<hbm>> -> memref<128x128xf32, #tpu.memory_space<hbm>>
      %dma_wait3A_39 = arith.constant 0 : i32
      %dma_wait3A_40 = tpu.memref_slice %arg2[%mul3A_2, %dma_wait3A_39] : memref<163840x128xf32, #tpu.memory_space<hbm>> -> memref<128x128xf32, #tpu.memory_space<hbm>>
      tpu.wait_dma2 semaphore(%arg10 : memref<!tpu.dma_semaphore, #tpu.memory_space<semaphore_mem>>) src(%dma_wait3A_40 : memref<128x128xf32, #tpu.memory_space<hbm>>) dst(%arg6 : memref<128x128xf32, #tpu.memory_space<vmem>>)
      %dma_start3A_41 = arith.constant 0 : i32
      %dma_start3A_42 = tpu.memref_slice %arg5[%mul3A_36, %dma_start3A_41] : memref<40x128xi32, #tpu.memory_space<vmem>> -> memref<1x128xi32, #tpu.memory_space<vmem>>
      %dma_start3A_43 = tpu.memref_squeeze %dma_start3A_42 : memref<1x128xi32, #tpu.memory_space<vmem>> -> memref<128xi32, #tpu.memory_space<vmem>>
      %dma_start3A_44 = arith.constant 0 : i32
      %dma_start3A_45 = arith.constant 0 : i32
      %dma_start3A_46 = tpu.memref_slice %arg9[%dma_start3A_44, %dma_start3A_45] : memref<10240x128xf32, #tpu.memory_space<vmem_shared>> -> memref<10240x128xf32, #tpu.memory_space<vmem_shared>>
      tpu.enqueue_indirect_dma source(%arg6 : memref<128x128xf32, #tpu.memory_space<vmem>>) target(%dma_start3A_46 : memref<10240x128xf32, #tpu.memory_space<vmem_shared>>) offsets(%dma_start3A_43 : memref<128xi32, #tpu.memory_space<vmem>>) semaphore(%arg12 : memref<!tpu.dma_semaphore, #tpu.memory_space<semaphore_mem>>) {add = true}
      %gt3A = arith.constant 0 : i32
      %gt3A_47 = arith.cmpi sgt, %scan3A_34, %gt3A : i32
      %convert_element_type3A = arith.extui %gt3A_47 : i1 to i32
      %cond3A = arith.constant 0 : i32
      %cond3A_48 = arith.cmpi ne, %convert_element_type3A, %cond3A : i32
      scf.if %cond3A_48 {
        %dma_wait3A_81 = arith.constant 0 : i32
        %dma_wait3A_82 = arith.constant 0 : i32
        %dma_wait3A_83 = tpu.memref_slice %arg5[%dma_wait3A_81, %dma_wait3A_82] : memref<40x128xi32, #tpu.memory_space<vmem>> -> memref<1x128xi32, #tpu.memory_space<vmem>>
        %dma_wait3A_84 = tpu.memref_squeeze %dma_wait3A_83 : memref<1x128xi32, #tpu.memory_space<vmem>> -> memref<128xi32, #tpu.memory_space<vmem>>
        %dma_wait3A_85 = arith.constant 0 : i32
        %dma_wait3A_86 = arith.constant 0 : i32
        %dma_wait3A_87 = tpu.memref_slice %arg9[%dma_wait3A_85, %dma_wait3A_86] : memref<10240x128xf32, #tpu.memory_space<vmem_shared>> -> memref<10240x128xf32, #tpu.memory_space<vmem_shared>>
        tpu.wait_indirect_dma semaphore(%arg13 : memref<!tpu.dma_semaphore, #tpu.memory_space<semaphore_mem>>) src(%arg7 : memref<128x128xf32, #tpu.memory_space<vmem>>) dst(%dma_wait3A_87 : memref<10240x128xf32, #tpu.memory_space<vmem_shared>>)
      } else {
      }
      %add3A_49 = arith.constant 1 : i32
      %add3A_50 = arith.addi %mul3A_36, %add3A_49 : i32
      %mul3A_51 = arith.constant 128 : i32
      %mul3A_52 = arith.muli %add3A_50, %mul3A_51 : i32
      %add3A_53 = arith.addi %mul3A_2, %mul3A_52 : i32
      %dma_start3A_54 = arith.constant 0 : i32
      %dma_start3A_55 = tpu.memref_slice %arg2[%add3A_53, %dma_start3A_54] : memref<163840x128xf32, #tpu.memory_space<hbm>> -> memref<128x128xf32, #tpu.memory_space<hbm>>
      %dma_start3A_56 = arith.constant 0 : i32
      %dma_start3A_57 = tpu.memref_slice %arg2[%add3A_53, %dma_start3A_56] : memref<163840x128xf32, #tpu.memory_space<hbm>> -> memref<128x128xf32, #tpu.memory_space<hbm>>
      tpu.enqueue_dma source(%dma_start3A_57 : memref<128x128xf32, #tpu.memory_space<hbm>>) target(%arg7 : memref<128x128xf32, #tpu.memory_space<vmem>>) target_semaphore(%arg11 : memref<!tpu.dma_semaphore, #tpu.memory_space<semaphore_mem>>)
      %dma_wait3A_58 = arith.constant 0 : i32
      %dma_wait3A_59 = arith.constant 0 : i32
      %dma_wait3A_60 = tpu.memref_slice %arg5[%dma_wait3A_58, %dma_wait3A_59] : memref<40x128xi32, #tpu.memory_space<vmem>> -> memref<1x128xi32, #tpu.memory_space<vmem>>
      %dma_wait3A_61 = tpu.memref_squeeze %dma_wait3A_60 : memref<1x128xi32, #tpu.memory_space<vmem>> -> memref<128xi32, #tpu.memory_space<vmem>>
      %dma_wait3A_62 = arith.constant 0 : i32
      %dma_wait3A_63 = arith.constant 0 : i32
      %dma_wait3A_64 = tpu.memref_slice %arg9[%dma_wait3A_62, %dma_wait3A_63] : memref<10240x128xf32, #tpu.memory_space<vmem_shared>> -> memref<10240x128xf32, #tpu.memory_space<vmem_shared>>
      tpu.wait_indirect_dma semaphore(%arg12 : memref<!tpu.dma_semaphore, #tpu.memory_space<semaphore_mem>>) src(%arg6 : memref<128x128xf32, #tpu.memory_space<vmem>>) dst(%dma_wait3A_64 : memref<10240x128xf32, #tpu.memory_space<vmem_shared>>)
      %lt3A = arith.constant 19 : i32
      %lt3A_65 = arith.cmpi slt, %scan3A_34, %lt3A : i32
      %convert_element_type3A_66 = arith.extui %lt3A_65 : i1 to i32
      %cond3A_67 = arith.constant 0 : i32
      %cond3A_68 = arith.cmpi ne, %convert_element_type3A_66, %cond3A_67 : i32
      scf.if %cond3A_68 {
        %add3A_81 = arith.constant 2 : i32
        %add3A_82 = arith.addi %mul3A_36, %add3A_81 : i32
        %mul3A_83 = arith.constant 128 : i32
        %mul3A_84 = arith.muli %add3A_82, %mul3A_83 : i32
        %add3A_85 = arith.addi %mul3A_2, %mul3A_84 : i32
        %dma_start3A_86 = arith.constant 0 : i32
        %dma_start3A_87 = tpu.memref_slice %arg2[%add3A_85, %dma_start3A_86] : memref<163840x128xf32, #tpu.memory_space<hbm>> -> memref<128x128xf32, #tpu.memory_space<hbm>>
        %dma_start3A_88 = arith.constant 0 : i32
        %dma_start3A_89 = tpu.memref_slice %arg2[%add3A_85, %dma_start3A_88] : memref<163840x128xf32, #tpu.memory_space<hbm>> -> memref<128x128xf32, #tpu.memory_space<hbm>>
        tpu.enqueue_dma source(%dma_start3A_89 : memref<128x128xf32, #tpu.memory_space<hbm>>) target(%arg6 : memref<128x128xf32, #tpu.memory_space<vmem>>) target_semaphore(%arg10 : memref<!tpu.dma_semaphore, #tpu.memory_space<semaphore_mem>>)
      } else {
      }
      %dma_wait3A_69 = arith.constant 0 : i32
      %dma_wait3A_70 = tpu.memref_slice %arg2[%mul3A_2, %dma_wait3A_69] : memref<163840x128xf32, #tpu.memory_space<hbm>> -> memref<128x128xf32, #tpu.memory_space<hbm>>
      %dma_wait3A_71 = arith.constant 0 : i32
      %dma_wait3A_72 = tpu.memref_slice %arg2[%mul3A_2, %dma_wait3A_71] : memref<163840x128xf32, #tpu.memory_space<hbm>> -> memref<128x128xf32, #tpu.memory_space<hbm>>
      tpu.wait_dma2 semaphore(%arg11 : memref<!tpu.dma_semaphore, #tpu.memory_space<semaphore_mem>>) src(%dma_wait3A_72 : memref<128x128xf32, #tpu.memory_space<hbm>>) dst(%arg7 : memref<128x128xf32, #tpu.memory_space<vmem>>)
      %add3A_73 = arith.constant 1 : i32
      %add3A_74 = arith.addi %mul3A_36, %add3A_73 : i32
      %dma_start3A_75 = arith.constant 0 : i32
      %dma_start3A_76 = tpu.memref_slice %arg5[%add3A_74, %dma_start3A_75] : memref<40x128xi32, #tpu.memory_space<vmem>> -> memref<1x128xi32, #tpu.memory_space<vmem>>
      %dma_start3A_77 = tpu.memref_squeeze %dma_start3A_76 : memref<1x128xi32, #tpu.memory_space<vmem>> -> memref<128xi32, #tpu.memory_space<vmem>>
      %dma_start3A_78 = arith.constant 0 : i32
      %dma_start3A_79 = arith.constant 0 : i32
      %dma_start3A_80 = tpu.memref_slice %arg9[%dma_start3A_78, %dma_start3A_79] : memref<10240x128xf32, #tpu.memory_space<vmem_shared>> -> memref<10240x128xf32, #tpu.memory_space<vmem_shared>>
      tpu.enqueue_indirect_dma source(%arg7 : memref<128x128xf32, #tpu.memory_space<vmem>>) target(%dma_start3A_80 : memref<10240x128xf32, #tpu.memory_space<vmem_shared>>) offsets(%dma_start3A_77 : memref<128xi32, #tpu.memory_space<vmem>>) semaphore(%arg13 : memref<!tpu.dma_semaphore, #tpu.memory_space<semaphore_mem>>) {add = true}
    }
    %scan3A_21 = arith.constant 20 : i32
    %dma_wait3A = arith.constant 0 : i32
    %dma_wait3A_22 = arith.constant 0 : i32
    %dma_wait3A_23 = tpu.memref_slice %arg5[%dma_wait3A, %dma_wait3A_22] : memref<40x128xi32, #tpu.memory_space<vmem>> -> memref<1x128xi32, #tpu.memory_space<vmem>>
    %dma_wait3A_24 = tpu.memref_squeeze %dma_wait3A_23 : memref<1x128xi32, #tpu.memory_space<vmem>> -> memref<128xi32, #tpu.memory_space<vmem>>
    %dma_wait3A_25 = arith.constant 0 : i32
    %dma_wait3A_26 = arith.constant 0 : i32
    %dma_wait3A_27 = tpu.memref_slice %arg9[%dma_wait3A_25, %dma_wait3A_26] : memref<10240x128xf32, #tpu.memory_space<vmem_shared>> -> memref<10240x128xf32, #tpu.memory_space<vmem_shared>>
    tpu.wait_indirect_dma semaphore(%arg13 : memref<!tpu.dma_semaphore, #tpu.memory_space<semaphore_mem>>) src(%arg7 : memref<128x128xf32, #tpu.memory_space<vmem>>) dst(%dma_wait3A_27 : memref<10240x128xf32, #tpu.memory_space<vmem_shared>>)
    %barrier3A_28 = arith.constant 0 : index
    tpu.barrier barrier_id(%barrier3A_28)
    %scan3A_29 = arith.constant 0 : i32
    %scan3A_30 = arith.constant 10 : i32
    %scan3A_31 = arith.addi %scan3A_29, %scan3A_30 : i32
    %scan3A_32 = arith.constant 1 : i32
    scf.for %scan3A_34 = %scan3A_29 to %scan3A_31 step %scan3A_32  : i32 {
      %mul3A_35 = arith.constant 640 : i32
      %mul3A_36 = arith.muli %arg1, %mul3A_35 : i32
      %mul3A_37 = arith.constant 64 : i32
      %mul3A_38 = arith.muli %scan3A_34, %mul3A_37 : i32
      %add3A_39 = arith.addi %mul3A_36, %mul3A_38 : i32
      "tpu.region"() ({
        %run_scoped3A = tpu.sem_alloc : memref<!tpu.dma_semaphore, #tpu.memory_space<semaphore_mem>>
        %dma_start3A_43 = arith.constant 0 : i32
        %dma_start3A_44 = tpu.memref_slice %arg9[%add3A_39, %dma_start3A_43] : memref<10240x128xf32, #tpu.memory_space<vmem_shared>> -> memref<64x128xf32, #tpu.memory_space<vmem_shared>>
        %dma_start3A_45 = arith.constant 0 : i32
        %dma_start3A_46 = tpu.memref_slice %arg9[%add3A_39, %dma_start3A_45] : memref<10240x128xf32, #tpu.memory_space<vmem_shared>> -> memref<64x128xf32, #tpu.memory_space<vmem_shared>>
        tpu.enqueue_dma source(%dma_start3A_46 : memref<64x128xf32, #tpu.memory_space<vmem_shared>>) target(%arg8 : memref<64x128xf32, #tpu.memory_space<vmem>>) target_semaphore(%run_scoped3A : memref<!tpu.dma_semaphore, #tpu.memory_space<semaphore_mem>>)
        %dma_wait3A_47 = arith.constant 0 : i32
        %dma_wait3A_48 = tpu.memref_slice %arg9[%add3A_39, %dma_wait3A_47] : memref<10240x128xf32, #tpu.memory_space<vmem_shared>> -> memref<64x128xf32, #tpu.memory_space<vmem_shared>>
        %dma_wait3A_49 = arith.constant 0 : i32
        %dma_wait3A_50 = tpu.memref_slice %arg9[%add3A_39, %dma_wait3A_49] : memref<10240x128xf32, #tpu.memory_space<vmem_shared>> -> memref<64x128xf32, #tpu.memory_space<vmem_shared>>
        tpu.wait_dma2 semaphore(%run_scoped3A : memref<!tpu.dma_semaphore, #tpu.memory_space<semaphore_mem>>) src(%dma_wait3A_50 : memref<64x128xf32, #tpu.memory_space<vmem_shared>>) dst(%arg8 : memref<64x128xf32, #tpu.memory_space<vmem>>)
        tpu.yield
      }) : () -> ()
      %mul3A_40 = arith.constant 10240 : i32
      %mul3A_41 = arith.muli %arg0, %mul3A_40 : i32
      %add3A_42 = arith.addi %mul3A_41, %add3A_39 : i32
      "tpu.region"() ({
        %run_scoped3A = tpu.sem_alloc : memref<!tpu.dma_semaphore, #tpu.memory_space<semaphore_mem>>
        %dma_start3A_43 = arith.constant 0 : i32
        %dma_start3A_44 = tpu.memref_slice %arg4[%add3A_42, %dma_start3A_43] : memref<20480x128xf32, #tpu.memory_space<hbm>> -> memref<64x128xf32, #tpu.memory_space<hbm>>
        %dma_start3A_45 = arith.constant 0 : i32
        %dma_start3A_46 = tpu.memref_slice %arg4[%add3A_42, %dma_start3A_45] : memref<20480x128xf32, #tpu.memory_space<hbm>> -> memref<64x128xf32, #tpu.memory_space<hbm>>
        tpu.enqueue_dma source(%arg8 : memref<64x128xf32, #tpu.memory_space<vmem>>) target(%dma_start3A_46 : memref<64x128xf32, #tpu.memory_space<hbm>>) target_semaphore(%run_scoped3A : memref<!tpu.dma_semaphore, #tpu.memory_space<semaphore_mem>>)
        %dma_wait3A_47 = arith.constant 0 : i32
        %dma_wait3A_48 = tpu.memref_slice %arg4[%add3A_42, %dma_wait3A_47] : memref<20480x128xf32, #tpu.memory_space<hbm>> -> memref<64x128xf32, #tpu.memory_space<hbm>>
        %dma_wait3A_49 = arith.constant 0 : i32
        %dma_wait3A_50 = tpu.memref_slice %arg4[%add3A_42, %dma_wait3A_49] : memref<20480x128xf32, #tpu.memory_space<hbm>> -> memref<64x128xf32, #tpu.memory_space<hbm>>
        tpu.wait_dma2 semaphore(%run_scoped3A : memref<!tpu.dma_semaphore, #tpu.memory_space<semaphore_mem>>) src(%arg8 : memref<64x128xf32, #tpu.memory_space<vmem>>) dst(%dma_wait3A_50 : memref<64x128xf32, #tpu.memory_space<hbm>>)
        tpu.yield
      }) : () -> ()
    }
    %scan3A_33 = arith.constant 10 : i32
    return
  }
}

module attributes {stable_mosaic.version = 14 : i64} {
  func.func @_init_body(%arg0: i32, %arg1: memref<2048x16xf32, #tpu.memory_space<vmem>>, %arg2: memref<2048x128xf32, #tpu.memory_space<vmem>>, %arg3: memref<16x128xf32, #tpu.memory_space<vmem>>, %arg4: memref<128x128xf32, #tpu.memory_space<vmem>>, %arg5: memref<1x128xf32, #tpu.memory_space<vmem>>, %arg6: memref<2048x128xf32, #tpu.memory_space<vmem>>) attributes {dimension_semantics = [#tpu.dimension_semantics<arbitrary>], iteration_bounds = array<i64: 80>, scalar_prefetch = 0 : i64, scratch_operands = 0 : i64, tpu.core_type = #tpu.core_type<tc>, window_params = [{transform_indices = @transform_0, window_bounds = array<i64: 2048, 16>}, {transform_indices = @transform_1, window_bounds = array<i64: 2048, 128>}, {pipeline_mode = #tpu.pipeline_mode<synchronous>, transform_indices = @transform_2, window_bounds = array<i64: 16, 128>}, {pipeline_mode = #tpu.pipeline_mode<synchronous>, transform_indices = @transform_3, window_bounds = array<i64: 128, 128>}, {pipeline_mode = #tpu.pipeline_mode<synchronous>, transform_indices = @transform_4, window_bounds = array<i64: 1, 128>}, {transform_indices = @transform_5, window_bounds = array<i64: 2048, 128>}]} {
    %get3A = arith.constant 0 : index
    %get3A_0 = arith.constant 0 : index
    %get3A_1 = vector.load %arg1[%get3A, %get3A_0] : memref<2048x16xf32, #tpu.memory_space<vmem>>, vector<2048x16xf32>
    %get3A_2 = arith.constant 0 : index
    %get3A_3 = arith.constant 0 : index
    %get3A_4 = vector.load %arg3[%get3A_2, %get3A_3] : memref<16x128xf32, #tpu.memory_space<vmem>>, vector<16x128xf32>
    %dot_general3A = arith.constant dense<0.000000e+00> : vector<2048x128xf32>
    %dot_general3A_5 = tpu.matmul %get3A_1, %get3A_4, %dot_general3A {dimension_numbers = #tpu.dot_dimension_numbers<[1], [0], [0], [1], [0, 0, 1, 1], [], []>, precision = #tpu.contract_precision<fp32>, transpose_lhs_hint = false} : vector<2048x16xf32>, vector<16x128xf32>, vector<2048x128xf32> -> vector<2048x128xf32>
    %get3A_6 = arith.constant 0 : index
    %get3A_7 = arith.constant 0 : index
    %get3A_8 = vector.load %arg2[%get3A_6, %get3A_7] : memref<2048x128xf32, #tpu.memory_space<vmem>>, vector<2048x128xf32>
    %get3A_9 = arith.constant 0 : index
    %get3A_10 = arith.constant 0 : index
    %get3A_11 = vector.load %arg4[%get3A_9, %get3A_10] : memref<128x128xf32, #tpu.memory_space<vmem>>, vector<128x128xf32>
    %dot_general3A_12 = arith.constant dense<0.000000e+00> : vector<2048x128xf32>
    %dot_general3A_13 = tpu.matmul %get3A_8, %get3A_11, %dot_general3A_12 {dimension_numbers = #tpu.dot_dimension_numbers<[1], [0], [0], [1], [0, 0, 1, 1], [], []>, precision = #tpu.contract_precision<fp32>, transpose_lhs_hint = false} : vector<2048x128xf32>, vector<128x128xf32>, vector<2048x128xf32> -> vector<2048x128xf32>
    %add3A = arith.addf %dot_general3A_5, %dot_general3A_13 : vector<2048x128xf32>
    %get3A_14 = arith.constant 0 : index
    %get3A_15 = arith.constant 0 : index
    %get3A_16 = vector.load %arg5[%get3A_14, %get3A_15] : memref<1x128xf32, #tpu.memory_space<vmem>>, vector<1x128xf32>
    %add3A_17 = vector.broadcast %get3A_16 : vector<1x128xf32> to vector<2048x128xf32>
    %add3A_18 = arith.addf %add3A, %add3A_17 : vector<2048x128xf32>
    %max3A = arith.constant 0.000000e+00 : f32
    %max3A_19 = vector.broadcast %max3A : f32 to vector<2048x128xf32>
    %max3A_20 = arith.maximumf %add3A_18, %max3A_19 : vector<2048x128xf32>
    %mul3A = arith.constant 2048 : i32
    %mul3A_21 = arith.muli %arg0, %mul3A : i32
    %iota3A = tpu.iota {dimensions = array<i32: 0>} : vector<2048x128xi32>
    %add3A_22 = vector.broadcast %mul3A_21 : i32 to vector<2048x128xi32>
    %add3A_23 = arith.addi %add3A_22, %iota3A : vector<2048x128xi32>
    %jit3A = arith.constant 81920 : i32
    %eq3A = arith.constant 0 : i32
    %eq3A_24 = arith.cmpi eq, %jit3A, %eq3A : i32
    %jit3A_25 = arith.constant 1 : i32
    %select_n3A = arith.select %eq3A_24, %jit3A_25, %jit3A : i32
    %rem3A = vector.broadcast %select_n3A : i32 to vector<2048x128xi32>
    %rem3A_26 = arith.remsi %add3A_23, %rem3A : vector<2048x128xi32>
    %ne3A = arith.constant 0 : i32
    %ne3A_27 = vector.broadcast %ne3A : i32 to vector<2048x128xi32>
    %ne3A_28 = arith.cmpi ne, %rem3A_26, %ne3A_27 : vector<2048x128xi32>
    %lt3A = arith.constant 0 : i32
    %lt3A_29 = vector.broadcast %lt3A : i32 to vector<2048x128xi32>
    %lt3A_30 = arith.cmpi slt, %rem3A_26, %lt3A_29 : vector<2048x128xi32>
    %lt3A_31 = arith.constant 0 : i32
    %lt3A_32 = arith.cmpi slt, %select_n3A, %lt3A_31 : i32
    %ne3A_33 = vector.broadcast %lt3A_32 : i1 to vector<2048x128xi1>
    %ne3A_34 = vector.broadcast %ne3A_33 : vector<2048x128xi1> to vector<2048x128xi1>
    %ne3A_35 = arith.xori %lt3A_30, %ne3A_34 : vector<2048x128xi1>
    %and3A = arith.andi %ne3A_35, %ne3A_28 : vector<2048x128xi1>
    %add3A_36 = vector.broadcast %select_n3A : i32 to vector<2048x128xi32>
    %add3A_37 = arith.addi %rem3A_26, %add3A_36 : vector<2048x128xi32>
    %select_n3A_38 = arith.select %and3A, %add3A_37, %rem3A_26 : vector<2048x128xi1>, vector<2048x128xi32>
    %lt3A_39 = arith.constant 80000 : i32
    %lt3A_40 = vector.broadcast %lt3A_39 : i32 to vector<2048x128xi32>
    %lt3A_41 = arith.cmpi slt, %select_n3A_38, %lt3A_40 : vector<2048x128xi32>
    %jit3A_42 = arith.constant 0.000000e+00 : f32
    %broadcast_in_dim3A = vector.broadcast %jit3A_42 : f32 to vector<2048x128xf32>
    %select_n3A_43 = arith.select %lt3A_41, %max3A_20, %broadcast_in_dim3A : vector<2048x128xi1>, vector<2048x128xf32>
    %swap3A = arith.constant 0 : index
    %swap3A_44 = arith.constant 0 : index
    %swap3A_45 = vector.load %arg6[%swap3A, %swap3A_44] : memref<2048x128xf32, #tpu.memory_space<vmem>>, vector<2048x128xf32>
    tpu.vector_store %arg6[%swap3A, %swap3A_44], %select_n3A_43 {strides = array<i32>} : memref<2048x128xf32, #tpu.memory_space<vmem>>, vector<2048x128xf32>,
    return
  }
  func.func @transform_0(%arg0: i32) -> (i32, i32) {
    %c0_i32 = arith.constant 0 : i32
    %c0_i32_0 = arith.constant 0 : i32
    return %arg0, %c0_i32 : i32, i32
  }
  func.func @transform_1(%arg0: i32) -> (i32, i32) {
    %c0_i32 = arith.constant 0 : i32
    %c0_i32_0 = arith.constant 0 : i32
    return %arg0, %c0_i32 : i32, i32
  }
  func.func @transform_2(%arg0: i32) -> (i32, i32) {
    %c0_i32 = arith.constant 0 : i32
    %c0_i32_0 = arith.constant 0 : i32
    %c0_i32_1 = arith.constant 0 : i32
    return %c0_i32, %c0_i32_0 : i32, i32
  }
  func.func @transform_3(%arg0: i32) -> (i32, i32) {
    %c0_i32 = arith.constant 0 : i32
    %c0_i32_0 = arith.constant 0 : i32
    %c0_i32_1 = arith.constant 0 : i32
    return %c0_i32, %c0_i32_0 : i32, i32
  }
  func.func @transform_4(%arg0: i32) -> (i32, i32) {
    %c0_i32 = arith.constant 0 : i32
    %c0_i32_0 = arith.constant 0 : i32
    %c0_i32_1 = arith.constant 0 : i32
    return %c0_i32, %c0_i32_0 : i32, i32
  }
  func.func @transform_5(%arg0: i32) -> (i32, i32) {
    %c0_i32 = arith.constant 0 : i32
    %c0_i32_0 = arith.constant 0 : i32
    return %arg0, %c0_i32 : i32, i32
  }
}

module attributes {stable_mosaic.version = 14 : i64} {
  func.func @_depth_body(%arg0: i32, %arg1: memref<2048x128xf32, #tpu.memory_space<vmem>>, %arg2: memref<2048x128xf32, #tpu.memory_space<vmem>>, %arg3: memref<2048x128xf32, #tpu.memory_space<vmem>>, %arg4: memref<128x128xf32, #tpu.memory_space<vmem>>, %arg5: memref<1x128xf32, #tpu.memory_space<vmem>>, %arg6: memref<2048x128xf32, #tpu.memory_space<vmem>>) attributes {dimension_semantics = [#tpu.dimension_semantics<arbitrary>], iteration_bounds = array<i64: 80>, scalar_prefetch = 0 : i64, scratch_operands = 0 : i64, tpu.core_type = #tpu.core_type<tc>, window_params = [{transform_indices = @transform_0, window_bounds = array<i64: 2048, 128>}, {transform_indices = @transform_1, window_bounds = array<i64: 2048, 128>}, {transform_indices = @transform_2, window_bounds = array<i64: 2048, 128>}, {pipeline_mode = #tpu.pipeline_mode<synchronous>, transform_indices = @transform_3, window_bounds = array<i64: 128, 128>}, {pipeline_mode = #tpu.pipeline_mode<synchronous>, transform_indices = @transform_4, window_bounds = array<i64: 1, 128>}, {transform_indices = @transform_5, window_bounds = array<i64: 2048, 128>}]} {
    %get3A = arith.constant 0 : index
    %get3A_0 = arith.constant 0 : index
    %get3A_1 = vector.load %arg2[%get3A, %get3A_0] : memref<2048x128xf32, #tpu.memory_space<vmem>>, vector<2048x128xf32>
    %get3A_2 = arith.constant 0 : index
    %get3A_3 = arith.constant 0 : index
    %get3A_4 = vector.load %arg3[%get3A_2, %get3A_3] : memref<2048x128xf32, #tpu.memory_space<vmem>>, vector<2048x128xf32>
    %sub3A = arith.subf %get3A_1, %get3A_4 : vector<2048x128xf32>
    %get3A_5 = arith.constant 0 : index
    %get3A_6 = arith.constant 0 : index
    %get3A_7 = vector.load %arg4[%get3A_5, %get3A_6] : memref<128x128xf32, #tpu.memory_space<vmem>>, vector<128x128xf32>
    %dot_general3A = arith.constant dense<0.000000e+00> : vector<2048x128xf32>
    %dot_general3A_8 = tpu.matmul %sub3A, %get3A_7, %dot_general3A {dimension_numbers = #tpu.dot_dimension_numbers<[1], [0], [0], [1], [0, 0, 1, 1], [], []>, precision = #tpu.contract_precision<fp32>, transpose_lhs_hint = false} : vector<2048x128xf32>, vector<128x128xf32>, vector<2048x128xf32> -> vector<2048x128xf32>
    %get3A_9 = arith.constant 0 : index
    %get3A_10 = arith.constant 0 : index
    %get3A_11 = vector.load %arg1[%get3A_9, %get3A_10] : memref<2048x128xf32, #tpu.memory_space<vmem>>, vector<2048x128xf32>
    %add3A = arith.addf %get3A_11, %dot_general3A_8 : vector<2048x128xf32>
    %get3A_12 = arith.constant 0 : index
    %get3A_13 = arith.constant 0 : index
    %get3A_14 = vector.load %arg5[%get3A_12, %get3A_13] : memref<1x128xf32, #tpu.memory_space<vmem>>, vector<1x128xf32>
    %add3A_15 = vector.broadcast %get3A_14 : vector<1x128xf32> to vector<2048x128xf32>
    %add3A_16 = arith.addf %add3A, %add3A_15 : vector<2048x128xf32>
    %max3A = arith.constant 0.000000e+00 : f32
    %max3A_17 = vector.broadcast %max3A : f32 to vector<2048x128xf32>
    %max3A_18 = arith.maximumf %add3A_16, %max3A_17 : vector<2048x128xf32>
    %mul3A = arith.constant 2048 : i32
    %mul3A_19 = arith.muli %arg0, %mul3A : i32
    %iota3A = tpu.iota {dimensions = array<i32: 0>} : vector<2048x128xi32>
    %add3A_20 = vector.broadcast %mul3A_19 : i32 to vector<2048x128xi32>
    %add3A_21 = arith.addi %add3A_20, %iota3A : vector<2048x128xi32>
    %jit3A = arith.constant 81920 : i32
    %eq3A = arith.constant 0 : i32
    %eq3A_22 = arith.cmpi eq, %jit3A, %eq3A : i32
    %jit3A_23 = arith.constant 1 : i32
    %select_n3A = arith.select %eq3A_22, %jit3A_23, %jit3A : i32
    %rem3A = vector.broadcast %select_n3A : i32 to vector<2048x128xi32>
    %rem3A_24 = arith.remsi %add3A_21, %rem3A : vector<2048x128xi32>
    %ne3A = arith.constant 0 : i32
    %ne3A_25 = vector.broadcast %ne3A : i32 to vector<2048x128xi32>
    %ne3A_26 = arith.cmpi ne, %rem3A_24, %ne3A_25 : vector<2048x128xi32>
    %lt3A = arith.constant 0 : i32
    %lt3A_27 = vector.broadcast %lt3A : i32 to vector<2048x128xi32>
    %lt3A_28 = arith.cmpi slt, %rem3A_24, %lt3A_27 : vector<2048x128xi32>
    %lt3A_29 = arith.constant 0 : i32
    %lt3A_30 = arith.cmpi slt, %select_n3A, %lt3A_29 : i32
    %ne3A_31 = vector.broadcast %lt3A_30 : i1 to vector<2048x128xi1>
    %ne3A_32 = vector.broadcast %ne3A_31 : vector<2048x128xi1> to vector<2048x128xi1>
    %ne3A_33 = arith.xori %lt3A_28, %ne3A_32 : vector<2048x128xi1>
    %and3A = arith.andi %ne3A_33, %ne3A_26 : vector<2048x128xi1>
    %add3A_34 = vector.broadcast %select_n3A : i32 to vector<2048x128xi32>
    %add3A_35 = arith.addi %rem3A_24, %add3A_34 : vector<2048x128xi32>
    %select_n3A_36 = arith.select %and3A, %add3A_35, %rem3A_24 : vector<2048x128xi1>, vector<2048x128xi32>
    %lt3A_37 = arith.constant 80000 : i32
    %lt3A_38 = vector.broadcast %lt3A_37 : i32 to vector<2048x128xi32>
    %lt3A_39 = arith.cmpi slt, %select_n3A_36, %lt3A_38 : vector<2048x128xi32>
    %jit3A_40 = arith.constant 0.000000e+00 : f32
    %broadcast_in_dim3A = vector.broadcast %jit3A_40 : f32 to vector<2048x128xf32>
    %select_n3A_41 = arith.select %lt3A_39, %max3A_18, %broadcast_in_dim3A : vector<2048x128xi1>, vector<2048x128xf32>
    %swap3A = arith.constant 0 : index
    %swap3A_42 = arith.constant 0 : index
    %swap3A_43 = vector.load %arg6[%swap3A, %swap3A_42] : memref<2048x128xf32, #tpu.memory_space<vmem>>, vector<2048x128xf32>
    tpu.vector_store %arg6[%swap3A, %swap3A_42], %select_n3A_41 {strides = array<i32>} : memref<2048x128xf32, #tpu.memory_space<vmem>>, vector<2048x128xf32>,
    return
  }
  func.func @transform_0(%arg0: i32) -> (i32, i32) {
    %c0_i32 = arith.constant 0 : i32
    %c0_i32_0 = arith.constant 0 : i32
    return %arg0, %c0_i32 : i32, i32
  }
  func.func @transform_1(%arg0: i32) -> (i32, i32) {
    %c0_i32 = arith.constant 0 : i32
    %c0_i32_0 = arith.constant 0 : i32
    return %arg0, %c0_i32 : i32, i32
  }
  func.func @transform_2(%arg0: i32) -> (i32, i32) {
    %add3A = arith.constant 40 : i32
    %add3A_0 = arith.addi %arg0, %add3A : i32
    %jit3A = arith.constant 80 : i32
    %eq3A = arith.constant 0 : i32
    %eq3A_1 = arith.cmpi eq, %jit3A, %eq3A : i32
    %jit3A_2 = arith.constant 1 : i32
    %select_n3A = arith.select %eq3A_1, %jit3A_2, %jit3A : i32
    %rem3A = arith.remsi %add3A_0, %select_n3A : i32
    %ne3A = arith.constant 0 : i32
    %ne3A_3 = arith.cmpi ne, %rem3A, %ne3A : i32
    %lt3A = arith.constant 0 : i32
    %lt3A_4 = arith.cmpi slt, %rem3A, %lt3A : i32
    %lt3A_5 = arith.constant 0 : i32
    %lt3A_6 = arith.cmpi slt, %select_n3A, %lt3A_5 : i32
    %ne3A_7 = arith.xori %lt3A_4, %lt3A_6 : i1
    %and3A = arith.andi %ne3A_7, %ne3A_3 : i1
    %add3A_8 = arith.addi %rem3A, %select_n3A : i32
    %select_n3A_9 = arith.select %and3A, %add3A_8, %rem3A : i32
    %c0_i32 = arith.constant 0 : i32
    %c0_i32_10 = arith.constant 0 : i32
    return %select_n3A_9, %c0_i32 : i32, i32
  }
  func.func @transform_3(%arg0: i32) -> (i32, i32) {
    %c0_i32 = arith.constant 0 : i32
    %c0_i32_0 = arith.constant 0 : i32
    %c0_i32_1 = arith.constant 0 : i32
    return %c0_i32, %c0_i32_0 : i32, i32
  }
  func.func @transform_4(%arg0: i32) -> (i32, i32) {
    %c0_i32 = arith.constant 0 : i32
    %c0_i32_0 = arith.constant 0 : i32
    %c0_i32_1 = arith.constant 0 : i32
    return %c0_i32, %c0_i32_0 : i32, i32
  }
  func.func @transform_5(%arg0: i32) -> (i32, i32) {
    %c0_i32 = arith.constant 0 : i32
    %c0_i32_0 = arith.constant 0 : i32
    return %arg0, %c0_i32 : i32, i32
  }
}

module attributes {stable_mosaic.version = 14 : i64} {
  func.func @_final_body(%arg0: i32, %arg1: memref<1000x128xf32, #tpu.memory_space<vmem>>, %arg2: memref<1000x128xf32, #tpu.memory_space<vmem>>, %arg3: memref<1000x128xf32, #tpu.memory_space<vmem>>, %arg4: memref<1x1x1000xi32, #tpu.memory_space<vmem>>, %arg5: memref<500x128xf32, #tpu.memory_space<vmem>>, %arg6: memref<128x128xf32, #tpu.memory_space<vmem>>, %arg7: memref<128x128xf32, #tpu.memory_space<vmem>>, %arg8: memref<1x128xf32, #tpu.memory_space<vmem>>, %arg9: memref<500x256xf32, #tpu.memory_space<vmem>>) attributes {dimension_semantics = [#tpu.dimension_semantics<arbitrary>], iteration_bounds = array<i64: 10>, scalar_prefetch = 0 : i64, scratch_operands = 0 : i64, tpu.core_type = #tpu.core_type<tc>, window_params = [{transform_indices = @transform_0, window_bounds = array<i64: 1000, 128>}, {transform_indices = @transform_1, window_bounds = array<i64: 1000, 128>}, {transform_indices = @transform_2, window_bounds = array<i64: 1000, 128>}, {transform_indices = @transform_3, window_bounds = array<i64: 1, 1, 1000>}, {pipeline_mode = #tpu.pipeline_mode<synchronous>, transform_indices = @transform_4, window_bounds = array<i64: 500, 128>}, {pipeline_mode = #tpu.pipeline_mode<synchronous>, transform_indices = @transform_5, window_bounds = array<i64: 128, 128>}, {pipeline_mode = #tpu.pipeline_mode<synchronous>, transform_indices = @transform_6, window_bounds = array<i64: 128, 128>}, {pipeline_mode = #tpu.pipeline_mode<synchronous>, transform_indices = @transform_7, window_bounds = array<i64: 1, 128>}, {pipeline_mode = #tpu.pipeline_mode<synchronous>, transform_indices = @transform_8, window_bounds = array<i64: 500, 256>}]} {
    %get3A = arith.constant 0 : index
    %get3A_0 = arith.constant 0 : index
    %get3A_1 = vector.load %arg2[%get3A, %get3A_0] : memref<1000x128xf32, #tpu.memory_space<vmem>>, vector<1000x128xf32>
    %get3A_2 = arith.constant 0 : index
    %get3A_3 = arith.constant 0 : index
    %get3A_4 = vector.load %arg3[%get3A_2, %get3A_3] : memref<1000x128xf32, #tpu.memory_space<vmem>>, vector<1000x128xf32>
    %add3A = arith.addf %get3A_1, %get3A_4 : vector<1000x128xf32>
    %get3A_5 = arith.constant 0 : index
    %get3A_6 = arith.constant 0 : index
    %get3A_7 = vector.load %arg1[%get3A_5, %get3A_6] : memref<1000x128xf32, #tpu.memory_space<vmem>>, vector<1000x128xf32>
    %get3A_8 = arith.constant 0 : index
    %get3A_9 = arith.constant 0 : index
    %get3A_10 = vector.load %arg6[%get3A_8, %get3A_9] : memref<128x128xf32, #tpu.memory_space<vmem>>, vector<128x128xf32>
    %dot_general3A = arith.constant dense<0.000000e+00> : vector<1000x128xf32>
    %dot_general3A_11 = tpu.matmul %get3A_7, %get3A_10, %dot_general3A {dimension_numbers = #tpu.dot_dimension_numbers<[1], [0], [0], [1], [0, 0, 1, 1], [], []>, precision = #tpu.contract_precision<fp32>, transpose_lhs_hint = false} : vector<1000x128xf32>, vector<128x128xf32>, vector<1000x128xf32> -> vector<1000x128xf32>
    %get3A_12 = arith.constant 0 : index
    %get3A_13 = arith.constant 0 : index
    %get3A_14 = vector.load %arg7[%get3A_12, %get3A_13] : memref<128x128xf32, #tpu.memory_space<vmem>>, vector<128x128xf32>
    %dot_general3A_15 = arith.constant dense<0.000000e+00> : vector<1000x128xf32>
    %dot_general3A_16 = tpu.matmul %add3A, %get3A_14, %dot_general3A_15 {dimension_numbers = #tpu.dot_dimension_numbers<[1], [0], [0], [1], [0, 0, 1, 1], [], []>, precision = #tpu.contract_precision<fp32>, transpose_lhs_hint = false} : vector<1000x128xf32>, vector<128x128xf32>, vector<1000x128xf32> -> vector<1000x128xf32>
    %add3A_17 = arith.addf %dot_general3A_11, %dot_general3A_16 : vector<1000x128xf32>
    %get3A_18 = arith.constant 0 : index
    %get3A_19 = arith.constant 0 : index
    %get3A_20 = vector.load %arg8[%get3A_18, %get3A_19] : memref<1x128xf32, #tpu.memory_space<vmem>>, vector<1x128xf32>
    %add3A_21 = vector.broadcast %get3A_20 : vector<1x128xf32> to vector<1000x128xf32>
    %add3A_22 = arith.addf %add3A_17, %add3A_21 : vector<1000x128xf32>
    %max3A = arith.constant 0.000000e+00 : f32
    %max3A_23 = vector.broadcast %max3A : f32 to vector<1000x128xf32>
    %max3A_24 = arith.maximumf %add3A_22, %max3A_23 : vector<1000x128xf32>
    %get3A_25 = arith.constant 0 : index
    %get3A_26 = arith.constant 0 : index
    %get3A_27 = arith.constant 0 : index
    %get3A_28 = vector.load %arg4[%get3A_25, %get3A_26, %get3A_27] : memref<1x1x1000xi32, #tpu.memory_space<vmem>>, vector<1x1x1000xi32>
    %get3A_29 = vector.shape_cast %get3A_28 : vector<1x1x1000xi32> to vector<1000xi32>
    %iota3A = tpu.iota {dimensions = array<i32: 0>} : vector<500x1000xi32>
    %broadcast_in_dim3A = vector.shape_cast %get3A_29 : vector<1000xi32> to vector<1x1000xi32>
    %eq3A = vector.broadcast %broadcast_in_dim3A : vector<1x1000xi32> to vector<500x1000xi32>
    %eq3A_30 = arith.cmpi eq, %iota3A, %eq3A : vector<500x1000xi32>
    %convert_element_type3A = arith.extui %eq3A_30 : vector<500x1000xi1> to vector<500x1000xi32>
    %convert_element_type3A_31 = arith.sitofp %convert_element_type3A : vector<500x1000xi32> to vector<500x1000xf32>
    %dot_general3A_32 = arith.constant dense<0.000000e+00> : vector<500x128xf32>
    %dot_general3A_33 = tpu.matmul %convert_element_type3A_31, %max3A_24, %dot_general3A_32 {dimension_numbers = #tpu.dot_dimension_numbers<[1], [0], [0], [1], [0, 0, 1, 1], [], []>, precision = #tpu.contract_precision<fp32>, transpose_lhs_hint = false} : vector<500x1000xf32>, vector<1000x128xf32>, vector<500x128xf32> -> vector<500x128xf32>
    %eq3A_34 = arith.constant 0 : i32
    %eq3A_35 = arith.cmpi eq, %arg0, %eq3A_34 : i32
    %convert_element_type3A_36 = arith.extui %eq3A_35 : i1 to i32
    %cond3A = arith.constant 0 : i32
    %cond3A_37 = arith.cmpi ne, %convert_element_type3A_36, %cond3A : i32
    scf.if %cond3A_37 {
      %swap3A = arith.constant 0 : index
      %swap3A_42 = arith.constant 0 : index
      %swap3A_43 = vector.load %arg9[%swap3A, %swap3A_42] : memref<500x256xf32, #tpu.memory_space<vmem>>, vector<500x128xf32>
      tpu.vector_store %arg9[%swap3A, %swap3A_42], %dot_general3A_33 {strides = array<i32>} : memref<500x256xf32, #tpu.memory_space<vmem>>, vector<500x128xf32>,
      %get3A_44 = arith.constant 0 : index
      %get3A_45 = arith.constant 0 : index
      %get3A_46 = vector.load %arg5[%get3A_44, %get3A_45] : memref<500x128xf32, #tpu.memory_space<vmem>>, vector<500x128xf32>
      %swap3A_47 = arith.constant 0 : index
      %swap3A_48 = arith.constant 128 : index
      %swap3A_49 = vector.load %arg9[%swap3A_47, %swap3A_48] : memref<500x256xf32, #tpu.memory_space<vmem>>, vector<500x128xf32>
      tpu.vector_store %arg9[%swap3A_47, %swap3A_48], %get3A_46 {strides = array<i32>} : memref<500x256xf32, #tpu.memory_space<vmem>>, vector<500x128xf32>,
    } else {
    }
    %ne3A = arith.constant 0 : i32
    %ne3A_38 = arith.cmpi ne, %arg0, %ne3A : i32
    %convert_element_type3A_39 = arith.extui %ne3A_38 : i1 to i32
    %cond3A_40 = arith.constant 0 : i32
    %cond3A_41 = arith.cmpi ne, %convert_element_type3A_39, %cond3A_40 : i32
    scf.if %cond3A_41 {
      %get3A_42 = arith.constant 0 : index
      %get3A_43 = arith.constant 0 : index
      %get3A_44 = vector.load %arg9[%get3A_42, %get3A_43] : memref<500x256xf32, #tpu.memory_space<vmem>>, vector<500x128xf32>
      %add3A_45 = arith.addf %get3A_44, %dot_general3A_33 : vector<500x128xf32>
      %swap3A = arith.constant 0 : index
      %swap3A_46 = arith.constant 0 : index
      %swap3A_47 = vector.load %arg9[%swap3A, %swap3A_46] : memref<500x256xf32, #tpu.memory_space<vmem>>, vector<500x128xf32>
      tpu.vector_store %arg9[%swap3A, %swap3A_46], %add3A_45 {strides = array<i32>} : memref<500x256xf32, #tpu.memory_space<vmem>>, vector<500x128xf32>,
    } else {
    }
    return
  }
  func.func @transform_0(%arg0: i32) -> (i32, i32) {
    %c0_i32 = arith.constant 0 : i32
    %c0_i32_0 = arith.constant 0 : i32
    return %arg0, %c0_i32 : i32, i32
  }
  func.func @transform_1(%arg0: i32) -> (i32, i32) {
    %c0_i32 = arith.constant 0 : i32
    %c0_i32_0 = arith.constant 0 : i32
    return %arg0, %c0_i32 : i32, i32
  }
  func.func @transform_2(%arg0: i32) -> (i32, i32) {
    %c0_i32 = arith.constant 0 : i32
    %c0_i32_0 = arith.constant 0 : i32
    return %arg0, %c0_i32 : i32, i32
  }
  func.func @transform_3(%arg0: i32) -> (i32, i32, i32) {
    %c0_i32 = arith.constant 0 : i32
    %c0_i32_0 = arith.constant 0 : i32
    %c0_i32_1 = arith.constant 0 : i32
    return %arg0, %c0_i32, %c0_i32_0 : i32, i32, i32
  }
  func.func @transform_4(%arg0: i32) -> (i32, i32) {
    %c0_i32 = arith.constant 0 : i32
    %c0_i32_0 = arith.constant 0 : i32
    %c0_i32_1 = arith.constant 0 : i32
    return %c0_i32, %c0_i32_0 : i32, i32
  }
  func.func @transform_5(%arg0: i32) -> (i32, i32) {
    %c0_i32 = arith.constant 0 : i32
    %c0_i32_0 = arith.constant 0 : i32
    %c0_i32_1 = arith.constant 0 : i32
    return %c0_i32, %c0_i32_0 : i32, i32
  }
  func.func @transform_6(%arg0: i32) -> (i32, i32) {
    %c0_i32 = arith.constant 0 : i32
    %c0_i32_0 = arith.constant 0 : i32
    %c0_i32_1 = arith.constant 0 : i32
    return %c0_i32, %c0_i32_0 : i32, i32
  }
  func.func @transform_7(%arg0: i32) -> (i32, i32) {
    %c0_i32 = arith.constant 0 : i32
    %c0_i32_0 = arith.constant 0 : i32
    %c0_i32_1 = arith.constant 0 : i32
    return %c0_i32, %c0_i32_0 : i32, i32
  }
  func.func @transform_8(%arg0: i32) -> (i32, i32) {
    %c0_i32 = arith.constant 0 : i32
    %c0_i32_0 = arith.constant 0 : i32
    %c0_i32_1 = arith.constant 0 : i32
    return %c0_i32, %c0_i32_0 : i32, i32
  }
}

</mosaic_0001>

<sc_bundles>
// kernel: kernel.15.cloned.1.call-start
scs
__scs_entry_jumppad:
0x0: {  	(pc) =	sbr.rel $0x88, $3  }
0x1: {  	(tag) =	ssettag $0x0;
	lr =	simm.s32 $0x1  }
0x2: {  	[smem:$0x3F96] =	sst lr;
	_ =	strace $0xD0000000  }
0x3: {  	_ = 	snop  }
0x4: {  	_ = 	snop  }
0x5: {  	_ = 	snop  }
0x6: {  	_ = 	snop  }
0x7: {  	_ = 	snop  }
__scs_overlays_trampoline_lowered:
0x8: {  	[smem:$0x3FA5] =	sst s0  }
0x9: {  	[smem:$0x3FA6] =	sst s1  }
0xa: {  	[smem:$0x3FA7] =	sst s2  }
0xb: {  	[smem:$0x3FA8] =	sst s3  }
0xc: {  	[smem:$0x3FA9] =	sst s4  }
0xd: {  	[smem:$0x3FAA] =	sst s5  }
0xe: {  	[smem:$0x3FAB] =	sst s6  }
0xf: {  	[smem:$0x3FAC] =	sst s7  }
0x10: {  	[smem:$0x3FAD] =	sst s8  }
0x11: {  	[smem:$0x3FAE] =	sst s9;
	s0 =	simm.s32 @!p0 $0x0  }
0x12: {  	s1 =	sld [smem:$0x3F94];
	s0 =	simm.s32 @p0 $0x1  }
0x13: {  	[smem:$0x3FAF] =	sst s0;
	s0 =	simm.s32 @!p1 $0x0  }
0x14: {  	s2 =	sld [smem:$0x3F93];
	s0 =	simm.s32 @p1 $0x1  }
0x15: {  	[smem:$0x3FB0] =	sst s0;
	s0 =	simm.s32 @!p2 $0x0  }
0x16: {  	s3 =	sld [smem:$0x3FDB];
	s0 =	simm.s32 @p2 $0x1  }
0x17: {  	s4 =	simm.s32 $0x1BF5;
	[smem:$0x3FB2] =	sst s0  }
0x18: {  	s0 =	sld [smem:$0x3F95];
	_ =	swait.ge [sflag:s4], $0x0  }
0x19: {  	s7 =	sld [smem:$0x3F96]  }
0x1a: {  	s8 =	sadd.s32 $0xFFFFE003, lr  }
0x1b: {  	s9 =	sadd.s32 $0xFFFFFEF7, lr;
	s5 =	simm.s32 $0xFFFFFFFF;
	p2 =	slt.u32 s8, $0xFFFFF086  }
0x1c: {  	p1 =	slt.u32 s9, $0xF7A;
	s5 =	simm.s32 @!p2 $0x0  }
0x1d: {  	s5 =	simm.s32 @p1 $0x1;
	p0 =	seq.s32 s7, s2  }
0x1e: {  	s7 =	smul.u32 @!p0 $0xF7A, s2;
	p2 =	seq.s32 @!p0 s5, $0x0  }
0x1f: {  	s9 =	smul.u32 $0xF7A, s1;
	s8 =	simm.s32 @!p0 $0x1BF5;
	p2 =	por !p2, p0  }
0x20: {  	[sflag:s8] =	ssyncset.s32 @!p0 $0xFFFFF086;
	s6 =	sadd.s32 @!p0 s3, s7;
	s7 =	simm.s32 @!p0 $0x108  }
0x21: {  	s3 =	sadd.s32 s3, s9;
	s6 =	sadd.s32 @!p0 $0x88, s6;
	s7 =	simm.s32 @p2 $0x1082  }
0x22: {  	[simem:s7], [sflag:s8] =	dma.local @!p0 [hbm:s6], $0xF7A  }
0x23: {  	s9 =	sor.u32 $0xD0000000, s2;
	s6 =	simm.s32 $0x108;
	_ =	swait.ge @!p0 [sflag:s8], $0x0  }
0x24: {  	s3 =	sadd.s32 $0x88, s3;
	s6 =	simm.s32 @!p1 $0x1082;
	[sflag:s4] =	ssyncset.s32 $0xFFFFF086  }
0x25: {  	[simem:s6], [sflag:s4] =	dma.local [hbm:s3], $0xF7A  }
0x26: {  	[smem:$0x3F96] =	sst s1;
	(tag) =	ssettag s2;
	_ =	strace s9  }
0x27: {  	s1 =	sld [smem:$0x3FA6]  }
0x28: {  	s2 =	sld [smem:$0x3FA7]  }
0x29: {  	s4 =	sld [smem:$0x3FA9]  }
0x2a: {  	p0 =	seq.s32 s5, $0x0;
	s5 =	sld [smem:$0x3FAA]  }
0x2b: {  	s6 =	sld [smem:$0x3FAB]  }
0x2c: {  	s7 =	sld [smem:$0x3FAC]  }
0x2d: {  	s3 =	simm.s32 $0x108;
	s8 =	sld [smem:$0x3FAD]  }
0x2e: {  	s3 =	simm.s32 @!p0 $0x1082;
	s9 =	sld [smem:$0x3FAE]  }
0x2f: {  	lr =	sadd.s32 s0, s3;
	s0 =	sld [smem:$0x3FA5]  }
0x30: {  	s3 =	sld [smem:$0x3FA8]  }
0x31: {  	[smem:$0x3FB1] =	sst s10  }
0x32: {  	s10 =	sld [smem:$0x3FAF];
	_ =	sdelay $0x3  }
0x33: {  	p0 =	seq.s32 s10, $0x1;
	s10 =	sld [smem:$0x3FB1];
	_ =	sdelay $0x3  }
0x34: {  	[smem:$0x3FB1] =	sst s10  }
0x35: {  	s10 =	sld [smem:$0x3FB0];
	_ =	sdelay $0x3  }
0x36: {  	p1 =	seq.s32 s10, $0x1;
	s10 =	sld [smem:$0x3FB1];
	_ =	sdelay $0x3  }
0x37: {  	[smem:$0x3FB1] =	sst s10  }
0x38: {  	s10 =	sld [smem:$0x3FB2]  }
0x39: {  	_ = 	snop;
	(pc) =	sbr.ind lr, $3  }
0x3a: {  	_ = 	snop  }
0x3b: {  	_ = 	snop  }
0x3c: {  	p2 =	seq.s32 s10, $0x1;
	s10 =	sld [smem:$0x3FB1]  }
0x3d: {  	_ =	shalt  }
0x3e: {  	_ =	shalt  }
0x3f: {  	_ =	shalt  }
0x40: {  	_ =	shalt  }
0x41: {  	_ =	shalt  }
0x42: {  	_ =	shalt  }
0x43: {  	_ =	shalt  }
0x44: {  	_ =	shalt  }
0x45: {  	_ =	shalt  }
0x46: {  	_ =	shalt  }
0x47: {  	_ =	shalt  }
0x48: {  	_ =	shalt  }
0x49: {  	_ =	shalt  }
0x4a: {  	_ =	shalt  }
0x4b: {  	_ =	shalt  }
0x4c: {  	_ =	shalt  }
0x4d: {  	_ =	shalt  }
0x4e: {  	_ =	shalt  }
0x4f: {  	_ =	shalt  }
0x50: {  	_ =	shalt  }
0x51: {  	_ =	shalt  }
0x52: {  	_ =	shalt  }
0x53: {  	_ =	shalt  }
0x54: {  	_ =	shalt  }
0x55: {  	_ =	shalt  }
0x56: {  	_ =	shalt  }
0x57: {  	_ =	shalt  }
0x58: {  	_ =	shalt  }
0x59: {  	_ =	shalt  }
0x5a: {  	_ =	shalt  }
0x5b: {  	_ =	shalt  }
0x5c: {  	_ =	shalt  }
0x5d: {  	_ =	shalt  }
0x5e: {  	_ =	shalt  }
0x5f: {  	_ =	shalt  }
0x60: {  	_ =	shalt  }
0x61: {  	_ =	shalt  }
0x62: {  	_ =	shalt  }
0x63: {  	_ =	shalt  }
0x64: {  	_ =	shalt  }
0x65: {  	_ =	shalt  }
0x66: {  	_ =	shalt  }
0x67: {  	_ =	shalt  }
0x68: {  	_ =	shalt  }
0x69: {  	_ =	shalt  }
0x6a: {  	_ =	shalt  }
0x6b: {  	_ =	shalt  }
0x6c: {  	_ =	shalt  }
0x6d: {  	_ =	shalt  }
0x6e: {  	_ =	shalt  }
0x6f: {  	_ =	shalt  }
0x70: {  	_ =	shalt  }
0x71: {  	_ =	shalt  }
0x72: {  	_ =	shalt  }
0x73: {  	_ =	shalt  }
0x74: {  	_ =	shalt  }
0x75: {  	_ =	shalt  }
0x76: {  	_ =	shalt  }
0x77: {  	_ =	shalt  }
0x78: {  	_ =	shalt  }
0x79: {  	_ =	shalt  }
0x7a: {  	_ =	shalt  }
0x7b: {  	_ =	shalt  }
0x7c: {  	_ =	shalt  }
0x7d: {  	_ =	shalt  }
0x7e: {  	_ =	shalt  }
0x7f: {  	_ =	shalt  }
0x80: {  	_ =	shalt  }
0x81: {  	_ =	shalt  }
0x82: {  	_ =	shalt  }
0x83: {  	_ =	shalt  }
0x84: {  	_ =	shalt  }
0x85: {  	_ =	shalt  }
0x86: {  	_ =	shalt  }
0x87: {  	_ =	shalt  }
.Lfunc_end0:
.L_simem_size_0:
called_computation_lowered:
.L_overlay_start_0:
0x88: {  	s2 =	sld [smem:$0x3FD9]  }
0x89: {  	s3 =	sld [smem:$0x3FFE];
	_ =	sdelay $0x1  }
0x8a: {  	s1 =	srdreg.scid  }
0x8b: {  	s0 =	sand.u32 $0x1, s1  }
0x8c: {  	s17 =	sshll.u32 s0, $0xA;
	s2 =	sadd.s32 s3, s2  }
0x8d: {  	s2 =	sadd.s32 s2, s17  }
0x8e: {  	[smem:$0x3FBD] =	sst s2  }
0x8f: {  	_ = 	snop  }
0x90: {  	s2 =	sld [smem:$0x3FC9];
	(tm) =	ssettm $0x1  }
0x91: {  	s18 =	sld [smem:$0x3FFB];
	_ =	sdelay $0x3  }
0x92: {  	_ =	strace s18  }
0x93: {  	s3 =	sld [smem:$0x3FFC];
	_ =	sdelay $0x3  }
0x94: {  	_ =	strace s3  }
0x95: {  	s3 =	sld [smem:$0x3FFD];
	_ =	sdelay $0x3  }
0x96: {  	_ =	strace s3  }
0x97: {  	_ =	strace $0x8FFFFFFF  }
0x98: {  	s19 =	sld [smem:$0x3FDB];
	_ =	sdelay $0x1  }
0x99: {  	s4 =	simm.s32 $_scs_section_size  }
0x9a: {  	s5 =	simm.s32 $_size__tile_overlayer_lowered;
	s6 =	simm.s32 $_tile_overlayer_lowered  }
0x9b: {  	s22 =	simm.s32 $0x1BFF;
	s21 =	sshll.u32 s6, $0x1;
	s3 =	sadd.s32 s4, s19  }
0x9c: {  	s7 =	simm.s32 $0x0;
	s20 =	sshll.u32 s5, $0x1;
	s5 =	sadd.s32 s21, s3  }
0x9d: {  	[timem:s7], [sflag:s22] =	dma.local [hbm:s5], s20  }
0x9e: {  	_ =	swait.ge [sflag:s22], s20  }
0x9f: {  	s4 =	ssub.s32 $0x0, s20;
	[sflag:s22] =	ssyncset.done $0x0  }
0xa0: {  	[sflag:s22] =	ssyncadd.s32 s4;
	_ =	sdelay $0x1  }
0xa1: {  	s23 =	simm.s32 $0x1B8B  }
0xa2: {  	_ =	swait.ge [sflag:s23], $0x1  }
0xa3: {  	[sflag:s23] =	ssyncset.done $0x0  }
0xa4: {  	s25 =	simm.s32 $0x1B8E;
	s24 =	sld [smem:$0x3FFE];
	[sflag:s23] =	ssyncadd.s32 $0xFFFFFFFF  }
0xa5: {  	s26 =	simm.s32 $execute0_lowered;
	[smem:$0x3FD2] =	sst s25  }
0xa6: {  	s5 =	sshll.u32 s26, $0x1;
	_ =	strace $0x80000046;
	[dreg:$0x1] =	wrdreg $0xFFFFFFFF  }
0xa7: {  	s28 =	simm.s32 $_size_execute0_lowered;
	s3 =	sadd.s32 s3, s5;
	[dreg:$0x0] =	wrdreg $0x0  }
0xa8: {  	s5 =	sshll.u32 s28, $0x1;
	[dreg:$0x2] =	wrdreg s3  }
0xa9: {  	[dreg:$0x3] =	wrdreg s5  }
0xaa: {  	[dreg:$0x4] =	wrdreg $0xC0  }
0xab: {  	_ =	task [dreg:s7], $0x5FFFF  }
0xac: {  	[dreg:$0x1] =	wrdreg $0xFFFFFFFF  }
0xad: {  	[dreg:$0x0] =	wrdreg $0x60  }
0xae: {  	[dreg:$0x2] =	wrdreg s2  }
0xaf: {  	[dreg:$0x3] =	wrdreg s24  }
0xb0: {  	[dreg:$0x4] =	wrdreg $0x94000  }
0xb1: {  	[dreg:$0x5] =	wrdreg $0x9  }
0xb2: {  	_ =	task.clear_ibuf [dreg:s7], $0x6FFFF;
	_ =	strace $0x90000046  }
0xb3: {  	s29 =	simm.s32 $0x9;
	_ =	strace $0x80000048  }
0xb4: {  	_ =	swait.ge [sflag:s29], $0x1  }
0xb5: {  	[sflag:s29] =	ssyncadd.s32 $0xFFFFFFFF  }
0xb6: {  	_ =	strace $0x90000048  }
0xb7: {  	_ =	sfence  }
0xb8: {  	s30 =	sld [smem:$0x0];
	_ =	sdelay $0x2  }
0xb9: {  	s31 =	sshll.u32 s1, $0xD;
	s1 =	sshrl.u32 s1, $0x2  }
0xba: {  	s3 =	sand.u32 $0x4000, s31;
	s1 =	sadd.s32 s1, s30  }
0xbb: {  	s0 =	sor.u32 s3, s0;
	s1 =	sshll.u32 s1, $0x11  }
0xbc: {  	s0 =	sor.u32 s1, s0  }
0xbd: {  	s0 =	sadd.s32 $0x8F2B, s0  }
0xbe: {  	[sflag:s0] =	ssyncadd.remote.s32 $0x1  }
0xbf: {  	_ =	sfence.sel $0xFFFF  }
0xc0: {  	[dreg:$0x0] =	wrdreg $0xFFFFFFFF;
	(pc) =	sbr.abs _section_cstart, $3  }
0xc1: {  	[dreg:$0x1] =	wrdreg $0xFFFFFFFF  }
0xc2: {  	_ =	task.clear_ibuf [dreg:s7], $0x2FFFF;
	_ =	strace $0x9FFFFFFF  }
0xc3: {  	(tm) =	ssettm $0x7FFFFFFF  }
tec
execute0_lowered:
.L_overlay_start_1:
0x0: {  	(tag) =	ssettag $0x1  }
0x1: {  	s0 =	srdreg.scid  }
0x2: {  	s1 =	rddreg [dreg:$0x0];
	s22 =	stileid.u32  }
0x3: {  	s4 =	rddreg [dreg:$0x1];
	s14 =	smul.u32 $0x280, s22  }
0x4: {  	s2 =	rddreg [dreg:$0x2];
	s8 =	smul.u32 $0x2800, s22  }
0x5: {  	s28 =	simm.s32 $0x2;
	s29 =	simm.s32 $0x3;
	s25 =	smul.u32 $0x50000, s22  }
0x6: {  	s31 =	simm.s32 $0x4;
	s0 =	sand.u32 $0x1, s0;
	s21 =	smul.u32 $0xA0000, s22  }
0x7: {  	s3 =	sshll.u32 s0, $0x4;
	s6 =	ssub.s32 $0x2, s0;
	s18 =	smul.u32 $0xA00000, s0  }
0x8: {  	s0 =	smul.u32 $0x140000, s0;
	s13 =	sor.u32 s22, s3;
	s3 =	simm.s32 $0x0  }
0x9: {  	s7 =	sshrl.u32 s6, $0x1;
	s9 =	sadd.s32 $0x80, s14;
	s10 =	sadd.s32 $0x100, s14  }
0xa: {  	s16 =	sadd.s32 $0x180, s14;
	s14 =	sadd.s32 $0x200, s14;
	s5 =	smul.u32 $0x1400, s13  }
0xb: {  	[smem:$0x7FF] =	sst s3;
	s6 =	ssub.s32 s6, s7;
	s15 =	smul.u32 $0xA0000, s13  }
0xc: {  	s7 =	sshrl.u32 s25, $0x2;
	s30 =	sshll.u32 s9, $0x4;
	s9 =	sshll.u32 s9, $0x7  }
0xd: {  	s11 =	sshll.u32 s10, $0x4;
	s12 =	sshll.u32 s10, $0x7;
	s17 =	sshll.u32 s16, $0x4  }
0xe: {  	s16 =	sshll.u32 s16, $0x7;
	s23 =	sshll.u32 s14, $0x4;
	s19 =	sshll.u32 s14, $0x7  }
0xf: {  	s18 =	sadd.s32 s21, s18;
	_ =	strace $0x80000047;
	s26 =	smax.u32 s6, $0x1  }
0x10: {  	s6 =	sadd.s32 s1, s8;
	s7 =	sadd.s32 s7, s2;
	s8 =	sadd.s32 s1, s30  }
0x11: {  	s9 =	sadd.s32 s9, s2;
	s10 =	sadd.s32 s1, s11;
	s11 =	sadd.s32 s12, s2  }
0x12: {  	s12 =	sadd.s32 s1, s17;
	s14 =	sadd.s32 s1, s23;
	s25 =	sor.u32 $0x8000, s18  }
0x13: {  	s23 =	simm.s32 $0x1400;
	s5 =	sshrl.u32 s5, $0x3;
	[dreg:$0x5] =	wrdreg s26  }
0x14: {  	s20 =	sshrl.u32 s15, $0x3;
	s15 =	sadd.s32 s19, s2;
	s26 =	smul.u32 $0x14000, s22  }
0x15: {  	s30 =	sshrl.u32 s25, $0x3;
	s22 =	simm.s32 $0x5;
	s5 =	sadd.s32 s5, s4  }
0x16: {  	s25 =	simm.s32 $0x1;
	s4 =	sadd.s32 $0xE400, s4;
	s5 =	sadd.s32 $0x9400, s5  }
0x17: {  	s0 =	sadd.s32 s0, s4;
	[dreg:$0x4] =	wrdreg s5;
	s5 =	smul.u32 $0x14000, s13  }
0x18: {  	s13 =	sadd.s32 s16, s2;
	s16 =	sadd.s32 s4, s20;
	s20 =	sadd.s32 s30, s4  }
0x19: {  	s0 =	sadd.s32 s26, s0;
	s26 =	simm.s32 $0x5400;
	s18 =	sadd.s32 $0x13000, s16  }
0x1a: {  	s21 =	sadd.s32 $0x1800, s0;
	s0 =	simm.s32 $0x0;
	s24 =	sadd.s32 s4, s5  }
0x1b: {  	s17 =	sadd.s32 $0x800, s24;
	s19 =	sadd.s32 $0x13800, s24;
	s24 =	simm.s32 $0x80  }
.LBB2_1:
0x1c: {  	s1 =	rddreg [dreg:$0x4]  }
0x1d: {  	[tilespmem:s3], [sflag:$0x5] =	stream.linear.gather [hbm4b:s1+s3], $0x1400, $0x38;
	[tilespmem:$0x1D400] =	vst v63  }
0x1e: {  	_ =	swait.ge [sflag:s22], $0x1400  }
0x1f: {  	[sflag:s22] =	ssyncset.done $0x0  }
0x20: {  	[sflag:s22] =	ssyncadd.s32 $0xFFFFEC00  }
0x21: {  	[tilespmem:s23], [sflag:$0x5] =	stream.linear.gather [hbm4b:s6+s3], $0x4000, $0x38;
	[tilespmem:$0x1D400] =	vst v63  }
0x22: {  	_ =	swait.ge [sflag:s22], $0x4000  }
0x23: {  	[sflag:s22] =	ssyncset.done $0x0  }
0x24: {  	[sflag:s22] =	ssyncadd.s32 $0xFFFFC000  }
0x25: {  	[spmem:s7] =	stream.linear.scatter [tilespmem:s23], [sflag:$0x5], $0x4000, $0x38;
	[tilespmem:$0x1D400] =	vst v63  }
0x26: {  	_ =	swait.ge [sflag:s22], $0x4000  }
0x27: {  	[sflag:s22] =	ssyncset.done $0x0  }
0x28: {  	[sflag:s22] =	ssyncadd.s32 $0xFFFFC000  }
0x29: {  	[tilespmem:s23], [sflag:$0x5] =	stream.linear.gather [hbm4b:s8+s3], $0x4000, $0x38;
	[tilespmem:$0x1D400] =	vst v63  }
0x2a: {  	_ =	swait.ge [sflag:s22], $0x4000  }
0x2b: {  	[sflag:s22] =	ssyncset.done $0x0  }
0x2c: {  	[sflag:s22] =	ssyncadd.s32 $0xFFFFC000  }
0x2d: {  	[spmem:s9] =	stream.linear.scatter [tilespmem:s23], [sflag:$0x5], $0x4000, $0x38;
	[tilespmem:$0x1D400] =	vst v63  }
0x2e: {  	_ =	swait.ge [sflag:s22], $0x4000  }
0x2f: {  	[sflag:s22] =	ssyncset.done $0x0  }
0x30: {  	[sflag:s22] =	ssyncadd.s32 $0xFFFFC000  }
0x31: {  	[tilespmem:s23], [sflag:$0x5] =	stream.linear.gather [hbm4b:s10+s3], $0x4000, $0x38;
	[tilespmem:$0x1D400] =	vst v63  }
0x32: {  	_ =	swait.ge [sflag:s22], $0x4000  }
0x33: {  	[sflag:s22] =	ssyncset.done $0x0  }
0x34: {  	[sflag:s22] =	ssyncadd.s32 $0xFFFFC000  }
0x35: {  	[spmem:s11] =	stream.linear.scatter [tilespmem:s23], [sflag:$0x5], $0x4000, $0x38;
	[tilespmem:$0x1D400] =	vst v63  }
0x36: {  	_ =	swait.ge [sflag:s22], $0x4000  }
0x37: {  	[sflag:s22] =	ssyncset.done $0x0  }
0x38: {  	[sflag:s22] =	ssyncadd.s32 $0xFFFFC000  }
0x39: {  	[tilespmem:s23], [sflag:$0x5] =	stream.linear.gather [hbm4b:s12+s3], $0x4000, $0x38;
	[tilespmem:$0x1D400] =	vst v63  }
0x3a: {  	_ =	swait.ge [sflag:s22], $0x4000  }
0x3b: {  	[sflag:s22] =	ssyncset.done $0x0  }
0x3c: {  	[sflag:s22] =	ssyncadd.s32 $0xFFFFC000  }
0x3d: {  	[spmem:s13] =	stream.linear.scatter [tilespmem:s23], [sflag:$0x5], $0x4000, $0x38;
	[tilespmem:$0x1D400] =	vst v63  }
0x3e: {  	_ =	swait.ge [sflag:s22], $0x4000  }
0x3f: {  	[sflag:s22] =	ssyncset.done $0x0  }
0x40: {  	[sflag:s22] =	ssyncadd.s32 $0xFFFFC000  }
0x41: {  	[tilespmem:s23], [sflag:$0x5] =	stream.linear.gather [hbm4b:s14+s3], $0x4000, $0x38;
	[tilespmem:$0x1D400] =	vst v63  }
0x42: {  	_ =	swait.ge [sflag:s22], $0x4000  }
0x43: {  	[sflag:s22] =	ssyncset.done $0x0  }
0x44: {  	[sflag:s22] =	ssyncadd.s32 $0xFFFFC000  }
0x45: {  	[spmem:s15] =	stream.linear.scatter [tilespmem:s23], [sflag:$0x5], $0x4000, $0x38;
	[tilespmem:$0x1D400] =	vst v63  }
0x46: {  	_ =	swait.ge [sflag:s22], $0x4000  }
0x47: {  	[sflag:s22] =	ssyncset.done $0x0  }
0x48: {  	[sflag:s22] =	ssyncadd.s32 $0xFFFFC000  }
0x49: {  	[bflag:$0x0] =	sbarrier.arrive $0xFFFF  }
0x4a: {  	[tilespmem:s23], [sflag:$0x1] =	stream.indirect.gather [spmem:s2], $0x80, s3, s24, $0xb8;
	[tilespmem:$0x1D400] =	vst v63  }
0x4b: {  	_ =	swait.ge [sflag:s25], $0x4000  }
0x4c: {  	[sflag:s25] =	ssyncset.done $0x0  }
0x4d: {  	[sflag:s25] =	ssyncadd.s32 $0xFFFFC000  }
0x4e: {  	[tilespmem:s26], [sflag:$0x2] =	stream.indirect.gather [spmem:s2], $0x80, s24, s24, $0xb8;
	[tilespmem:$0x1D400] =	vst v63  }
0x4f: {  	_ = 	snop  }
0x50: {  	[hbm4b:s16+s3] =	stream.linear.scatter [tilespmem:s23], [sflag:$0x3], $0x4000, $0x38;
	[tilespmem:$0x1D400] =	vst v63  }
0x51: {  	_ =	swait.ge [sflag:s28], $0x4000  }
0x52: {  	[sflag:s28] =	ssyncset.done $0x0  }
0x53: {  	[sflag:s28] =	ssyncadd.s32 $0xFFFFC000  }
0x54: {  	_ =	swait.ge [sflag:s29], $0x4000  }
0x55: {  	[sflag:s29] =	ssyncset.done $0x0  }
0x56: {  	s4 =	simm.s32 $0x100;
	[sflag:s29] =	ssyncadd.s32 $0xFFFFC000  }
0x57: {  	[tilespmem:s23], [sflag:$0x1] =	stream.indirect.gather [spmem:s2], $0x80, s4, s24, $0xb8;
	[tilespmem:$0x1D400] =	vst v63  }
0x58: {  	_ = 	snop  }
0x59: {  	[hbm4b:s17+s3] =	stream.linear.scatter [tilespmem:s26], [sflag:$0x4], $0x4000, $0x38;
	[tilespmem:$0x1D400] =	vst v63  }
0x5a: {  	_ =	swait.ge [sflag:s25], $0x4000  }
0x5b: {  	[sflag:s25] =	ssyncset.done $0x0  }
0x5c: {  	[sflag:s25] =	ssyncadd.s32 $0xFFFFC000  }
0x5d: {  	_ =	swait.ge [sflag:s31], $0x4000  }
0x5e: {  	[sflag:s31] =	ssyncset.done $0x0  }
0x5f: {  	s5 =	simm.s32 $0x180;
	[sflag:s31] =	ssyncadd.s32 $0xFFFFC000  }
0x60: {  	[tilespmem:s26], [sflag:$0x2] =	stream.indirect.gather [spmem:s2], $0x80, s5, s24, $0xb8;
	[tilespmem:$0x1D400] =	vst v63  }
0x61: {  	s4 =	sadd.s32 $0x0, s20  }
0x62: {  	[hbm4b:s4+s3] =	stream.linear.scatter [tilespmem:s23], [sflag:$0x3], $0x4000, $0x38;
	[tilespmem:$0x1D400] =	vst v63  }
0x63: {  	_ =	swait.ge [sflag:s28], $0x4000  }
0x64: {  	[sflag:s28] =	ssyncset.done $0x0  }
0x65: {  	[sflag:s28] =	ssyncadd.s32 $0xFFFFC000  }
0x66: {  	_ =	swait.ge [sflag:s29], $0x4000  }
0x67: {  	s30 =	simm.s32 $0x1000;
	s1 =	simm.s32 $0x300;
	[sflag:s29] =	ssyncset.done $0x0  }
0x68: {  	s5 =	simm.s32 $0x200;
	s4 =	sadd.s32 $0x0, s21;
	[sflag:s29] =	ssyncadd.s32 $0xFFFFC000  }
0x69: {  	[tilespmem:s23], [sflag:$0x1] =	stream.indirect.gather [spmem:s2], $0x80, s5, s24, $0xb8;
	[tilespmem:$0x1D400] =	vst v63  }
.LBB2_2:
0x6a: {  	[hbm4b:s4+s3] =	stream.linear.scatter [tilespmem:s26], [sflag:$0x4], $0x4000, $0x38;
	[tilespmem:$0x1D400] =	vst v63  }
0x6b: {  	s4 =	smov.u32 s30  }
0x6c: {  	p0 =	sne.s32 s30, $0x11000;
	s30 =	sadd.s32 $0x1000, s30;
	_ =	swait.ge [sflag:s25], $0x4000  }
0x6d: {  	[sflag:s25] =	ssyncset.done $0x0  }
0x6e: {  	[sflag:s25] =	ssyncadd.s32 $0xFFFFC000  }
0x6f: {  	_ =	swait.ge [sflag:s31], $0x4000  }
0x70: {  	[sflag:s31] =	ssyncset.done $0x0  }
0x71: {  	s5 =	sadd.s32 $0xFFFFFF80, s1;
	[sflag:s31] =	ssyncadd.s32 $0xFFFFC000  }
0x72: {  	[tilespmem:s26], [sflag:$0x2] =	stream.indirect.gather [spmem:s2], $0x80, s5, s24, $0xb8;
	[tilespmem:$0x1D400] =	vst v63  }
0x73: {  	s5 =	sadd.s32 s4, s20  }
0x74: {  	[hbm4b:s5+s3] =	stream.linear.scatter [tilespmem:s23], [sflag:$0x3], $0x4000, $0x38;
	[tilespmem:$0x1D400] =	vst v63  }
0x75: {  	_ =	swait.ge [sflag:s28], $0x4000  }
0x76: {  	[sflag:s28] =	ssyncset.done $0x0  }
0x77: {  	[sflag:s28] =	ssyncadd.s32 $0xFFFFC000  }
.Ltmp0:
0x78: {  	_ =	swait.ge [sflag:s29], $0x4000;
	(pc) =	sbr.rel @p0 .LBB2_2-.Ltmp0, $4  }
0x79: {  	[sflag:s29] =	ssyncset.done $0x0  }
0x7a: {  	[sflag:s29] =	ssyncadd.s32 $0xFFFFC000  }
0x7b: {  	[tilespmem:s23], [sflag:$0x1] =	stream.indirect.gather [spmem:s2], $0x80, s1, s24, $0xb8;
	[tilespmem:$0x1D400] =	vst v63  }
0x7c: {  	s4 =	sadd.s32 s4, s21;
	s1 =	sadd.s32 $0x100, s1  }
0x7d: {  	[hbm4b:s4+s3] =	stream.linear.scatter [tilespmem:s26], [sflag:$0x4], $0x4000, $0x38;
	[tilespmem:$0x1D400] =	vst v63  }
0x7e: {  	_ =	swait.ge [sflag:s25], $0x4000  }
0x7f: {  	[sflag:s25] =	ssyncset.done $0x0  }
0x80: {  	[sflag:s25] =	ssyncadd.s32 $0xFFFFC000  }
0x81: {  	_ =	swait.ge [sflag:s31], $0x4000  }
0x82: {  	[sflag:s31] =	ssyncset.done $0x0  }
0x83: {  	s1 =	simm.s32 $0x1380;
	[sflag:s31] =	ssyncadd.s32 $0xFFFFC000  }
0x84: {  	[tilespmem:s26], [sflag:$0x2] =	stream.indirect.gather [spmem:s2], $0x80, s1, s24, $0xb8;
	[tilespmem:$0x1D400] =	vst v63  }
0x85: {  	_ = 	snop  }
0x86: {  	[hbm4b:s18+s3] =	stream.linear.scatter [tilespmem:s23], [sflag:$0x3], $0x4000, $0x38;
	[tilespmem:$0x1D400] =	vst v63  }
0x87: {  	_ =	swait.ge [sflag:s28], $0x4000  }
0x88: {  	[sflag:s28] =	ssyncset.done $0x0  }
0x89: {  	[sflag:s28] =	ssyncadd.s32 $0xFFFFC000  }
0x8a: {  	_ =	swait.ge [sflag:s29], $0x4000  }
0x8b: {  	[sflag:s29] =	ssyncset.done $0x0  }
0x8c: {  	[sflag:s29] =	ssyncadd.s32 $0xFFFFC000  }
0x8d: {  	[hbm4b:s19+s3] =	stream.linear.scatter [tilespmem:s26], [sflag:$0x4], $0x4000, $0x38;
	[tilespmem:$0x1D400] =	vst v63  }
0x8e: {  	_ =	swait.ge [sflag:s31], $0x4000  }
0x8f: {  	s0 =	sadd.s32 $0x1, s0;
	s30 =	rddreg [dreg:$0x5]  }
0x90: {  	p0 =	sne.s32 s0, s30  }
.Ltmp1:
0x91: {  	_ = 	snop;
	(pc) =	sbr.rel @p0 .LBB2_1-.Ltmp1, $3  }
0x92: {  	_ =	sdelay $0x1  }
0x93: {  	[sflag:s31] =	ssyncset.done $0x0  }
0x94: {  	[sflag:s31] =	ssyncadd.s32 $0xFFFFC000  }
0x95: {  	_ =	sfence.sel $0x180000  }
0x96: {  	[bflag:$0x0] =	sbarrier.arrive $0xFFFF  }
0x97: {  	_ =	strace $0x90000047  }
0x98: {  	s0 =	stileid.u32;
	[bflag:$0x2] =	sbarrier.arrive $0xFFFF  }
0x99: {  	p0 =	sne.s32 s0, $0x0;
	s0 =	rddreg [dreg:$0x3]  }
0x9a: {  	s0 =	sadd.s32 @!p0 $0x100000, s0  }
0x9b: {  	[sflag:s0] =	ssyncadd.tile.s32 @!p0 $0x1;
	_ =	shalt  }
.Lfunc_end2:
_tile_overlayer_lowered:
.L_overlay_start_2:
0x9c: {  	(tag) =	ssettag $0x2  }
0x9d: {  	s0 =	rddreg [dreg:$0x0];
	s2 =	stileid.u32  }
0x9e: {  	s1 =	rddreg [dreg:$0x1];
	p0 =	sne.s32 s2, $0x0  }
0x9f: {  	s3 =	rddreg [dreg:$0x2];
	[bflag:$0x3] =	sbarrier.arrive $0xFFFF;
	s2 =	simm.s32 @!p0 $0x1C05  }
0xa0: {  	[timem:s3], [sflag:s2] =	dma.local @!p0 [hbm:s0], s1  }
0xa1: {  	s0 =	simm.s32 @!p0 $0x5  }
0xa2: {  	_ =	swait.ge @!p0 [sflag:s0], s1  }
0xa3: {  	s1 =	ssub.s32 @!p0 $0x0, s1;
	[sflag:s0] =	ssyncset.done @!p0 $0x0  }
0xa4: {  	[sflag:s0] =	ssyncadd.s32 @!p0 s1  }
0xa5: {  	[bflag:$0x3] =	sbarrier.arrive $0xFFFF  }
0xa6: {  	_ =	shalt  }

// kernel: kernel.18.cloned.1.call-start
scs
__scs_entry_jumppad:
0x0: {  	(pc) =	sbr.rel $0x88, $3  }
0x1: {  	(tag) =	ssettag $0x0;
	lr =	simm.s32 $0x1  }
0x2: {  	[smem:$0x3F96] =	sst lr;
	_ =	strace $0xD0000000  }
0x3: {  	_ = 	snop  }
0x4: {  	_ = 	snop  }
0x5: {  	_ = 	snop  }
0x6: {  	_ = 	snop  }
0x7: {  	_ = 	snop  }
__scs_overlays_trampoline_lowered:
0x8: {  	[smem:$0x3FA5] =	sst s0  }
0x9: {  	[smem:$0x3FA6] =	sst s1  }
0xa: {  	[smem:$0x3FA7] =	sst s2  }
0xb: {  	[smem:$0x3FA8] =	sst s3  }
0xc: {  	[smem:$0x3FA9] =	sst s4  }
0xd: {  	[smem:$0x3FAA] =	sst s5  }
0xe: {  	[smem:$0x3FAB] =	sst s6  }
0xf: {  	[smem:$0x3FAC] =	sst s7  }
0x10: {  	[smem:$0x3FAD] =	sst s8  }
0x11: {  	[smem:$0x3FAE] =	sst s9;
	s0 =	simm.s32 @!p0 $0x0  }
0x12: {  	s1 =	sld [smem:$0x3F94];
	s0 =	simm.s32 @p0 $0x1  }
0x13: {  	[smem:$0x3FAF] =	sst s0;
	s0 =	simm.s32 @!p1 $0x0  }
0x14: {  	s2 =	sld [smem:$0x3F93];
	s0 =	simm.s32 @p1 $0x1  }
0x15: {  	[smem:$0x3FB0] =	sst s0;
	s0 =	simm.s32 @!p2 $0x0  }
0x16: {  	s3 =	sld [smem:$0x3FDB];
	s0 =	simm.s32 @p2 $0x1  }
0x17: {  	s4 =	simm.s32 $0x1BF5;
	[smem:$0x3FB2] =	sst s0  }
0x18: {  	s0 =	sld [smem:$0x3F95];
	_ =	swait.ge [sflag:s4], $0x0  }
0x19: {  	s7 =	sld [smem:$0x3F96]  }
0x1a: {  	s8 =	sadd.s32 $0xFFFFE003, lr  }
0x1b: {  	s9 =	sadd.s32 $0xFFFFFEF7, lr;
	s5 =	simm.s32 $0xFFFFFFFF;
	p2 =	slt.u32 s8, $0xFFFFF086  }
0x1c: {  	p1 =	slt.u32 s9, $0xF7A;
	s5 =	simm.s32 @!p2 $0x0  }
0x1d: {  	s5 =	simm.s32 @p1 $0x1;
	p0 =	seq.s32 s7, s2  }
0x1e: {  	s7 =	smul.u32 @!p0 $0xF7A, s2;
	p2 =	seq.s32 @!p0 s5, $0x0  }
0x1f: {  	s9 =	smul.u32 $0xF7A, s1;
	s8 =	simm.s32 @!p0 $0x1BF5;
	p2 =	por !p2, p0  }
0x20: {  	[sflag:s8] =	ssyncset.s32 @!p0 $0xFFFFF086;
	s6 =	sadd.s32 @!p0 s3, s7;
	s7 =	simm.s32 @!p0 $0x108  }
0x21: {  	s3 =	sadd.s32 s3, s9;
	s6 =	sadd.s32 @!p0 $0x88, s6;
	s7 =	simm.s32 @p2 $0x1082  }
0x22: {  	[simem:s7], [sflag:s8] =	dma.local @!p0 [hbm:s6], $0xF7A  }
0x23: {  	s9 =	sor.u32 $0xD0000000, s2;
	s6 =	simm.s32 $0x108;
	_ =	swait.ge @!p0 [sflag:s8], $0x0  }
0x24: {  	s3 =	sadd.s32 $0x88, s3;
	s6 =	simm.s32 @!p1 $0x1082;
	[sflag:s4] =	ssyncset.s32 $0xFFFFF086  }
0x25: {  	[simem:s6], [sflag:s4] =	dma.local [hbm:s3], $0xF7A  }
0x26: {  	[smem:$0x3F96] =	sst s1;
	(tag) =	ssettag s2;
	_ =	strace s9  }
0x27: {  	s1 =	sld [smem:$0x3FA6]  }
0x28: {  	s2 =	sld [smem:$0x3FA7]  }
0x29: {  	s4 =	sld [smem:$0x3FA9]  }
0x2a: {  	p0 =	seq.s32 s5, $0x0;
	s5 =	sld [smem:$0x3FAA]  }
0x2b: {  	s6 =	sld [smem:$0x3FAB]  }
0x2c: {  	s7 =	sld [smem:$0x3FAC]  }
0x2d: {  	s3 =	simm.s32 $0x108;
	s8 =	sld [smem:$0x3FAD]  }
0x2e: {  	s3 =	simm.s32 @!p0 $0x1082;
	s9 =	sld [smem:$0x3FAE]  }
0x2f: {  	lr =	sadd.s32 s0, s3;
	s0 =	sld [smem:$0x3FA5]  }
0x30: {  	s3 =	sld [smem:$0x3FA8]  }
0x31: {  	[smem:$0x3FB1] =	sst s10  }
0x32: {  	s10 =	sld [smem:$0x3FAF];
	_ =	sdelay $0x3  }
0x33: {  	p0 =	seq.s32 s10, $0x1;
	s10 =	sld [smem:$0x3FB1];
	_ =	sdelay $0x3  }
0x34: {  	[smem:$0x3FB1] =	sst s10  }
0x35: {  	s10 =	sld [smem:$0x3FB0];
	_ =	sdelay $0x3  }
0x36: {  	p1 =	seq.s32 s10, $0x1;
	s10 =	sld [smem:$0x3FB1];
	_ =	sdelay $0x3  }
0x37: {  	[smem:$0x3FB1] =	sst s10  }
0x38: {  	s10 =	sld [smem:$0x3FB2]  }
0x39: {  	_ = 	snop;
	(pc) =	sbr.ind lr, $3  }
0x3a: {  	_ = 	snop  }
0x3b: {  	_ = 	snop  }
0x3c: {  	p2 =	seq.s32 s10, $0x1;
	s10 =	sld [smem:$0x3FB1]  }
0x3d: {  	_ =	shalt  }
0x3e: {  	_ =	shalt  }
0x3f: {  	_ =	shalt  }
0x40: {  	_ =	shalt  }
0x41: {  	_ =	shalt  }
0x42: {  	_ =	shalt  }
0x43: {  	_ =	shalt  }
0x44: {  	_ =	shalt  }
0x45: {  	_ =	shalt  }
0x46: {  	_ =	shalt  }
0x47: {  	_ =	shalt  }
0x48: {  	_ =	shalt  }
0x49: {  	_ =	shalt  }
0x4a: {  	_ =	shalt  }
0x4b: {  	_ =	shalt  }
0x4c: {  	_ =	shalt  }
0x4d: {  	_ =	shalt  }
0x4e: {  	_ =	shalt  }
0x4f: {  	_ =	shalt  }
0x50: {  	_ =	shalt  }
0x51: {  	_ =	shalt  }
0x52: {  	_ =	shalt  }
0x53: {  	_ =	shalt  }
0x54: {  	_ =	shalt  }
0x55: {  	_ =	shalt  }
0x56: {  	_ =	shalt  }
0x57: {  	_ =	shalt  }
0x58: {  	_ =	shalt  }
0x59: {  	_ =	shalt  }
0x5a: {  	_ =	shalt  }
0x5b: {  	_ =	shalt  }
0x5c: {  	_ =	shalt  }
0x5d: {  	_ =	shalt  }
0x5e: {  	_ =	shalt  }
0x5f: {  	_ =	shalt  }
0x60: {  	_ =	shalt  }
0x61: {  	_ =	shalt  }
0x62: {  	_ =	shalt  }
0x63: {  	_ =	shalt  }
0x64: {  	_ =	shalt  }
0x65: {  	_ =	shalt  }
0x66: {  	_ =	shalt  }
0x67: {  	_ =	shalt  }
0x68: {  	_ =	shalt  }
0x69: {  	_ =	shalt  }
0x6a: {  	_ =	shalt  }
0x6b: {  	_ =	shalt  }
0x6c: {  	_ =	shalt  }
0x6d: {  	_ =	shalt  }
0x6e: {  	_ =	shalt  }
0x6f: {  	_ =	shalt  }
0x70: {  	_ =	shalt  }
0x71: {  	_ =	shalt  }
0x72: {  	_ =	shalt  }
0x73: {  	_ =	shalt  }
0x74: {  	_ =	shalt  }
0x75: {  	_ =	shalt  }
0x76: {  	_ =	shalt  }
0x77: {  	_ =	shalt  }
0x78: {  	_ =	shalt  }
0x79: {  	_ =	shalt  }
0x7a: {  	_ =	shalt  }
0x7b: {  	_ =	shalt  }
0x7c: {  	_ =	shalt  }
0x7d: {  	_ =	shalt  }
0x7e: {  	_ =	shalt  }
0x7f: {  	_ =	shalt  }
0x80: {  	_ =	shalt  }
0x81: {  	_ =	shalt  }
0x82: {  	_ =	shalt  }
0x83: {  	_ =	shalt  }
0x84: {  	_ =	shalt  }
0x85: {  	_ =	shalt  }
0x86: {  	_ =	shalt  }
0x87: {  	_ =	shalt  }
.Lfunc_end0:
.L_simem_size_0:
called_computation.1_lowered:
.L_overlay_start_0:
0x88: {  	s2 =	sld [smem:$0x3FD9]  }
0x89: {  	s3 =	sld [smem:$0x3FFE];
	_ =	sdelay $0x1  }
0x8a: {  	s1 =	srdreg.scid  }
0x8b: {  	s0 =	sand.u32 $0x1, s1  }
0x8c: {  	s16 =	sshll.u32 s0, $0xA;
	s2 =	sadd.s32 s3, s2  }
0x8d: {  	s2 =	sadd.s32 s2, s16  }
0x8e: {  	[smem:$0x3FBD] =	sst s2  }
0x8f: {  	_ = 	snop  }
0x90: {  	(tm) =	ssettm $0x1  }
0x91: {  	s17 =	sld [smem:$0x3FFB];
	_ =	sdelay $0x3  }
0x92: {  	_ =	strace s17  }
0x93: {  	s2 =	sld [smem:$0x3FFC];
	_ =	sdelay $0x3  }
0x94: {  	_ =	strace s2  }
0x95: {  	s2 =	sld [smem:$0x3FFD];
	_ =	sdelay $0x3  }
0x96: {  	_ =	strace s2  }
0x97: {  	_ =	strace $0x8FFFFFFF  }
0x98: {  	s18 =	sld [smem:$0x3FDB];
	_ =	sdelay $0x1  }
0x99: {  	s19 =	simm.s32 $_scs_section_size  }
0x9a: {  	s4 =	simm.s32 $_size__tile_overlayer_lowered;
	s5 =	simm.s32 $_tile_overlayer_lowered  }
0x9b: {  	s22 =	simm.s32 $0x1BFF;
	s21 =	sshll.u32 s5, $0x1;
	s2 =	sadd.s32 s19, s18  }
0x9c: {  	s6 =	simm.s32 $0x0;
	s20 =	sshll.u32 s4, $0x1;
	s4 =	sadd.s32 s21, s2  }
0x9d: {  	[timem:s6], [sflag:s22] =	dma.local [hbm:s4], s20  }
0x9e: {  	_ =	swait.ge [sflag:s22], s20  }
0x9f: {  	s3 =	ssub.s32 $0x0, s20;
	[sflag:s22] =	ssyncset.done $0x0  }
0xa0: {  	[sflag:s22] =	ssyncadd.s32 s3;
	_ =	sdelay $0x1  }
0xa1: {  	s23 =	simm.s32 $0x1B8B  }
0xa2: {  	_ =	swait.ge [sflag:s23], $0x1  }
0xa3: {  	[sflag:s23] =	ssyncset.done $0x0  }
0xa4: {  	s25 =	simm.s32 $0x1B8E;
	s24 =	sld [smem:$0x3FFE];
	[sflag:s23] =	ssyncadd.s32 $0xFFFFFFFF  }
0xa5: {  	s26 =	simm.s32 $execute0_lowered;
	[smem:$0x3FD2] =	sst s25  }
0xa6: {  	s4 =	sshll.u32 s26, $0x1;
	_ =	strace $0x80000049;
	[dreg:$0x1] =	wrdreg $0xFFFFFFFF  }
0xa7: {  	s28 =	simm.s32 $_size_execute0_lowered;
	s2 =	sadd.s32 s2, s4;
	[dreg:$0x0] =	wrdreg $0x0  }
0xa8: {  	s4 =	sshll.u32 s28, $0x1;
	[dreg:$0x2] =	wrdreg s2  }
0xa9: {  	[dreg:$0x3] =	wrdreg s4  }
0xaa: {  	[dreg:$0x4] =	wrdreg $0xC0  }
0xab: {  	_ =	task [dreg:s6], $0x5FFFF  }
0xac: {  	[dreg:$0x1] =	wrdreg $0xFFFFFFFF  }
0xad: {  	[dreg:$0x0] =	wrdreg $0x60  }
0xae: {  	[dreg:$0x2] =	wrdreg s24  }
0xaf: {  	[dreg:$0x3] =	wrdreg $0xB4000  }
0xb0: {  	[dreg:$0x4] =	wrdreg $0x9  }
0xb1: {  	_ =	task.clear_ibuf [dreg:s6], $0x5FFFF;
	_ =	strace $0x90000049  }
0xb2: {  	s29 =	simm.s32 $0x9;
	_ =	strace $0x8000004B  }
0xb3: {  	_ =	swait.ge [sflag:s29], $0x1  }
0xb4: {  	[sflag:s29] =	ssyncadd.s32 $0xFFFFFFFF  }
0xb5: {  	_ =	strace $0x9000004B  }
0xb6: {  	_ =	sfence  }
0xb7: {  	s30 =	sld [smem:$0x0];
	_ =	sdelay $0x2  }
0xb8: {  	s31 =	sshll.u32 s1, $0xD;
	s1 =	sshrl.u32 s1, $0x2  }
0xb9: {  	s3 =	sand.u32 $0x4000, s31;
	s1 =	sadd.s32 s1, s30  }
0xba: {  	s0 =	sor.u32 s3, s0;
	s1 =	sshll.u32 s1, $0x11  }
0xbb: {  	s0 =	sor.u32 s1, s0  }
0xbc: {  	s0 =	sadd.s32 $0x8F2B, s0  }
0xbd: {  	[sflag:s0] =	ssyncadd.remote.s32 $0x1  }
0xbe: {  	_ =	sfence.sel $0xFFFF  }
0xbf: {  	[dreg:$0x0] =	wrdreg $0xFFFFFFFF;
	(pc) =	sbr.abs _section_cstart, $3  }
0xc0: {  	[dreg:$0x1] =	wrdreg $0xFFFFFFFF  }
0xc1: {  	_ =	task.clear_ibuf [dreg:s6], $0x2FFFF;
	_ =	strace $0x9FFFFFFF  }
0xc2: {  	(tm) =	ssettm $0x7FFFFFFF  }
0xc3: {  	_ =	shalt  }
tec
execute0_lowered:
.L_overlay_start_1:
0x0: {  	(tag) =	ssettag $0x1  }
0x1: {  	s0 =	srdreg.scid  }
0x2: {  	s19 =	stileid.u32;
	s4 =	rddreg [dreg:$0x0]  }
0x3: {  	s0 =	sand.u32 $0x1, s0;
	s1 =	smul.u32 $0x280, s19;
	s8 =	sadd.s32 $0xE400, s4  }
0x4: {  	s2 =	sshll.u32 s0, $0x4;
	s3 =	smul.u32 $0x2800, s0;
	s6 =	ssub.s32 $0x2, s0  }
0x5: {  	s0 =	smul.u32 $0x140000, s0;
	s2 =	sor.u32 s19, s2;
	s9 =	sshrl.u32 s6, $0x1  }
0x6: {  	s10 =	sadd.s32 $0x80, s1;
	s12 =	sadd.s32 $0xC0, s1;
	s16 =	sadd.s32 $0x180, s1  }
0x7: {  	s17 =	sadd.s32 $0x1C0, s1;
	s18 =	sadd.s32 $0x200, s1;
	s5 =	smul.u32 $0x1400, s2  }
0x8: {  	s7 =	sadd.s32 s3, s1;
	s6 =	ssub.s32 s6, s9;
	s11 =	sadd.s32 s3, s10  }
0x9: {  	s13 =	sadd.s32 s3, s12;
	s15 =	sadd.s32 s3, s16;
	s2 =	smul.u32 $0x14000, s2  }
0xa: {  	s7 =	sshll.u32 s7, $0x4;
	s21 =	sshll.u32 s11, $0x4;
	s22 =	sshll.u32 s13, $0x4  }
0xb: {  	s13 =	sadd.s32 $0x140, s1;
	s26 =	sshll.u32 s15, $0x4;
	s15 =	sadd.s32 s3, s17  }
0xc: {  	s7 =	sadd.s32 s8, s7;
	s23 =	sadd.s32 s8, s22;
	s14 =	sadd.s32 s3, s13  }
0xd: {  	s22 =	sshrl.u32 s5, $0x3;
	[dreg:$0x3] =	wrdreg s7;
	s7 =	sor.u32 $0x40, s1  }
0xe: {  	[dreg:$0x6] =	wrdreg s23;
	s25 =	sshll.u32 s14, $0x4;
	s14 =	sadd.s32 s8, s26  }
0xf: {  	s23 =	sshll.u32 s5, $0x4;
	s20 =	sadd.s32 s3, s7;
	[dreg:$0x9] =	wrdreg s14  }
0x10: {  	s14 =	rddreg [dreg:$0x1];
	s5 =	sshll.u32 s7, $0x7;
	s9 =	sshll.u32 s20, $0x4  }
0x11: {  	s7 =	sshll.u32 s12, $0x7;
	s20 =	sadd.s32 s3, s18;
	s9 =	sadd.s32 s8, s9  }
0x12: {  	[dreg:$0x4] =	wrdreg s9;
	s9 =	sadd.s32 s8, s21;
	s21 =	sshll.u32 s20, $0x4  }
0x13: {  	[dreg:$0x5] =	wrdreg s9;
	s9 =	sadd.s32 $0x100, s1;
	s1 =	sadd.s32 $0x240, s1  }
0x14: {  	s24 =	sadd.s32 s3, s9;
	s3 =	sadd.s32 s3, s1;
	s12 =	sshll.u32 s9, $0x7  }
0x15: {  	s1 =	sshll.u32 s1, $0x7;
	s9 =	simm.s32 $0x5;
	s11 =	sshll.u32 s24, $0x4  }
0x16: {  	s3 =	sshll.u32 s3, $0x4;
	s24 =	smul.u32 $0x50000, s19;
	s11 =	sadd.s32 s8, s11  }
0x17: {  	s28 =	sadd.s32 s1, s14;
	s3 =	sadd.s32 s8, s3;
	[dreg:$0x7] =	wrdreg s11  }
0x18: {  	s11 =	sadd.s32 s8, s25;
	[dreg:$0xc] =	wrdreg s3;
	s3 =	sadd.s32 s22, s4  }
0x19: {  	s4 =	sadd.s32 $0x50E400, s4;
	s25 =	smul.u32 $0x14000, s19;
	s26 =	sshrl.u32 s24, $0x2  }
0x1a: {  	s19 =	sshll.u32 s13, $0x7;
	s24 =	sshll.u32 s17, $0x7;
	s17 =	simm.s32 $0x80  }
0x1b: {  	[dreg:$0x8] =	wrdreg s11;
	s11 =	sshll.u32 s15, $0x4;
	s20 =	sadd.s32 s4, s2  }
0x1c: {  	s2 =	sadd.s32 s23, s4;
	s0 =	sadd.s32 s0, s4;
	s15 =	sadd.s32 s26, s14  }
0x1d: {  	s3 =	sadd.s32 $0x4400, s3;
	s4 =	smax.u32 s6, $0x1;
	s6 =	sshll.u32 s10, $0x7  }
0x1e: {  	s10 =	sadd.s32 s7, s14;
	s22 =	sadd.s32 s19, s14;
	s19 =	simm.s32 $0x3  }
0x1f: {  	s11 =	sadd.s32 s8, s11;
	s0 =	sadd.s32 s25, s0;
	s2 =	sadd.s32 $0x1000, s2  }
0x20: {  	s25 =	sshll.u32 s18, $0x7;
	[dreg:$0xa] =	wrdreg s11;
	s11 =	sadd.s32 s8, s21  }
0x21: {  	s30 =	sadd.s32 $0x2000, s15;
	[dreg:$0xb] =	wrdreg s11;
	s11 =	simm.s32 $0x0  }
0x22: {  	s31 =	sadd.s32 $0x4000, s15;
	s13 =	sadd.s32 $0x6000, s15;
	[smem:$0x7FF] =	sst s11  }
0x23: {  	s1 =	sadd.s32 $0xA000, s15;
	_ =	strace $0x8000004A;
	[dreg:$0xd] =	wrdreg s3  }
0x24: {  	s7 =	sadd.s32 $0x13800, s20;
	s18 =	simm.s32 $0x5400;
	[dreg:$0xe] =	wrdreg s4  }
0x25: {  	s8 =	sadd.s32 s6, s14;
	s21 =	sshll.u32 s16, $0x7;
	[dreg:$0xf] =	wrdreg s2  }
0x26: {  	s26 =	sadd.s32 s25, s14;
	s29 =	sadd.s32 $0x2000, s0;
	[dreg:$0x11] =	wrdreg s8  }
0x27: {  	s0 =	sadd.s32 $0x8000, s15;
	s6 =	sadd.s32 $0x800, s20;
	[dreg:$0x12] =	wrdreg s10  }
0x28: {  	s16 =	simm.s32 $0x1;
	s23 =	sadd.s32 s21, s14;
	[dreg:$0x14] =	wrdreg s22  }
0x29: {  	s21 =	simm.s32 $0x0;
	s2 =	sadd.s32 s5, s14;
	[dreg:$0x15] =	wrdreg s23  }
0x2a: {  	[dreg:$0x17] =	wrdreg s26;
	s3 =	sadd.s32 $0xE000, s15;
	s4 =	sadd.s32 $0x10000, s15  }
0x2b: {  	s5 =	sadd.s32 $0x12000, s15;
	s26 =	smov.u32 s20;
	s8 =	simm.s32 $0x9400  }
0x2c: {  	s10 =	simm.s32 $0x1400;
	[dreg:$0x10] =	wrdreg s2;
	s2 =	sadd.s32 s12, s14  }
0x2d: {  	s20 =	simm.s32 $0x2;
	[dreg:$0x13] =	wrdreg s2;
	s2 =	sadd.s32 s24, s14  }
0x2e: {  	v0 =	vimm.f32 $0.0e+00;
	s12 =	simm.s32 $0x4;
	[dreg:$0x16] =	wrdreg s2;
	s2 =	sadd.s32 $0xC000, s15  }
.LBB2_1:
0x2f: {  	s22 =	simm.s32 $0x0;
	s23 =	simm.s32 $0x200  }
.LBB2_2:
0x30: {  	p0 =	sne.s32 s23, $0x7E00;
	[tilespmem:s22+$0x9470] =	vst v0  }
0x31: {  	[tilespmem:s22+$0x9400] =	vst v0  }
0x32: {  	[tilespmem:s22+$0x9410] =	vst v0  }
.Ltmp0:
0x33: {  	[tilespmem:s22+$0x9420] =	vst v0;
	(pc) =	sbr.rel @p0 .LBB2_2-.Ltmp0, $4  }
0x34: {  	[tilespmem:s22+$0x9430] =	vst v0  }
0x35: {  	[tilespmem:s22+$0x9440] =	vst v0  }
0x36: {  	[tilespmem:s22+$0x9450] =	vst v0  }
0x37: {  	[tilespmem:s22+$0x9460] =	vst v0;
	s22 =	sshra.s32 s23, $0x2;
	s23 =	sadd.s32 $0x200, s23  }
0x38: {  	[tilespmem:s22+$0x9470] =	vst v0  }
0x39: {  	[tilespmem:s22+$0x9400] =	vst v0  }
0x3a: {  	[tilespmem:s22+$0x9410] =	vst v0  }
0x3b: {  	[tilespmem:s22+$0x9420] =	vst v0  }
0x3c: {  	[tilespmem:s22+$0x9430] =	vst v0  }
0x3d: {  	[tilespmem:s22+$0x9440] =	vst v0  }
0x3e: {  	[tilespmem:s22+$0x9450] =	vst v0  }
0x3f: {  	[tilespmem:s22+$0x9460] =	vst v0  }
0x40: {  	[spmem:s15] =	stream.linear.scatter [tilespmem:s8], [sflag:$0x5], $0x2000, $0x38;
	[tilespmem:$0x1F400] =	vst v63  }
0x41: {  	_ =	swait.ge [sflag:s9], $0x2000  }
0x42: {  	[sflag:s9] =	ssyncset.done $0x0  }
0x43: {  	[sflag:s9] =	ssyncadd.s32 $0xFFFFE000  }
0x44: {  	[spmem:s30] =	stream.linear.scatter [tilespmem:s8], [sflag:$0x5], $0x2000, $0x38;
	[tilespmem:$0x1F400] =	vst v63  }
0x45: {  	_ =	swait.ge [sflag:s9], $0x2000  }
0x46: {  	[sflag:s9] =	ssyncset.done $0x0  }
0x47: {  	[sflag:s9] =	ssyncadd.s32 $0xFFFFE000  }
0x48: {  	[spmem:s31] =	stream.linear.scatter [tilespmem:s8], [sflag:$0x5], $0x2000, $0x38;
	[tilespmem:$0x1F400] =	vst v63  }
0x49: {  	_ =	swait.ge [sflag:s9], $0x2000  }
0x4a: {  	[sflag:s9] =	ssyncset.done $0x0  }
0x4b: {  	[sflag:s9] =	ssyncadd.s32 $0xFFFFE000  }
0x4c: {  	[spmem:s13] =	stream.linear.scatter [tilespmem:s8], [sflag:$0x5], $0x2000, $0x38;
	[tilespmem:$0x1F400] =	vst v63  }
0x4d: {  	_ =	swait.ge [sflag:s9], $0x2000  }
0x4e: {  	[sflag:s9] =	ssyncset.done $0x0  }
0x4f: {  	[sflag:s9] =	ssyncadd.s32 $0xFFFFE000  }
0x50: {  	[spmem:s0] =	stream.linear.scatter [tilespmem:s8], [sflag:$0x5], $0x2000, $0x38;
	[tilespmem:$0x1F400] =	vst v63  }
0x51: {  	_ =	swait.ge [sflag:s9], $0x2000  }
0x52: {  	[sflag:s9] =	ssyncset.done $0x0  }
0x53: {  	[sflag:s9] =	ssyncadd.s32 $0xFFFFE000  }
0x54: {  	[spmem:s1] =	stream.linear.scatter [tilespmem:s8], [sflag:$0x5], $0x2000, $0x38;
	[tilespmem:$0x1F400] =	vst v63  }
0x55: {  	_ =	swait.ge [sflag:s9], $0x2000  }
0x56: {  	[sflag:s9] =	ssyncset.done $0x0  }
0x57: {  	[sflag:s9] =	ssyncadd.s32 $0xFFFFE000  }
0x58: {  	[spmem:s2] =	stream.linear.scatter [tilespmem:s8], [sflag:$0x5], $0x2000, $0x38;
	[tilespmem:$0x1F400] =	vst v63  }
0x59: {  	_ =	swait.ge [sflag:s9], $0x2000  }
0x5a: {  	[sflag:s9] =	ssyncset.done $0x0  }
0x5b: {  	[sflag:s9] =	ssyncadd.s32 $0xFFFFE000  }
0x5c: {  	[spmem:s3] =	stream.linear.scatter [tilespmem:s8], [sflag:$0x5], $0x2000, $0x38;
	[tilespmem:$0x1F400] =	vst v63  }
0x5d: {  	_ =	swait.ge [sflag:s9], $0x2000  }
0x5e: {  	[sflag:s9] =	ssyncset.done $0x0  }
0x5f: {  	[sflag:s9] =	ssyncadd.s32 $0xFFFFE000  }
0x60: {  	[spmem:s4] =	stream.linear.scatter [tilespmem:s8], [sflag:$0x5], $0x2000, $0x38;
	[tilespmem:$0x1F400] =	vst v63  }
0x61: {  	_ =	swait.ge [sflag:s9], $0x2000  }
0x62: {  	[sflag:s9] =	ssyncset.done $0x0  }
0x63: {  	[sflag:s9] =	ssyncadd.s32 $0xFFFFE000  }
0x64: {  	[spmem:s5] =	stream.linear.scatter [tilespmem:s8], [sflag:$0x5], $0x2000, $0x38;
	[tilespmem:$0x1F400] =	vst v63  }
0x65: {  	_ =	swait.ge [sflag:s9], $0x2000  }
0x66: {  	[sflag:s9] =	ssyncset.done $0x0  }
0x67: {  	[sflag:s9] =	ssyncadd.s32 $0xFFFFE000  }
0x68: {  	[bflag:$0x0] =	sbarrier.arrive $0xFFFF  }
0x69: {  	s24 =	simm.s32 $0x0;
	s23 =	rddreg [dreg:$0xd]  }
0x6a: {  	[tilespmem:s24], [sflag:$0x5] =	stream.linear.gather [hbm4b:s23+s24], $0x1400, $0x38;
	[tilespmem:$0x1F400] =	vst v63  }
0x6b: {  	_ =	swait.ge [sflag:s9], $0x1400  }
0x6c: {  	[sflag:s9] =	ssyncset.done $0x0  }
0x6d: {  	[sflag:s9] =	ssyncadd.s32 $0xFFFFEC00  }
0x6e: {  	[tilespmem:s10], [sflag:$0x1] =	stream.linear.gather [hbm4b:s26+s24], $0x4000, $0x38;
	[tilespmem:$0x1F400] =	vst v63  }
0x6f: {  	_ =	swait.ge [sflag:s16], $0x4000  }
0x70: {  	[sflag:s16] =	ssyncset.done $0x0  }
0x71: {  	[sflag:s16] =	ssyncadd.s32 $0xFFFFC000  }
0x72: {  	[spmem:s14] =	stream.indirect.scatter.add.f32 [tilespmem:s10], [sflag:$0x3], $0x80, s24, s17, $0xb8;
	[tilespmem:$0x1F400] =	vst v63  }
0x73: {  	_ = 	snop  }
0x74: {  	[tilespmem:s18], [sflag:$0x2] =	stream.linear.gather [hbm4b:s6+s24], $0x4000, $0x38;
	[tilespmem:$0x1F400] =	vst v63  }
0x75: {  	_ =	swait.ge [sflag:s19], $0x4000  }
0x76: {  	[sflag:s19] =	ssyncset.done $0x0  }
0x77: {  	s25 =	rddreg [dreg:$0xf];
	[sflag:s19] =	ssyncadd.s32 $0xFFFFC000  }
0x78: {  	[tilespmem:s10], [sflag:$0x1] =	stream.linear.gather [hbm4b:s25+s24], $0x4000, $0x38;
	[tilespmem:$0x1F400] =	vst v63  }
0x79: {  	_ =	swait.ge [sflag:s20], $0x4000  }
0x7a: {  	[sflag:s20] =	ssyncset.done $0x0  }
0x7b: {  	[sflag:s20] =	ssyncadd.s32 $0xFFFFC000  }
0x7c: {  	[spmem:s14] =	stream.indirect.scatter.add.f32 [tilespmem:s18], [sflag:$0x4], $0x80, s17, s17, $0xb8;
	[tilespmem:$0x1F400] =	vst v63  }
0x7d: {  	_ =	swait.ge [sflag:s16], $0x4000  }
0x7e: {  	[sflag:s16] =	ssyncset.done $0x0  }
0x7f: {  	s24 =	simm.s32 $0x100;
	[sflag:s16] =	ssyncadd.s32 $0xFFFFC000  }
0x80: {  	[spmem:s14] =	stream.indirect.scatter.add.f32 [tilespmem:s10], [sflag:$0x3], $0x80, s24, s17, $0xb8;
	[tilespmem:$0x1F400] =	vst v63  }
0x81: {  	_ =	swait.ge [sflag:s12], $0x4000  }
0x82: {  	[sflag:s12] =	ssyncset.done $0x0  }
0x83: {  	s25 =	sadd.s32 $0xFFFFF800, s29;
	[sflag:s12] =	ssyncadd.s32 $0xFFFFC000  }
0x84: {  	[tilespmem:s18], [sflag:$0x2] =	stream.linear.gather [hbm4b:s25+s11], $0x4000, $0x38;
	[tilespmem:$0x1F400] =	vst v63  }
0x85: {  	_ =	swait.ge [sflag:s19], $0x4000  }
0x86: {  	[sflag:s19] =	ssyncset.done $0x0  }
0x87: {  	[sflag:s19] =	ssyncadd.s32 $0xFFFFC000  }
0x88: {  	[tilespmem:s10], [sflag:$0x1] =	stream.linear.gather [hbm4b:s29+s11], $0x4000, $0x38;
	[tilespmem:$0x1F400] =	vst v63  }
0x89: {  	_ =	swait.ge [sflag:s20], $0x4000  }
0x8a: {  	s22 =	simm.s32 $0x400;
	[sflag:s20] =	ssyncset.done $0x0  }
0x8b: {  	s23 =	sadd.s32 $0x1000, s29;
	s24 =	simm.s32 $0x180;
	[sflag:s20] =	ssyncadd.s32 $0xFFFFC000  }
.LBB2_4:
0x8c: {  	[spmem:s14] =	stream.indirect.scatter.add.f32 [tilespmem:s18], [sflag:$0x4], $0x80, s24, s17, $0xb8;
	[tilespmem:$0x1F400] =	vst v63  }
0x8d: {  	s24 =	smov.u32 s22  }
0x8e: {  	p0 =	sne.s32 s22, $0x4400;
	s22 =	sadd.s32 $0x400, s22;
	_ =	swait.ge [sflag:s16], $0x4000  }
0x8f: {  	s24 =	sshra.s32 s24, $0x2;
	[sflag:s16] =	ssyncset.done $0x0  }
0x90: {  	s25 =	sadd.s32 $0x100, s24;
	[sflag:s16] =	ssyncadd.s32 $0xFFFFC000  }
0x91: {  	[spmem:s14] =	stream.indirect.scatter.add.f32 [tilespmem:s10], [sflag:$0x3], $0x80, s25, s17, $0xb8;
	[tilespmem:$0x1F400] =	vst v63  }
0x92: {  	_ =	swait.ge [sflag:s12], $0x4000  }
0x93: {  	[sflag:s12] =	ssyncset.done $0x0  }
0x94: {  	s25 =	sadd.s32 $0xFFFFF800, s23;
	[sflag:s12] =	ssyncadd.s32 $0xFFFFC000  }
0x95: {  	[tilespmem:s18], [sflag:$0x2] =	stream.linear.gather [hbm4b:s25+s11], $0x4000, $0x38;
	[tilespmem:$0x1F400] =	vst v63  }
0x96: {  	_ =	swait.ge [sflag:s19], $0x4000  }
0x97: {  	[sflag:s19] =	ssyncset.done $0x0  }
.Ltmp1:
0x98: {  	[sflag:s19] =	ssyncadd.s32 $0xFFFFC000;
	(pc) =	sbr.rel @p0 .LBB2_4-.Ltmp1, $4  }
0x99: {  	[tilespmem:s10], [sflag:$0x1] =	stream.linear.gather [hbm4b:s23+s11], $0x4000, $0x38;
	[tilespmem:$0x1F400] =	vst v63  }
0x9a: {  	_ =	swait.ge [sflag:s20], $0x4000  }
0x9b: {  	[sflag:s20] =	ssyncset.done $0x0  }
0x9c: {  	s24 =	sadd.s32 $0x180, s24;
	s23 =	sadd.s32 $0x1000, s23;
	[sflag:s20] =	ssyncadd.s32 $0xFFFFC000  }
0x9d: {  	[spmem:s14] =	stream.indirect.scatter.add.f32 [tilespmem:s18], [sflag:$0x4], $0x80, s24, s17, $0xb8;
	[tilespmem:$0x1F400] =	vst v63  }
0x9e: {  	_ =	swait.ge [sflag:s16], $0x4000  }
0x9f: {  	[sflag:s16] =	ssyncset.done $0x0  }
0xa0: {  	s22 =	simm.s32 $0x1300;
	[sflag:s16] =	ssyncadd.s32 $0xFFFFC000  }
0xa1: {  	[spmem:s14] =	stream.indirect.scatter.add.f32 [tilespmem:s10], [sflag:$0x3], $0x80, s22, s17, $0xb8;
	[tilespmem:$0x1F400] =	vst v63  }
0xa2: {  	_ =	swait.ge [sflag:s12], $0x4000  }
0xa3: {  	[sflag:s12] =	ssyncset.done $0x0  }
0xa4: {  	[sflag:s12] =	ssyncadd.s32 $0xFFFFC000  }
0xa5: {  	[tilespmem:s18], [sflag:$0x2] =	stream.linear.gather [hbm4b:s7+s11], $0x4000, $0x38;
	[tilespmem:$0x1F400] =	vst v63  }
0xa6: {  	_ =	swait.ge [sflag:s19], $0x4000  }
0xa7: {  	[sflag:s19] =	ssyncset.done $0x0  }
0xa8: {  	[sflag:s19] =	ssyncadd.s32 $0xFFFFC000  }
0xa9: {  	_ =	swait.ge [sflag:s20], $0x4000  }
0xaa: {  	[sflag:s20] =	ssyncset.done $0x0  }
0xab: {  	s24 =	simm.s32 $0x1380;
	[sflag:s20] =	ssyncadd.s32 $0xFFFFC000  }
0xac: {  	[spmem:s14] =	stream.indirect.scatter.add.f32 [tilespmem:s18], [sflag:$0x4], $0x80, s24, s17, $0xb8;
	[tilespmem:$0x1F400] =	vst v63  }
0xad: {  	_ =	swait.ge [sflag:s12], $0x4000  }
0xae: {  	[sflag:s12] =	ssyncset.done $0x0  }
0xaf: {  	[sflag:s12] =	ssyncadd.s32 $0xFFFFC000  }
0xb0: {  	[bflag:$0x0] =	sbarrier.arrive $0xFFFF  }
0xb1: {  	[tilespmem:s8], [sflag:$0x5] =	stream.linear.gather [spmem:s15], $0x2000, $0x38;
	[tilespmem:$0x1F400] =	vst v63  }
0xb2: {  	_ =	swait.ge [sflag:s9], $0x2000  }
0xb3: {  	[sflag:s9] =	ssyncset.done $0x0  }
0xb4: {  	s25 =	rddreg [dreg:$0x3];
	[sflag:s9] =	ssyncadd.s32 $0xFFFFE000  }
0xb5: {  	[hbm4b:s25+s11] =	stream.linear.scatter [tilespmem:s8], [sflag:$0x5], $0x2000, $0x38;
	[tilespmem:$0x1F400] =	vst v63  }
0xb6: {  	_ =	swait.ge [sflag:s9], $0x2000  }
0xb7: {  	[sflag:s9] =	ssyncset.done $0x0  }
0xb8: {  	s23 =	rddreg [dreg:$0x10];
	[sflag:s9] =	ssyncadd.s32 $0xFFFFE000  }
0xb9: {  	[tilespmem:s8], [sflag:$0x5] =	stream.linear.gather [spmem:s23], $0x2000, $0x38;
	[tilespmem:$0x1F400] =	vst v63  }
0xba: {  	_ =	swait.ge [sflag:s9], $0x2000  }
0xbb: {  	[sflag:s9] =	ssyncset.done $0x0  }
0xbc: {  	s24 =	rddreg [dreg:$0x4];
	[sflag:s9] =	ssyncadd.s32 $0xFFFFE000  }
0xbd: {  	[hbm4b:s24+s11] =	stream.linear.scatter [tilespmem:s8], [sflag:$0x5], $0x2000, $0x38;
	[tilespmem:$0x1F400] =	vst v63  }
0xbe: {  	_ =	swait.ge [sflag:s9], $0x2000  }
0xbf: {  	[sflag:s9] =	ssyncset.done $0x0  }
0xc0: {  	s25 =	rddreg [dreg:$0x11];
	[sflag:s9] =	ssyncadd.s32 $0xFFFFE000  }
0xc1: {  	[tilespmem:s8], [sflag:$0x5] =	stream.linear.gather [spmem:s25], $0x2000, $0x38;
	[tilespmem:$0x1F400] =	vst v63  }
0xc2: {  	_ =	swait.ge [sflag:s9], $0x2000  }
0xc3: {  	[sflag:s9] =	ssyncset.done $0x0  }
0xc4: {  	s23 =	rddreg [dreg:$0x5];
	[sflag:s9] =	ssyncadd.s32 $0xFFFFE000  }
0xc5: {  	[hbm4b:s23+s11] =	stream.linear.scatter [tilespmem:s8], [sflag:$0x5], $0x2000, $0x38;
	[tilespmem:$0x1F400] =	vst v63  }
0xc6: {  	_ =	swait.ge [sflag:s9], $0x2000  }
0xc7: {  	[sflag:s9] =	ssyncset.done $0x0  }
0xc8: {  	s24 =	rddreg [dreg:$0x12];
	[sflag:s9] =	ssyncadd.s32 $0xFFFFE000  }
0xc9: {  	[tilespmem:s8], [sflag:$0x5] =	stream.linear.gather [spmem:s24], $0x2000, $0x38;
	[tilespmem:$0x1F400] =	vst v63  }
0xca: {  	_ =	swait.ge [sflag:s9], $0x2000  }
0xcb: {  	[sflag:s9] =	ssyncset.done $0x0  }
0xcc: {  	s25 =	rddreg [dreg:$0x6];
	[sflag:s9] =	ssyncadd.s32 $0xFFFFE000  }
0xcd: {  	[hbm4b:s25+s11] =	stream.linear.scatter [tilespmem:s8], [sflag:$0x5], $0x2000, $0x38;
	[tilespmem:$0x1F400] =	vst v63  }
0xce: {  	_ =	swait.ge [sflag:s9], $0x2000  }
0xcf: {  	[sflag:s9] =	ssyncset.done $0x0  }
0xd0: {  	s23 =	rddreg [dreg:$0x13];
	[sflag:s9] =	ssyncadd.s32 $0xFFFFE000  }
0xd1: {  	[tilespmem:s8], [sflag:$0x5] =	stream.linear.gather [spmem:s23], $0x2000, $0x38;
	[tilespmem:$0x1F400] =	vst v63  }
0xd2: {  	_ =	swait.ge [sflag:s9], $0x2000  }
0xd3: {  	[sflag:s9] =	ssyncset.done $0x0  }
0xd4: {  	s24 =	rddreg [dreg:$0x7];
	[sflag:s9] =	ssyncadd.s32 $0xFFFFE000  }
0xd5: {  	[hbm4b:s24+s11] =	stream.linear.scatter [tilespmem:s8], [sflag:$0x5], $0x2000, $0x38;
	[tilespmem:$0x1F400] =	vst v63  }
0xd6: {  	_ =	swait.ge [sflag:s9], $0x2000  }
0xd7: {  	[sflag:s9] =	ssyncset.done $0x0  }
0xd8: {  	s25 =	rddreg [dreg:$0x14];
	[sflag:s9] =	ssyncadd.s32 $0xFFFFE000  }
0xd9: {  	[tilespmem:s8], [sflag:$0x5] =	stream.linear.gather [spmem:s25], $0x2000, $0x38;
	[tilespmem:$0x1F400] =	vst v63  }
0xda: {  	_ =	swait.ge [sflag:s9], $0x2000  }
0xdb: {  	[sflag:s9] =	ssyncset.done $0x0  }
0xdc: {  	s23 =	rddreg [dreg:$0x8];
	[sflag:s9] =	ssyncadd.s32 $0xFFFFE000  }
0xdd: {  	[hbm4b:s23+s11] =	stream.linear.scatter [tilespmem:s8], [sflag:$0x5], $0x2000, $0x38;
	[tilespmem:$0x1F400] =	vst v63  }
0xde: {  	_ =	swait.ge [sflag:s9], $0x2000  }
0xdf: {  	[sflag:s9] =	ssyncset.done $0x0  }
0xe0: {  	s24 =	rddreg [dreg:$0x15];
	[sflag:s9] =	ssyncadd.s32 $0xFFFFE000  }
0xe1: {  	[tilespmem:s8], [sflag:$0x5] =	stream.linear.gather [spmem:s24], $0x2000, $0x38;
	[tilespmem:$0x1F400] =	vst v63  }
0xe2: {  	_ =	swait.ge [sflag:s9], $0x2000  }
0xe3: {  	[sflag:s9] =	ssyncset.done $0x0  }
0xe4: {  	s25 =	rddreg [dreg:$0x9];
	[sflag:s9] =	ssyncadd.s32 $0xFFFFE000  }
0xe5: {  	[hbm4b:s25+s11] =	stream.linear.scatter [tilespmem:s8], [sflag:$0x5], $0x2000, $0x38;
	[tilespmem:$0x1F400] =	vst v63  }
0xe6: {  	_ =	swait.ge [sflag:s9], $0x2000  }
0xe7: {  	[sflag:s9] =	ssyncset.done $0x0  }
0xe8: {  	s23 =	rddreg [dreg:$0x16];
	[sflag:s9] =	ssyncadd.s32 $0xFFFFE000  }
0xe9: {  	[tilespmem:s8], [sflag:$0x5] =	stream.linear.gather [spmem:s23], $0x2000, $0x38;
	[tilespmem:$0x1F400] =	vst v63  }
0xea: {  	_ =	swait.ge [sflag:s9], $0x2000  }
0xeb: {  	[sflag:s9] =	ssyncset.done $0x0  }
0xec: {  	s24 =	rddreg [dreg:$0xa];
	[sflag:s9] =	ssyncadd.s32 $0xFFFFE000  }
0xed: {  	[hbm4b:s24+s11] =	stream.linear.scatter [tilespmem:s8], [sflag:$0x5], $0x2000, $0x38;
	[tilespmem:$0x1F400] =	vst v63  }
0xee: {  	_ =	swait.ge [sflag:s9], $0x2000  }
0xef: {  	[sflag:s9] =	ssyncset.done $0x0  }
0xf0: {  	s25 =	rddreg [dreg:$0x17];
	[sflag:s9] =	ssyncadd.s32 $0xFFFFE000  }
0xf1: {  	[tilespmem:s8], [sflag:$0x5] =	stream.linear.gather [spmem:s25], $0x2000, $0x38;
	[tilespmem:$0x1F400] =	vst v63  }
0xf2: {  	_ =	swait.ge [sflag:s9], $0x2000  }
0xf3: {  	[sflag:s9] =	ssyncset.done $0x0  }
0xf4: {  	s23 =	rddreg [dreg:$0xb];
	[sflag:s9] =	ssyncadd.s32 $0xFFFFE000  }
0xf5: {  	[hbm4b:s23+s11] =	stream.linear.scatter [tilespmem:s8], [sflag:$0x5], $0x2000, $0x38;
	[tilespmem:$0x1F400] =	vst v63  }
0xf6: {  	_ =	swait.ge [sflag:s9], $0x2000  }
0xf7: {  	[sflag:s9] =	ssyncset.done $0x0  }
0xf8: {  	[sflag:s9] =	ssyncadd.s32 $0xFFFFE000  }
0xf9: {  	[tilespmem:s8], [sflag:$0x5] =	stream.linear.gather [spmem:s28], $0x2000, $0x38;
	[tilespmem:$0x1F400] =	vst v63  }
0xfa: {  	_ =	swait.ge [sflag:s9], $0x2000  }
0xfb: {  	[sflag:s9] =	ssyncset.done $0x0  }
0xfc: {  	s24 =	rddreg [dreg:$0xc];
	[sflag:s9] =	ssyncadd.s32 $0xFFFFE000  }
0xfd: {  	[hbm4b:s24+s11] =	stream.linear.scatter [tilespmem:s8], [sflag:$0x5], $0x2000, $0x38;
	[tilespmem:$0x1F400] =	vst v63  }
0xfe: {  	_ =	swait.ge [sflag:s9], $0x2000  }
0xff: {  	s21 =	sadd.s32 $0x1, s21;
	s25 =	rddreg [dreg:$0xe]  }
0x100: {  	p0 =	sne.s32 s21, s25  }
.Ltmp2:
0x101: {  	_ = 	snop;
	(pc) =	sbr.rel @p0 .LBB2_1-.Ltmp2, $3  }
0x102: {  	_ =	sdelay $0x1  }
0x103: {  	[sflag:s9] =	ssyncset.done $0x0  }
0x104: {  	[sflag:s9] =	ssyncadd.s32 $0xFFFFE000  }
0x105: {  	_ =	sfence.sel $0x180000  }
0x106: {  	[bflag:$0x0] =	sbarrier.arrive $0xFFFF  }
0x107: {  	_ =	strace $0x9000004A  }
0x108: {  	s0 =	stileid.u32;
	[bflag:$0x2] =	sbarrier.arrive $0xFFFF  }
0x109: {  	p0 =	sne.s32 s0, $0x0;
	s0 =	rddreg [dreg:$0x2]  }
0x10a: {  	s0 =	sadd.s32 @!p0 $0x100000, s0  }
0x10b: {  	[sflag:s0] =	ssyncadd.tile.s32 @!p0 $0x1;
	_ =	shalt  }
.Lfunc_end2:
_tile_overlayer_lowered:
.L_overlay_start_2:
0x10c: {  	(tag) =	ssettag $0x2  }
0x10d: {  	s0 =	rddreg [dreg:$0x0];
	s2 =	stileid.u32  }
0x10e: {  	s1 =	rddreg [dreg:$0x1];
	p0 =	sne.s32 s2, $0x0  }
0x10f: {  	s3 =	rddreg [dreg:$0x2];
	[bflag:$0x3] =	sbarrier.arrive $0xFFFF;
	s2 =	simm.s32 @!p0 $0x1C05  }
0x110: {  	[timem:s3], [sflag:s2] =	dma.local @!p0 [hbm:s0], s1  }
0x111: {  	s0 =	simm.s32 @!p0 $0x5  }
0x112: {  	_ =	swait.ge @!p0 [sflag:s0], s1  }
0x113: {  	s1 =	ssub.s32 @!p0 $0x0, s1;
	[sflag:s0] =	ssyncset.done @!p0 $0x0  }
0x114: {  	[sflag:s0] =	ssyncadd.s32 @!p0 s1  }
0x115: {  	[bflag:$0x3] =	sbarrier.arrive $0xFFFF  }
0x116: {  	_ =	shalt  }

// kernel: kernel.21.cloned.1.call-start
scs
__scs_entry_jumppad:
0x0: {  	(pc) =	sbr.rel $0x88, $3  }
0x1: {  	(tag) =	ssettag $0x0;
	lr =	simm.s32 $0x1  }
0x2: {  	[smem:$0x3F96] =	sst lr;
	_ =	strace $0xD0000000  }
0x3: {  	_ = 	snop  }
0x4: {  	_ = 	snop  }
0x5: {  	_ = 	snop  }
0x6: {  	_ = 	snop  }
0x7: {  	_ = 	snop  }
__scs_overlays_trampoline_lowered:
0x8: {  	[smem:$0x3FA5] =	sst s0  }
0x9: {  	[smem:$0x3FA6] =	sst s1  }
0xa: {  	[smem:$0x3FA7] =	sst s2  }
0xb: {  	[smem:$0x3FA8] =	sst s3  }
0xc: {  	[smem:$0x3FA9] =	sst s4  }
0xd: {  	[smem:$0x3FAA] =	sst s5  }
0xe: {  	[smem:$0x3FAB] =	sst s6  }
0xf: {  	[smem:$0x3FAC] =	sst s7  }
0x10: {  	[smem:$0x3FAD] =	sst s8  }
0x11: {  	[smem:$0x3FAE] =	sst s9;
	s0 =	simm.s32 @!p0 $0x0  }
0x12: {  	s1 =	sld [smem:$0x3F94];
	s0 =	simm.s32 @p0 $0x1  }
0x13: {  	[smem:$0x3FAF] =	sst s0;
	s0 =	simm.s32 @!p1 $0x0  }
0x14: {  	s2 =	sld [smem:$0x3F93];
	s0 =	simm.s32 @p1 $0x1  }
0x15: {  	[smem:$0x3FB0] =	sst s0;
	s0 =	simm.s32 @!p2 $0x0  }
0x16: {  	s3 =	sld [smem:$0x3FDB];
	s0 =	simm.s32 @p2 $0x1  }
0x17: {  	s4 =	simm.s32 $0x1BF5;
	[smem:$0x3FB2] =	sst s0  }
0x18: {  	s0 =	sld [smem:$0x3F95];
	_ =	swait.ge [sflag:s4], $0x0  }
0x19: {  	s7 =	sld [smem:$0x3F96]  }
0x1a: {  	s8 =	sadd.s32 $0xFFFFE003, lr  }
0x1b: {  	s9 =	sadd.s32 $0xFFFFFEF7, lr;
	s5 =	simm.s32 $0xFFFFFFFF;
	p2 =	slt.u32 s8, $0xFFFFF086  }
0x1c: {  	p1 =	slt.u32 s9, $0xF7A;
	s5 =	simm.s32 @!p2 $0x0  }
0x1d: {  	s5 =	simm.s32 @p1 $0x1;
	p0 =	seq.s32 s7, s2  }
0x1e: {  	s7 =	smul.u32 @!p0 $0xF7A, s2;
	p2 =	seq.s32 @!p0 s5, $0x0  }
0x1f: {  	s9 =	smul.u32 $0xF7A, s1;
	s8 =	simm.s32 @!p0 $0x1BF5;
	p2 =	por !p2, p0  }
0x20: {  	[sflag:s8] =	ssyncset.s32 @!p0 $0xFFFFF086;
	s6 =	sadd.s32 @!p0 s3, s7;
	s7 =	simm.s32 @!p0 $0x108  }
0x21: {  	s3 =	sadd.s32 s3, s9;
	s6 =	sadd.s32 @!p0 $0x88, s6;
	s7 =	simm.s32 @p2 $0x1082  }
0x22: {  	[simem:s7], [sflag:s8] =	dma.local @!p0 [hbm:s6], $0xF7A  }
0x23: {  	s9 =	sor.u32 $0xD0000000, s2;
	s6 =	simm.s32 $0x108;
	_ =	swait.ge @!p0 [sflag:s8], $0x0  }
0x24: {  	s3 =	sadd.s32 $0x88, s3;
	s6 =	simm.s32 @!p1 $0x1082;
	[sflag:s4] =	ssyncset.s32 $0xFFFFF086  }
0x25: {  	[simem:s6], [sflag:s4] =	dma.local [hbm:s3], $0xF7A  }
0x26: {  	[smem:$0x3F96] =	sst s1;
	(tag) =	ssettag s2;
	_ =	strace s9  }
0x27: {  	s1 =	sld [smem:$0x3FA6]  }
0x28: {  	s2 =	sld [smem:$0x3FA7]  }
0x29: {  	s4 =	sld [smem:$0x3FA9]  }
0x2a: {  	p0 =	seq.s32 s5, $0x0;
	s5 =	sld [smem:$0x3FAA]  }
0x2b: {  	s6 =	sld [smem:$0x3FAB]  }
0x2c: {  	s7 =	sld [smem:$0x3FAC]  }
0x2d: {  	s3 =	simm.s32 $0x108;
	s8 =	sld [smem:$0x3FAD]  }
0x2e: {  	s3 =	simm.s32 @!p0 $0x1082;
	s9 =	sld [smem:$0x3FAE]  }
0x2f: {  	lr =	sadd.s32 s0, s3;
	s0 =	sld [smem:$0x3FA5]  }
0x30: {  	s3 =	sld [smem:$0x3FA8]  }
0x31: {  	[smem:$0x3FB1] =	sst s10  }
0x32: {  	s10 =	sld [smem:$0x3FAF];
	_ =	sdelay $0x3  }
0x33: {  	p0 =	seq.s32 s10, $0x1;
	s10 =	sld [smem:$0x3FB1];
	_ =	sdelay $0x3  }
0x34: {  	[smem:$0x3FB1] =	sst s10  }
0x35: {  	s10 =	sld [smem:$0x3FB0];
	_ =	sdelay $0x3  }
0x36: {  	p1 =	seq.s32 s10, $0x1;
	s10 =	sld [smem:$0x3FB1];
	_ =	sdelay $0x3  }
0x37: {  	[smem:$0x3FB1] =	sst s10  }
0x38: {  	s10 =	sld [smem:$0x3FB2]  }
0x39: {  	_ = 	snop;
	(pc) =	sbr.ind lr, $3  }
0x3a: {  	_ = 	snop  }
0x3b: {  	_ = 	snop  }
0x3c: {  	p2 =	seq.s32 s10, $0x1;
	s10 =	sld [smem:$0x3FB1]  }
0x3d: {  	_ =	shalt  }
0x3e: {  	_ =	shalt  }
0x3f: {  	_ =	shalt  }
0x40: {  	_ =	shalt  }
0x41: {  	_ =	shalt  }
0x42: {  	_ =	shalt  }
0x43: {  	_ =	shalt  }
0x44: {  	_ =	shalt  }
0x45: {  	_ =	shalt  }
0x46: {  	_ =	shalt  }
0x47: {  	_ =	shalt  }
0x48: {  	_ =	shalt  }
0x49: {  	_ =	shalt  }
0x4a: {  	_ =	shalt  }
0x4b: {  	_ =	shalt  }
0x4c: {  	_ =	shalt  }
0x4d: {  	_ =	shalt  }
0x4e: {  	_ =	shalt  }
0x4f: {  	_ =	shalt  }
0x50: {  	_ =	shalt  }
0x51: {  	_ =	shalt  }
0x52: {  	_ =	shalt  }
0x53: {  	_ =	shalt  }
0x54: {  	_ =	shalt  }
0x55: {  	_ =	shalt  }
0x56: {  	_ =	shalt  }
0x57: {  	_ =	shalt  }
0x58: {  	_ =	shalt  }
0x59: {  	_ =	shalt  }
0x5a: {  	_ =	shalt  }
0x5b: {  	_ =	shalt  }
0x5c: {  	_ =	shalt  }
0x5d: {  	_ =	shalt  }
0x5e: {  	_ =	shalt  }
0x5f: {  	_ =	shalt  }
0x60: {  	_ =	shalt  }
0x61: {  	_ =	shalt  }
0x62: {  	_ =	shalt  }
0x63: {  	_ =	shalt  }
0x64: {  	_ =	shalt  }
0x65: {  	_ =	shalt  }
0x66: {  	_ =	shalt  }
0x67: {  	_ =	shalt  }
0x68: {  	_ =	shalt  }
0x69: {  	_ =	shalt  }
0x6a: {  	_ =	shalt  }
0x6b: {  	_ =	shalt  }
0x6c: {  	_ =	shalt  }
0x6d: {  	_ =	shalt  }
0x6e: {  	_ =	shalt  }
0x6f: {  	_ =	shalt  }
0x70: {  	_ =	shalt  }
0x71: {  	_ =	shalt  }
0x72: {  	_ =	shalt  }
0x73: {  	_ =	shalt  }
0x74: {  	_ =	shalt  }
0x75: {  	_ =	shalt  }
0x76: {  	_ =	shalt  }
0x77: {  	_ =	shalt  }
0x78: {  	_ =	shalt  }
0x79: {  	_ =	shalt  }
0x7a: {  	_ =	shalt  }
0x7b: {  	_ =	shalt  }
0x7c: {  	_ =	shalt  }
0x7d: {  	_ =	shalt  }
0x7e: {  	_ =	shalt  }
0x7f: {  	_ =	shalt  }
0x80: {  	_ =	shalt  }
0x81: {  	_ =	shalt  }
0x82: {  	_ =	shalt  }
0x83: {  	_ =	shalt  }
0x84: {  	_ =	shalt  }
0x85: {  	_ =	shalt  }
0x86: {  	_ =	shalt  }
0x87: {  	_ =	shalt  }
.Lfunc_end0:
.L_simem_size_0:
called_computation.2_lowered:
.L_overlay_start_0:
0x88: {  	s2 =	sld [smem:$0x3FD9]  }
0x89: {  	s3 =	sld [smem:$0x3FFE];
	_ =	sdelay $0x1  }
0x8a: {  	s1 =	srdreg.scid  }
0x8b: {  	s0 =	sand.u32 $0x1, s1  }
0x8c: {  	s16 =	sshll.u32 s0, $0xA;
	s2 =	sadd.s32 s3, s2  }
0x8d: {  	s2 =	sadd.s32 s2, s16  }
0x8e: {  	[smem:$0x3FBD] =	sst s2  }
0x8f: {  	_ = 	snop  }
0x90: {  	(tm) =	ssettm $0x1  }
0x91: {  	s17 =	sld [smem:$0x3FFB];
	_ =	sdelay $0x3  }
0x92: {  	_ =	strace s17  }
0x93: {  	s2 =	sld [smem:$0x3FFC];
	_ =	sdelay $0x3  }
0x94: {  	_ =	strace s2  }
0x95: {  	s2 =	sld [smem:$0x3FFD];
	_ =	sdelay $0x3  }
0x96: {  	_ =	strace s2  }
0x97: {  	_ =	strace $0x8FFFFFFF  }
0x98: {  	s18 =	sld [smem:$0x3FDB];
	_ =	sdelay $0x1  }
0x99: {  	s19 =	simm.s32 $_scs_section_size  }
0x9a: {  	s4 =	simm.s32 $_size__tile_overlayer_lowered;
	s5 =	simm.s32 $_tile_overlayer_lowered  }
0x9b: {  	s22 =	simm.s32 $0x1BFF;
	s21 =	sshll.u32 s5, $0x1;
	s2 =	sadd.s32 s19, s18  }
0x9c: {  	s6 =	simm.s32 $0x0;
	s20 =	sshll.u32 s4, $0x1;
	s4 =	sadd.s32 s21, s2  }
0x9d: {  	[timem:s6], [sflag:s22] =	dma.local [hbm:s4], s20  }
0x9e: {  	_ =	swait.ge [sflag:s22], s20  }
0x9f: {  	s3 =	ssub.s32 $0x0, s20;
	[sflag:s22] =	ssyncset.done $0x0  }
0xa0: {  	[sflag:s22] =	ssyncadd.s32 s3;
	_ =	sdelay $0x1  }
0xa1: {  	s23 =	simm.s32 $0x1B8B  }
0xa2: {  	_ =	swait.ge [sflag:s23], $0x1  }
0xa3: {  	[sflag:s23] =	ssyncset.done $0x0  }
0xa4: {  	s25 =	simm.s32 $0x1B8E;
	s24 =	sld [smem:$0x3FFE];
	[sflag:s23] =	ssyncadd.s32 $0xFFFFFFFF  }
0xa5: {  	s26 =	simm.s32 $execute0_lowered;
	[smem:$0x3FD2] =	sst s25  }
0xa6: {  	s4 =	sshll.u32 s26, $0x1;
	_ =	strace $0x8000004C;
	[dreg:$0x1] =	wrdreg $0xFFFFFFFF  }
0xa7: {  	s28 =	simm.s32 $_size_execute0_lowered;
	s2 =	sadd.s32 s2, s4;
	[dreg:$0x0] =	wrdreg $0x0  }
0xa8: {  	s4 =	sshll.u32 s28, $0x1;
	[dreg:$0x2] =	wrdreg s2  }
0xa9: {  	[dreg:$0x3] =	wrdreg s4  }
0xaa: {  	[dreg:$0x4] =	wrdreg $0xC0  }
0xab: {  	_ =	task [dreg:s6], $0x5FFFF  }
0xac: {  	[dreg:$0x1] =	wrdreg $0xFFFFFFFF  }
0xad: {  	[dreg:$0x0] =	wrdreg $0x60  }
0xae: {  	[dreg:$0x2] =	wrdreg s24  }
0xaf: {  	[dreg:$0x3] =	wrdreg $0x94000  }
0xb0: {  	[dreg:$0x4] =	wrdreg $0x9  }
0xb1: {  	_ =	task.clear_ibuf [dreg:s6], $0x5FFFF;
	_ =	strace $0x9000004C  }
0xb2: {  	s29 =	simm.s32 $0x9;
	_ =	strace $0x8000004E  }
0xb3: {  	_ =	swait.ge [sflag:s29], $0x1  }
0xb4: {  	[sflag:s29] =	ssyncadd.s32 $0xFFFFFFFF  }
0xb5: {  	_ =	strace $0x9000004E  }
0xb6: {  	_ =	sfence  }
0xb7: {  	s30 =	sld [smem:$0x0];
	_ =	sdelay $0x2  }
0xb8: {  	s31 =	sshll.u32 s1, $0xD;
	s1 =	sshrl.u32 s1, $0x2  }
0xb9: {  	s3 =	sand.u32 $0x4000, s31;
	s1 =	sadd.s32 s1, s30  }
0xba: {  	s0 =	sor.u32 s3, s0;
	s1 =	sshll.u32 s1, $0x11  }
0xbb: {  	s0 =	sor.u32 s1, s0  }
0xbc: {  	s0 =	sadd.s32 $0x8F2B, s0  }
0xbd: {  	[sflag:s0] =	ssyncadd.remote.s32 $0x1  }
0xbe: {  	_ =	sfence.sel $0xFFFF  }
0xbf: {  	[dreg:$0x0] =	wrdreg $0xFFFFFFFF;
	(pc) =	sbr.abs _section_cstart, $3  }
0xc0: {  	[dreg:$0x1] =	wrdreg $0xFFFFFFFF  }
0xc1: {  	_ =	task.clear_ibuf [dreg:s6], $0x2FFFF;
	_ =	strace $0x9FFFFFFF  }
0xc2: {  	(tm) =	ssettm $0x7FFFFFFF  }
0xc3: {  	_ =	shalt  }
tec
execute0_lowered:
.L_overlay_start_1:
0x0: {  	(tag) =	ssettag $0x1  }
0x1: {  	s0 =	srdreg.scid;
	s7 =	rddreg [dreg:$0x0]  }
0x2: {  	s2 =	rddreg [dreg:$0x1];
	s1 =	stileid.u32;
	s3 =	simm.s32 $0x0  }
0x3: {  	s18 =	simm.s32 $0x80;
	s19 =	simm.s32 $0x1;
	s20 =	simm.s32 $0x2  }
0x4: {  	s21 =	simm.s32 $0x3;
	s22 =	simm.s32 $0x100;
	s5 =	smul.u32 $0x280, s1  }
0x5: {  	s23 =	simm.s32 $0x4;
	s24 =	simm.s32 $0x1380;
	s15 =	smul.u32 $0xA0000, s1  }
0x6: {  	s25 =	simm.s32 $0x0;
	s10 =	sand.u32 $0x1, s0;
	s16 =	smul.u32 $0x14000, s1  }
0x7: {  	s0 =	rddreg [dreg:$0x2];
	s4 =	sshll.u32 s10, $0x4;
	s28 =	smul.u32 $0xA00000, s10  }
0x8: {  	[smem:$0x7FF] =	sst s3;
	s30 =	smul.u32 $0x140000, s10;
	s6 =	sor.u32 s1, s4  }
0x9: {  	s14 =	sadd.s32 $0x5E400, s7;
	_ =	strace $0x8000004D;
	s8 =	smul.u32 $0x1400, s6  }
0xa: {  	s9 =	ssub.s32 $0x2, s10;
	s4 =	sadd.s32 $0xE400, s7;
	s11 =	smul.u32 $0xA0000, s6  }
0xb: {  	s12 =	sshrl.u32 s9, $0x1;
	s13 =	smul.u32 $0x14000, s6;
	s29 =	sadd.s32 s15, s28  }
0xc: {  	s9 =	ssub.s32 s9, s12;
	s17 =	sadd.s32 s30, s14;
	s15 =	sor.u32 $0x8000, s29  }
0xd: {  	s31 =	sadd.s32 s16, s17;
	s16 =	simm.s32 $0x1400;
	s17 =	simm.s32 $0x5400  }
0xe: {  	s8 =	sshrl.u32 s8, $0x3;
	s11 =	sshrl.u32 s11, $0x3;
	s13 =	sadd.s32 s14, s13  }
0xf: {  	s15 =	sshrl.u32 s15, $0x3;
	s8 =	sadd.s32 s8, s7;
	s7 =	sadd.s32 $0x36400, s7  }
0x10: {  	s10 =	sadd.s32 $0x800, s13;
	s12 =	sadd.s32 $0x13800, s13;
	s13 =	sadd.s32 s15, s14  }
0x11: {  	s6 =	sadd.s32 $0x9400, s8;
	s8 =	smax.u32 s9, $0x1;
	s9 =	sadd.s32 s14, s11  }
0x12: {  	s15 =	simm.s32 $0x5;
	s14 =	sadd.s32 $0x1800, s31;
	s11 =	sadd.s32 $0x13000, s9  }
.LBB2_1:
0x13: {  	[tilespmem:s3], [sflag:$0x5] =	stream.linear.gather [hbm4b:s6+s3], $0x1400, $0x38;
	[tilespmem:$0x1D400] =	vst v63  }
0x14: {  	_ =	swait.ge [sflag:s15], $0x1400  }
0x15: {  	[sflag:s15] =	ssyncset.done $0x0  }
0x16: {  	s26 =	simm.s32 $0x0;
	[sflag:s15] =	ssyncadd.s32 $0xFFFFEC00  }
.LBB2_2:
0x17: {  	s28 =	sshll.u32 s26, $0x7  }
0x18: {  	s28 =	sadd.s32 s5, s28  }
0x19: {  	s29 =	sshll.u32 s28, $0x4  }
0x1a: {  	s31 =	simm.s32 $0x0;
	s30 =	sadd.s32 s4, s29  }
0x1b: {  	[tilespmem:s16], [sflag:$0x5] =	stream.linear.gather [hbm4b:s30+s31], $0x4000, $0x38;
	[tilespmem:$0x1D400] =	vst v63  }
0x1c: {  	_ =	swait.ge [sflag:s15], $0x4000  }
0x1d: {  	[sflag:s15] =	ssyncset.done $0x0  }
0x1e: {  	s29 =	sadd.s32 s29, s7;
	[sflag:s15] =	ssyncadd.s32 $0xFFFFC000  }
0x1f: {  	[tilespmem:s17], [sflag:$0x5] =	stream.linear.gather [hbm4b:s29+s31], $0x4000, $0x38;
	[tilespmem:$0x1D400] =	vst v63  }
0x20: {  	_ =	swait.ge [sflag:s15], $0x4000  }
0x21: {  	[sflag:s15] =	ssyncset.done $0x0  }
0x22: {  	s29 =	simm.s32 $0x0;
	[sflag:s15] =	ssyncadd.s32 $0xFFFFC000  }
0x23: {  	v7 =	vld [tilespmem:s29+$0x5400]  }
0x24: {  	v11 =	vld [tilespmem:s29+$0x5410]  }
0x25: {  	v5 =	vld [tilespmem:s29+$0x5420]  }
0x26: {  	v4 =	vld [tilespmem:s29+$0x5430]  }
0x27: {  	v3 =	vld [tilespmem:s29+$0x5440]  }
0x28: {  	v2 =	vld [tilespmem:s29+$0x5450]  }
0x29: {  	v1 =	vld [tilespmem:s29+$0x5460]  }
0x2a: {  	v0 =	vld [tilespmem:s29+$0x5470]  }
0x2b: {  	v12 =	vld [tilespmem:s29+$0x1400]  }
0x2c: {  	v13 =	vld [tilespmem:s29+$0x1410]  }
0x2d: {  	v10 =	vld [tilespmem:s29+$0x1420]  }
0x2e: {  	v9 =	vld [tilespmem:s29+$0x1430]  }
0x2f: {  	v8 =	vld [tilespmem:s29+$0x1440]  }
0x30: {  	v6 =	vld [tilespmem:s29+$0x1450];
	v12 =	vadd.f32 v7, v12  }
0x31: {  	s30 =	simm.s32 $0x200;
	v11 =	vadd.f32 v11, v13;
	v7 =	vld [tilespmem:s29+$0x1460]  }
.LBB2_3:
0x32: {  	s31 =	sshra.s32 s30, $0x2;
	p0 =	sne.s32 s30, $0xFE00;
	[tilespmem:s29+$0x1400] =	vst v12;
	v5 =	vadd.f32 v5, v10;
	v10 =	vld [tilespmem:s29+$0x1470]  }
0x33: {  	v12 =	vld [tilespmem:s31+$0x5400];
	[tilespmem:s29+$0x1410] =	vst v11;
	v4 =	vadd.f32 v4, v9  }
0x34: {  	v11 =	vld [tilespmem:s31+$0x5410];
	[tilespmem:s29+$0x1420] =	vst v5;
	v3 =	vadd.f32 v3, v8  }
0x35: {  	v5 =	vld [tilespmem:s31+$0x5420];
	[tilespmem:s29+$0x1430] =	vst v4;
	v2 =	vadd.f32 v2, v6  }
0x36: {  	v4 =	vld [tilespmem:s31+$0x5430];
	[tilespmem:s29+$0x1440] =	vst v3;
	v1 =	vadd.f32 v1, v7  }
0x37: {  	v3 =	vld [tilespmem:s31+$0x5440];
	[tilespmem:s29+$0x1450] =	vst v2;
	v0 =	vadd.f32 v0, v10  }
0x38: {  	v2 =	vld [tilespmem:s31+$0x5450];
	[tilespmem:s29+$0x1460] =	vst v1  }
0x39: {  	v1 =	vld [tilespmem:s31+$0x5460];
	[tilespmem:s29+$0x1470] =	vst v0;
	s29 =	smov.u32 s31  }
0x3a: {  	v0 =	vld [tilespmem:s29+$0x5470]  }
0x3b: {  	v6 =	vld [tilespmem:s29+$0x1400]  }
0x3c: {  	v7 =	vld [tilespmem:s29+$0x1410]  }
.Ltmp0:
0x3d: {  	v10 =	vld [tilespmem:s29+$0x1420];
	(pc) =	sbr.rel @p0 .LBB2_3-.Ltmp0, $4  }
0x3e: {  	v9 =	vld [tilespmem:s29+$0x1430]  }
0x3f: {  	v8 =	vld [tilespmem:s29+$0x1440]  }
0x40: {  	v12 =	vadd.f32 v12, v6;
	v6 =	vld [tilespmem:s29+$0x1450]  }
0x41: {  	s30 =	sadd.s32 $0x200, s30;
	v11 =	vadd.f32 v11, v7;
	v7 =	vld [tilespmem:s29+$0x1460]  }
0x42: {  	[tilespmem:s29+$0x1400] =	vst v12;
	v5 =	vadd.f32 v5, v10;
	v63 =	vld [tilespmem:s29+$0x1470]  }
0x43: {  	[tilespmem:s29+$0x1410] =	vst v11;
	v4 =	vadd.f32 v4, v9  }
0x44: {  	[tilespmem:s29+$0x1420] =	vst v5;
	v3 =	vadd.f32 v3, v8  }
0x45: {  	[tilespmem:s29+$0x1430] =	vst v4;
	v2 =	vadd.f32 v2, v6  }
0x46: {  	[tilespmem:s29+$0x1440] =	vst v3;
	v1 =	vadd.f32 v1, v7  }
0x47: {  	s28 =	sshll.u32 s28, $0x7;
	s26 =	sadd.s32 $0x1, s26;
	[tilespmem:s29+$0x1450] =	vst v2;
	v0 =	vadd.f32 v0, v63  }
0x48: {  	s28 =	sand.u32 $0x3FFFFF80, s28;
	p0 =	sne.s32 s26, $0x5;
	[tilespmem:s29+$0x1460] =	vst v1  }
.Ltmp1:
0x49: {  	s28 =	sadd.s32 s28, s2;
	[tilespmem:s29+$0x1470] =	vst v0;
	(pc) =	sbr.rel @p0 .LBB2_2-.Ltmp1, $4  }
0x4a: {  	[spmem:s28] =	stream.linear.scatter [tilespmem:s16], [sflag:$0x5], $0x4000, $0x38;
	[tilespmem:$0x1D400] =	vst v63  }
0x4b: {  	_ =	swait.ge [sflag:s15], $0x4000  }
0x4c: {  	[sflag:s15] =	ssyncset.done $0x0  }
0x4d: {  	[sflag:s15] =	ssyncadd.s32 $0xFFFFC000  }
0x4e: {  	[bflag:$0x0] =	sbarrier.arrive $0xFFFF;
	s26 =	simm.s32 $0x0  }
0x4f: {  	[tilespmem:s16], [sflag:$0x1] =	stream.indirect.gather [spmem:s2], $0x80, s26, s18, $0xb8;
	[tilespmem:$0x1D400] =	vst v63  }
0x50: {  	_ =	swait.ge [sflag:s19], $0x4000  }
0x51: {  	[sflag:s19] =	ssyncset.done $0x0  }
0x52: {  	[sflag:s19] =	ssyncadd.s32 $0xFFFFC000  }
0x53: {  	[tilespmem:s17], [sflag:$0x2] =	stream.indirect.gather [spmem:s2], $0x80, s18, s18, $0xb8;
	[tilespmem:$0x1D400] =	vst v63  }
0x54: {  	_ = 	snop  }
0x55: {  	[hbm4b:s9+s26] =	stream.linear.scatter [tilespmem:s16], [sflag:$0x3], $0x4000, $0x38;
	[tilespmem:$0x1D400] =	vst v63  }
0x56: {  	_ =	swait.ge [sflag:s20], $0x4000  }
0x57: {  	[sflag:s20] =	ssyncset.done $0x0  }
0x58: {  	[sflag:s20] =	ssyncadd.s32 $0xFFFFC000  }
0x59: {  	_ =	swait.ge [sflag:s21], $0x4000  }
0x5a: {  	[sflag:s21] =	ssyncset.done $0x0  }
0x5b: {  	[sflag:s21] =	ssyncadd.s32 $0xFFFFC000  }
0x5c: {  	[tilespmem:s16], [sflag:$0x1] =	stream.indirect.gather [spmem:s2], $0x80, s22, s18, $0xb8;
	[tilespmem:$0x1D400] =	vst v63  }
0x5d: {  	_ = 	snop  }
0x5e: {  	[hbm4b:s10+s26] =	stream.linear.scatter [tilespmem:s17], [sflag:$0x4], $0x4000, $0x38;
	[tilespmem:$0x1D400] =	vst v63  }
0x5f: {  	_ =	swait.ge [sflag:s19], $0x4000  }
0x60: {  	[sflag:s19] =	ssyncset.done $0x0  }
0x61: {  	[sflag:s19] =	ssyncadd.s32 $0xFFFFC000  }
0x62: {  	_ =	swait.ge [sflag:s23], $0x4000  }
0x63: {  	[sflag:s23] =	ssyncset.done $0x0  }
0x64: {  	s31 =	simm.s32 $0x180;
	[sflag:s23] =	ssyncadd.s32 $0xFFFFC000  }
0x65: {  	[tilespmem:s17], [sflag:$0x2] =	stream.indirect.gather [spmem:s2], $0x80, s31, s18, $0xb8;
	[tilespmem:$0x1D400] =	vst v63  }
0x66: {  	s30 =	sadd.s32 $0x0, s13  }
0x67: {  	[hbm4b:s30+s3] =	stream.linear.scatter [tilespmem:s16], [sflag:$0x3], $0x4000, $0x38;
	[tilespmem:$0x1D400] =	vst v63  }
0x68: {  	_ =	swait.ge [sflag:s20], $0x4000  }
0x69: {  	[sflag:s20] =	ssyncset.done $0x0  }
0x6a: {  	[sflag:s20] =	ssyncadd.s32 $0xFFFFC000  }
0x6b: {  	_ =	swait.ge [sflag:s21], $0x4000  }
0x6c: {  	s29 =	sadd.s32 $0x0, s14;
	s28 =	simm.s32 $0x300;
	[sflag:s21] =	ssyncset.done $0x0  }
0x6d: {  	s26 =	simm.s32 $0x1000;
	s31 =	simm.s32 $0x200;
	[sflag:s21] =	ssyncadd.s32 $0xFFFFC000  }
0x6e: {  	[tilespmem:s16], [sflag:$0x1] =	stream.indirect.gather [spmem:s2], $0x80, s31, s18, $0xb8;
	[tilespmem:$0x1D400] =	vst v63  }
.LBB2_6:
0x6f: {  	[hbm4b:s29+s3] =	stream.linear.scatter [tilespmem:s17], [sflag:$0x4], $0x4000, $0x38;
	[tilespmem:$0x1D400] =	vst v63  }
0x70: {  	s29 =	smov.u32 s26  }
0x71: {  	p0 =	sne.s32 s26, $0x11000;
	s26 =	sadd.s32 $0x1000, s26;
	_ =	swait.ge [sflag:s19], $0x4000  }
0x72: {  	[sflag:s19] =	ssyncset.done $0x0  }
0x73: {  	[sflag:s19] =	ssyncadd.s32 $0xFFFFC000  }
0x74: {  	_ =	swait.ge [sflag:s23], $0x4000  }
0x75: {  	[sflag:s23] =	ssyncset.done $0x0  }
0x76: {  	s30 =	sadd.s32 $0xFFFFFF80, s28;
	[sflag:s23] =	ssyncadd.s32 $0xFFFFC000  }
0x77: {  	[tilespmem:s17], [sflag:$0x2] =	stream.indirect.gather [spmem:s2], $0x80, s30, s18, $0xb8;
	[tilespmem:$0x1D400] =	vst v63  }
0x78: {  	s30 =	sadd.s32 s29, s13  }
0x79: {  	[hbm4b:s30+s3] =	stream.linear.scatter [tilespmem:s16], [sflag:$0x3], $0x4000, $0x38;
	[tilespmem:$0x1D400] =	vst v63  }
0x7a: {  	_ =	swait.ge [sflag:s20], $0x4000  }
0x7b: {  	[sflag:s20] =	ssyncset.done $0x0  }
0x7c: {  	[sflag:s20] =	ssyncadd.s32 $0xFFFFC000  }
.Ltmp2:
0x7d: {  	_ =	swait.ge [sflag:s21], $0x4000;
	(pc) =	sbr.rel @p0 .LBB2_6-.Ltmp2, $4  }
0x7e: {  	[sflag:s21] =	ssyncset.done $0x0  }
0x7f: {  	[sflag:s21] =	ssyncadd.s32 $0xFFFFC000  }
0x80: {  	[tilespmem:s16], [sflag:$0x1] =	stream.indirect.gather [spmem:s2], $0x80, s28, s18, $0xb8;
	[tilespmem:$0x1D400] =	vst v63  }
0x81: {  	s29 =	sadd.s32 s29, s14;
	s28 =	sadd.s32 $0x100, s28  }
0x82: {  	[hbm4b:s29+s3] =	stream.linear.scatter [tilespmem:s17], [sflag:$0x4], $0x4000, $0x38;
	[tilespmem:$0x1D400] =	vst v63  }
0x83: {  	_ =	swait.ge [sflag:s19], $0x4000  }
0x84: {  	[sflag:s19] =	ssyncset.done $0x0  }
0x85: {  	[sflag:s19] =	ssyncadd.s32 $0xFFFFC000  }
0x86: {  	_ =	swait.ge [sflag:s23], $0x4000  }
0x87: {  	[sflag:s23] =	ssyncset.done $0x0  }
0x88: {  	[sflag:s23] =	ssyncadd.s32 $0xFFFFC000  }
0x89: {  	[tilespmem:s17], [sflag:$0x2] =	stream.indirect.gather [spmem:s2], $0x80, s24, s18, $0xb8;
	[tilespmem:$0x1D400] =	vst v63  }
0x8a: {  	_ = 	snop  }
0x8b: {  	[hbm4b:s11+s3] =	stream.linear.scatter [tilespmem:s16], [sflag:$0x3], $0x4000, $0x38;
	[tilespmem:$0x1D400] =	vst v63  }
0x8c: {  	_ =	swait.ge [sflag:s20], $0x4000  }
0x8d: {  	[sflag:s20] =	ssyncset.done $0x0  }
0x8e: {  	[sflag:s20] =	ssyncadd.s32 $0xFFFFC000  }
0x8f: {  	s25 =	sadd.s32 $0x1, s25;
	_ =	swait.ge [sflag:s21], $0x4000  }
0x90: {  	p0 =	sne.s32 s25, s8;
	[sflag:s21] =	ssyncset.done $0x0  }
.Ltmp3:
0x91: {  	[sflag:s21] =	ssyncadd.s32 $0xFFFFC000;
	(pc) =	sbr.rel @p0 .LBB2_1-.Ltmp3, $4  }
0x92: {  	[hbm4b:s12+s3] =	stream.linear.scatter [tilespmem:s17], [sflag:$0x4], $0x4000, $0x38;
	[tilespmem:$0x1D400] =	vst v63  }
0x93: {  	_ =	swait.ge [sflag:s23], $0x4000  }
0x94: {  	[sflag:s23] =	ssyncset.done $0x0  }
0x95: {  	[sflag:s23] =	ssyncadd.s32 $0xFFFFC000  }
0x96: {  	_ =	sfence.sel $0x180000  }
0x97: {  	[bflag:$0x0] =	sbarrier.arrive $0xFFFF  }
0x98: {  	p0 =	sne.s32 s1, $0x0;
	_ =	strace $0x9000004D  }
0x99: {  	s0 =	sadd.s32 @!p0 $0x100000, s0;
	[bflag:$0x2] =	sbarrier.arrive $0xFFFF  }
0x9a: {  	[sflag:s0] =	ssyncadd.tile.s32 @!p0 $0x1;
	_ =	shalt  }
.Lfunc_end2:
_tile_overlayer_lowered:
.L_overlay_start_2:
0x9b: {  	(tag) =	ssettag $0x2  }
0x9c: {  	s0 =	rddreg [dreg:$0x0];
	s2 =	stileid.u32  }
0x9d: {  	s1 =	rddreg [dreg:$0x1];
	p0 =	sne.s32 s2, $0x0  }
0x9e: {  	s3 =	rddreg [dreg:$0x2];
	[bflag:$0x3] =	sbarrier.arrive $0xFFFF;
	s2 =	simm.s32 @!p0 $0x1C05  }
0x9f: {  	[timem:s3], [sflag:s2] =	dma.local @!p0 [hbm:s0], s1  }
0xa0: {  	s0 =	simm.s32 @!p0 $0x5  }
0xa1: {  	_ =	swait.ge @!p0 [sflag:s0], s1  }
0xa2: {  	s1 =	ssub.s32 @!p0 $0x0, s1;
	[sflag:s0] =	ssyncset.done @!p0 $0x0  }
0xa3: {  	[sflag:s0] =	ssyncadd.s32 @!p0 s1  }
0xa4: {  	[bflag:$0x3] =	sbarrier.arrive $0xFFFF  }
0xa5: {  	_ =	shalt  }

// kernel: kernel.24.cloned.1.call-start
scs
__scs_entry_jumppad:
0x0: {  	(pc) =	sbr.rel $0x88, $3  }
0x1: {  	(tag) =	ssettag $0x0;
	lr =	simm.s32 $0x1  }
0x2: {  	[smem:$0x3F96] =	sst lr;
	_ =	strace $0xD0000000  }
0x3: {  	_ = 	snop  }
0x4: {  	_ = 	snop  }
0x5: {  	_ = 	snop  }
0x6: {  	_ = 	snop  }
0x7: {  	_ = 	snop  }
__scs_overlays_trampoline_lowered:
0x8: {  	[smem:$0x3FA5] =	sst s0  }
0x9: {  	[smem:$0x3FA6] =	sst s1  }
0xa: {  	[smem:$0x3FA7] =	sst s2  }
0xb: {  	[smem:$0x3FA8] =	sst s3  }
0xc: {  	[smem:$0x3FA9] =	sst s4  }
0xd: {  	[smem:$0x3FAA] =	sst s5  }
0xe: {  	[smem:$0x3FAB] =	sst s6  }
0xf: {  	[smem:$0x3FAC] =	sst s7  }
0x10: {  	[smem:$0x3FAD] =	sst s8  }
0x11: {  	[smem:$0x3FAE] =	sst s9;
	s0 =	simm.s32 @!p0 $0x0  }
0x12: {  	s1 =	sld [smem:$0x3F94];
	s0 =	simm.s32 @p0 $0x1  }
0x13: {  	[smem:$0x3FAF] =	sst s0;
	s0 =	simm.s32 @!p1 $0x0  }
0x14: {  	s2 =	sld [smem:$0x3F93];
	s0 =	simm.s32 @p1 $0x1  }
0x15: {  	[smem:$0x3FB0] =	sst s0;
	s0 =	simm.s32 @!p2 $0x0  }
0x16: {  	s3 =	sld [smem:$0x3FDB];
	s0 =	simm.s32 @p2 $0x1  }
0x17: {  	s4 =	simm.s32 $0x1BF5;
	[smem:$0x3FB2] =	sst s0  }
0x18: {  	s0 =	sld [smem:$0x3F95];
	_ =	swait.ge [sflag:s4], $0x0  }
0x19: {  	s7 =	sld [smem:$0x3F96]  }
0x1a: {  	s8 =	sadd.s32 $0xFFFFE003, lr  }
0x1b: {  	s9 =	sadd.s32 $0xFFFFFEF7, lr;
	s5 =	simm.s32 $0xFFFFFFFF;
	p2 =	slt.u32 s8, $0xFFFFF086  }
0x1c: {  	p1 =	slt.u32 s9, $0xF7A;
	s5 =	simm.s32 @!p2 $0x0  }
0x1d: {  	s5 =	simm.s32 @p1 $0x1;
	p0 =	seq.s32 s7, s2  }
0x1e: {  	s7 =	smul.u32 @!p0 $0xF7A, s2;
	p2 =	seq.s32 @!p0 s5, $0x0  }
0x1f: {  	s9 =	smul.u32 $0xF7A, s1;
	s8 =	simm.s32 @!p0 $0x1BF5;
	p2 =	por !p2, p0  }
0x20: {  	[sflag:s8] =	ssyncset.s32 @!p0 $0xFFFFF086;
	s6 =	sadd.s32 @!p0 s3, s7;
	s7 =	simm.s32 @!p0 $0x108  }
0x21: {  	s3 =	sadd.s32 s3, s9;
	s6 =	sadd.s32 @!p0 $0x88, s6;
	s7 =	simm.s32 @p2 $0x1082  }
0x22: {  	[simem:s7], [sflag:s8] =	dma.local @!p0 [hbm:s6], $0xF7A  }
0x23: {  	s9 =	sor.u32 $0xD0000000, s2;
	s6 =	simm.s32 $0x108;
	_ =	swait.ge @!p0 [sflag:s8], $0x0  }
0x24: {  	s3 =	sadd.s32 $0x88, s3;
	s6 =	simm.s32 @!p1 $0x1082;
	[sflag:s4] =	ssyncset.s32 $0xFFFFF086  }
0x25: {  	[simem:s6], [sflag:s4] =	dma.local [hbm:s3], $0xF7A  }
0x26: {  	[smem:$0x3F96] =	sst s1;
	(tag) =	ssettag s2;
	_ =	strace s9  }
0x27: {  	s1 =	sld [smem:$0x3FA6]  }
0x28: {  	s2 =	sld [smem:$0x3FA7]  }
0x29: {  	s4 =	sld [smem:$0x3FA9]  }
0x2a: {  	p0 =	seq.s32 s5, $0x0;
	s5 =	sld [smem:$0x3FAA]  }
0x2b: {  	s6 =	sld [smem:$0x3FAB]  }
0x2c: {  	s7 =	sld [smem:$0x3FAC]  }
0x2d: {  	s3 =	simm.s32 $0x108;
	s8 =	sld [smem:$0x3FAD]  }
0x2e: {  	s3 =	simm.s32 @!p0 $0x1082;
	s9 =	sld [smem:$0x3FAE]  }
0x2f: {  	lr =	sadd.s32 s0, s3;
	s0 =	sld [smem:$0x3FA5]  }
0x30: {  	s3 =	sld [smem:$0x3FA8]  }
0x31: {  	[smem:$0x3FB1] =	sst s10  }
0x32: {  	s10 =	sld [smem:$0x3FAF];
	_ =	sdelay $0x3  }
0x33: {  	p0 =	seq.s32 s10, $0x1;
	s10 =	sld [smem:$0x3FB1];
	_ =	sdelay $0x3  }
0x34: {  	[smem:$0x3FB1] =	sst s10  }
0x35: {  	s10 =	sld [smem:$0x3FB0];
	_ =	sdelay $0x3  }
0x36: {  	p1 =	seq.s32 s10, $0x1;
	s10 =	sld [smem:$0x3FB1];
	_ =	sdelay $0x3  }
0x37: {  	[smem:$0x3FB1] =	sst s10  }
0x38: {  	s10 =	sld [smem:$0x3FB2]  }
0x39: {  	_ = 	snop;
	(pc) =	sbr.ind lr, $3  }
0x3a: {  	_ = 	snop  }
0x3b: {  	_ = 	snop  }
0x3c: {  	p2 =	seq.s32 s10, $0x1;
	s10 =	sld [smem:$0x3FB1]  }
0x3d: {  	_ =	shalt  }
0x3e: {  	_ =	shalt  }
0x3f: {  	_ =	shalt  }
0x40: {  	_ =	shalt  }
0x41: {  	_ =	shalt  }
0x42: {  	_ =	shalt  }
0x43: {  	_ =	shalt  }
0x44: {  	_ =	shalt  }
0x45: {  	_ =	shalt  }
0x46: {  	_ =	shalt  }
0x47: {  	_ =	shalt  }
0x48: {  	_ =	shalt  }
0x49: {  	_ =	shalt  }
0x4a: {  	_ =	shalt  }
0x4b: {  	_ =	shalt  }
0x4c: {  	_ =	shalt  }
0x4d: {  	_ =	shalt  }
0x4e: {  	_ =	shalt  }
0x4f: {  	_ =	shalt  }
0x50: {  	_ =	shalt  }
0x51: {  	_ =	shalt  }
0x52: {  	_ =	shalt  }
0x53: {  	_ =	shalt  }
0x54: {  	_ =	shalt  }
0x55: {  	_ =	shalt  }
0x56: {  	_ =	shalt  }
0x57: {  	_ =	shalt  }
0x58: {  	_ =	shalt  }
0x59: {  	_ =	shalt  }
0x5a: {  	_ =	shalt  }
0x5b: {  	_ =	shalt  }
0x5c: {  	_ =	shalt  }
0x5d: {  	_ =	shalt  }
0x5e: {  	_ =	shalt  }
0x5f: {  	_ =	shalt  }
0x60: {  	_ =	shalt  }
0x61: {  	_ =	shalt  }
0x62: {  	_ =	shalt  }
0x63: {  	_ =	shalt  }
0x64: {  	_ =	shalt  }
0x65: {  	_ =	shalt  }
0x66: {  	_ =	shalt  }
0x67: {  	_ =	shalt  }
0x68: {  	_ =	shalt  }
0x69: {  	_ =	shalt  }
0x6a: {  	_ =	shalt  }
0x6b: {  	_ =	shalt  }
0x6c: {  	_ =	shalt  }
0x6d: {  	_ =	shalt  }
0x6e: {  	_ =	shalt  }
0x6f: {  	_ =	shalt  }
0x70: {  	_ =	shalt  }
0x71: {  	_ =	shalt  }
0x72: {  	_ =	shalt  }
0x73: {  	_ =	shalt  }
0x74: {  	_ =	shalt  }
0x75: {  	_ =	shalt  }
0x76: {  	_ =	shalt  }
0x77: {  	_ =	shalt  }
0x78: {  	_ =	shalt  }
0x79: {  	_ =	shalt  }
0x7a: {  	_ =	shalt  }
0x7b: {  	_ =	shalt  }
0x7c: {  	_ =	shalt  }
0x7d: {  	_ =	shalt  }
0x7e: {  	_ =	shalt  }
0x7f: {  	_ =	shalt  }
0x80: {  	_ =	shalt  }
0x81: {  	_ =	shalt  }
0x82: {  	_ =	shalt  }
0x83: {  	_ =	shalt  }
0x84: {  	_ =	shalt  }
0x85: {  	_ =	shalt  }
0x86: {  	_ =	shalt  }
0x87: {  	_ =	shalt  }
.Lfunc_end0:
.L_simem_size_0:
called_computation.3_lowered:
.L_overlay_start_0:
0x88: {  	s2 =	sld [smem:$0x3FD9]  }
0x89: {  	s3 =	sld [smem:$0x3FFE];
	_ =	sdelay $0x1  }
0x8a: {  	s1 =	srdreg.scid  }
0x8b: {  	s0 =	sand.u32 $0x1, s1  }
0x8c: {  	s16 =	sshll.u32 s0, $0xA;
	s2 =	sadd.s32 s3, s2  }
0x8d: {  	s2 =	sadd.s32 s2, s16  }
0x8e: {  	[smem:$0x3FBD] =	sst s2  }
0x8f: {  	_ = 	snop  }
0x90: {  	(tm) =	ssettm $0x1  }
0x91: {  	s17 =	sld [smem:$0x3FFB];
	_ =	sdelay $0x3  }
0x92: {  	_ =	strace s17  }
0x93: {  	s2 =	sld [smem:$0x3FFC];
	_ =	sdelay $0x3  }
0x94: {  	_ =	strace s2  }
0x95: {  	s2 =	sld [smem:$0x3FFD];
	_ =	sdelay $0x3  }
0x96: {  	_ =	strace s2  }
0x97: {  	_ =	strace $0x8FFFFFFF  }
0x98: {  	s18 =	sld [smem:$0x3FDB];
	_ =	sdelay $0x1  }
0x99: {  	s19 =	simm.s32 $_scs_section_size  }
0x9a: {  	s4 =	simm.s32 $_size__tile_overlayer_lowered;
	s5 =	simm.s32 $_tile_overlayer_lowered  }
0x9b: {  	s22 =	simm.s32 $0x1BFF;
	s21 =	sshll.u32 s5, $0x1;
	s2 =	sadd.s32 s19, s18  }
0x9c: {  	s6 =	simm.s32 $0x0;
	s20 =	sshll.u32 s4, $0x1;
	s4 =	sadd.s32 s21, s2  }
0x9d: {  	[timem:s6], [sflag:s22] =	dma.local [hbm:s4], s20  }
0x9e: {  	_ =	swait.ge [sflag:s22], s20  }
0x9f: {  	s3 =	ssub.s32 $0x0, s20;
	[sflag:s22] =	ssyncset.done $0x0  }
0xa0: {  	[sflag:s22] =	ssyncadd.s32 s3;
	_ =	sdelay $0x1  }
0xa1: {  	s23 =	simm.s32 $0x1B8B  }
0xa2: {  	_ =	swait.ge [sflag:s23], $0x1  }
0xa3: {  	[sflag:s23] =	ssyncset.done $0x0  }
0xa4: {  	s25 =	simm.s32 $0x1B8E;
	s24 =	sld [smem:$0x3FFE];
	[sflag:s23] =	ssyncadd.s32 $0xFFFFFFFF  }
0xa5: {  	s26 =	simm.s32 $execute0_lowered;
	[smem:$0x3FD2] =	sst s25  }
0xa6: {  	s4 =	sshll.u32 s26, $0x1;
	_ =	strace $0x8000004F;
	[dreg:$0x1] =	wrdreg $0xFFFFFFFF  }
0xa7: {  	s28 =	simm.s32 $_size_execute0_lowered;
	s2 =	sadd.s32 s2, s4;
	[dreg:$0x0] =	wrdreg $0x0  }
0xa8: {  	s4 =	sshll.u32 s28, $0x1;
	[dreg:$0x2] =	wrdreg s2  }
0xa9: {  	[dreg:$0x3] =	wrdreg s4  }
0xaa: {  	[dreg:$0x4] =	wrdreg $0xC0  }
0xab: {  	_ =	task [dreg:s6], $0x5FFFF  }
0xac: {  	[dreg:$0x1] =	wrdreg $0xFFFFFFFF  }
0xad: {  	[dreg:$0x0] =	wrdreg $0x60  }
0xae: {  	[dreg:$0x2] =	wrdreg s24  }
0xaf: {  	[dreg:$0x3] =	wrdreg $0xB4000  }
0xb0: {  	[dreg:$0x4] =	wrdreg $0x9  }
0xb1: {  	_ =	task.clear_ibuf [dreg:s6], $0x5FFFF;
	_ =	strace $0x9000004F  }
0xb2: {  	s29 =	simm.s32 $0x9;
	_ =	strace $0x80000051  }
0xb3: {  	_ =	swait.ge [sflag:s29], $0x1  }
0xb4: {  	[sflag:s29] =	ssyncadd.s32 $0xFFFFFFFF  }
0xb5: {  	_ =	strace $0x90000051  }
0xb6: {  	_ =	sfence  }
0xb7: {  	s30 =	sld [smem:$0x0];
	_ =	sdelay $0x2  }
0xb8: {  	s31 =	sshll.u32 s1, $0xD;
	s1 =	sshrl.u32 s1, $0x2  }
0xb9: {  	s3 =	sand.u32 $0x4000, s31;
	s1 =	sadd.s32 s1, s30  }
0xba: {  	s0 =	sor.u32 s3, s0;
	s1 =	sshll.u32 s1, $0x11  }
0xbb: {  	s0 =	sor.u32 s1, s0  }
0xbc: {  	s0 =	sadd.s32 $0x8F2B, s0  }
0xbd: {  	[sflag:s0] =	ssyncadd.remote.s32 $0x1  }
0xbe: {  	_ =	sfence.sel $0xFFFF  }
0xbf: {  	[dreg:$0x0] =	wrdreg $0xFFFFFFFF;
	(pc) =	sbr.abs _section_cstart, $3  }
0xc0: {  	[dreg:$0x1] =	wrdreg $0xFFFFFFFF  }
0xc1: {  	_ =	task.clear_ibuf [dreg:s6], $0x2FFFF;
	_ =	strace $0x9FFFFFFF  }
0xc2: {  	(tm) =	ssettm $0x7FFFFFFF  }
0xc3: {  	_ =	shalt  }
tec
execute0_lowered:
.L_overlay_start_1:
0x0: {  	(tag) =	ssettag $0x1  }
0x1: {  	s0 =	srdreg.scid  }
0x2: {  	s19 =	stileid.u32;
	s4 =	rddreg [dreg:$0x0]  }
0x3: {  	s0 =	sand.u32 $0x1, s0;
	s1 =	smul.u32 $0x280, s19;
	s8 =	sadd.s32 $0xE400, s4  }
0x4: {  	s2 =	sshll.u32 s0, $0x4;
	s3 =	smul.u32 $0x2800, s0;
	s6 =	ssub.s32 $0x2, s0  }
0x5: {  	s0 =	smul.u32 $0x140000, s0;
	s2 =	sor.u32 s19, s2;
	s9 =	sshrl.u32 s6, $0x1  }
0x6: {  	s10 =	sadd.s32 $0x80, s1;
	s12 =	sadd.s32 $0xC0, s1;
	s16 =	sadd.s32 $0x180, s1  }
0x7: {  	s17 =	sadd.s32 $0x1C0, s1;
	s18 =	sadd.s32 $0x200, s1;
	s5 =	smul.u32 $0x1400, s2  }
0x8: {  	s7 =	sadd.s32 s3, s1;
	s6 =	ssub.s32 s6, s9;
	s11 =	sadd.s32 s3, s10  }
0x9: {  	s13 =	sadd.s32 s3, s12;
	s15 =	sadd.s32 s3, s16;
	s2 =	smul.u32 $0x14000, s2  }
0xa: {  	s7 =	sshll.u32 s7, $0x4;
	s21 =	sshll.u32 s11, $0x4;
	s22 =	sshll.u32 s13, $0x4  }
0xb: {  	s13 =	sadd.s32 $0x140, s1;
	s26 =	sshll.u32 s15, $0x4;
	s15 =	sadd.s32 s3, s17  }
0xc: {  	s7 =	sadd.s32 s8, s7;
	s23 =	sadd.s32 s8, s22;
	s14 =	sadd.s32 s3, s13  }
0xd: {  	s22 =	sshrl.u32 s5, $0x3;
	[dreg:$0x3] =	wrdreg s7;
	s7 =	sor.u32 $0x40, s1  }
0xe: {  	[dreg:$0x6] =	wrdreg s23;
	s25 =	sshll.u32 s14, $0x4;
	s14 =	sadd.s32 s8, s26  }
0xf: {  	s23 =	sshll.u32 s5, $0x4;
	s20 =	sadd.s32 s3, s7;
	[dreg:$0x9] =	wrdreg s14  }
0x10: {  	s14 =	rddreg [dreg:$0x1];
	s5 =	sshll.u32 s7, $0x7;
	s9 =	sshll.u32 s20, $0x4  }
0x11: {  	s7 =	sshll.u32 s12, $0x7;
	s20 =	sadd.s32 s3, s18;
	s9 =	sadd.s32 s8, s9  }
0x12: {  	[dreg:$0x4] =	wrdreg s9;
	s9 =	sadd.s32 s8, s21;
	s21 =	sshll.u32 s20, $0x4  }
0x13: {  	[dreg:$0x5] =	wrdreg s9;
	s9 =	sadd.s32 $0x100, s1;
	s1 =	sadd.s32 $0x240, s1  }
0x14: {  	s24 =	sadd.s32 s3, s9;
	s3 =	sadd.s32 s3, s1;
	s12 =	sshll.u32 s9, $0x7  }
0x15: {  	s1 =	sshll.u32 s1, $0x7;
	s9 =	simm.s32 $0x5;
	s11 =	sshll.u32 s24, $0x4  }
0x16: {  	s3 =	sshll.u32 s3, $0x4;
	s24 =	smul.u32 $0x50000, s19;
	s11 =	sadd.s32 s8, s11  }
0x17: {  	s28 =	sadd.s32 s1, s14;
	s3 =	sadd.s32 s8, s3;
	[dreg:$0x7] =	wrdreg s11  }
0x18: {  	s11 =	sadd.s32 s8, s25;
	[dreg:$0xc] =	wrdreg s3;
	s3 =	sadd.s32 s22, s4  }
0x19: {  	s4 =	sadd.s32 $0x78E400, s4;
	s25 =	smul.u32 $0x14000, s19;
	s26 =	sshrl.u32 s24, $0x2  }
0x1a: {  	s19 =	sshll.u32 s13, $0x7;
	s24 =	sshll.u32 s17, $0x7;
	s17 =	simm.s32 $0x80  }
0x1b: {  	[dreg:$0x8] =	wrdreg s11;
	s11 =	sshll.u32 s15, $0x4;
	s20 =	sadd.s32 s4, s2  }
0x1c: {  	s2 =	sadd.s32 s23, s4;
	s0 =	sadd.s32 s0, s4;
	s15 =	sadd.s32 s26, s14  }
0x1d: {  	s3 =	sadd.s32 $0x4400, s3;
	s4 =	smax.u32 s6, $0x1;
	s6 =	sshll.u32 s10, $0x7  }
0x1e: {  	s10 =	sadd.s32 s7, s14;
	s22 =	sadd.s32 s19, s14;
	s19 =	simm.s32 $0x3  }
0x1f: {  	s11 =	sadd.s32 s8, s11;
	s0 =	sadd.s32 s25, s0;
	s2 =	sadd.s32 $0x1000, s2  }
0x20: {  	s25 =	sshll.u32 s18, $0x7;
	[dreg:$0xa] =	wrdreg s11;
	s11 =	sadd.s32 s8, s21  }
0x21: {  	s30 =	sadd.s32 $0x2000, s15;
	[dreg:$0xb] =	wrdreg s11;
	s11 =	simm.s32 $0x0  }
0x22: {  	s31 =	sadd.s32 $0x4000, s15;
	s13 =	sadd.s32 $0x6000, s15;
	[smem:$0x7FF] =	sst s11  }
0x23: {  	s1 =	sadd.s32 $0xA000, s15;
	_ =	strace $0x80000050;
	[dreg:$0xd] =	wrdreg s3  }
0x24: {  	s7 =	sadd.s32 $0x13800, s20;
	s18 =	simm.s32 $0x5400;
	[dreg:$0xe] =	wrdreg s4  }
0x25: {  	s8 =	sadd.s32 s6, s14;
	s21 =	sshll.u32 s16, $0x7;
	[dreg:$0xf] =	wrdreg s2  }
0x26: {  	s26 =	sadd.s32 s25, s14;
	s29 =	sadd.s32 $0x2000, s0;
	[dreg:$0x11] =	wrdreg s8  }
0x27: {  	s0 =	sadd.s32 $0x8000, s15;
	s6 =	sadd.s32 $0x800, s20;
	[dreg:$0x12] =	wrdreg s10  }
0x28: {  	s16 =	simm.s32 $0x1;
	s23 =	sadd.s32 s21, s14;
	[dreg:$0x14] =	wrdreg s22  }
0x29: {  	s21 =	simm.s32 $0x0;
	s2 =	sadd.s32 s5, s14;
	[dreg:$0x15] =	wrdreg s23  }
0x2a: {  	[dreg:$0x17] =	wrdreg s26;
	s3 =	sadd.s32 $0xE000, s15;
	s4 =	sadd.s32 $0x10000, s15  }
0x2b: {  	s5 =	sadd.s32 $0x12000, s15;
	s26 =	smov.u32 s20;
	s8 =	simm.s32 $0x9400  }
0x2c: {  	s10 =	simm.s32 $0x1400;
	[dreg:$0x10] =	wrdreg s2;
	s2 =	sadd.s32 s12, s14  }
0x2d: {  	s20 =	simm.s32 $0x2;
	[dreg:$0x13] =	wrdreg s2;
	s2 =	sadd.s32 s24, s14  }
0x2e: {  	v0 =	vimm.f32 $0.0e+00;
	s12 =	simm.s32 $0x4;
	[dreg:$0x16] =	wrdreg s2;
	s2 =	sadd.s32 $0xC000, s15  }
.LBB2_1:
0x2f: {  	s22 =	simm.s32 $0x0;
	s23 =	simm.s32 $0x200  }
.LBB2_2:
0x30: {  	p0 =	sne.s32 s23, $0x7E00;
	[tilespmem:s22+$0x9470] =	vst v0  }
0x31: {  	[tilespmem:s22+$0x9400] =	vst v0  }
0x32: {  	[tilespmem:s22+$0x9410] =	vst v0  }
.Ltmp0:
0x33: {  	[tilespmem:s22+$0x9420] =	vst v0;
	(pc) =	sbr.rel @p0 .LBB2_2-.Ltmp0, $4  }
0x34: {  	[tilespmem:s22+$0x9430] =	vst v0  }
0x35: {  	[tilespmem:s22+$0x9440] =	vst v0  }
0x36: {  	[tilespmem:s22+$0x9450] =	vst v0  }
0x37: {  	[tilespmem:s22+$0x9460] =	vst v0;
	s22 =	sshra.s32 s23, $0x2;
	s23 =	sadd.s32 $0x200, s23  }
0x38: {  	[tilespmem:s22+$0x9470] =	vst v0  }
0x39: {  	[tilespmem:s22+$0x9400] =	vst v0  }
0x3a: {  	[tilespmem:s22+$0x9410] =	vst v0  }
0x3b: {  	[tilespmem:s22+$0x9420] =	vst v0  }
0x3c: {  	[tilespmem:s22+$0x9430] =	vst v0  }
0x3d: {  	[tilespmem:s22+$0x9440] =	vst v0  }
0x3e: {  	[tilespmem:s22+$0x9450] =	vst v0  }
0x3f: {  	[tilespmem:s22+$0x9460] =	vst v0  }
0x40: {  	[spmem:s15] =	stream.linear.scatter [tilespmem:s8], [sflag:$0x5], $0x2000, $0x38;
	[tilespmem:$0x1F400] =	vst v63  }
0x41: {  	_ =	swait.ge [sflag:s9], $0x2000  }
0x42: {  	[sflag:s9] =	ssyncset.done $0x0  }
0x43: {  	[sflag:s9] =	ssyncadd.s32 $0xFFFFE000  }
0x44: {  	[spmem:s30] =	stream.linear.scatter [tilespmem:s8], [sflag:$0x5], $0x2000, $0x38;
	[tilespmem:$0x1F400] =	vst v63  }
0x45: {  	_ =	swait.ge [sflag:s9], $0x2000  }
0x46: {  	[sflag:s9] =	ssyncset.done $0x0  }
0x47: {  	[sflag:s9] =	ssyncadd.s32 $0xFFFFE000  }
0x48: {  	[spmem:s31] =	stream.linear.scatter [tilespmem:s8], [sflag:$0x5], $0x2000, $0x38;
	[tilespmem:$0x1F400] =	vst v63  }
0x49: {  	_ =	swait.ge [sflag:s9], $0x2000  }
0x4a: {  	[sflag:s9] =	ssyncset.done $0x0  }
0x4b: {  	[sflag:s9] =	ssyncadd.s32 $0xFFFFE000  }
0x4c: {  	[spmem:s13] =	stream.linear.scatter [tilespmem:s8], [sflag:$0x5], $0x2000, $0x38;
	[tilespmem:$0x1F400] =	vst v63  }
0x4d: {  	_ =	swait.ge [sflag:s9], $0x2000  }
0x4e: {  	[sflag:s9] =	ssyncset.done $0x0  }
0x4f: {  	[sflag:s9] =	ssyncadd.s32 $0xFFFFE000  }
0x50: {  	[spmem:s0] =	stream.linear.scatter [tilespmem:s8], [sflag:$0x5], $0x2000, $0x38;
	[tilespmem:$0x1F400] =	vst v63  }
0x51: {  	_ =	swait.ge [sflag:s9], $0x2000  }
0x52: {  	[sflag:s9] =	ssyncset.done $0x0  }
0x53: {  	[sflag:s9] =	ssyncadd.s32 $0xFFFFE000  }
0x54: {  	[spmem:s1] =	stream.linear.scatter [tilespmem:s8], [sflag:$0x5], $0x2000, $0x38;
	[tilespmem:$0x1F400] =	vst v63  }
0x55: {  	_ =	swait.ge [sflag:s9], $0x2000  }
0x56: {  	[sflag:s9] =	ssyncset.done $0x0  }
0x57: {  	[sflag:s9] =	ssyncadd.s32 $0xFFFFE000  }
0x58: {  	[spmem:s2] =	stream.linear.scatter [tilespmem:s8], [sflag:$0x5], $0x2000, $0x38;
	[tilespmem:$0x1F400] =	vst v63  }
0x59: {  	_ =	swait.ge [sflag:s9], $0x2000  }
0x5a: {  	[sflag:s9] =	ssyncset.done $0x0  }
0x5b: {  	[sflag:s9] =	ssyncadd.s32 $0xFFFFE000  }
0x5c: {  	[spmem:s3] =	stream.linear.scatter [tilespmem:s8], [sflag:$0x5], $0x2000, $0x38;
	[tilespmem:$0x1F400] =	vst v63  }
0x5d: {  	_ =	swait.ge [sflag:s9], $0x2000  }
0x5e: {  	[sflag:s9] =	ssyncset.done $0x0  }
0x5f: {  	[sflag:s9] =	ssyncadd.s32 $0xFFFFE000  }
0x60: {  	[spmem:s4] =	stream.linear.scatter [tilespmem:s8], [sflag:$0x5], $0x2000, $0x38;
	[tilespmem:$0x1F400] =	vst v63  }
0x61: {  	_ =	swait.ge [sflag:s9], $0x2000  }
0x62: {  	[sflag:s9] =	ssyncset.done $0x0  }
0x63: {  	[sflag:s9] =	ssyncadd.s32 $0xFFFFE000  }
0x64: {  	[spmem:s5] =	stream.linear.scatter [tilespmem:s8], [sflag:$0x5], $0x2000, $0x38;
	[tilespmem:$0x1F400] =	vst v63  }
0x65: {  	_ =	swait.ge [sflag:s9], $0x2000  }
0x66: {  	[sflag:s9] =	ssyncset.done $0x0  }
0x67: {  	[sflag:s9] =	ssyncadd.s32 $0xFFFFE000  }
0x68: {  	[bflag:$0x0] =	sbarrier.arrive $0xFFFF  }
0x69: {  	s24 =	simm.s32 $0x0;
	s23 =	rddreg [dreg:$0xd]  }
0x6a: {  	[tilespmem:s24], [sflag:$0x5] =	stream.linear.gather [hbm4b:s23+s24], $0x1400, $0x38;
	[tilespmem:$0x1F400] =	vst v63  }
0x6b: {  	_ =	swait.ge [sflag:s9], $0x1400  }
0x6c: {  	[sflag:s9] =	ssyncset.done $0x0  }
0x6d: {  	[sflag:s9] =	ssyncadd.s32 $0xFFFFEC00  }
0x6e: {  	[tilespmem:s10], [sflag:$0x1] =	stream.linear.gather [hbm4b:s26+s24], $0x4000, $0x38;
	[tilespmem:$0x1F400] =	vst v63  }
0x6f: {  	_ =	swait.ge [sflag:s16], $0x4000  }
0x70: {  	[sflag:s16] =	ssyncset.done $0x0  }
0x71: {  	[sflag:s16] =	ssyncadd.s32 $0xFFFFC000  }
0x72: {  	[spmem:s14] =	stream.indirect.scatter.add.f32 [tilespmem:s10], [sflag:$0x3], $0x80, s24, s17, $0xb8;
	[tilespmem:$0x1F400] =	vst v63  }
0x73: {  	_ = 	snop  }
0x74: {  	[tilespmem:s18], [sflag:$0x2] =	stream.linear.gather [hbm4b:s6+s24], $0x4000, $0x38;
	[tilespmem:$0x1F400] =	vst v63  }
0x75: {  	_ =	swait.ge [sflag:s19], $0x4000  }
0x76: {  	[sflag:s19] =	ssyncset.done $0x0  }
0x77: {  	s25 =	rddreg [dreg:$0xf];
	[sflag:s19] =	ssyncadd.s32 $0xFFFFC000  }
0x78: {  	[tilespmem:s10], [sflag:$0x1] =	stream.linear.gather [hbm4b:s25+s24], $0x4000, $0x38;
	[tilespmem:$0x1F400] =	vst v63  }
0x79: {  	_ =	swait.ge [sflag:s20], $0x4000  }
0x7a: {  	[sflag:s20] =	ssyncset.done $0x0  }
0x7b: {  	[sflag:s20] =	ssyncadd.s32 $0xFFFFC000  }
0x7c: {  	[spmem:s14] =	stream.indirect.scatter.add.f32 [tilespmem:s18], [sflag:$0x4], $0x80, s17, s17, $0xb8;
	[tilespmem:$0x1F400] =	vst v63  }
0x7d: {  	_ =	swait.ge [sflag:s16], $0x4000  }
0x7e: {  	[sflag:s16] =	ssyncset.done $0x0  }
0x7f: {  	s24 =	simm.s32 $0x100;
	[sflag:s16] =	ssyncadd.s32 $0xFFFFC000  }
0x80: {  	[spmem:s14] =	stream.indirect.scatter.add.f32 [tilespmem:s10], [sflag:$0x3], $0x80, s24, s17, $0xb8;
	[tilespmem:$0x1F400] =	vst v63  }
0x81: {  	_ =	swait.ge [sflag:s12], $0x4000  }
0x82: {  	[sflag:s12] =	ssyncset.done $0x0  }
0x83: {  	s25 =	sadd.s32 $0xFFFFF800, s29;
	[sflag:s12] =	ssyncadd.s32 $0xFFFFC000  }
0x84: {  	[tilespmem:s18], [sflag:$0x2] =	stream.linear.gather [hbm4b:s25+s11], $0x4000, $0x38;
	[tilespmem:$0x1F400] =	vst v63  }
0x85: {  	_ =	swait.ge [sflag:s19], $0x4000  }
0x86: {  	[sflag:s19] =	ssyncset.done $0x0  }
0x87: {  	[sflag:s19] =	ssyncadd.s32 $0xFFFFC000  }
0x88: {  	[tilespmem:s10], [sflag:$0x1] =	stream.linear.gather [hbm4b:s29+s11], $0x4000, $0x38;
	[tilespmem:$0x1F400] =	vst v63  }
0x89: {  	_ =	swait.ge [sflag:s20], $0x4000  }
0x8a: {  	s22 =	simm.s32 $0x400;
	[sflag:s20] =	ssyncset.done $0x0  }
0x8b: {  	s23 =	sadd.s32 $0x1000, s29;
	s24 =	simm.s32 $0x180;
	[sflag:s20] =	ssyncadd.s32 $0xFFFFC000  }
.LBB2_4:
0x8c: {  	[spmem:s14] =	stream.indirect.scatter.add.f32 [tilespmem:s18], [sflag:$0x4], $0x80, s24, s17, $0xb8;
	[tilespmem:$0x1F400] =	vst v63  }
0x8d: {  	s24 =	smov.u32 s22  }
0x8e: {  	p0 =	sne.s32 s22, $0x4400;
	s22 =	sadd.s32 $0x400, s22;
	_ =	swait.ge [sflag:s16], $0x4000  }
0x8f: {  	s24 =	sshra.s32 s24, $0x2;
	[sflag:s16] =	ssyncset.done $0x0  }
0x90: {  	s25 =	sadd.s32 $0x100, s24;
	[sflag:s16] =	ssyncadd.s32 $0xFFFFC000  }
0x91: {  	[spmem:s14] =	stream.indirect.scatter.add.f32 [tilespmem:s10], [sflag:$0x3], $0x80, s25, s17, $0xb8;
	[tilespmem:$0x1F400] =	vst v63  }
0x92: {  	_ =	swait.ge [sflag:s12], $0x4000  }
0x93: {  	[sflag:s12] =	ssyncset.done $0x0  }
0x94: {  	s25 =	sadd.s32 $0xFFFFF800, s23;
	[sflag:s12] =	ssyncadd.s32 $0xFFFFC000  }
0x95: {  	[tilespmem:s18], [sflag:$0x2] =	stream.linear.gather [hbm4b:s25+s11], $0x4000, $0x38;
	[tilespmem:$0x1F400] =	vst v63  }
0x96: {  	_ =	swait.ge [sflag:s19], $0x4000  }
0x97: {  	[sflag:s19] =	ssyncset.done $0x0  }
.Ltmp1:
0x98: {  	[sflag:s19] =	ssyncadd.s32 $0xFFFFC000;
	(pc) =	sbr.rel @p0 .LBB2_4-.Ltmp1, $4  }
0x99: {  	[tilespmem:s10], [sflag:$0x1] =	stream.linear.gather [hbm4b:s23+s11], $0x4000, $0x38;
	[tilespmem:$0x1F400] =	vst v63  }
0x9a: {  	_ =	swait.ge [sflag:s20], $0x4000  }
0x9b: {  	[sflag:s20] =	ssyncset.done $0x0  }
0x9c: {  	s24 =	sadd.s32 $0x180, s24;
	s23 =	sadd.s32 $0x1000, s23;
	[sflag:s20] =	ssyncadd.s32 $0xFFFFC000  }
0x9d: {  	[spmem:s14] =	stream.indirect.scatter.add.f32 [tilespmem:s18], [sflag:$0x4], $0x80, s24, s17, $0xb8;
	[tilespmem:$0x1F400] =	vst v63  }
0x9e: {  	_ =	swait.ge [sflag:s16], $0x4000  }
0x9f: {  	[sflag:s16] =	ssyncset.done $0x0  }
0xa0: {  	s22 =	simm.s32 $0x1300;
	[sflag:s16] =	ssyncadd.s32 $0xFFFFC000  }
0xa1: {  	[spmem:s14] =	stream.indirect.scatter.add.f32 [tilespmem:s10], [sflag:$0x3], $0x80, s22, s17, $0xb8;
	[tilespmem:$0x1F400] =	vst v63  }
0xa2: {  	_ =	swait.ge [sflag:s12], $0x4000  }
0xa3: {  	[sflag:s12] =	ssyncset.done $0x0  }
0xa4: {  	[sflag:s12] =	ssyncadd.s32 $0xFFFFC000  }
0xa5: {  	[tilespmem:s18], [sflag:$0x2] =	stream.linear.gather [hbm4b:s7+s11], $0x4000, $0x38;
	[tilespmem:$0x1F400] =	vst v63  }
0xa6: {  	_ =	swait.ge [sflag:s19], $0x4000  }
0xa7: {  	[sflag:s19] =	ssyncset.done $0x0  }
0xa8: {  	[sflag:s19] =	ssyncadd.s32 $0xFFFFC000  }
0xa9: {  	_ =	swait.ge [sflag:s20], $0x4000  }
0xaa: {  	[sflag:s20] =	ssyncset.done $0x0  }
0xab: {  	s24 =	simm.s32 $0x1380;
	[sflag:s20] =	ssyncadd.s32 $0xFFFFC000  }
0xac: {  	[spmem:s14] =	stream.indirect.scatter.add.f32 [tilespmem:s18], [sflag:$0x4], $0x80, s24, s17, $0xb8;
	[tilespmem:$0x1F400] =	vst v63  }
0xad: {  	_ =	swait.ge [sflag:s12], $0x4000  }
0xae: {  	[sflag:s12] =	ssyncset.done $0x0  }
0xaf: {  	[sflag:s12] =	ssyncadd.s32 $0xFFFFC000  }
0xb0: {  	[bflag:$0x0] =	sbarrier.arrive $0xFFFF  }
0xb1: {  	[tilespmem:s8], [sflag:$0x5] =	stream.linear.gather [spmem:s15], $0x2000, $0x38;
	[tilespmem:$0x1F400] =	vst v63  }
0xb2: {  	_ =	swait.ge [sflag:s9], $0x2000  }
0xb3: {  	[sflag:s9] =	ssyncset.done $0x0  }
0xb4: {  	s25 =	rddreg [dreg:$0x3];
	[sflag:s9] =	ssyncadd.s32 $0xFFFFE000  }
0xb5: {  	[hbm4b:s25+s11] =	stream.linear.scatter [tilespmem:s8], [sflag:$0x5], $0x2000, $0x38;
	[tilespmem:$0x1F400] =	vst v63  }
0xb6: {  	_ =	swait.ge [sflag:s9], $0x2000  }
0xb7: {  	[sflag:s9] =	ssyncset.done $0x0  }
0xb8: {  	s23 =	rddreg [dreg:$0x10];
	[sflag:s9] =	ssyncadd.s32 $0xFFFFE000  }
0xb9: {  	[tilespmem:s8], [sflag:$0x5] =	stream.linear.gather [spmem:s23], $0x2000, $0x38;
	[tilespmem:$0x1F400] =	vst v63  }
0xba: {  	_ =	swait.ge [sflag:s9], $0x2000  }
0xbb: {  	[sflag:s9] =	ssyncset.done $0x0  }
0xbc: {  	s24 =	rddreg [dreg:$0x4];
	[sflag:s9] =	ssyncadd.s32 $0xFFFFE000  }
0xbd: {  	[hbm4b:s24+s11] =	stream.linear.scatter [tilespmem:s8], [sflag:$0x5], $0x2000, $0x38;
	[tilespmem:$0x1F400] =	vst v63  }
0xbe: {  	_ =	swait.ge [sflag:s9], $0x2000  }
0xbf: {  	[sflag:s9] =	ssyncset.done $0x0  }
0xc0: {  	s25 =	rddreg [dreg:$0x11];
	[sflag:s9] =	ssyncadd.s32 $0xFFFFE000  }
0xc1: {  	[tilespmem:s8], [sflag:$0x5] =	stream.linear.gather [spmem:s25], $0x2000, $0x38;
	[tilespmem:$0x1F400] =	vst v63  }
0xc2: {  	_ =	swait.ge [sflag:s9], $0x2000  }
0xc3: {  	[sflag:s9] =	ssyncset.done $0x0  }
0xc4: {  	s23 =	rddreg [dreg:$0x5];
	[sflag:s9] =	ssyncadd.s32 $0xFFFFE000  }
0xc5: {  	[hbm4b:s23+s11] =	stream.linear.scatter [tilespmem:s8], [sflag:$0x5], $0x2000, $0x38;
	[tilespmem:$0x1F400] =	vst v63  }
0xc6: {  	_ =	swait.ge [sflag:s9], $0x2000  }
0xc7: {  	[sflag:s9] =	ssyncset.done $0x0  }
0xc8: {  	s24 =	rddreg [dreg:$0x12];
	[sflag:s9] =	ssyncadd.s32 $0xFFFFE000  }
0xc9: {  	[tilespmem:s8], [sflag:$0x5] =	stream.linear.gather [spmem:s24], $0x2000, $0x38;
	[tilespmem:$0x1F400] =	vst v63  }
0xca: {  	_ =	swait.ge [sflag:s9], $0x2000  }
0xcb: {  	[sflag:s9] =	ssyncset.done $0x0  }
0xcc: {  	s25 =	rddreg [dreg:$0x6];
	[sflag:s9] =	ssyncadd.s32 $0xFFFFE000  }
0xcd: {  	[hbm4b:s25+s11] =	stream.linear.scatter [tilespmem:s8], [sflag:$0x5], $0x2000, $0x38;
	[tilespmem:$0x1F400] =	vst v63  }
0xce: {  	_ =	swait.ge [sflag:s9], $0x2000  }
0xcf: {  	[sflag:s9] =	ssyncset.done $0x0  }
0xd0: {  	s23 =	rddreg [dreg:$0x13];
	[sflag:s9] =	ssyncadd.s32 $0xFFFFE000  }
0xd1: {  	[tilespmem:s8], [sflag:$0x5] =	stream.linear.gather [spmem:s23], $0x2000, $0x38;
	[tilespmem:$0x1F400] =	vst v63  }
0xd2: {  	_ =	swait.ge [sflag:s9], $0x2000  }
0xd3: {  	[sflag:s9] =	ssyncset.done $0x0  }
0xd4: {  	s24 =	rddreg [dreg:$0x7];
	[sflag:s9] =	ssyncadd.s32 $0xFFFFE000  }
0xd5: {  	[hbm4b:s24+s11] =	stream.linear.scatter [tilespmem:s8], [sflag:$0x5], $0x2000, $0x38;
	[tilespmem:$0x1F400] =	vst v63  }
0xd6: {  	_ =	swait.ge [sflag:s9], $0x2000  }
0xd7: {  	[sflag:s9] =	ssyncset.done $0x0  }
0xd8: {  	s25 =	rddreg [dreg:$0x14];
	[sflag:s9] =	ssyncadd.s32 $0xFFFFE000  }
0xd9: {  	[tilespmem:s8], [sflag:$0x5] =	stream.linear.gather [spmem:s25], $0x2000, $0x38;
	[tilespmem:$0x1F400] =	vst v63  }
0xda: {  	_ =	swait.ge [sflag:s9], $0x2000  }
0xdb: {  	[sflag:s9] =	ssyncset.done $0x0  }
0xdc: {  	s23 =	rddreg [dreg:$0x8];
	[sflag:s9] =	ssyncadd.s32 $0xFFFFE000  }
0xdd: {  	[hbm4b:s23+s11] =	stream.linear.scatter [tilespmem:s8], [sflag:$0x5], $0x2000, $0x38;
	[tilespmem:$0x1F400] =	vst v63  }
0xde: {  	_ =	swait.ge [sflag:s9], $0x2000  }
0xdf: {  	[sflag:s9] =	ssyncset.done $0x0  }
0xe0: {  	s24 =	rddreg [dreg:$0x15];
	[sflag:s9] =	ssyncadd.s32 $0xFFFFE000  }
0xe1: {  	[tilespmem:s8], [sflag:$0x5] =	stream.linear.gather [spmem:s24], $0x2000, $0x38;
	[tilespmem:$0x1F400] =	vst v63  }
0xe2: {  	_ =	swait.ge [sflag:s9], $0x2000  }
0xe3: {  	[sflag:s9] =	ssyncset.done $0x0  }
0xe4: {  	s25 =	rddreg [dreg:$0x9];
	[sflag:s9] =	ssyncadd.s32 $0xFFFFE000  }
0xe5: {  	[hbm4b:s25+s11] =	stream.linear.scatter [tilespmem:s8], [sflag:$0x5], $0x2000, $0x38;
	[tilespmem:$0x1F400] =	vst v63  }
0xe6: {  	_ =	swait.ge [sflag:s9], $0x2000  }
0xe7: {  	[sflag:s9] =	ssyncset.done $0x0  }
0xe8: {  	s23 =	rddreg [dreg:$0x16];
	[sflag:s9] =	ssyncadd.s32 $0xFFFFE000  }
0xe9: {  	[tilespmem:s8], [sflag:$0x5] =	stream.linear.gather [spmem:s23], $0x2000, $0x38;
	[tilespmem:$0x1F400] =	vst v63  }
0xea: {  	_ =	swait.ge [sflag:s9], $0x2000  }
0xeb: {  	[sflag:s9] =	ssyncset.done $0x0  }
0xec: {  	s24 =	rddreg [dreg:$0xa];
	[sflag:s9] =	ssyncadd.s32 $0xFFFFE000  }
0xed: {  	[hbm4b:s24+s11] =	stream.linear.scatter [tilespmem:s8], [sflag:$0x5], $0x2000, $0x38;
	[tilespmem:$0x1F400] =	vst v63  }
0xee: {  	_ =	swait.ge [sflag:s9], $0x2000  }
0xef: {  	[sflag:s9] =	ssyncset.done $0x0  }
0xf0: {  	s25 =	rddreg [dreg:$0x17];
	[sflag:s9] =	ssyncadd.s32 $0xFFFFE000  }
0xf1: {  	[tilespmem:s8], [sflag:$0x5] =	stream.linear.gather [spmem:s25], $0x2000, $0x38;
	[tilespmem:$0x1F400] =	vst v63  }
0xf2: {  	_ =	swait.ge [sflag:s9], $0x2000  }
0xf3: {  	[sflag:s9] =	ssyncset.done $0x0  }
0xf4: {  	s23 =	rddreg [dreg:$0xb];
	[sflag:s9] =	ssyncadd.s32 $0xFFFFE000  }
0xf5: {  	[hbm4b:s23+s11] =	stream.linear.scatter [tilespmem:s8], [sflag:$0x5], $0x2000, $0x38;
	[tilespmem:$0x1F400] =	vst v63  }
0xf6: {  	_ =	swait.ge [sflag:s9], $0x2000  }
0xf7: {  	[sflag:s9] =	ssyncset.done $0x0  }
0xf8: {  	[sflag:s9] =	ssyncadd.s32 $0xFFFFE000  }
0xf9: {  	[tilespmem:s8], [sflag:$0x5] =	stream.linear.gather [spmem:s28], $0x2000, $0x38;
	[tilespmem:$0x1F400] =	vst v63  }
0xfa: {  	_ =	swait.ge [sflag:s9], $0x2000  }
0xfb: {  	[sflag:s9] =	ssyncset.done $0x0  }
0xfc: {  	s24 =	rddreg [dreg:$0xc];
	[sflag:s9] =	ssyncadd.s32 $0xFFFFE000  }
0xfd: {  	[hbm4b:s24+s11] =	stream.linear.scatter [tilespmem:s8], [sflag:$0x5], $0x2000, $0x38;
	[tilespmem:$0x1F400] =	vst v63  }
0xfe: {  	_ =	swait.ge [sflag:s9], $0x2000  }
0xff: {  	s21 =	sadd.s32 $0x1, s21;
	s25 =	rddreg [dreg:$0xe]  }
0x100: {  	p0 =	sne.s32 s21, s25  }
.Ltmp2:
0x101: {  	_ = 	snop;
	(pc) =	sbr.rel @p0 .LBB2_1-.Ltmp2, $3  }
0x102: {  	_ =	sdelay $0x1  }
0x103: {  	[sflag:s9] =	ssyncset.done $0x0  }
0x104: {  	[sflag:s9] =	ssyncadd.s32 $0xFFFFE000  }
0x105: {  	_ =	sfence.sel $0x180000  }
0x106: {  	[bflag:$0x0] =	sbarrier.arrive $0xFFFF  }
0x107: {  	_ =	strace $0x90000050  }
0x108: {  	s0 =	stileid.u32;
	[bflag:$0x2] =	sbarrier.arrive $0xFFFF  }
0x109: {  	p0 =	sne.s32 s0, $0x0;
	s0 =	rddreg [dreg:$0x2]  }
0x10a: {  	s0 =	sadd.s32 @!p0 $0x100000, s0  }
0x10b: {  	[sflag:s0] =	ssyncadd.tile.s32 @!p0 $0x1;
	_ =	shalt  }
.Lfunc_end2:
_tile_overlayer_lowered:
.L_overlay_start_2:
0x10c: {  	(tag) =	ssettag $0x2  }
0x10d: {  	s0 =	rddreg [dreg:$0x0];
	s2 =	stileid.u32  }
0x10e: {  	s1 =	rddreg [dreg:$0x1];
	p0 =	sne.s32 s2, $0x0  }
0x10f: {  	s3 =	rddreg [dreg:$0x2];
	[bflag:$0x3] =	sbarrier.arrive $0xFFFF;
	s2 =	simm.s32 @!p0 $0x1C05  }
0x110: {  	[timem:s3], [sflag:s2] =	dma.local @!p0 [hbm:s0], s1  }
0x111: {  	s0 =	simm.s32 @!p0 $0x5  }
0x112: {  	_ =	swait.ge @!p0 [sflag:s0], s1  }
0x113: {  	s1 =	ssub.s32 @!p0 $0x0, s1;
	[sflag:s0] =	ssyncset.done @!p0 $0x0  }
0x114: {  	[sflag:s0] =	ssyncadd.s32 @!p0 s1  }
0x115: {  	[bflag:$0x3] =	sbarrier.arrive $0xFFFF  }
0x116: {  	_ =	shalt  }

// kernel: kernel.27.cloned.1.call-start
scs
__scs_entry_jumppad:
0x0: {  	(pc) =	sbr.rel $0x88, $3  }
0x1: {  	(tag) =	ssettag $0x0;
	lr =	simm.s32 $0x1  }
0x2: {  	[smem:$0x3F96] =	sst lr;
	_ =	strace $0xD0000000  }
0x3: {  	_ = 	snop  }
0x4: {  	_ = 	snop  }
0x5: {  	_ = 	snop  }
0x6: {  	_ = 	snop  }
0x7: {  	_ = 	snop  }
__scs_overlays_trampoline_lowered:
0x8: {  	[smem:$0x3FA5] =	sst s0  }
0x9: {  	[smem:$0x3FA6] =	sst s1  }
0xa: {  	[smem:$0x3FA7] =	sst s2  }
0xb: {  	[smem:$0x3FA8] =	sst s3  }
0xc: {  	[smem:$0x3FA9] =	sst s4  }
0xd: {  	[smem:$0x3FAA] =	sst s5  }
0xe: {  	[smem:$0x3FAB] =	sst s6  }
0xf: {  	[smem:$0x3FAC] =	sst s7  }
0x10: {  	[smem:$0x3FAD] =	sst s8  }
0x11: {  	[smem:$0x3FAE] =	sst s9;
	s0 =	simm.s32 @!p0 $0x0  }
0x12: {  	s1 =	sld [smem:$0x3F94];
	s0 =	simm.s32 @p0 $0x1  }
0x13: {  	[smem:$0x3FAF] =	sst s0;
	s0 =	simm.s32 @!p1 $0x0  }
0x14: {  	s2 =	sld [smem:$0x3F93];
	s0 =	simm.s32 @p1 $0x1  }
0x15: {  	[smem:$0x3FB0] =	sst s0;
	s0 =	simm.s32 @!p2 $0x0  }
0x16: {  	s3 =	sld [smem:$0x3FDB];
	s0 =	simm.s32 @p2 $0x1  }
0x17: {  	s4 =	simm.s32 $0x1BF5;
	[smem:$0x3FB2] =	sst s0  }
0x18: {  	s0 =	sld [smem:$0x3F95];
	_ =	swait.ge [sflag:s4], $0x0  }
0x19: {  	s7 =	sld [smem:$0x3F96]  }
0x1a: {  	s8 =	sadd.s32 $0xFFFFE003, lr  }
0x1b: {  	s9 =	sadd.s32 $0xFFFFFEF7, lr;
	s5 =	simm.s32 $0xFFFFFFFF;
	p2 =	slt.u32 s8, $0xFFFFF086  }
0x1c: {  	p1 =	slt.u32 s9, $0xF7A;
	s5 =	simm.s32 @!p2 $0x0  }
0x1d: {  	s5 =	simm.s32 @p1 $0x1;
	p0 =	seq.s32 s7, s2  }
0x1e: {  	s7 =	smul.u32 @!p0 $0xF7A, s2;
	p2 =	seq.s32 @!p0 s5, $0x0  }
0x1f: {  	s9 =	smul.u32 $0xF7A, s1;
	s8 =	simm.s32 @!p0 $0x1BF5;
	p2 =	por !p2, p0  }
0x20: {  	[sflag:s8] =	ssyncset.s32 @!p0 $0xFFFFF086;
	s6 =	sadd.s32 @!p0 s3, s7;
	s7 =	simm.s32 @!p0 $0x108  }
0x21: {  	s3 =	sadd.s32 s3, s9;
	s6 =	sadd.s32 @!p0 $0x88, s6;
	s7 =	simm.s32 @p2 $0x1082  }
0x22: {  	[simem:s7], [sflag:s8] =	dma.local @!p0 [hbm:s6], $0xF7A  }
0x23: {  	s9 =	sor.u32 $0xD0000000, s2;
	s6 =	simm.s32 $0x108;
	_ =	swait.ge @!p0 [sflag:s8], $0x0  }
0x24: {  	s3 =	sadd.s32 $0x88, s3;
	s6 =	simm.s32 @!p1 $0x1082;
	[sflag:s4] =	ssyncset.s32 $0xFFFFF086  }
0x25: {  	[simem:s6], [sflag:s4] =	dma.local [hbm:s3], $0xF7A  }
0x26: {  	[smem:$0x3F96] =	sst s1;
	(tag) =	ssettag s2;
	_ =	strace s9  }
0x27: {  	s1 =	sld [smem:$0x3FA6]  }
0x28: {  	s2 =	sld [smem:$0x3FA7]  }
0x29: {  	s4 =	sld [smem:$0x3FA9]  }
0x2a: {  	p0 =	seq.s32 s5, $0x0;
	s5 =	sld [smem:$0x3FAA]  }
0x2b: {  	s6 =	sld [smem:$0x3FAB]  }
0x2c: {  	s7 =	sld [smem:$0x3FAC]  }
0x2d: {  	s3 =	simm.s32 $0x108;
	s8 =	sld [smem:$0x3FAD]  }
0x2e: {  	s3 =	simm.s32 @!p0 $0x1082;
	s9 =	sld [smem:$0x3FAE]  }
0x2f: {  	lr =	sadd.s32 s0, s3;
	s0 =	sld [smem:$0x3FA5]  }
0x30: {  	s3 =	sld [smem:$0x3FA8]  }
0x31: {  	[smem:$0x3FB1] =	sst s10  }
0x32: {  	s10 =	sld [smem:$0x3FAF];
	_ =	sdelay $0x3  }
0x33: {  	p0 =	seq.s32 s10, $0x1;
	s10 =	sld [smem:$0x3FB1];
	_ =	sdelay $0x3  }
0x34: {  	[smem:$0x3FB1] =	sst s10  }
0x35: {  	s10 =	sld [smem:$0x3FB0];
	_ =	sdelay $0x3  }
0x36: {  	p1 =	seq.s32 s10, $0x1;
	s10 =	sld [smem:$0x3FB1];
	_ =	sdelay $0x3  }
0x37: {  	[smem:$0x3FB1] =	sst s10  }
0x38: {  	s10 =	sld [smem:$0x3FB2]  }
0x39: {  	_ = 	snop;
	(pc) =	sbr.ind lr, $3  }
0x3a: {  	_ = 	snop  }
0x3b: {  	_ = 	snop  }
0x3c: {  	p2 =	seq.s32 s10, $0x1;
	s10 =	sld [smem:$0x3FB1]  }
0x3d: {  	_ =	shalt  }
0x3e: {  	_ =	shalt  }
0x3f: {  	_ =	shalt  }
0x40: {  	_ =	shalt  }
0x41: {  	_ =	shalt  }
0x42: {  	_ =	shalt  }
0x43: {  	_ =	shalt  }
0x44: {  	_ =	shalt  }
0x45: {  	_ =	shalt  }
0x46: {  	_ =	shalt  }
0x47: {  	_ =	shalt  }
0x48: {  	_ =	shalt  }
0x49: {  	_ =	shalt  }
0x4a: {  	_ =	shalt  }
0x4b: {  	_ =	shalt  }
0x4c: {  	_ =	shalt  }
0x4d: {  	_ =	shalt  }
0x4e: {  	_ =	shalt  }
0x4f: {  	_ =	shalt  }
0x50: {  	_ =	shalt  }
0x51: {  	_ =	shalt  }
0x52: {  	_ =	shalt  }
0x53: {  	_ =	shalt  }
0x54: {  	_ =	shalt  }
0x55: {  	_ =	shalt  }
0x56: {  	_ =	shalt  }
0x57: {  	_ =	shalt  }
0x58: {  	_ =	shalt  }
0x59: {  	_ =	shalt  }
0x5a: {  	_ =	shalt  }
0x5b: {  	_ =	shalt  }
0x5c: {  	_ =	shalt  }
0x5d: {  	_ =	shalt  }
0x5e: {  	_ =	shalt  }
0x5f: {  	_ =	shalt  }
0x60: {  	_ =	shalt  }
0x61: {  	_ =	shalt  }
0x62: {  	_ =	shalt  }
0x63: {  	_ =	shalt  }
0x64: {  	_ =	shalt  }
0x65: {  	_ =	shalt  }
0x66: {  	_ =	shalt  }
0x67: {  	_ =	shalt  }
0x68: {  	_ =	shalt  }
0x69: {  	_ =	shalt  }
0x6a: {  	_ =	shalt  }
0x6b: {  	_ =	shalt  }
0x6c: {  	_ =	shalt  }
0x6d: {  	_ =	shalt  }
0x6e: {  	_ =	shalt  }
0x6f: {  	_ =	shalt  }
0x70: {  	_ =	shalt  }
0x71: {  	_ =	shalt  }
0x72: {  	_ =	shalt  }
0x73: {  	_ =	shalt  }
0x74: {  	_ =	shalt  }
0x75: {  	_ =	shalt  }
0x76: {  	_ =	shalt  }
0x77: {  	_ =	shalt  }
0x78: {  	_ =	shalt  }
0x79: {  	_ =	shalt  }
0x7a: {  	_ =	shalt  }
0x7b: {  	_ =	shalt  }
0x7c: {  	_ =	shalt  }
0x7d: {  	_ =	shalt  }
0x7e: {  	_ =	shalt  }
0x7f: {  	_ =	shalt  }
0x80: {  	_ =	shalt  }
0x81: {  	_ =	shalt  }
0x82: {  	_ =	shalt  }
0x83: {  	_ =	shalt  }
0x84: {  	_ =	shalt  }
0x85: {  	_ =	shalt  }
0x86: {  	_ =	shalt  }
0x87: {  	_ =	shalt  }
.Lfunc_end0:
.L_simem_size_0:
called_computation.4_lowered:
.L_overlay_start_0:
0x88: {  	s2 =	sld [smem:$0x3FD9]  }
0x89: {  	s3 =	sld [smem:$0x3FFE];
	_ =	sdelay $0x1  }
0x8a: {  	s1 =	srdreg.scid  }
0x8b: {  	s0 =	sand.u32 $0x1, s1  }
0x8c: {  	s16 =	sshll.u32 s0, $0xA;
	s2 =	sadd.s32 s3, s2  }
0x8d: {  	s2 =	sadd.s32 s2, s16  }
0x8e: {  	[smem:$0x3FBD] =	sst s2  }
0x8f: {  	_ = 	snop  }
0x90: {  	(tm) =	ssettm $0x1  }
0x91: {  	s17 =	sld [smem:$0x3FFB];
	_ =	sdelay $0x3  }
0x92: {  	_ =	strace s17  }
0x93: {  	s2 =	sld [smem:$0x3FFC];
	_ =	sdelay $0x3  }
0x94: {  	_ =	strace s2  }
0x95: {  	s2 =	sld [smem:$0x3FFD];
	_ =	sdelay $0x3  }
0x96: {  	_ =	strace s2  }
0x97: {  	_ =	strace $0x8FFFFFFF  }
0x98: {  	s18 =	sld [smem:$0x3FDB];
	_ =	sdelay $0x1  }
0x99: {  	s19 =	simm.s32 $_scs_section_size  }
0x9a: {  	s4 =	simm.s32 $_size__tile_overlayer_lowered;
	s5 =	simm.s32 $_tile_overlayer_lowered  }
0x9b: {  	s22 =	simm.s32 $0x1BFF;
	s21 =	sshll.u32 s5, $0x1;
	s2 =	sadd.s32 s19, s18  }
0x9c: {  	s6 =	simm.s32 $0x0;
	s20 =	sshll.u32 s4, $0x1;
	s4 =	sadd.s32 s21, s2  }
0x9d: {  	[timem:s6], [sflag:s22] =	dma.local [hbm:s4], s20  }
0x9e: {  	_ =	swait.ge [sflag:s22], s20  }
0x9f: {  	s3 =	ssub.s32 $0x0, s20;
	[sflag:s22] =	ssyncset.done $0x0  }
0xa0: {  	[sflag:s22] =	ssyncadd.s32 s3;
	_ =	sdelay $0x1  }
0xa1: {  	s23 =	simm.s32 $0x1B8B  }
0xa2: {  	_ =	swait.ge [sflag:s23], $0x1  }
0xa3: {  	[sflag:s23] =	ssyncset.done $0x0  }
0xa4: {  	s25 =	simm.s32 $0x1B8E;
	s24 =	sld [smem:$0x3FFE];
	[sflag:s23] =	ssyncadd.s32 $0xFFFFFFFF  }
0xa5: {  	s26 =	simm.s32 $execute0_lowered;
	[smem:$0x3FD2] =	sst s25  }
0xa6: {  	s4 =	sshll.u32 s26, $0x1;
	_ =	strace $0x80000052;
	[dreg:$0x1] =	wrdreg $0xFFFFFFFF  }
0xa7: {  	s28 =	simm.s32 $_size_execute0_lowered;
	s2 =	sadd.s32 s2, s4;
	[dreg:$0x0] =	wrdreg $0x0  }
0xa8: {  	s4 =	sshll.u32 s28, $0x1;
	[dreg:$0x2] =	wrdreg s2  }
0xa9: {  	[dreg:$0x3] =	wrdreg s4  }
0xaa: {  	[dreg:$0x4] =	wrdreg $0xC0  }
0xab: {  	_ =	task [dreg:s6], $0x5FFFF  }
0xac: {  	[dreg:$0x1] =	wrdreg $0xFFFFFFFF  }
0xad: {  	[dreg:$0x0] =	wrdreg $0x60  }
0xae: {  	[dreg:$0x2] =	wrdreg s24  }
0xaf: {  	[dreg:$0x3] =	wrdreg $0x94000  }
0xb0: {  	[dreg:$0x4] =	wrdreg $0x9  }
0xb1: {  	_ =	task.clear_ibuf [dreg:s6], $0x5FFFF;
	_ =	strace $0x90000052  }
0xb2: {  	s29 =	simm.s32 $0x9;
	_ =	strace $0x80000054  }
0xb3: {  	_ =	swait.ge [sflag:s29], $0x1  }
0xb4: {  	[sflag:s29] =	ssyncadd.s32 $0xFFFFFFFF  }
0xb5: {  	_ =	strace $0x90000054  }
0xb6: {  	_ =	sfence  }
0xb7: {  	s30 =	sld [smem:$0x0];
	_ =	sdelay $0x2  }
0xb8: {  	s31 =	sshll.u32 s1, $0xD;
	s1 =	sshrl.u32 s1, $0x2  }
0xb9: {  	s3 =	sand.u32 $0x4000, s31;
	s1 =	sadd.s32 s1, s30  }
0xba: {  	s0 =	sor.u32 s3, s0;
	s1 =	sshll.u32 s1, $0x11  }
0xbb: {  	s0 =	sor.u32 s1, s0  }
0xbc: {  	s0 =	sadd.s32 $0x8F2B, s0  }
0xbd: {  	[sflag:s0] =	ssyncadd.remote.s32 $0x1  }
0xbe: {  	_ =	sfence.sel $0xFFFF  }
0xbf: {  	[dreg:$0x0] =	wrdreg $0xFFFFFFFF;
	(pc) =	sbr.abs _section_cstart, $3  }
0xc0: {  	[dreg:$0x1] =	wrdreg $0xFFFFFFFF  }
0xc1: {  	_ =	task.clear_ibuf [dreg:s6], $0x2FFFF;
	_ =	strace $0x9FFFFFFF  }
0xc2: {  	(tm) =	ssettm $0x7FFFFFFF  }
0xc3: {  	_ =	shalt  }
tec
execute0_lowered:
.L_overlay_start_1:
0x0: {  	(tag) =	ssettag $0x1  }
0x1: {  	s0 =	srdreg.scid;
	s7 =	rddreg [dreg:$0x0]  }
0x2: {  	s2 =	rddreg [dreg:$0x1];
	s1 =	stileid.u32;
	s3 =	simm.s32 $0x0  }
0x3: {  	s18 =	simm.s32 $0x80;
	s19 =	simm.s32 $0x1;
	s20 =	simm.s32 $0x2  }
0x4: {  	s21 =	simm.s32 $0x3;
	s22 =	simm.s32 $0x100;
	s5 =	smul.u32 $0x280, s1  }
0x5: {  	s23 =	simm.s32 $0x4;
	s24 =	simm.s32 $0x1380;
	s15 =	smul.u32 $0xA0000, s1  }
0x6: {  	s25 =	simm.s32 $0x0;
	s10 =	sand.u32 $0x1, s0;
	s16 =	smul.u32 $0x14000, s1  }
0x7: {  	s0 =	rddreg [dreg:$0x2];
	s4 =	sshll.u32 s10, $0x4;
	s28 =	smul.u32 $0xA00000, s10  }
0x8: {  	[smem:$0x7FF] =	sst s3;
	s30 =	smul.u32 $0x140000, s10;
	s6 =	sor.u32 s1, s4  }
0x9: {  	s14 =	sadd.s32 $0x5E400, s7;
	_ =	strace $0x80000053;
	s8 =	smul.u32 $0x1400, s6  }
0xa: {  	s9 =	ssub.s32 $0x2, s10;
	s4 =	sadd.s32 $0xE400, s7;
	s11 =	smul.u32 $0xA0000, s6  }
0xb: {  	s12 =	sshrl.u32 s9, $0x1;
	s13 =	smul.u32 $0x14000, s6;
	s29 =	sadd.s32 s15, s28  }
0xc: {  	s9 =	ssub.s32 s9, s12;
	s17 =	sadd.s32 s30, s14;
	s15 =	sor.u32 $0x8000, s29  }
0xd: {  	s31 =	sadd.s32 s16, s17;
	s16 =	simm.s32 $0x1400;
	s17 =	simm.s32 $0x5400  }
0xe: {  	s8 =	sshrl.u32 s8, $0x3;
	s11 =	sshrl.u32 s11, $0x3;
	s13 =	sadd.s32 s14, s13  }
0xf: {  	s15 =	sshrl.u32 s15, $0x3;
	s8 =	sadd.s32 s8, s7;
	s7 =	sadd.s32 $0x36400, s7  }
0x10: {  	s10 =	sadd.s32 $0x800, s13;
	s12 =	sadd.s32 $0x13800, s13;
	s13 =	sadd.s32 s15, s14  }
0x11: {  	s6 =	sadd.s32 $0x9400, s8;
	s8 =	smax.u32 s9, $0x1;
	s9 =	sadd.s32 s14, s11  }
0x12: {  	s15 =	simm.s32 $0x5;
	s14 =	sadd.s32 $0x1800, s31;
	s11 =	sadd.s32 $0x13000, s9  }
.LBB2_1:
0x13: {  	[tilespmem:s3], [sflag:$0x5] =	stream.linear.gather [hbm4b:s6+s3], $0x1400, $0x38;
	[tilespmem:$0x1D400] =	vst v63  }
0x14: {  	_ =	swait.ge [sflag:s15], $0x1400  }
0x15: {  	[sflag:s15] =	ssyncset.done $0x0  }
0x16: {  	s26 =	simm.s32 $0x0;
	[sflag:s15] =	ssyncadd.s32 $0xFFFFEC00  }
.LBB2_2:
0x17: {  	s28 =	sshll.u32 s26, $0x7  }
0x18: {  	s28 =	sadd.s32 s5, s28  }
0x19: {  	s29 =	sshll.u32 s28, $0x4  }
0x1a: {  	s31 =	simm.s32 $0x0;
	s30 =	sadd.s32 s4, s29  }
0x1b: {  	[tilespmem:s16], [sflag:$0x5] =	stream.linear.gather [hbm4b:s30+s31], $0x4000, $0x38;
	[tilespmem:$0x1D400] =	vst v63  }
0x1c: {  	_ =	swait.ge [sflag:s15], $0x4000  }
0x1d: {  	[sflag:s15] =	ssyncset.done $0x0  }
0x1e: {  	s29 =	sadd.s32 s29, s7;
	[sflag:s15] =	ssyncadd.s32 $0xFFFFC000  }
0x1f: {  	[tilespmem:s17], [sflag:$0x5] =	stream.linear.gather [hbm4b:s29+s31], $0x4000, $0x38;
	[tilespmem:$0x1D400] =	vst v63  }
0x20: {  	_ =	swait.ge [sflag:s15], $0x4000  }
0x21: {  	[sflag:s15] =	ssyncset.done $0x0  }
0x22: {  	s29 =	simm.s32 $0x0;
	[sflag:s15] =	ssyncadd.s32 $0xFFFFC000  }
0x23: {  	v7 =	vld [tilespmem:s29+$0x5400]  }
0x24: {  	v11 =	vld [tilespmem:s29+$0x5410]  }
0x25: {  	v5 =	vld [tilespmem:s29+$0x5420]  }
0x26: {  	v4 =	vld [tilespmem:s29+$0x5430]  }
0x27: {  	v3 =	vld [tilespmem:s29+$0x5440]  }
0x28: {  	v2 =	vld [tilespmem:s29+$0x5450]  }
0x29: {  	v1 =	vld [tilespmem:s29+$0x5460]  }
0x2a: {  	v0 =	vld [tilespmem:s29+$0x5470]  }
0x2b: {  	v12 =	vld [tilespmem:s29+$0x1400]  }
0x2c: {  	v13 =	vld [tilespmem:s29+$0x1410]  }
0x2d: {  	v10 =	vld [tilespmem:s29+$0x1420]  }
0x2e: {  	v9 =	vld [tilespmem:s29+$0x1430]  }
0x2f: {  	v8 =	vld [tilespmem:s29+$0x1440]  }
0x30: {  	v6 =	vld [tilespmem:s29+$0x1450];
	v12 =	vadd.f32 v7, v12  }
0x31: {  	s30 =	simm.s32 $0x200;
	v11 =	vadd.f32 v11, v13;
	v7 =	vld [tilespmem:s29+$0x1460]  }
.LBB2_3:
0x32: {  	s31 =	sshra.s32 s30, $0x2;
	p0 =	sne.s32 s30, $0xFE00;
	[tilespmem:s29+$0x1400] =	vst v12;
	v5 =	vadd.f32 v5, v10;
	v10 =	vld [tilespmem:s29+$0x1470]  }
0x33: {  	v12 =	vld [tilespmem:s31+$0x5400];
	[tilespmem:s29+$0x1410] =	vst v11;
	v4 =	vadd.f32 v4, v9  }
0x34: {  	v11 =	vld [tilespmem:s31+$0x5410];
	[tilespmem:s29+$0x1420] =	vst v5;
	v3 =	vadd.f32 v3, v8  }
0x35: {  	v5 =	vld [tilespmem:s31+$0x5420];
	[tilespmem:s29+$0x1430] =	vst v4;
	v2 =	vadd.f32 v2, v6  }
0x36: {  	v4 =	vld [tilespmem:s31+$0x5430];
	[tilespmem:s29+$0x1440] =	vst v3;
	v1 =	vadd.f32 v1, v7  }
0x37: {  	v3 =	vld [tilespmem:s31+$0x5440];
	[tilespmem:s29+$0x1450] =	vst v2;
	v0 =	vadd.f32 v0, v10  }
0x38: {  	v2 =	vld [tilespmem:s31+$0x5450];
	[tilespmem:s29+$0x1460] =	vst v1  }
0x39: {  	v1 =	vld [tilespmem:s31+$0x5460];
	[tilespmem:s29+$0x1470] =	vst v0;
	s29 =	smov.u32 s31  }
0x3a: {  	v0 =	vld [tilespmem:s29+$0x5470]  }
0x3b: {  	v6 =	vld [tilespmem:s29+$0x1400]  }
0x3c: {  	v7 =	vld [tilespmem:s29+$0x1410]  }
.Ltmp0:
0x3d: {  	v10 =	vld [tilespmem:s29+$0x1420];
	(pc) =	sbr.rel @p0 .LBB2_3-.Ltmp0, $4  }
0x3e: {  	v9 =	vld [tilespmem:s29+$0x1430]  }
0x3f: {  	v8 =	vld [tilespmem:s29+$0x1440]  }
0x40: {  	v12 =	vadd.f32 v12, v6;
	v6 =	vld [tilespmem:s29+$0x1450]  }
0x41: {  	s30 =	sadd.s32 $0x200, s30;
	v11 =	vadd.f32 v11, v7;
	v7 =	vld [tilespmem:s29+$0x1460]  }
0x42: {  	[tilespmem:s29+$0x1400] =	vst v12;
	v5 =	vadd.f32 v5, v10;
	v63 =	vld [tilespmem:s29+$0x1470]  }
0x43: {  	[tilespmem:s29+$0x1410] =	vst v11;
	v4 =	vadd.f32 v4, v9  }
0x44: {  	[tilespmem:s29+$0x1420] =	vst v5;
	v3 =	vadd.f32 v3, v8  }
0x45: {  	[tilespmem:s29+$0x1430] =	vst v4;
	v2 =	vadd.f32 v2, v6  }
0x46: {  	[tilespmem:s29+$0x1440] =	vst v3;
	v1 =	vadd.f32 v1, v7  }
0x47: {  	s28 =	sshll.u32 s28, $0x7;
	s26 =	sadd.s32 $0x1, s26;
	[tilespmem:s29+$0x1450] =	vst v2;
	v0 =	vadd.f32 v0, v63  }
0x48: {  	s28 =	sand.u32 $0x3FFFFF80, s28;
	p0 =	sne.s32 s26, $0x5;
	[tilespmem:s29+$0x1460] =	vst v1  }
.Ltmp1:
0x49: {  	s28 =	sadd.s32 s28, s2;
	[tilespmem:s29+$0x1470] =	vst v0;
	(pc) =	sbr.rel @p0 .LBB2_2-.Ltmp1, $4  }
0x4a: {  	[spmem:s28] =	stream.linear.scatter [tilespmem:s16], [sflag:$0x5], $0x4000, $0x38;
	[tilespmem:$0x1D400] =	vst v63  }
0x4b: {  	_ =	swait.ge [sflag:s15], $0x4000  }
0x4c: {  	[sflag:s15] =	ssyncset.done $0x0  }
0x4d: {  	[sflag:s15] =	ssyncadd.s32 $0xFFFFC000  }
0x4e: {  	[bflag:$0x0] =	sbarrier.arrive $0xFFFF;
	s26 =	simm.s32 $0x0  }
0x4f: {  	[tilespmem:s16], [sflag:$0x1] =	stream.indirect.gather [spmem:s2], $0x80, s26, s18, $0xb8;
	[tilespmem:$0x1D400] =	vst v63  }
0x50: {  	_ =	swait.ge [sflag:s19], $0x4000  }
0x51: {  	[sflag:s19] =	ssyncset.done $0x0  }
0x52: {  	[sflag:s19] =	ssyncadd.s32 $0xFFFFC000  }
0x53: {  	[tilespmem:s17], [sflag:$0x2] =	stream.indirect.gather [spmem:s2], $0x80, s18, s18, $0xb8;
	[tilespmem:$0x1D400] =	vst v63  }
0x54: {  	_ = 	snop  }
0x55: {  	[hbm4b:s9+s26] =	stream.linear.scatter [tilespmem:s16], [sflag:$0x3], $0x4000, $0x38;
	[tilespmem:$0x1D400] =	vst v63  }
0x56: {  	_ =	swait.ge [sflag:s20], $0x4000  }
0x57: {  	[sflag:s20] =	ssyncset.done $0x0  }
0x58: {  	[sflag:s20] =	ssyncadd.s32 $0xFFFFC000  }
0x59: {  	_ =	swait.ge [sflag:s21], $0x4000  }
0x5a: {  	[sflag:s21] =	ssyncset.done $0x0  }
0x5b: {  	[sflag:s21] =	ssyncadd.s32 $0xFFFFC000  }
0x5c: {  	[tilespmem:s16], [sflag:$0x1] =	stream.indirect.gather [spmem:s2], $0x80, s22, s18, $0xb8;
	[tilespmem:$0x1D400] =	vst v63  }
0x5d: {  	_ = 	snop  }
0x5e: {  	[hbm4b:s10+s26] =	stream.linear.scatter [tilespmem:s17], [sflag:$0x4], $0x4000, $0x38;
	[tilespmem:$0x1D400] =	vst v63  }
0x5f: {  	_ =	swait.ge [sflag:s19], $0x4000  }
0x60: {  	[sflag:s19] =	ssyncset.done $0x0  }
0x61: {  	[sflag:s19] =	ssyncadd.s32 $0xFFFFC000  }
0x62: {  	_ =	swait.ge [sflag:s23], $0x4000  }
0x63: {  	[sflag:s23] =	ssyncset.done $0x0  }
0x64: {  	s31 =	simm.s32 $0x180;
	[sflag:s23] =	ssyncadd.s32 $0xFFFFC000  }
0x65: {  	[tilespmem:s17], [sflag:$0x2] =	stream.indirect.gather [spmem:s2], $0x80, s31, s18, $0xb8;
	[tilespmem:$0x1D400] =	vst v63  }
0x66: {  	s30 =	sadd.s32 $0x0, s13  }
0x67: {  	[hbm4b:s30+s3] =	stream.linear.scatter [tilespmem:s16], [sflag:$0x3], $0x4000, $0x38;
	[tilespmem:$0x1D400] =	vst v63  }
0x68: {  	_ =	swait.ge [sflag:s20], $0x4000  }
0x69: {  	[sflag:s20] =	ssyncset.done $0x0  }
0x6a: {  	[sflag:s20] =	ssyncadd.s32 $0xFFFFC000  }
0x6b: {  	_ =	swait.ge [sflag:s21], $0x4000  }
0x6c: {  	s29 =	sadd.s32 $0x0, s14;
	s28 =	simm.s32 $0x300;
	[sflag:s21] =	ssyncset.done $0x0  }
0x6d: {  	s26 =	simm.s32 $0x1000;
	s31 =	simm.s32 $0x200;
	[sflag:s21] =	ssyncadd.s32 $0xFFFFC000  }
0x6e: {  	[tilespmem:s16], [sflag:$0x1] =	stream.indirect.gather [spmem:s2], $0x80, s31, s18, $0xb8;
	[tilespmem:$0x1D400] =	vst v63  }
.LBB2_6:
0x6f: {  	[hbm4b:s29+s3] =	stream.linear.scatter [tilespmem:s17], [sflag:$0x4], $0x4000, $0x38;
	[tilespmem:$0x1D400] =	vst v63  }
0x70: {  	s29 =	smov.u32 s26  }
0x71: {  	p0 =	sne.s32 s26, $0x11000;
	s26 =	sadd.s32 $0x1000, s26;
	_ =	swait.ge [sflag:s19], $0x4000  }
0x72: {  	[sflag:s19] =	ssyncset.done $0x0  }
0x73: {  	[sflag:s19] =	ssyncadd.s32 $0xFFFFC000  }
0x74: {  	_ =	swait.ge [sflag:s23], $0x4000  }
0x75: {  	[sflag:s23] =	ssyncset.done $0x0  }
0x76: {  	s30 =	sadd.s32 $0xFFFFFF80, s28;
	[sflag:s23] =	ssyncadd.s32 $0xFFFFC000  }
0x77: {  	[tilespmem:s17], [sflag:$0x2] =	stream.indirect.gather [spmem:s2], $0x80, s30, s18, $0xb8;
	[tilespmem:$0x1D400] =	vst v63  }
0x78: {  	s30 =	sadd.s32 s29, s13  }
0x79: {  	[hbm4b:s30+s3] =	stream.linear.scatter [tilespmem:s16], [sflag:$0x3], $0x4000, $0x38;
	[tilespmem:$0x1D400] =	vst v63  }
0x7a: {  	_ =	swait.ge [sflag:s20], $0x4000  }
0x7b: {  	[sflag:s20] =	ssyncset.done $0x0  }
0x7c: {  	[sflag:s20] =	ssyncadd.s32 $0xFFFFC000  }
.Ltmp2:
0x7d: {  	_ =	swait.ge [sflag:s21], $0x4000;
	(pc) =	sbr.rel @p0 .LBB2_6-.Ltmp2, $4  }
0x7e: {  	[sflag:s21] =	ssyncset.done $0x0  }
0x7f: {  	[sflag:s21] =	ssyncadd.s32 $0xFFFFC000  }
0x80: {  	[tilespmem:s16], [sflag:$0x1] =	stream.indirect.gather [spmem:s2], $0x80, s28, s18, $0xb8;
	[tilespmem:$0x1D400] =	vst v63  }
0x81: {  	s29 =	sadd.s32 s29, s14;
	s28 =	sadd.s32 $0x100, s28  }
0x82: {  	[hbm4b:s29+s3] =	stream.linear.scatter [tilespmem:s17], [sflag:$0x4], $0x4000, $0x38;
	[tilespmem:$0x1D400] =	vst v63  }
0x83: {  	_ =	swait.ge [sflag:s19], $0x4000  }
0x84: {  	[sflag:s19] =	ssyncset.done $0x0  }
0x85: {  	[sflag:s19] =	ssyncadd.s32 $0xFFFFC000  }
0x86: {  	_ =	swait.ge [sflag:s23], $0x4000  }
0x87: {  	[sflag:s23] =	ssyncset.done $0x0  }
0x88: {  	[sflag:s23] =	ssyncadd.s32 $0xFFFFC000  }
0x89: {  	[tilespmem:s17], [sflag:$0x2] =	stream.indirect.gather [spmem:s2], $0x80, s24, s18, $0xb8;
	[tilespmem:$0x1D400] =	vst v63  }
0x8a: {  	_ = 	snop  }
0x8b: {  	[hbm4b:s11+s3] =	stream.linear.scatter [tilespmem:s16], [sflag:$0x3], $0x4000, $0x38;
	[tilespmem:$0x1D400] =	vst v63  }
0x8c: {  	_ =	swait.ge [sflag:s20], $0x4000  }
0x8d: {  	[sflag:s20] =	ssyncset.done $0x0  }
0x8e: {  	[sflag:s20] =	ssyncadd.s32 $0xFFFFC000  }
0x8f: {  	s25 =	sadd.s32 $0x1, s25;
	_ =	swait.ge [sflag:s21], $0x4000  }
0x90: {  	p0 =	sne.s32 s25, s8;
	[sflag:s21] =	ssyncset.done $0x0  }
.Ltmp3:
0x91: {  	[sflag:s21] =	ssyncadd.s32 $0xFFFFC000;
	(pc) =	sbr.rel @p0 .LBB2_1-.Ltmp3, $4  }
0x92: {  	[hbm4b:s12+s3] =	stream.linear.scatter [tilespmem:s17], [sflag:$0x4], $0x4000, $0x38;
	[tilespmem:$0x1D400] =	vst v63  }
0x93: {  	_ =	swait.ge [sflag:s23], $0x4000  }
0x94: {  	[sflag:s23] =	ssyncset.done $0x0  }
0x95: {  	[sflag:s23] =	ssyncadd.s32 $0xFFFFC000  }
0x96: {  	_ =	sfence.sel $0x180000  }
0x97: {  	[bflag:$0x0] =	sbarrier.arrive $0xFFFF  }
0x98: {  	p0 =	sne.s32 s1, $0x0;
	_ =	strace $0x90000053  }
0x99: {  	s0 =	sadd.s32 @!p0 $0x100000, s0;
	[bflag:$0x2] =	sbarrier.arrive $0xFFFF  }
0x9a: {  	[sflag:s0] =	ssyncadd.tile.s32 @!p0 $0x1;
	_ =	shalt  }
.Lfunc_end2:
_tile_overlayer_lowered:
.L_overlay_start_2:
0x9b: {  	(tag) =	ssettag $0x2  }
0x9c: {  	s0 =	rddreg [dreg:$0x0];
	s2 =	stileid.u32  }
0x9d: {  	s1 =	rddreg [dreg:$0x1];
	p0 =	sne.s32 s2, $0x0  }
0x9e: {  	s3 =	rddreg [dreg:$0x2];
	[bflag:$0x3] =	sbarrier.arrive $0xFFFF;
	s2 =	simm.s32 @!p0 $0x1C05  }
0x9f: {  	[timem:s3], [sflag:s2] =	dma.local @!p0 [hbm:s0], s1  }
0xa0: {  	s0 =	simm.s32 @!p0 $0x5  }
0xa1: {  	_ =	swait.ge @!p0 [sflag:s0], s1  }
0xa2: {  	s1 =	ssub.s32 @!p0 $0x0, s1;
	[sflag:s0] =	ssyncset.done @!p0 $0x0  }
0xa3: {  	[sflag:s0] =	ssyncadd.s32 @!p0 s1  }
0xa4: {  	[bflag:$0x3] =	sbarrier.arrive $0xFFFF  }
0xa5: {  	_ =	shalt  }

// kernel: kernel.30.cloned.1.call-start
scs
__scs_entry_jumppad:
0x0: {  	(pc) =	sbr.rel $0x88, $3  }
0x1: {  	(tag) =	ssettag $0x0;
	lr =	simm.s32 $0x1  }
0x2: {  	[smem:$0x3F96] =	sst lr;
	_ =	strace $0xD0000000  }
0x3: {  	_ = 	snop  }
0x4: {  	_ = 	snop  }
0x5: {  	_ = 	snop  }
0x6: {  	_ = 	snop  }
0x7: {  	_ = 	snop  }
__scs_overlays_trampoline_lowered:
0x8: {  	[smem:$0x3FA5] =	sst s0  }
0x9: {  	[smem:$0x3FA6] =	sst s1  }
0xa: {  	[smem:$0x3FA7] =	sst s2  }
0xb: {  	[smem:$0x3FA8] =	sst s3  }
0xc: {  	[smem:$0x3FA9] =	sst s4  }
0xd: {  	[smem:$0x3FAA] =	sst s5  }
0xe: {  	[smem:$0x3FAB] =	sst s6  }
0xf: {  	[smem:$0x3FAC] =	sst s7  }
0x10: {  	[smem:$0x3FAD] =	sst s8  }
0x11: {  	[smem:$0x3FAE] =	sst s9;
	s0 =	simm.s32 @!p0 $0x0  }
0x12: {  	s1 =	sld [smem:$0x3F94];
	s0 =	simm.s32 @p0 $0x1  }
0x13: {  	[smem:$0x3FAF] =	sst s0;
	s0 =	simm.s32 @!p1 $0x0  }
0x14: {  	s2 =	sld [smem:$0x3F93];
	s0 =	simm.s32 @p1 $0x1  }
0x15: {  	[smem:$0x3FB0] =	sst s0;
	s0 =	simm.s32 @!p2 $0x0  }
0x16: {  	s3 =	sld [smem:$0x3FDB];
	s0 =	simm.s32 @p2 $0x1  }
0x17: {  	s4 =	simm.s32 $0x1BF5;
	[smem:$0x3FB2] =	sst s0  }
0x18: {  	s0 =	sld [smem:$0x3F95];
	_ =	swait.ge [sflag:s4], $0x0  }
0x19: {  	s7 =	sld [smem:$0x3F96]  }
0x1a: {  	s8 =	sadd.s32 $0xFFFFE003, lr  }
0x1b: {  	s9 =	sadd.s32 $0xFFFFFEF7, lr;
	s5 =	simm.s32 $0xFFFFFFFF;
	p2 =	slt.u32 s8, $0xFFFFF086  }
0x1c: {  	p1 =	slt.u32 s9, $0xF7A;
	s5 =	simm.s32 @!p2 $0x0  }
0x1d: {  	s5 =	simm.s32 @p1 $0x1;
	p0 =	seq.s32 s7, s2  }
0x1e: {  	s7 =	smul.u32 @!p0 $0xF7A, s2;
	p2 =	seq.s32 @!p0 s5, $0x0  }
0x1f: {  	s9 =	smul.u32 $0xF7A, s1;
	s8 =	simm.s32 @!p0 $0x1BF5;
	p2 =	por !p2, p0  }
0x20: {  	[sflag:s8] =	ssyncset.s32 @!p0 $0xFFFFF086;
	s6 =	sadd.s32 @!p0 s3, s7;
	s7 =	simm.s32 @!p0 $0x108  }
0x21: {  	s3 =	sadd.s32 s3, s9;
	s6 =	sadd.s32 @!p0 $0x88, s6;
	s7 =	simm.s32 @p2 $0x1082  }
0x22: {  	[simem:s7], [sflag:s8] =	dma.local @!p0 [hbm:s6], $0xF7A  }
0x23: {  	s9 =	sor.u32 $0xD0000000, s2;
	s6 =	simm.s32 $0x108;
	_ =	swait.ge @!p0 [sflag:s8], $0x0  }
0x24: {  	s3 =	sadd.s32 $0x88, s3;
	s6 =	simm.s32 @!p1 $0x1082;
	[sflag:s4] =	ssyncset.s32 $0xFFFFF086  }
0x25: {  	[simem:s6], [sflag:s4] =	dma.local [hbm:s3], $0xF7A  }
0x26: {  	[smem:$0x3F96] =	sst s1;
	(tag) =	ssettag s2;
	_ =	strace s9  }
0x27: {  	s1 =	sld [smem:$0x3FA6]  }
0x28: {  	s2 =	sld [smem:$0x3FA7]  }
0x29: {  	s4 =	sld [smem:$0x3FA9]  }
0x2a: {  	p0 =	seq.s32 s5, $0x0;
	s5 =	sld [smem:$0x3FAA]  }
0x2b: {  	s6 =	sld [smem:$0x3FAB]  }
0x2c: {  	s7 =	sld [smem:$0x3FAC]  }
0x2d: {  	s3 =	simm.s32 $0x108;
	s8 =	sld [smem:$0x3FAD]  }
0x2e: {  	s3 =	simm.s32 @!p0 $0x1082;
	s9 =	sld [smem:$0x3FAE]  }
0x2f: {  	lr =	sadd.s32 s0, s3;
	s0 =	sld [smem:$0x3FA5]  }
0x30: {  	s3 =	sld [smem:$0x3FA8]  }
0x31: {  	[smem:$0x3FB1] =	sst s10  }
0x32: {  	s10 =	sld [smem:$0x3FAF];
	_ =	sdelay $0x3  }
0x33: {  	p0 =	seq.s32 s10, $0x1;
	s10 =	sld [smem:$0x3FB1];
	_ =	sdelay $0x3  }
0x34: {  	[smem:$0x3FB1] =	sst s10  }
0x35: {  	s10 =	sld [smem:$0x3FB0];
	_ =	sdelay $0x3  }
0x36: {  	p1 =	seq.s32 s10, $0x1;
	s10 =	sld [smem:$0x3FB1];
	_ =	sdelay $0x3  }
0x37: {  	[smem:$0x3FB1] =	sst s10  }
0x38: {  	s10 =	sld [smem:$0x3FB2]  }
0x39: {  	_ = 	snop;
	(pc) =	sbr.ind lr, $3  }
0x3a: {  	_ = 	snop  }
0x3b: {  	_ = 	snop  }
0x3c: {  	p2 =	seq.s32 s10, $0x1;
	s10 =	sld [smem:$0x3FB1]  }
0x3d: {  	_ =	shalt  }
0x3e: {  	_ =	shalt  }
0x3f: {  	_ =	shalt  }
0x40: {  	_ =	shalt  }
0x41: {  	_ =	shalt  }
0x42: {  	_ =	shalt  }
0x43: {  	_ =	shalt  }
0x44: {  	_ =	shalt  }
0x45: {  	_ =	shalt  }
0x46: {  	_ =	shalt  }
0x47: {  	_ =	shalt  }
0x48: {  	_ =	shalt  }
0x49: {  	_ =	shalt  }
0x4a: {  	_ =	shalt  }
0x4b: {  	_ =	shalt  }
0x4c: {  	_ =	shalt  }
0x4d: {  	_ =	shalt  }
0x4e: {  	_ =	shalt  }
0x4f: {  	_ =	shalt  }
0x50: {  	_ =	shalt  }
0x51: {  	_ =	shalt  }
0x52: {  	_ =	shalt  }
0x53: {  	_ =	shalt  }
0x54: {  	_ =	shalt  }
0x55: {  	_ =	shalt  }
0x56: {  	_ =	shalt  }
0x57: {  	_ =	shalt  }
0x58: {  	_ =	shalt  }
0x59: {  	_ =	shalt  }
0x5a: {  	_ =	shalt  }
0x5b: {  	_ =	shalt  }
0x5c: {  	_ =	shalt  }
0x5d: {  	_ =	shalt  }
0x5e: {  	_ =	shalt  }
0x5f: {  	_ =	shalt  }
0x60: {  	_ =	shalt  }
0x61: {  	_ =	shalt  }
0x62: {  	_ =	shalt  }
0x63: {  	_ =	shalt  }
0x64: {  	_ =	shalt  }
0x65: {  	_ =	shalt  }
0x66: {  	_ =	shalt  }
0x67: {  	_ =	shalt  }
0x68: {  	_ =	shalt  }
0x69: {  	_ =	shalt  }
0x6a: {  	_ =	shalt  }
0x6b: {  	_ =	shalt  }
0x6c: {  	_ =	shalt  }
0x6d: {  	_ =	shalt  }
0x6e: {  	_ =	shalt  }
0x6f: {  	_ =	shalt  }
0x70: {  	_ =	shalt  }
0x71: {  	_ =	shalt  }
0x72: {  	_ =	shalt  }
0x73: {  	_ =	shalt  }
0x74: {  	_ =	shalt  }
0x75: {  	_ =	shalt  }
0x76: {  	_ =	shalt  }
0x77: {  	_ =	shalt  }
0x78: {  	_ =	shalt  }
0x79: {  	_ =	shalt  }
0x7a: {  	_ =	shalt  }
0x7b: {  	_ =	shalt  }
0x7c: {  	_ =	shalt  }
0x7d: {  	_ =	shalt  }
0x7e: {  	_ =	shalt  }
0x7f: {  	_ =	shalt  }
0x80: {  	_ =	shalt  }
0x81: {  	_ =	shalt  }
0x82: {  	_ =	shalt  }
0x83: {  	_ =	shalt  }
0x84: {  	_ =	shalt  }
0x85: {  	_ =	shalt  }
0x86: {  	_ =	shalt  }
0x87: {  	_ =	shalt  }
.Lfunc_end0:
.L_simem_size_0:
called_computation.5_lowered:
.L_overlay_start_0:
0x88: {  	s2 =	sld [smem:$0x3FD9]  }
0x89: {  	s3 =	sld [smem:$0x3FFE];
	_ =	sdelay $0x1  }
0x8a: {  	s1 =	srdreg.scid  }
0x8b: {  	s0 =	sand.u32 $0x1, s1  }
0x8c: {  	s16 =	sshll.u32 s0, $0xA;
	s2 =	sadd.s32 s3, s2  }
0x8d: {  	s2 =	sadd.s32 s2, s16  }
0x8e: {  	[smem:$0x3FBD] =	sst s2  }
0x8f: {  	_ = 	snop  }
0x90: {  	(tm) =	ssettm $0x1  }
0x91: {  	s17 =	sld [smem:$0x3FFB];
	_ =	sdelay $0x3  }
0x92: {  	_ =	strace s17  }
0x93: {  	s2 =	sld [smem:$0x3FFC];
	_ =	sdelay $0x3  }
0x94: {  	_ =	strace s2  }
0x95: {  	s2 =	sld [smem:$0x3FFD];
	_ =	sdelay $0x3  }
0x96: {  	_ =	strace s2  }
0x97: {  	_ =	strace $0x8FFFFFFF  }
0x98: {  	s18 =	sld [smem:$0x3FDB];
	_ =	sdelay $0x1  }
0x99: {  	s19 =	simm.s32 $_scs_section_size  }
0x9a: {  	s4 =	simm.s32 $_size__tile_overlayer_lowered;
	s5 =	simm.s32 $_tile_overlayer_lowered  }
0x9b: {  	s22 =	simm.s32 $0x1BFF;
	s21 =	sshll.u32 s5, $0x1;
	s2 =	sadd.s32 s19, s18  }
0x9c: {  	s6 =	simm.s32 $0x0;
	s20 =	sshll.u32 s4, $0x1;
	s4 =	sadd.s32 s21, s2  }
0x9d: {  	[timem:s6], [sflag:s22] =	dma.local [hbm:s4], s20  }
0x9e: {  	_ =	swait.ge [sflag:s22], s20  }
0x9f: {  	s3 =	ssub.s32 $0x0, s20;
	[sflag:s22] =	ssyncset.done $0x0  }
0xa0: {  	[sflag:s22] =	ssyncadd.s32 s3;
	_ =	sdelay $0x1  }
0xa1: {  	s23 =	simm.s32 $0x1B8B  }
0xa2: {  	_ =	swait.ge [sflag:s23], $0x1  }
0xa3: {  	[sflag:s23] =	ssyncset.done $0x0  }
0xa4: {  	s25 =	simm.s32 $0x1B8E;
	s24 =	sld [smem:$0x3FFE];
	[sflag:s23] =	ssyncadd.s32 $0xFFFFFFFF  }
0xa5: {  	s26 =	simm.s32 $execute0_lowered;
	[smem:$0x3FD2] =	sst s25  }
0xa6: {  	s4 =	sshll.u32 s26, $0x1;
	_ =	strace $0x80000055;
	[dreg:$0x1] =	wrdreg $0xFFFFFFFF  }
0xa7: {  	s28 =	simm.s32 $_size_execute0_lowered;
	s2 =	sadd.s32 s2, s4;
	[dreg:$0x0] =	wrdreg $0x0  }
0xa8: {  	s4 =	sshll.u32 s28, $0x1;
	[dreg:$0x2] =	wrdreg s2  }
0xa9: {  	[dreg:$0x3] =	wrdreg s4  }
0xaa: {  	[dreg:$0x4] =	wrdreg $0xC0  }
0xab: {  	_ =	task [dreg:s6], $0x5FFFF  }
0xac: {  	[dreg:$0x1] =	wrdreg $0xFFFFFFFF  }
0xad: {  	[dreg:$0x0] =	wrdreg $0x60  }
0xae: {  	[dreg:$0x2] =	wrdreg s24  }
0xaf: {  	[dreg:$0x3] =	wrdreg $0xB4000  }
0xb0: {  	[dreg:$0x4] =	wrdreg $0x9  }
0xb1: {  	_ =	task.clear_ibuf [dreg:s6], $0x5FFFF;
	_ =	strace $0x90000055  }
0xb2: {  	s29 =	simm.s32 $0x9;
	_ =	strace $0x80000057  }
0xb3: {  	_ =	swait.ge [sflag:s29], $0x1  }
0xb4: {  	[sflag:s29] =	ssyncadd.s32 $0xFFFFFFFF  }
0xb5: {  	_ =	strace $0x90000057  }
0xb6: {  	_ =	sfence  }
0xb7: {  	s30 =	sld [smem:$0x0];
	_ =	sdelay $0x2  }
0xb8: {  	s31 =	sshll.u32 s1, $0xD;
	s1 =	sshrl.u32 s1, $0x2  }
0xb9: {  	s3 =	sand.u32 $0x4000, s31;
	s1 =	sadd.s32 s1, s30  }
0xba: {  	s0 =	sor.u32 s3, s0;
	s1 =	sshll.u32 s1, $0x11  }
0xbb: {  	s0 =	sor.u32 s1, s0  }
0xbc: {  	s0 =	sadd.s32 $0x8F2B, s0  }
0xbd: {  	[sflag:s0] =	ssyncadd.remote.s32 $0x1  }
0xbe: {  	_ =	sfence.sel $0xFFFF  }
0xbf: {  	[dreg:$0x0] =	wrdreg $0xFFFFFFFF;
	(pc) =	sbr.abs _section_cstart, $3  }
0xc0: {  	[dreg:$0x1] =	wrdreg $0xFFFFFFFF  }
0xc1: {  	_ =	task.clear_ibuf [dreg:s6], $0x2FFFF;
	_ =	strace $0x9FFFFFFF  }
0xc2: {  	(tm) =	ssettm $0x7FFFFFFF  }
0xc3: {  	_ =	shalt  }
tec
execute0_lowered:
.L_overlay_start_1:
0x0: {  	(tag) =	ssettag $0x1  }
0x1: {  	s0 =	srdreg.scid  }
0x2: {  	s19 =	stileid.u32;
	s4 =	rddreg [dreg:$0x0]  }
0x3: {  	s0 =	sand.u32 $0x1, s0;
	s1 =	smul.u32 $0x280, s19;
	s8 =	sadd.s32 $0x78E400, s4  }
0x4: {  	s2 =	sshll.u32 s0, $0x4;
	s3 =	smul.u32 $0x2800, s0;
	s6 =	ssub.s32 $0x2, s0  }
0x5: {  	s0 =	smul.u32 $0x140000, s0;
	s2 =	sor.u32 s19, s2;
	s9 =	sshrl.u32 s6, $0x1  }
0x6: {  	s10 =	sadd.s32 $0x80, s1;
	s12 =	sadd.s32 $0xC0, s1;
	s16 =	sadd.s32 $0x180, s1  }
0x7: {  	s17 =	sadd.s32 $0x1C0, s1;
	s18 =	sadd.s32 $0x200, s1;
	s5 =	smul.u32 $0x1400, s2  }
0x8: {  	s7 =	sadd.s32 s3, s1;
	s6 =	ssub.s32 s6, s9;
	s11 =	sadd.s32 s3, s10  }
0x9: {  	s13 =	sadd.s32 s3, s12;
	s15 =	sadd.s32 s3, s16;
	s2 =	smul.u32 $0x14000, s2  }
0xa: {  	s7 =	sshll.u32 s7, $0x4;
	s21 =	sshll.u32 s11, $0x4;
	s22 =	sshll.u32 s13, $0x4  }
0xb: {  	s13 =	sadd.s32 $0x140, s1;
	s26 =	sshll.u32 s15, $0x4;
	s15 =	sadd.s32 s3, s17  }
0xc: {  	s7 =	sadd.s32 s8, s7;
	s23 =	sadd.s32 s8, s22;
	s14 =	sadd.s32 s3, s13  }
0xd: {  	s22 =	sshrl.u32 s5, $0x3;
	[dreg:$0x3] =	wrdreg s7;
	s7 =	sor.u32 $0x40, s1  }
0xe: {  	[dreg:$0x6] =	wrdreg s23;
	s25 =	sshll.u32 s14, $0x4;
	s14 =	sadd.s32 s8, s26  }
0xf: {  	s23 =	sshll.u32 s5, $0x4;
	s20 =	sadd.s32 s3, s7;
	[dreg:$0x9] =	wrdreg s14  }
0x10: {  	s14 =	rddreg [dreg:$0x1];
	s5 =	sshll.u32 s7, $0x7;
	s9 =	sshll.u32 s20, $0x4  }
0x11: {  	s7 =	sshll.u32 s12, $0x7;
	s20 =	sadd.s32 s3, s18;
	s9 =	sadd.s32 s8, s9  }
0x12: {  	[dreg:$0x4] =	wrdreg s9;
	s9 =	sadd.s32 s8, s21;
	s21 =	sshll.u32 s20, $0x4  }
0x13: {  	[dreg:$0x5] =	wrdreg s9;
	s9 =	sadd.s32 $0x100, s1;
	s1 =	sadd.s32 $0x240, s1  }
0x14: {  	s24 =	sadd.s32 s3, s9;
	s3 =	sadd.s32 s3, s1;
	s12 =	sshll.u32 s9, $0x7  }
0x15: {  	s1 =	sshll.u32 s1, $0x7;
	s9 =	simm.s32 $0x5;
	s11 =	sshll.u32 s24, $0x4  }
0x16: {  	s3 =	sshll.u32 s3, $0x4;
	s24 =	smul.u32 $0x50000, s19;
	s11 =	sadd.s32 s8, s11  }
0x17: {  	s28 =	sadd.s32 s1, s14;
	s3 =	sadd.s32 s8, s3;
	[dreg:$0x7] =	wrdreg s11  }
0x18: {  	s11 =	sadd.s32 s8, s25;
	[dreg:$0xc] =	wrdreg s3;
	s3 =	sadd.s32 s22, s4  }
0x19: {  	s4 =	sadd.s32 $0xA0E400, s4;
	s25 =	smul.u32 $0x14000, s19;
	s26 =	sshrl.u32 s24, $0x2  }
0x1a: {  	s19 =	sshll.u32 s13, $0x7;
	s24 =	sshll.u32 s17, $0x7;
	s17 =	simm.s32 $0x80  }
0x1b: {  	[dreg:$0x8] =	wrdreg s11;
	s11 =	sshll.u32 s15, $0x4;
	s20 =	sadd.s32 s4, s2  }
0x1c: {  	s2 =	sadd.s32 s23, s4;
	s0 =	sadd.s32 s0, s4;
	s15 =	sadd.s32 s26, s14  }
0x1d: {  	s3 =	sadd.s32 $0x4400, s3;
	s4 =	smax.u32 s6, $0x1;
	s6 =	sshll.u32 s10, $0x7  }
0x1e: {  	s10 =	sadd.s32 s7, s14;
	s22 =	sadd.s32 s19, s14;
	s19 =	simm.s32 $0x3  }
0x1f: {  	s11 =	sadd.s32 s8, s11;
	s0 =	sadd.s32 s25, s0;
	s2 =	sadd.s32 $0x1000, s2  }
0x20: {  	s25 =	sshll.u32 s18, $0x7;
	[dreg:$0xa] =	wrdreg s11;
	s11 =	sadd.s32 s8, s21  }
0x21: {  	s30 =	sadd.s32 $0x2000, s15;
	[dreg:$0xb] =	wrdreg s11;
	s11 =	simm.s32 $0x0  }
0x22: {  	s31 =	sadd.s32 $0x4000, s15;
	s13 =	sadd.s32 $0x6000, s15;
	[smem:$0x7FF] =	sst s11  }
0x23: {  	s1 =	sadd.s32 $0xA000, s15;
	_ =	strace $0x80000056;
	[dreg:$0xd] =	wrdreg s3  }
0x24: {  	s7 =	sadd.s32 $0x13800, s20;
	s18 =	simm.s32 $0x5400;
	[dreg:$0xe] =	wrdreg s4  }
0x25: {  	s8 =	sadd.s32 s6, s14;
	s21 =	sshll.u32 s16, $0x7;
	[dreg:$0xf] =	wrdreg s2  }
0x26: {  	s26 =	sadd.s32 s25, s14;
	s29 =	sadd.s32 $0x2000, s0;
	[dreg:$0x11] =	wrdreg s8  }
0x27: {  	s0 =	sadd.s32 $0x8000, s15;
	s6 =	sadd.s32 $0x800, s20;
	[dreg:$0x12] =	wrdreg s10  }
0x28: {  	s16 =	simm.s32 $0x1;
	s23 =	sadd.s32 s21, s14;
	[dreg:$0x14] =	wrdreg s22  }
0x29: {  	s21 =	simm.s32 $0x0;
	s2 =	sadd.s32 s5, s14;
	[dreg:$0x15] =	wrdreg s23  }
0x2a: {  	[dreg:$0x17] =	wrdreg s26;
	s3 =	sadd.s32 $0xE000, s15;
	s4 =	sadd.s32 $0x10000, s15  }
0x2b: {  	s5 =	sadd.s32 $0x12000, s15;
	s26 =	smov.u32 s20;
	s8 =	simm.s32 $0x9400  }
0x2c: {  	s10 =	simm.s32 $0x1400;
	[dreg:$0x10] =	wrdreg s2;
	s2 =	sadd.s32 s12, s14  }
0x2d: {  	s20 =	simm.s32 $0x2;
	[dreg:$0x13] =	wrdreg s2;
	s2 =	sadd.s32 s24, s14  }
0x2e: {  	v0 =	vimm.f32 $0.0e+00;
	s12 =	simm.s32 $0x4;
	[dreg:$0x16] =	wrdreg s2;
	s2 =	sadd.s32 $0xC000, s15  }
.LBB2_1:
0x2f: {  	s22 =	simm.s32 $0x0;
	s23 =	simm.s32 $0x200  }
.LBB2_2:
0x30: {  	p0 =	sne.s32 s23, $0x7E00;
	[tilespmem:s22+$0x9470] =	vst v0  }
0x31: {  	[tilespmem:s22+$0x9400] =	vst v0  }
0x32: {  	[tilespmem:s22+$0x9410] =	vst v0  }
.Ltmp0:
0x33: {  	[tilespmem:s22+$0x9420] =	vst v0;
	(pc) =	sbr.rel @p0 .LBB2_2-.Ltmp0, $4  }
0x34: {  	[tilespmem:s22+$0x9430] =	vst v0  }
0x35: {  	[tilespmem:s22+$0x9440] =	vst v0  }
0x36: {  	[tilespmem:s22+$0x9450] =	vst v0  }
0x37: {  	[tilespmem:s22+$0x9460] =	vst v0;
	s22 =	sshra.s32 s23, $0x2;
	s23 =	sadd.s32 $0x200, s23  }
0x38: {  	[tilespmem:s22+$0x9470] =	vst v0  }
0x39: {  	[tilespmem:s22+$0x9400] =	vst v0  }
0x3a: {  	[tilespmem:s22+$0x9410] =	vst v0  }
0x3b: {  	[tilespmem:s22+$0x9420] =	vst v0  }
0x3c: {  	[tilespmem:s22+$0x9430] =	vst v0  }
0x3d: {  	[tilespmem:s22+$0x9440] =	vst v0  }
0x3e: {  	[tilespmem:s22+$0x9450] =	vst v0  }
0x3f: {  	[tilespmem:s22+$0x9460] =	vst v0  }
0x40: {  	[spmem:s15] =	stream.linear.scatter [tilespmem:s8], [sflag:$0x5], $0x2000, $0x38;
	[tilespmem:$0x1F400] =	vst v63  }
0x41: {  	_ =	swait.ge [sflag:s9], $0x2000  }
0x42: {  	[sflag:s9] =	ssyncset.done $0x0  }
0x43: {  	[sflag:s9] =	ssyncadd.s32 $0xFFFFE000  }
0x44: {  	[spmem:s30] =	stream.linear.scatter [tilespmem:s8], [sflag:$0x5], $0x2000, $0x38;
	[tilespmem:$0x1F400] =	vst v63  }
0x45: {  	_ =	swait.ge [sflag:s9], $0x2000  }
0x46: {  	[sflag:s9] =	ssyncset.done $0x0  }
0x47: {  	[sflag:s9] =	ssyncadd.s32 $0xFFFFE000  }
0x48: {  	[spmem:s31] =	stream.linear.scatter [tilespmem:s8], [sflag:$0x5], $0x2000, $0x38;
	[tilespmem:$0x1F400] =	vst v63  }
0x49: {  	_ =	swait.ge [sflag:s9], $0x2000  }
0x4a: {  	[sflag:s9] =	ssyncset.done $0x0  }
0x4b: {  	[sflag:s9] =	ssyncadd.s32 $0xFFFFE000  }
0x4c: {  	[spmem:s13] =	stream.linear.scatter [tilespmem:s8], [sflag:$0x5], $0x2000, $0x38;
	[tilespmem:$0x1F400] =	vst v63  }
0x4d: {  	_ =	swait.ge [sflag:s9], $0x2000  }
0x4e: {  	[sflag:s9] =	ssyncset.done $0x0  }
0x4f: {  	[sflag:s9] =	ssyncadd.s32 $0xFFFFE000  }
0x50: {  	[spmem:s0] =	stream.linear.scatter [tilespmem:s8], [sflag:$0x5], $0x2000, $0x38;
	[tilespmem:$0x1F400] =	vst v63  }
0x51: {  	_ =	swait.ge [sflag:s9], $0x2000  }
0x52: {  	[sflag:s9] =	ssyncset.done $0x0  }
0x53: {  	[sflag:s9] =	ssyncadd.s32 $0xFFFFE000  }
0x54: {  	[spmem:s1] =	stream.linear.scatter [tilespmem:s8], [sflag:$0x5], $0x2000, $0x38;
	[tilespmem:$0x1F400] =	vst v63  }
0x55: {  	_ =	swait.ge [sflag:s9], $0x2000  }
0x56: {  	[sflag:s9] =	ssyncset.done $0x0  }
0x57: {  	[sflag:s9] =	ssyncadd.s32 $0xFFFFE000  }
0x58: {  	[spmem:s2] =	stream.linear.scatter [tilespmem:s8], [sflag:$0x5], $0x2000, $0x38;
	[tilespmem:$0x1F400] =	vst v63  }
0x59: {  	_ =	swait.ge [sflag:s9], $0x2000  }
0x5a: {  	[sflag:s9] =	ssyncset.done $0x0  }
0x5b: {  	[sflag:s9] =	ssyncadd.s32 $0xFFFFE000  }
0x5c: {  	[spmem:s3] =	stream.linear.scatter [tilespmem:s8], [sflag:$0x5], $0x2000, $0x38;
	[tilespmem:$0x1F400] =	vst v63  }
0x5d: {  	_ =	swait.ge [sflag:s9], $0x2000  }
0x5e: {  	[sflag:s9] =	ssyncset.done $0x0  }
0x5f: {  	[sflag:s9] =	ssyncadd.s32 $0xFFFFE000  }
0x60: {  	[spmem:s4] =	stream.linear.scatter [tilespmem:s8], [sflag:$0x5], $0x2000, $0x38;
	[tilespmem:$0x1F400] =	vst v63  }
0x61: {  	_ =	swait.ge [sflag:s9], $0x2000  }
0x62: {  	[sflag:s9] =	ssyncset.done $0x0  }
0x63: {  	[sflag:s9] =	ssyncadd.s32 $0xFFFFE000  }
0x64: {  	[spmem:s5] =	stream.linear.scatter [tilespmem:s8], [sflag:$0x5], $0x2000, $0x38;
	[tilespmem:$0x1F400] =	vst v63  }
0x65: {  	_ =	swait.ge [sflag:s9], $0x2000  }
0x66: {  	[sflag:s9] =	ssyncset.done $0x0  }
0x67: {  	[sflag:s9] =	ssyncadd.s32 $0xFFFFE000  }
0x68: {  	[bflag:$0x0] =	sbarrier.arrive $0xFFFF  }
0x69: {  	s24 =	simm.s32 $0x0;
	s23 =	rddreg [dreg:$0xd]  }
0x6a: {  	[tilespmem:s24], [sflag:$0x5] =	stream.linear.gather [hbm4b:s23+s24], $0x1400, $0x38;
	[tilespmem:$0x1F400] =	vst v63  }
0x6b: {  	_ =	swait.ge [sflag:s9], $0x1400  }
0x6c: {  	[sflag:s9] =	ssyncset.done $0x0  }
0x6d: {  	[sflag:s9] =	ssyncadd.s32 $0xFFFFEC00  }
0x6e: {  	[tilespmem:s10], [sflag:$0x1] =	stream.linear.gather [hbm4b:s26+s24], $0x4000, $0x38;
	[tilespmem:$0x1F400] =	vst v63  }
0x6f: {  	_ =	swait.ge [sflag:s16], $0x4000  }
0x70: {  	[sflag:s16] =	ssyncset.done $0x0  }
0x71: {  	[sflag:s16] =	ssyncadd.s32 $0xFFFFC000  }
0x72: {  	[spmem:s14] =	stream.indirect.scatter.add.f32 [tilespmem:s10], [sflag:$0x3], $0x80, s24, s17, $0xb8;
	[tilespmem:$0x1F400] =	vst v63  }
0x73: {  	_ = 	snop  }
0x74: {  	[tilespmem:s18], [sflag:$0x2] =	stream.linear.gather [hbm4b:s6+s24], $0x4000, $0x38;
	[tilespmem:$0x1F400] =	vst v63  }
0x75: {  	_ =	swait.ge [sflag:s19], $0x4000  }
0x76: {  	[sflag:s19] =	ssyncset.done $0x0  }
0x77: {  	s25 =	rddreg [dreg:$0xf];
	[sflag:s19] =	ssyncadd.s32 $0xFFFFC000  }
0x78: {  	[tilespmem:s10], [sflag:$0x1] =	stream.linear.gather [hbm4b:s25+s24], $0x4000, $0x38;
	[tilespmem:$0x1F400] =	vst v63  }
0x79: {  	_ =	swait.ge [sflag:s20], $0x4000  }
0x7a: {  	[sflag:s20] =	ssyncset.done $0x0  }
0x7b: {  	[sflag:s20] =	ssyncadd.s32 $0xFFFFC000  }
0x7c: {  	[spmem:s14] =	stream.indirect.scatter.add.f32 [tilespmem:s18], [sflag:$0x4], $0x80, s17, s17, $0xb8;
	[tilespmem:$0x1F400] =	vst v63  }
0x7d: {  	_ =	swait.ge [sflag:s16], $0x4000  }
0x7e: {  	[sflag:s16] =	ssyncset.done $0x0  }
0x7f: {  	s24 =	simm.s32 $0x100;
	[sflag:s16] =	ssyncadd.s32 $0xFFFFC000  }
0x80: {  	[spmem:s14] =	stream.indirect.scatter.add.f32 [tilespmem:s10], [sflag:$0x3], $0x80, s24, s17, $0xb8;
	[tilespmem:$0x1F400] =	vst v63  }
0x81: {  	_ =	swait.ge [sflag:s12], $0x4000  }
0x82: {  	[sflag:s12] =	ssyncset.done $0x0  }
0x83: {  	s25 =	sadd.s32 $0xFFFFF800, s29;
	[sflag:s12] =	ssyncadd.s32 $0xFFFFC000  }
0x84: {  	[tilespmem:s18], [sflag:$0x2] =	stream.linear.gather [hbm4b:s25+s11], $0x4000, $0x38;
	[tilespmem:$0x1F400] =	vst v63  }
0x85: {  	_ =	swait.ge [sflag:s19], $0x4000  }
0x86: {  	[sflag:s19] =	ssyncset.done $0x0  }
0x87: {  	[sflag:s19] =	ssyncadd.s32 $0xFFFFC000  }
0x88: {  	[tilespmem:s10], [sflag:$0x1] =	stream.linear.gather [hbm4b:s29+s11], $0x4000, $0x38;
	[tilespmem:$0x1F400] =	vst v63  }
0x89: {  	_ =	swait.ge [sflag:s20], $0x4000  }
0x8a: {  	s22 =	simm.s32 $0x400;
	[sflag:s20] =	ssyncset.done $0x0  }
0x8b: {  	s23 =	sadd.s32 $0x1000, s29;
	s24 =	simm.s32 $0x180;
	[sflag:s20] =	ssyncadd.s32 $0xFFFFC000  }
.LBB2_4:
0x8c: {  	[spmem:s14] =	stream.indirect.scatter.add.f32 [tilespmem:s18], [sflag:$0x4], $0x80, s24, s17, $0xb8;
	[tilespmem:$0x1F400] =	vst v63  }
0x8d: {  	s24 =	smov.u32 s22  }
0x8e: {  	p0 =	sne.s32 s22, $0x4400;
	s22 =	sadd.s32 $0x400, s22;
	_ =	swait.ge [sflag:s16], $0x4000  }
0x8f: {  	s24 =	sshra.s32 s24, $0x2;
	[sflag:s16] =	ssyncset.done $0x0  }
0x90: {  	s25 =	sadd.s32 $0x100, s24;
	[sflag:s16] =	ssyncadd.s32 $0xFFFFC000  }
0x91: {  	[spmem:s14] =	stream.indirect.scatter.add.f32 [tilespmem:s10], [sflag:$0x3], $0x80, s25, s17, $0xb8;
	[tilespmem:$0x1F400] =	vst v63  }
0x92: {  	_ =	swait.ge [sflag:s12], $0x4000  }
0x93: {  	[sflag:s12] =	ssyncset.done $0x0  }
0x94: {  	s25 =	sadd.s32 $0xFFFFF800, s23;
	[sflag:s12] =	ssyncadd.s32 $0xFFFFC000  }
0x95: {  	[tilespmem:s18], [sflag:$0x2] =	stream.linear.gather [hbm4b:s25+s11], $0x4000, $0x38;
	[tilespmem:$0x1F400] =	vst v63  }
0x96: {  	_ =	swait.ge [sflag:s19], $0x4000  }
0x97: {  	[sflag:s19] =	ssyncset.done $0x0  }
.Ltmp1:
0x98: {  	[sflag:s19] =	ssyncadd.s32 $0xFFFFC000;
	(pc) =	sbr.rel @p0 .LBB2_4-.Ltmp1, $4  }
0x99: {  	[tilespmem:s10], [sflag:$0x1] =	stream.linear.gather [hbm4b:s23+s11], $0x4000, $0x38;
	[tilespmem:$0x1F400] =	vst v63  }
0x9a: {  	_ =	swait.ge [sflag:s20], $0x4000  }
0x9b: {  	[sflag:s20] =	ssyncset.done $0x0  }
0x9c: {  	s24 =	sadd.s32 $0x180, s24;
	s23 =	sadd.s32 $0x1000, s23;
	[sflag:s20] =	ssyncadd.s32 $0xFFFFC000  }
0x9d: {  	[spmem:s14] =	stream.indirect.scatter.add.f32 [tilespmem:s18], [sflag:$0x4], $0x80, s24, s17, $0xb8;
	[tilespmem:$0x1F400] =	vst v63  }
0x9e: {  	_ =	swait.ge [sflag:s16], $0x4000  }
0x9f: {  	[sflag:s16] =	ssyncset.done $0x0  }
0xa0: {  	s22 =	simm.s32 $0x1300;
	[sflag:s16] =	ssyncadd.s32 $0xFFFFC000  }
0xa1: {  	[spmem:s14] =	stream.indirect.scatter.add.f32 [tilespmem:s10], [sflag:$0x3], $0x80, s22, s17, $0xb8;
	[tilespmem:$0x1F400] =	vst v63  }
0xa2: {  	_ =	swait.ge [sflag:s12], $0x4000  }
0xa3: {  	[sflag:s12] =	ssyncset.done $0x0  }
0xa4: {  	[sflag:s12] =	ssyncadd.s32 $0xFFFFC000  }
0xa5: {  	[tilespmem:s18], [sflag:$0x2] =	stream.linear.gather [hbm4b:s7+s11], $0x4000, $0x38;
	[tilespmem:$0x1F400] =	vst v63  }
0xa6: {  	_ =	swait.ge [sflag:s19], $0x4000  }
0xa7: {  	[sflag:s19] =	ssyncset.done $0x0  }
0xa8: {  	[sflag:s19] =	ssyncadd.s32 $0xFFFFC000  }
0xa9: {  	_ =	swait.ge [sflag:s20], $0x4000  }
0xaa: {  	[sflag:s20] =	ssyncset.done $0x0  }
0xab: {  	s24 =	simm.s32 $0x1380;
	[sflag:s20] =	ssyncadd.s32 $0xFFFFC000  }
0xac: {  	[spmem:s14] =	stream.indirect.scatter.add.f32 [tilespmem:s18], [sflag:$0x4], $0x80, s24, s17, $0xb8;
	[tilespmem:$0x1F400] =	vst v63  }
0xad: {  	_ =	swait.ge [sflag:s12], $0x4000  }
0xae: {  	[sflag:s12] =	ssyncset.done $0x0  }
0xaf: {  	[sflag:s12] =	ssyncadd.s32 $0xFFFFC000  }
0xb0: {  	[bflag:$0x0] =	sbarrier.arrive $0xFFFF  }
0xb1: {  	[tilespmem:s8], [sflag:$0x5] =	stream.linear.gather [spmem:s15], $0x2000, $0x38;
	[tilespmem:$0x1F400] =	vst v63  }
0xb2: {  	_ =	swait.ge [sflag:s9], $0x2000  }
0xb3: {  	[sflag:s9] =	ssyncset.done $0x0  }
0xb4: {  	s25 =	rddreg [dreg:$0x3];
	[sflag:s9] =	ssyncadd.s32 $0xFFFFE000  }
0xb5: {  	[hbm4b:s25+s11] =	stream.linear.scatter [tilespmem:s8], [sflag:$0x5], $0x2000, $0x38;
	[tilespmem:$0x1F400] =	vst v63  }
0xb6: {  	_ =	swait.ge [sflag:s9], $0x2000  }
0xb7: {  	[sflag:s9] =	ssyncset.done $0x0  }
0xb8: {  	s23 =	rddreg [dreg:$0x10];
	[sflag:s9] =	ssyncadd.s32 $0xFFFFE000  }
0xb9: {  	[tilespmem:s8], [sflag:$0x5] =	stream.linear.gather [spmem:s23], $0x2000, $0x38;
	[tilespmem:$0x1F400] =	vst v63  }
0xba: {  	_ =	swait.ge [sflag:s9], $0x2000  }
0xbb: {  	[sflag:s9] =	ssyncset.done $0x0  }
0xbc: {  	s24 =	rddreg [dreg:$0x4];
	[sflag:s9] =	ssyncadd.s32 $0xFFFFE000  }
0xbd: {  	[hbm4b:s24+s11] =	stream.linear.scatter [tilespmem:s8], [sflag:$0x5], $0x2000, $0x38;
	[tilespmem:$0x1F400] =	vst v63  }
0xbe: {  	_ =	swait.ge [sflag:s9], $0x2000  }
0xbf: {  	[sflag:s9] =	ssyncset.done $0x0  }
0xc0: {  	s25 =	rddreg [dreg:$0x11];
	[sflag:s9] =	ssyncadd.s32 $0xFFFFE000  }
0xc1: {  	[tilespmem:s8], [sflag:$0x5] =	stream.linear.gather [spmem:s25], $0x2000, $0x38;
	[tilespmem:$0x1F400] =	vst v63  }
0xc2: {  	_ =	swait.ge [sflag:s9], $0x2000  }
0xc3: {  	[sflag:s9] =	ssyncset.done $0x0  }
0xc4: {  	s23 =	rddreg [dreg:$0x5];
	[sflag:s9] =	ssyncadd.s32 $0xFFFFE000  }
0xc5: {  	[hbm4b:s23+s11] =	stream.linear.scatter [tilespmem:s8], [sflag:$0x5], $0x2000, $0x38;
	[tilespmem:$0x1F400] =	vst v63  }
0xc6: {  	_ =	swait.ge [sflag:s9], $0x2000  }
0xc7: {  	[sflag:s9] =	ssyncset.done $0x0  }
0xc8: {  	s24 =	rddreg [dreg:$0x12];
	[sflag:s9] =	ssyncadd.s32 $0xFFFFE000  }
0xc9: {  	[tilespmem:s8], [sflag:$0x5] =	stream.linear.gather [spmem:s24], $0x2000, $0x38;
	[tilespmem:$0x1F400] =	vst v63  }
0xca: {  	_ =	swait.ge [sflag:s9], $0x2000  }
0xcb: {  	[sflag:s9] =	ssyncset.done $0x0  }
0xcc: {  	s25 =	rddreg [dreg:$0x6];
	[sflag:s9] =	ssyncadd.s32 $0xFFFFE000  }
0xcd: {  	[hbm4b:s25+s11] =	stream.linear.scatter [tilespmem:s8], [sflag:$0x5], $0x2000, $0x38;
	[tilespmem:$0x1F400] =	vst v63  }
0xce: {  	_ =	swait.ge [sflag:s9], $0x2000  }
0xcf: {  	[sflag:s9] =	ssyncset.done $0x0  }
0xd0: {  	s23 =	rddreg [dreg:$0x13];
	[sflag:s9] =	ssyncadd.s32 $0xFFFFE000  }
0xd1: {  	[tilespmem:s8], [sflag:$0x5] =	stream.linear.gather [spmem:s23], $0x2000, $0x38;
	[tilespmem:$0x1F400] =	vst v63  }
0xd2: {  	_ =	swait.ge [sflag:s9], $0x2000  }
0xd3: {  	[sflag:s9] =	ssyncset.done $0x0  }
0xd4: {  	s24 =	rddreg [dreg:$0x7];
	[sflag:s9] =	ssyncadd.s32 $0xFFFFE000  }
0xd5: {  	[hbm4b:s24+s11] =	stream.linear.scatter [tilespmem:s8], [sflag:$0x5], $0x2000, $0x38;
	[tilespmem:$0x1F400] =	vst v63  }
0xd6: {  	_ =	swait.ge [sflag:s9], $0x2000  }
0xd7: {  	[sflag:s9] =	ssyncset.done $0x0  }
0xd8: {  	s25 =	rddreg [dreg:$0x14];
	[sflag:s9] =	ssyncadd.s32 $0xFFFFE000  }
0xd9: {  	[tilespmem:s8], [sflag:$0x5] =	stream.linear.gather [spmem:s25], $0x2000, $0x38;
	[tilespmem:$0x1F400] =	vst v63  }
0xda: {  	_ =	swait.ge [sflag:s9], $0x2000  }
0xdb: {  	[sflag:s9] =	ssyncset.done $0x0  }
0xdc: {  	s23 =	rddreg [dreg:$0x8];
	[sflag:s9] =	ssyncadd.s32 $0xFFFFE000  }
0xdd: {  	[hbm4b:s23+s11] =	stream.linear.scatter [tilespmem:s8], [sflag:$0x5], $0x2000, $0x38;
	[tilespmem:$0x1F400] =	vst v63  }
0xde: {  	_ =	swait.ge [sflag:s9], $0x2000  }
0xdf: {  	[sflag:s9] =	ssyncset.done $0x0  }
0xe0: {  	s24 =	rddreg [dreg:$0x15];
	[sflag:s9] =	ssyncadd.s32 $0xFFFFE000  }
0xe1: {  	[tilespmem:s8], [sflag:$0x5] =	stream.linear.gather [spmem:s24], $0x2000, $0x38;
	[tilespmem:$0x1F400] =	vst v63  }
0xe2: {  	_ =	swait.ge [sflag:s9], $0x2000  }
0xe3: {  	[sflag:s9] =	ssyncset.done $0x0  }
0xe4: {  	s25 =	rddreg [dreg:$0x9];
	[sflag:s9] =	ssyncadd.s32 $0xFFFFE000  }
0xe5: {  	[hbm4b:s25+s11] =	stream.linear.scatter [tilespmem:s8], [sflag:$0x5], $0x2000, $0x38;
	[tilespmem:$0x1F400] =	vst v63  }
0xe6: {  	_ =	swait.ge [sflag:s9], $0x2000  }
0xe7: {  	[sflag:s9] =	ssyncset.done $0x0  }
0xe8: {  	s23 =	rddreg [dreg:$0x16];
	[sflag:s9] =	ssyncadd.s32 $0xFFFFE000  }
0xe9: {  	[tilespmem:s8], [sflag:$0x5] =	stream.linear.gather [spmem:s23], $0x2000, $0x38;
	[tilespmem:$0x1F400] =	vst v63  }
0xea: {  	_ =	swait.ge [sflag:s9], $0x2000  }
0xeb: {  	[sflag:s9] =	ssyncset.done $0x0  }
0xec: {  	s24 =	rddreg [dreg:$0xa];
	[sflag:s9] =	ssyncadd.s32 $0xFFFFE000  }
0xed: {  	[hbm4b:s24+s11] =	stream.linear.scatter [tilespmem:s8], [sflag:$0x5], $0x2000, $0x38;
	[tilespmem:$0x1F400] =	vst v63  }
0xee: {  	_ =	swait.ge [sflag:s9], $0x2000  }
0xef: {  	[sflag:s9] =	ssyncset.done $0x0  }
0xf0: {  	s25 =	rddreg [dreg:$0x17];
	[sflag:s9] =	ssyncadd.s32 $0xFFFFE000  }
0xf1: {  	[tilespmem:s8], [sflag:$0x5] =	stream.linear.gather [spmem:s25], $0x2000, $0x38;
	[tilespmem:$0x1F400] =	vst v63  }
0xf2: {  	_ =	swait.ge [sflag:s9], $0x2000  }
0xf3: {  	[sflag:s9] =	ssyncset.done $0x0  }
0xf4: {  	s23 =	rddreg [dreg:$0xb];
	[sflag:s9] =	ssyncadd.s32 $0xFFFFE000  }
0xf5: {  	[hbm4b:s23+s11] =	stream.linear.scatter [tilespmem:s8], [sflag:$0x5], $0x2000, $0x38;
	[tilespmem:$0x1F400] =	vst v63  }
0xf6: {  	_ =	swait.ge [sflag:s9], $0x2000  }
0xf7: {  	[sflag:s9] =	ssyncset.done $0x0  }
0xf8: {  	[sflag:s9] =	ssyncadd.s32 $0xFFFFE000  }
0xf9: {  	[tilespmem:s8], [sflag:$0x5] =	stream.linear.gather [spmem:s28], $0x2000, $0x38;
	[tilespmem:$0x1F400] =	vst v63  }
0xfa: {  	_ =	swait.ge [sflag:s9], $0x2000  }
0xfb: {  	[sflag:s9] =	ssyncset.done $0x0  }
0xfc: {  	s24 =	rddreg [dreg:$0xc];
	[sflag:s9] =	ssyncadd.s32 $0xFFFFE000  }
0xfd: {  	[hbm4b:s24+s11] =	stream.linear.scatter [tilespmem:s8], [sflag:$0x5], $0x2000, $0x38;
	[tilespmem:$0x1F400] =	vst v63  }
0xfe: {  	_ =	swait.ge [sflag:s9], $0x2000  }
0xff: {  	s21 =	sadd.s32 $0x1, s21;
	s25 =	rddreg [dreg:$0xe]  }
0x100: {  	p0 =	sne.s32 s21, s25  }
.Ltmp2:
0x101: {  	_ = 	snop;
	(pc) =	sbr.rel @p0 .LBB2_1-.Ltmp2, $3  }
0x102: {  	_ =	sdelay $0x1  }
0x103: {  	[sflag:s9] =	ssyncset.done $0x0  }
0x104: {  	[sflag:s9] =	ssyncadd.s32 $0xFFFFE000  }
0x105: {  	_ =	sfence.sel $0x180000  }
0x106: {  	[bflag:$0x0] =	sbarrier.arrive $0xFFFF  }
0x107: {  	_ =	strace $0x90000056  }
0x108: {  	s0 =	stileid.u32;
	[bflag:$0x2] =	sbarrier.arrive $0xFFFF  }
0x109: {  	p0 =	sne.s32 s0, $0x0;
	s0 =	rddreg [dreg:$0x2]  }
0x10a: {  	s0 =	sadd.s32 @!p0 $0x100000, s0  }
0x10b: {  	[sflag:s0] =	ssyncadd.tile.s32 @!p0 $0x1;
	_ =	shalt  }
.Lfunc_end2:
_tile_overlayer_lowered:
.L_overlay_start_2:
0x10c: {  	(tag) =	ssettag $0x2  }
0x10d: {  	s0 =	rddreg [dreg:$0x0];
	s2 =	stileid.u32  }
0x10e: {  	s1 =	rddreg [dreg:$0x1];
	p0 =	sne.s32 s2, $0x0  }
0x10f: {  	s3 =	rddreg [dreg:$0x2];
	[bflag:$0x3] =	sbarrier.arrive $0xFFFF;
	s2 =	simm.s32 @!p0 $0x1C05  }
0x110: {  	[timem:s3], [sflag:s2] =	dma.local @!p0 [hbm:s0], s1  }
0x111: {  	s0 =	simm.s32 @!p0 $0x5  }
0x112: {  	_ =	swait.ge @!p0 [sflag:s0], s1  }
0x113: {  	s1 =	ssub.s32 @!p0 $0x0, s1;
	[sflag:s0] =	ssyncset.done @!p0 $0x0  }
0x114: {  	[sflag:s0] =	ssyncadd.s32 @!p0 s1  }
0x115: {  	[bflag:$0x3] =	sbarrier.arrive $0xFFFF  }
0x116: {  	_ =	shalt  }

// kernel: kernel.33.cloned.1.call-start
scs
__scs_entry_jumppad:
0x0: {  	(pc) =	sbr.rel $0x88, $3  }
0x1: {  	(tag) =	ssettag $0x0;
	lr =	simm.s32 $0x1  }
0x2: {  	[smem:$0x3F96] =	sst lr;
	_ =	strace $0xD0000000  }
0x3: {  	_ = 	snop  }
0x4: {  	_ = 	snop  }
0x5: {  	_ = 	snop  }
0x6: {  	_ = 	snop  }
0x7: {  	_ = 	snop  }
__scs_overlays_trampoline_lowered:
0x8: {  	[smem:$0x3FA5] =	sst s0  }
0x9: {  	[smem:$0x3FA6] =	sst s1  }
0xa: {  	[smem:$0x3FA7] =	sst s2  }
0xb: {  	[smem:$0x3FA8] =	sst s3  }
0xc: {  	[smem:$0x3FA9] =	sst s4  }
0xd: {  	[smem:$0x3FAA] =	sst s5  }
0xe: {  	[smem:$0x3FAB] =	sst s6  }
0xf: {  	[smem:$0x3FAC] =	sst s7  }
0x10: {  	[smem:$0x3FAD] =	sst s8  }
0x11: {  	[smem:$0x3FAE] =	sst s9;
	s0 =	simm.s32 @!p0 $0x0  }
0x12: {  	s1 =	sld [smem:$0x3F94];
	s0 =	simm.s32 @p0 $0x1  }
0x13: {  	[smem:$0x3FAF] =	sst s0;
	s0 =	simm.s32 @!p1 $0x0  }
0x14: {  	s2 =	sld [smem:$0x3F93];
	s0 =	simm.s32 @p1 $0x1  }
0x15: {  	[smem:$0x3FB0] =	sst s0;
	s0 =	simm.s32 @!p2 $0x0  }
0x16: {  	s3 =	sld [smem:$0x3FDB];
	s0 =	simm.s32 @p2 $0x1  }
0x17: {  	s4 =	simm.s32 $0x1BF5;
	[smem:$0x3FB2] =	sst s0  }
0x18: {  	s0 =	sld [smem:$0x3F95];
	_ =	swait.ge [sflag:s4], $0x0  }
0x19: {  	s7 =	sld [smem:$0x3F96]  }
0x1a: {  	s8 =	sadd.s32 $0xFFFFE003, lr  }
0x1b: {  	s9 =	sadd.s32 $0xFFFFFEF7, lr;
	s5 =	simm.s32 $0xFFFFFFFF;
	p2 =	slt.u32 s8, $0xFFFFF086  }
0x1c: {  	p1 =	slt.u32 s9, $0xF7A;
	s5 =	simm.s32 @!p2 $0x0  }
0x1d: {  	s5 =	simm.s32 @p1 $0x1;
	p0 =	seq.s32 s7, s2  }
0x1e: {  	s7 =	smul.u32 @!p0 $0xF7A, s2;
	p2 =	seq.s32 @!p0 s5, $0x0  }
0x1f: {  	s9 =	smul.u32 $0xF7A, s1;
	s8 =	simm.s32 @!p0 $0x1BF5;
	p2 =	por !p2, p0  }
0x20: {  	[sflag:s8] =	ssyncset.s32 @!p0 $0xFFFFF086;
	s6 =	sadd.s32 @!p0 s3, s7;
	s7 =	simm.s32 @!p0 $0x108  }
0x21: {  	s3 =	sadd.s32 s3, s9;
	s6 =	sadd.s32 @!p0 $0x88, s6;
	s7 =	simm.s32 @p2 $0x1082  }
0x22: {  	[simem:s7], [sflag:s8] =	dma.local @!p0 [hbm:s6], $0xF7A  }
0x23: {  	s9 =	sor.u32 $0xD0000000, s2;
	s6 =	simm.s32 $0x108;
	_ =	swait.ge @!p0 [sflag:s8], $0x0  }
0x24: {  	s3 =	sadd.s32 $0x88, s3;
	s6 =	simm.s32 @!p1 $0x1082;
	[sflag:s4] =	ssyncset.s32 $0xFFFFF086  }
0x25: {  	[simem:s6], [sflag:s4] =	dma.local [hbm:s3], $0xF7A  }
0x26: {  	[smem:$0x3F96] =	sst s1;
	(tag) =	ssettag s2;
	_ =	strace s9  }
0x27: {  	s1 =	sld [smem:$0x3FA6]  }
0x28: {  	s2 =	sld [smem:$0x3FA7]  }
0x29: {  	s4 =	sld [smem:$0x3FA9]  }
0x2a: {  	p0 =	seq.s32 s5, $0x0;
	s5 =	sld [smem:$0x3FAA]  }
0x2b: {  	s6 =	sld [smem:$0x3FAB]  }
0x2c: {  	s7 =	sld [smem:$0x3FAC]  }
0x2d: {  	s3 =	simm.s32 $0x108;
	s8 =	sld [smem:$0x3FAD]  }
0x2e: {  	s3 =	simm.s32 @!p0 $0x1082;
	s9 =	sld [smem:$0x3FAE]  }
0x2f: {  	lr =	sadd.s32 s0, s3;
	s0 =	sld [smem:$0x3FA5]  }
0x30: {  	s3 =	sld [smem:$0x3FA8]  }
0x31: {  	[smem:$0x3FB1] =	sst s10  }
0x32: {  	s10 =	sld [smem:$0x3FAF];
	_ =	sdelay $0x3  }
0x33: {  	p0 =	seq.s32 s10, $0x1;
	s10 =	sld [smem:$0x3FB1];
	_ =	sdelay $0x3  }
0x34: {  	[smem:$0x3FB1] =	sst s10  }
0x35: {  	s10 =	sld [smem:$0x3FB0];
	_ =	sdelay $0x3  }
0x36: {  	p1 =	seq.s32 s10, $0x1;
	s10 =	sld [smem:$0x3FB1];
	_ =	sdelay $0x3  }
0x37: {  	[smem:$0x3FB1] =	sst s10  }
0x38: {  	s10 =	sld [smem:$0x3FB2]  }
0x39: {  	_ = 	snop;
	(pc) =	sbr.ind lr, $3  }
0x3a: {  	_ = 	snop  }
0x3b: {  	_ = 	snop  }
0x3c: {  	p2 =	seq.s32 s10, $0x1;
	s10 =	sld [smem:$0x3FB1]  }
0x3d: {  	_ =	shalt  }
0x3e: {  	_ =	shalt  }
0x3f: {  	_ =	shalt  }
0x40: {  	_ =	shalt  }
0x41: {  	_ =	shalt  }
0x42: {  	_ =	shalt  }
0x43: {  	_ =	shalt  }
0x44: {  	_ =	shalt  }
0x45: {  	_ =	shalt  }
0x46: {  	_ =	shalt  }
0x47: {  	_ =	shalt  }
0x48: {  	_ =	shalt  }
0x49: {  	_ =	shalt  }
0x4a: {  	_ =	shalt  }
0x4b: {  	_ =	shalt  }
0x4c: {  	_ =	shalt  }
0x4d: {  	_ =	shalt  }
0x4e: {  	_ =	shalt  }
0x4f: {  	_ =	shalt  }
0x50: {  	_ =	shalt  }
0x51: {  	_ =	shalt  }
0x52: {  	_ =	shalt  }
0x53: {  	_ =	shalt  }
0x54: {  	_ =	shalt  }
0x55: {  	_ =	shalt  }
0x56: {  	_ =	shalt  }
0x57: {  	_ =	shalt  }
0x58: {  	_ =	shalt  }
0x59: {  	_ =	shalt  }
0x5a: {  	_ =	shalt  }
0x5b: {  	_ =	shalt  }
0x5c: {  	_ =	shalt  }
0x5d: {  	_ =	shalt  }
0x5e: {  	_ =	shalt  }
0x5f: {  	_ =	shalt  }
0x60: {  	_ =	shalt  }
0x61: {  	_ =	shalt  }
0x62: {  	_ =	shalt  }
0x63: {  	_ =	shalt  }
0x64: {  	_ =	shalt  }
0x65: {  	_ =	shalt  }
0x66: {  	_ =	shalt  }
0x67: {  	_ =	shalt  }
0x68: {  	_ =	shalt  }
0x69: {  	_ =	shalt  }
0x6a: {  	_ =	shalt  }
0x6b: {  	_ =	shalt  }
0x6c: {  	_ =	shalt  }
0x6d: {  	_ =	shalt  }
0x6e: {  	_ =	shalt  }
0x6f: {  	_ =	shalt  }
0x70: {  	_ =	shalt  }
0x71: {  	_ =	shalt  }
0x72: {  	_ =	shalt  }
0x73: {  	_ =	shalt  }
0x74: {  	_ =	shalt  }
0x75: {  	_ =	shalt  }
0x76: {  	_ =	shalt  }
0x77: {  	_ =	shalt  }
0x78: {  	_ =	shalt  }
0x79: {  	_ =	shalt  }
0x7a: {  	_ =	shalt  }
0x7b: {  	_ =	shalt  }
0x7c: {  	_ =	shalt  }
0x7d: {  	_ =	shalt  }
0x7e: {  	_ =	shalt  }
0x7f: {  	_ =	shalt  }
0x80: {  	_ =	shalt  }
0x81: {  	_ =	shalt  }
0x82: {  	_ =	shalt  }
0x83: {  	_ =	shalt  }
0x84: {  	_ =	shalt  }
0x85: {  	_ =	shalt  }
0x86: {  	_ =	shalt  }
0x87: {  	_ =	shalt  }
.Lfunc_end0:
.L_simem_size_0:
called_computation.6_lowered:
.L_overlay_start_0:
0x88: {  	s2 =	sld [smem:$0x3FD9]  }
0x89: {  	s3 =	sld [smem:$0x3FFE];
	_ =	sdelay $0x1  }
0x8a: {  	s1 =	srdreg.scid  }
0x8b: {  	s0 =	sand.u32 $0x1, s1  }
0x8c: {  	s16 =	sshll.u32 s0, $0xA;
	s2 =	sadd.s32 s3, s2  }
0x8d: {  	s2 =	sadd.s32 s2, s16  }
0x8e: {  	[smem:$0x3FBD] =	sst s2  }
0x8f: {  	_ = 	snop  }
0x90: {  	(tm) =	ssettm $0x1  }
0x91: {  	s17 =	sld [smem:$0x3FFB];
	_ =	sdelay $0x3  }
0x92: {  	_ =	strace s17  }
0x93: {  	s2 =	sld [smem:$0x3FFC];
	_ =	sdelay $0x3  }
0x94: {  	_ =	strace s2  }
0x95: {  	s2 =	sld [smem:$0x3FFD];
	_ =	sdelay $0x3  }
0x96: {  	_ =	strace s2  }
0x97: {  	_ =	strace $0x8FFFFFFF  }
0x98: {  	s18 =	sld [smem:$0x3FDB];
	_ =	sdelay $0x1  }
0x99: {  	s19 =	simm.s32 $_scs_section_size  }
0x9a: {  	s4 =	simm.s32 $_size__tile_overlayer_lowered;
	s5 =	simm.s32 $_tile_overlayer_lowered  }
0x9b: {  	s22 =	simm.s32 $0x1BFF;
	s21 =	sshll.u32 s5, $0x1;
	s2 =	sadd.s32 s19, s18  }
0x9c: {  	s6 =	simm.s32 $0x0;
	s20 =	sshll.u32 s4, $0x1;
	s4 =	sadd.s32 s21, s2  }
0x9d: {  	[timem:s6], [sflag:s22] =	dma.local [hbm:s4], s20  }
0x9e: {  	_ =	swait.ge [sflag:s22], s20  }
0x9f: {  	s3 =	ssub.s32 $0x0, s20;
	[sflag:s22] =	ssyncset.done $0x0  }
0xa0: {  	[sflag:s22] =	ssyncadd.s32 s3;
	_ =	sdelay $0x1  }
0xa1: {  	s23 =	simm.s32 $0x1B8B  }
0xa2: {  	_ =	swait.ge [sflag:s23], $0x1  }
0xa3: {  	[sflag:s23] =	ssyncset.done $0x0  }
0xa4: {  	s25 =	simm.s32 $0x1B8E;
	s24 =	sld [smem:$0x3FFE];
	[sflag:s23] =	ssyncadd.s32 $0xFFFFFFFF  }
0xa5: {  	s26 =	simm.s32 $execute0_lowered;
	[smem:$0x3FD2] =	sst s25  }
0xa6: {  	s4 =	sshll.u32 s26, $0x1;
	_ =	strace $0x80000058;
	[dreg:$0x1] =	wrdreg $0xFFFFFFFF  }
0xa7: {  	s28 =	simm.s32 $_size_execute0_lowered;
	s2 =	sadd.s32 s2, s4;
	[dreg:$0x0] =	wrdreg $0x0  }
0xa8: {  	s4 =	sshll.u32 s28, $0x1;
	[dreg:$0x2] =	wrdreg s2  }
0xa9: {  	[dreg:$0x3] =	wrdreg s4  }
0xaa: {  	[dreg:$0x4] =	wrdreg $0xC0  }
0xab: {  	_ =	task [dreg:s6], $0x5FFFF  }
0xac: {  	[dreg:$0x1] =	wrdreg $0xFFFFFFFF  }
0xad: {  	[dreg:$0x0] =	wrdreg $0x60  }
0xae: {  	[dreg:$0x2] =	wrdreg s24  }
0xaf: {  	[dreg:$0x3] =	wrdreg $0x94000  }
0xb0: {  	[dreg:$0x4] =	wrdreg $0x9  }
0xb1: {  	_ =	task.clear_ibuf [dreg:s6], $0x5FFFF;
	_ =	strace $0x90000058  }
0xb2: {  	s29 =	simm.s32 $0x9;
	_ =	strace $0x8000005A  }
0xb3: {  	_ =	swait.ge [sflag:s29], $0x1  }
0xb4: {  	[sflag:s29] =	ssyncadd.s32 $0xFFFFFFFF  }
0xb5: {  	_ =	strace $0x9000005A  }
0xb6: {  	_ =	sfence  }
0xb7: {  	s30 =	sld [smem:$0x0];
	_ =	sdelay $0x2  }
0xb8: {  	s31 =	sshll.u32 s1, $0xD;
	s1 =	sshrl.u32 s1, $0x2  }
0xb9: {  	s3 =	sand.u32 $0x4000, s31;
	s1 =	sadd.s32 s1, s30  }
0xba: {  	s0 =	sor.u32 s3, s0;
	s1 =	sshll.u32 s1, $0x11  }
0xbb: {  	s0 =	sor.u32 s1, s0  }
0xbc: {  	s0 =	sadd.s32 $0x8F2B, s0  }
0xbd: {  	[sflag:s0] =	ssyncadd.remote.s32 $0x1  }
0xbe: {  	_ =	sfence.sel $0xFFFF  }
0xbf: {  	[dreg:$0x0] =	wrdreg $0xFFFFFFFF;
	(pc) =	sbr.abs _section_cstart, $3  }
0xc0: {  	[dreg:$0x1] =	wrdreg $0xFFFFFFFF  }
0xc1: {  	_ =	task.clear_ibuf [dreg:s6], $0x2FFFF;
	_ =	strace $0x9FFFFFFF  }
0xc2: {  	(tm) =	ssettm $0x7FFFFFFF  }
0xc3: {  	_ =	shalt  }
tec
execute0_lowered:
.L_overlay_start_1:
0x0: {  	(tag) =	ssettag $0x1  }
0x1: {  	s7 =	rddreg [dreg:$0x0]  }
0x2: {  	s1 =	rddreg [dreg:$0x1]  }
0x3: {  	s2 =	srdreg.scid;
	s0 =	rddreg [dreg:$0x2];
	s3 =	simm.s32 $0x0  }
0x4: {  	s18 =	simm.s32 $0x80;
	s10 =	sand.u32 $0x1, s2;
	s2 =	stileid.u32  }
0x5: {  	s19 =	simm.s32 $0x1;
	s20 =	simm.s32 $0x2;
	s5 =	smul.u32 $0x280, s2  }
0x6: {  	s21 =	simm.s32 $0x3;
	s22 =	simm.s32 $0x100;
	s28 =	smul.u32 $0xA00000, s10  }
0x7: {  	s23 =	simm.s32 $0x4;
	s24 =	simm.s32 $0x1380;
	s15 =	smul.u32 $0xA0000, s2  }
0x8: {  	s25 =	simm.s32 $0x0;
	s4 =	sshll.u32 s10, $0x4;
	s30 =	smul.u32 $0x140000, s10  }
0x9: {  	[smem:$0x7FF] =	sst s3;
	s16 =	smul.u32 $0x14000, s2;
	s6 =	sor.u32 s2, s4  }
0xa: {  	s14 =	sadd.s32 $0xE400, s7;
	_ =	strace $0x80000059;
	s8 =	smul.u32 $0x1400, s6  }
0xb: {  	s9 =	ssub.s32 $0x2, s10;
	s4 =	sadd.s32 $0x78E400, s7;
	s11 =	smul.u32 $0xA0000, s6  }
0xc: {  	s12 =	sshrl.u32 s9, $0x1;
	s13 =	smul.u32 $0x14000, s6;
	s29 =	sadd.s32 s15, s28  }
0xd: {  	s9 =	ssub.s32 s9, s12;
	s17 =	sadd.s32 s30, s14;
	s15 =	sor.u32 $0x8000, s29  }
0xe: {  	s31 =	sadd.s32 s16, s17;
	s16 =	simm.s32 $0x1400;
	s17 =	simm.s32 $0x5400  }
0xf: {  	s8 =	sshrl.u32 s8, $0x3;
	s11 =	sshrl.u32 s11, $0x3;
	s13 =	sadd.s32 s14, s13  }
0x10: {  	s15 =	sshrl.u32 s15, $0x3;
	s8 =	sadd.s32 s8, s7;
	s7 =	sadd.s32 $0x7B6400, s7  }
0x11: {  	s10 =	sadd.s32 $0x800, s13;
	s12 =	sadd.s32 $0x13800, s13;
	s13 =	sadd.s32 s15, s14  }
0x12: {  	s6 =	sadd.s32 $0x9400, s8;
	s8 =	smax.u32 s9, $0x1;
	s9 =	sadd.s32 s14, s11  }
0x13: {  	s15 =	simm.s32 $0x5;
	s14 =	sadd.s32 $0x1800, s31;
	s11 =	sadd.s32 $0x13000, s9  }
.LBB2_1:
0x14: {  	[tilespmem:s3], [sflag:$0x5] =	stream.linear.gather [hbm4b:s6+s3], $0x1400, $0x38;
	[tilespmem:$0x1D400] =	vst v63  }
0x15: {  	_ =	swait.ge [sflag:s15], $0x1400  }
0x16: {  	[sflag:s15] =	ssyncset.done $0x0  }
0x17: {  	s26 =	simm.s32 $0x0;
	[sflag:s15] =	ssyncadd.s32 $0xFFFFEC00  }
.LBB2_2:
0x18: {  	s28 =	sshll.u32 s26, $0x7  }
0x19: {  	s28 =	sadd.s32 s5, s28  }
0x1a: {  	s29 =	sshll.u32 s28, $0x4  }
0x1b: {  	s31 =	simm.s32 $0x0;
	s30 =	sadd.s32 s4, s29  }
0x1c: {  	[tilespmem:s16], [sflag:$0x5] =	stream.linear.gather [hbm4b:s30+s31], $0x4000, $0x38;
	[tilespmem:$0x1D400] =	vst v63  }
0x1d: {  	_ =	swait.ge [sflag:s15], $0x4000  }
0x1e: {  	[sflag:s15] =	ssyncset.done $0x0  }
0x1f: {  	s29 =	sadd.s32 s29, s7;
	[sflag:s15] =	ssyncadd.s32 $0xFFFFC000  }
0x20: {  	[tilespmem:s17], [sflag:$0x5] =	stream.linear.gather [hbm4b:s29+s31], $0x4000, $0x38;
	[tilespmem:$0x1D400] =	vst v63  }
0x21: {  	_ =	swait.ge [sflag:s15], $0x4000  }
0x22: {  	[sflag:s15] =	ssyncset.done $0x0  }
0x23: {  	s29 =	simm.s32 $0x0;
	[sflag:s15] =	ssyncadd.s32 $0xFFFFC000  }
0x24: {  	v7 =	vld [tilespmem:s29+$0x5400]  }
0x25: {  	v11 =	vld [tilespmem:s29+$0x5410]  }
0x26: {  	v5 =	vld [tilespmem:s29+$0x5420]  }
0x27: {  	v4 =	vld [tilespmem:s29+$0x5430]  }
0x28: {  	v3 =	vld [tilespmem:s29+$0x5440]  }
0x29: {  	v2 =	vld [tilespmem:s29+$0x5450]  }
0x2a: {  	v1 =	vld [tilespmem:s29+$0x5460]  }
0x2b: {  	v0 =	vld [tilespmem:s29+$0x5470]  }
0x2c: {  	v12 =	vld [tilespmem:s29+$0x1400]  }
0x2d: {  	v13 =	vld [tilespmem:s29+$0x1410]  }
0x2e: {  	v10 =	vld [tilespmem:s29+$0x1420]  }
0x2f: {  	v9 =	vld [tilespmem:s29+$0x1430]  }
0x30: {  	v8 =	vld [tilespmem:s29+$0x1440]  }
0x31: {  	v6 =	vld [tilespmem:s29+$0x1450];
	v12 =	vadd.f32 v7, v12  }
0x32: {  	s30 =	simm.s32 $0x200;
	v11 =	vadd.f32 v11, v13;
	v7 =	vld [tilespmem:s29+$0x1460]  }
.LBB2_3:
0x33: {  	s31 =	sshra.s32 s30, $0x2;
	p0 =	sne.s32 s30, $0xFE00;
	[tilespmem:s29+$0x1400] =	vst v12;
	v5 =	vadd.f32 v5, v10;
	v10 =	vld [tilespmem:s29+$0x1470]  }
0x34: {  	v12 =	vld [tilespmem:s31+$0x5400];
	[tilespmem:s29+$0x1410] =	vst v11;
	v4 =	vadd.f32 v4, v9  }
0x35: {  	v11 =	vld [tilespmem:s31+$0x5410];
	[tilespmem:s29+$0x1420] =	vst v5;
	v3 =	vadd.f32 v3, v8  }
0x36: {  	v5 =	vld [tilespmem:s31+$0x5420];
	[tilespmem:s29+$0x1430] =	vst v4;
	v2 =	vadd.f32 v2, v6  }
0x37: {  	v4 =	vld [tilespmem:s31+$0x5430];
	[tilespmem:s29+$0x1440] =	vst v3;
	v1 =	vadd.f32 v1, v7  }
0x38: {  	v3 =	vld [tilespmem:s31+$0x5440];
	[tilespmem:s29+$0x1450] =	vst v2;
	v0 =	vadd.f32 v0, v10  }
0x39: {  	v2 =	vld [tilespmem:s31+$0x5450];
	[tilespmem:s29+$0x1460] =	vst v1  }
0x3a: {  	v1 =	vld [tilespmem:s31+$0x5460];
	[tilespmem:s29+$0x1470] =	vst v0;
	s29 =	smov.u32 s31  }
0x3b: {  	v0 =	vld [tilespmem:s29+$0x5470]  }
0x3c: {  	v6 =	vld [tilespmem:s29+$0x1400]  }
0x3d: {  	v7 =	vld [tilespmem:s29+$0x1410]  }
.Ltmp0:
0x3e: {  	v10 =	vld [tilespmem:s29+$0x1420];
	(pc) =	sbr.rel @p0 .LBB2_3-.Ltmp0, $4  }
0x3f: {  	v9 =	vld [tilespmem:s29+$0x1430]  }
0x40: {  	v8 =	vld [tilespmem:s29+$0x1440]  }
0x41: {  	v12 =	vadd.f32 v12, v6;
	v6 =	vld [tilespmem:s29+$0x1450]  }
0x42: {  	s30 =	sadd.s32 $0x200, s30;
	v11 =	vadd.f32 v11, v7;
	v7 =	vld [tilespmem:s29+$0x1460]  }
0x43: {  	[tilespmem:s29+$0x1400] =	vst v12;
	v5 =	vadd.f32 v5, v10;
	v63 =	vld [tilespmem:s29+$0x1470]  }
0x44: {  	[tilespmem:s29+$0x1410] =	vst v11;
	v4 =	vadd.f32 v4, v9  }
0x45: {  	[tilespmem:s29+$0x1420] =	vst v5;
	v3 =	vadd.f32 v3, v8  }
0x46: {  	[tilespmem:s29+$0x1430] =	vst v4;
	v2 =	vadd.f32 v2, v6  }
0x47: {  	[tilespmem:s29+$0x1440] =	vst v3;
	v1 =	vadd.f32 v1, v7  }
0x48: {  	s28 =	sshll.u32 s28, $0x7;
	s26 =	sadd.s32 $0x1, s26;
	[tilespmem:s29+$0x1450] =	vst v2;
	v0 =	vadd.f32 v0, v63  }
0x49: {  	s28 =	sand.u32 $0x3FFFFF80, s28;
	p0 =	sne.s32 s26, $0x5;
	[tilespmem:s29+$0x1460] =	vst v1  }
.Ltmp1:
0x4a: {  	s28 =	sadd.s32 s28, s1;
	[tilespmem:s29+$0x1470] =	vst v0;
	(pc) =	sbr.rel @p0 .LBB2_2-.Ltmp1, $4  }
0x4b: {  	[spmem:s28] =	stream.linear.scatter [tilespmem:s16], [sflag:$0x5], $0x4000, $0x38;
	[tilespmem:$0x1D400] =	vst v63  }
0x4c: {  	_ =	swait.ge [sflag:s15], $0x4000  }
0x4d: {  	[sflag:s15] =	ssyncset.done $0x0  }
0x4e: {  	[sflag:s15] =	ssyncadd.s32 $0xFFFFC000  }
0x4f: {  	[bflag:$0x0] =	sbarrier.arrive $0xFFFF;
	s26 =	simm.s32 $0x0  }
0x50: {  	[tilespmem:s16], [sflag:$0x1] =	stream.indirect.gather [spmem:s1], $0x80, s26, s18, $0xb8;
	[tilespmem:$0x1D400] =	vst v63  }
0x51: {  	_ =	swait.ge [sflag:s19], $0x4000  }
0x52: {  	[sflag:s19] =	ssyncset.done $0x0  }
0x53: {  	[sflag:s19] =	ssyncadd.s32 $0xFFFFC000  }
0x54: {  	[tilespmem:s17], [sflag:$0x2] =	stream.indirect.gather [spmem:s1], $0x80, s18, s18, $0xb8;
	[tilespmem:$0x1D400] =	vst v63  }
0x55: {  	_ = 	snop  }
0x56: {  	[hbm4b:s9+s26] =	stream.linear.scatter [tilespmem:s16], [sflag:$0x3], $0x4000, $0x38;
	[tilespmem:$0x1D400] =	vst v63  }
0x57: {  	_ =	swait.ge [sflag:s20], $0x4000  }
0x58: {  	[sflag:s20] =	ssyncset.done $0x0  }
0x59: {  	[sflag:s20] =	ssyncadd.s32 $0xFFFFC000  }
0x5a: {  	_ =	swait.ge [sflag:s21], $0x4000  }
0x5b: {  	[sflag:s21] =	ssyncset.done $0x0  }
0x5c: {  	[sflag:s21] =	ssyncadd.s32 $0xFFFFC000  }
0x5d: {  	[tilespmem:s16], [sflag:$0x1] =	stream.indirect.gather [spmem:s1], $0x80, s22, s18, $0xb8;
	[tilespmem:$0x1D400] =	vst v63  }
0x5e: {  	_ = 	snop  }
0x5f: {  	[hbm4b:s10+s26] =	stream.linear.scatter [tilespmem:s17], [sflag:$0x4], $0x4000, $0x38;
	[tilespmem:$0x1D400] =	vst v63  }
0x60: {  	_ =	swait.ge [sflag:s19], $0x4000  }
0x61: {  	[sflag:s19] =	ssyncset.done $0x0  }
0x62: {  	[sflag:s19] =	ssyncadd.s32 $0xFFFFC000  }
0x63: {  	_ =	swait.ge [sflag:s23], $0x4000  }
0x64: {  	[sflag:s23] =	ssyncset.done $0x0  }
0x65: {  	s31 =	simm.s32 $0x180;
	[sflag:s23] =	ssyncadd.s32 $0xFFFFC000  }
0x66: {  	[tilespmem:s17], [sflag:$0x2] =	stream.indirect.gather [spmem:s1], $0x80, s31, s18, $0xb8;
	[tilespmem:$0x1D400] =	vst v63  }
0x67: {  	s30 =	sadd.s32 $0x0, s13  }
0x68: {  	[hbm4b:s30+s3] =	stream.linear.scatter [tilespmem:s16], [sflag:$0x3], $0x4000, $0x38;
	[tilespmem:$0x1D400] =	vst v63  }
0x69: {  	_ =	swait.ge [sflag:s20], $0x4000  }
0x6a: {  	[sflag:s20] =	ssyncset.done $0x0  }
0x6b: {  	[sflag:s20] =	ssyncadd.s32 $0xFFFFC000  }
0x6c: {  	_ =	swait.ge [sflag:s21], $0x4000  }
0x6d: {  	s29 =	sadd.s32 $0x0, s14;
	s28 =	simm.s32 $0x300;
	[sflag:s21] =	ssyncset.done $0x0  }
0x6e: {  	s26 =	simm.s32 $0x1000;
	s31 =	simm.s32 $0x200;
	[sflag:s21] =	ssyncadd.s32 $0xFFFFC000  }
0x6f: {  	[tilespmem:s16], [sflag:$0x1] =	stream.indirect.gather [spmem:s1], $0x80, s31, s18, $0xb8;
	[tilespmem:$0x1D400] =	vst v63  }
.LBB2_6:
0x70: {  	[hbm4b:s29+s3] =	stream.linear.scatter [tilespmem:s17], [sflag:$0x4], $0x4000, $0x38;
	[tilespmem:$0x1D400] =	vst v63  }
0x71: {  	s29 =	smov.u32 s26  }
0x72: {  	p0 =	sne.s32 s26, $0x11000;
	s26 =	sadd.s32 $0x1000, s26;
	_ =	swait.ge [sflag:s19], $0x4000  }
0x73: {  	[sflag:s19] =	ssyncset.done $0x0  }
0x74: {  	[sflag:s19] =	ssyncadd.s32 $0xFFFFC000  }
0x75: {  	_ =	swait.ge [sflag:s23], $0x4000  }
0x76: {  	[sflag:s23] =	ssyncset.done $0x0  }
0x77: {  	s30 =	sadd.s32 $0xFFFFFF80, s28;
	[sflag:s23] =	ssyncadd.s32 $0xFFFFC000  }
0x78: {  	[tilespmem:s17], [sflag:$0x2] =	stream.indirect.gather [spmem:s1], $0x80, s30, s18, $0xb8;
	[tilespmem:$0x1D400] =	vst v63  }
0x79: {  	s30 =	sadd.s32 s29, s13  }
0x7a: {  	[hbm4b:s30+s3] =	stream.linear.scatter [tilespmem:s16], [sflag:$0x3], $0x4000, $0x38;
	[tilespmem:$0x1D400] =	vst v63  }
0x7b: {  	_ =	swait.ge [sflag:s20], $0x4000  }
0x7c: {  	[sflag:s20] =	ssyncset.done $0x0  }
0x7d: {  	[sflag:s20] =	ssyncadd.s32 $0xFFFFC000  }
.Ltmp2:
0x7e: {  	_ =	swait.ge [sflag:s21], $0x4000;
	(pc) =	sbr.rel @p0 .LBB2_6-.Ltmp2, $4  }
0x7f: {  	[sflag:s21] =	ssyncset.done $0x0  }
0x80: {  	[sflag:s21] =	ssyncadd.s32 $0xFFFFC000  }
0x81: {  	[tilespmem:s16], [sflag:$0x1] =	stream.indirect.gather [spmem:s1], $0x80, s28, s18, $0xb8;
	[tilespmem:$0x1D400] =	vst v63  }
0x82: {  	s29 =	sadd.s32 s29, s14;
	s28 =	sadd.s32 $0x100, s28  }
0x83: {  	[hbm4b:s29+s3] =	stream.linear.scatter [tilespmem:s17], [sflag:$0x4], $0x4000, $0x38;
	[tilespmem:$0x1D400] =	vst v63  }
0x84: {  	_ =	swait.ge [sflag:s19], $0x4000  }
0x85: {  	[sflag:s19] =	ssyncset.done $0x0  }
0x86: {  	[sflag:s19] =	ssyncadd.s32 $0xFFFFC000  }
0x87: {  	_ =	swait.ge [sflag:s23], $0x4000  }
0x88: {  	[sflag:s23] =	ssyncset.done $0x0  }
0x89: {  	[sflag:s23] =	ssyncadd.s32 $0xFFFFC000  }
0x8a: {  	[tilespmem:s17], [sflag:$0x2] =	stream.indirect.gather [spmem:s1], $0x80, s24, s18, $0xb8;
	[tilespmem:$0x1D400] =	vst v63  }
0x8b: {  	_ = 	snop  }
0x8c: {  	[hbm4b:s11+s3] =	stream.linear.scatter [tilespmem:s16], [sflag:$0x3], $0x4000, $0x38;
	[tilespmem:$0x1D400] =	vst v63  }
0x8d: {  	_ =	swait.ge [sflag:s20], $0x4000  }
0x8e: {  	[sflag:s20] =	ssyncset.done $0x0  }
0x8f: {  	[sflag:s20] =	ssyncadd.s32 $0xFFFFC000  }
0x90: {  	s25 =	sadd.s32 $0x1, s25;
	_ =	swait.ge [sflag:s21], $0x4000  }
0x91: {  	p0 =	sne.s32 s25, s8;
	[sflag:s21] =	ssyncset.done $0x0  }
.Ltmp3:
0x92: {  	[sflag:s21] =	ssyncadd.s32 $0xFFFFC000;
	(pc) =	sbr.rel @p0 .LBB2_1-.Ltmp3, $4  }
0x93: {  	[hbm4b:s12+s3] =	stream.linear.scatter [tilespmem:s17], [sflag:$0x4], $0x4000, $0x38;
	[tilespmem:$0x1D400] =	vst v63  }
0x94: {  	_ =	swait.ge [sflag:s23], $0x4000  }
0x95: {  	[sflag:s23] =	ssyncset.done $0x0  }
0x96: {  	[sflag:s23] =	ssyncadd.s32 $0xFFFFC000  }
0x97: {  	_ =	sfence.sel $0x180000  }
0x98: {  	[bflag:$0x0] =	sbarrier.arrive $0xFFFF  }
0x99: {  	p0 =	sne.s32 s2, $0x0;
	_ =	strace $0x90000059  }
0x9a: {  	s0 =	sadd.s32 @!p0 $0x100000, s0;
	[bflag:$0x2] =	sbarrier.arrive $0xFFFF  }
0x9b: {  	[sflag:s0] =	ssyncadd.tile.s32 @!p0 $0x1;
	_ =	shalt  }
.Lfunc_end2:
_tile_overlayer_lowered:
.L_overlay_start_2:
0x9c: {  	(tag) =	ssettag $0x2  }
0x9d: {  	s0 =	rddreg [dreg:$0x0];
	s2 =	stileid.u32  }
0x9e: {  	s1 =	rddreg [dreg:$0x1];
	p0 =	sne.s32 s2, $0x0  }
0x9f: {  	s3 =	rddreg [dreg:$0x2];
	[bflag:$0x3] =	sbarrier.arrive $0xFFFF;
	s2 =	simm.s32 @!p0 $0x1C05  }
0xa0: {  	[timem:s3], [sflag:s2] =	dma.local @!p0 [hbm:s0], s1  }
0xa1: {  	s0 =	simm.s32 @!p0 $0x5  }
0xa2: {  	_ =	swait.ge @!p0 [sflag:s0], s1  }
0xa3: {  	s1 =	ssub.s32 @!p0 $0x0, s1;
	[sflag:s0] =	ssyncset.done @!p0 $0x0  }
0xa4: {  	[sflag:s0] =	ssyncadd.s32 @!p0 s1  }
0xa5: {  	[bflag:$0x3] =	sbarrier.arrive $0xFFFF  }
0xa6: {  	_ =	shalt  }

// kernel: kernel.36.cloned.1.call-start
scs
__scs_entry_jumppad:
0x0: {  	(pc) =	sbr.rel $0x88, $3  }
0x1: {  	(tag) =	ssettag $0x0;
	lr =	simm.s32 $0x1  }
0x2: {  	[smem:$0x3F96] =	sst lr;
	_ =	strace $0xD0000000  }
0x3: {  	_ = 	snop  }
0x4: {  	_ = 	snop  }
0x5: {  	_ = 	snop  }
0x6: {  	_ = 	snop  }
0x7: {  	_ = 	snop  }
__scs_overlays_trampoline_lowered:
0x8: {  	[smem:$0x3FA5] =	sst s0  }
0x9: {  	[smem:$0x3FA6] =	sst s1  }
0xa: {  	[smem:$0x3FA7] =	sst s2  }
0xb: {  	[smem:$0x3FA8] =	sst s3  }
0xc: {  	[smem:$0x3FA9] =	sst s4  }
0xd: {  	[smem:$0x3FAA] =	sst s5  }
0xe: {  	[smem:$0x3FAB] =	sst s6  }
0xf: {  	[smem:$0x3FAC] =	sst s7  }
0x10: {  	[smem:$0x3FAD] =	sst s8  }
0x11: {  	[smem:$0x3FAE] =	sst s9;
	s0 =	simm.s32 @!p0 $0x0  }
0x12: {  	s1 =	sld [smem:$0x3F94];
	s0 =	simm.s32 @p0 $0x1  }
0x13: {  	[smem:$0x3FAF] =	sst s0;
	s0 =	simm.s32 @!p1 $0x0  }
0x14: {  	s2 =	sld [smem:$0x3F93];
	s0 =	simm.s32 @p1 $0x1  }
0x15: {  	[smem:$0x3FB0] =	sst s0;
	s0 =	simm.s32 @!p2 $0x0  }
0x16: {  	s3 =	sld [smem:$0x3FDB];
	s0 =	simm.s32 @p2 $0x1  }
0x17: {  	s4 =	simm.s32 $0x1BF5;
	[smem:$0x3FB2] =	sst s0  }
0x18: {  	s0 =	sld [smem:$0x3F95];
	_ =	swait.ge [sflag:s4], $0x0  }
0x19: {  	s7 =	sld [smem:$0x3F96]  }
0x1a: {  	s8 =	sadd.s32 $0xFFFFE003, lr  }
0x1b: {  	s9 =	sadd.s32 $0xFFFFFEF7, lr;
	s5 =	simm.s32 $0xFFFFFFFF;
	p2 =	slt.u32 s8, $0xFFFFF086  }
0x1c: {  	p1 =	slt.u32 s9, $0xF7A;
	s5 =	simm.s32 @!p2 $0x0  }
0x1d: {  	s5 =	simm.s32 @p1 $0x1;
	p0 =	seq.s32 s7, s2  }
0x1e: {  	s7 =	smul.u32 @!p0 $0xF7A, s2;
	p2 =	seq.s32 @!p0 s5, $0x0  }
0x1f: {  	s9 =	smul.u32 $0xF7A, s1;
	s8 =	simm.s32 @!p0 $0x1BF5;
	p2 =	por !p2, p0  }
0x20: {  	[sflag:s8] =	ssyncset.s32 @!p0 $0xFFFFF086;
	s6 =	sadd.s32 @!p0 s3, s7;
	s7 =	simm.s32 @!p0 $0x108  }
0x21: {  	s3 =	sadd.s32 s3, s9;
	s6 =	sadd.s32 @!p0 $0x88, s6;
	s7 =	simm.s32 @p2 $0x1082  }
0x22: {  	[simem:s7], [sflag:s8] =	dma.local @!p0 [hbm:s6], $0xF7A  }
0x23: {  	s9 =	sor.u32 $0xD0000000, s2;
	s6 =	simm.s32 $0x108;
	_ =	swait.ge @!p0 [sflag:s8], $0x0  }
0x24: {  	s3 =	sadd.s32 $0x88, s3;
	s6 =	simm.s32 @!p1 $0x1082;
	[sflag:s4] =	ssyncset.s32 $0xFFFFF086  }
0x25: {  	[simem:s6], [sflag:s4] =	dma.local [hbm:s3], $0xF7A  }
0x26: {  	[smem:$0x3F96] =	sst s1;
	(tag) =	ssettag s2;
	_ =	strace s9  }
0x27: {  	s1 =	sld [smem:$0x3FA6]  }
0x28: {  	s2 =	sld [smem:$0x3FA7]  }
0x29: {  	s4 =	sld [smem:$0x3FA9]  }
0x2a: {  	p0 =	seq.s32 s5, $0x0;
	s5 =	sld [smem:$0x3FAA]  }
0x2b: {  	s6 =	sld [smem:$0x3FAB]  }
0x2c: {  	s7 =	sld [smem:$0x3FAC]  }
0x2d: {  	s3 =	simm.s32 $0x108;
	s8 =	sld [smem:$0x3FAD]  }
0x2e: {  	s3 =	simm.s32 @!p0 $0x1082;
	s9 =	sld [smem:$0x3FAE]  }
0x2f: {  	lr =	sadd.s32 s0, s3;
	s0 =	sld [smem:$0x3FA5]  }
0x30: {  	s3 =	sld [smem:$0x3FA8]  }
0x31: {  	[smem:$0x3FB1] =	sst s10  }
0x32: {  	s10 =	sld [smem:$0x3FAF];
	_ =	sdelay $0x3  }
0x33: {  	p0 =	seq.s32 s10, $0x1;
	s10 =	sld [smem:$0x3FB1];
	_ =	sdelay $0x3  }
0x34: {  	[smem:$0x3FB1] =	sst s10  }
0x35: {  	s10 =	sld [smem:$0x3FB0];
	_ =	sdelay $0x3  }
0x36: {  	p1 =	seq.s32 s10, $0x1;
	s10 =	sld [smem:$0x3FB1];
	_ =	sdelay $0x3  }
0x37: {  	[smem:$0x3FB1] =	sst s10  }
0x38: {  	s10 =	sld [smem:$0x3FB2]  }
0x39: {  	_ = 	snop;
	(pc) =	sbr.ind lr, $3  }
0x3a: {  	_ = 	snop  }
0x3b: {  	_ = 	snop  }
0x3c: {  	p2 =	seq.s32 s10, $0x1;
	s10 =	sld [smem:$0x3FB1]  }
0x3d: {  	_ =	shalt  }
0x3e: {  	_ =	shalt  }
0x3f: {  	_ =	shalt  }
0x40: {  	_ =	shalt  }
0x41: {  	_ =	shalt  }
0x42: {  	_ =	shalt  }
0x43: {  	_ =	shalt  }
0x44: {  	_ =	shalt  }
0x45: {  	_ =	shalt  }
0x46: {  	_ =	shalt  }
0x47: {  	_ =	shalt  }
0x48: {  	_ =	shalt  }
0x49: {  	_ =	shalt  }
0x4a: {  	_ =	shalt  }
0x4b: {  	_ =	shalt  }
0x4c: {  	_ =	shalt  }
0x4d: {  	_ =	shalt  }
0x4e: {  	_ =	shalt  }
0x4f: {  	_ =	shalt  }
0x50: {  	_ =	shalt  }
0x51: {  	_ =	shalt  }
0x52: {  	_ =	shalt  }
0x53: {  	_ =	shalt  }
0x54: {  	_ =	shalt  }
0x55: {  	_ =	shalt  }
0x56: {  	_ =	shalt  }
0x57: {  	_ =	shalt  }
0x58: {  	_ =	shalt  }
0x59: {  	_ =	shalt  }
0x5a: {  	_ =	shalt  }
0x5b: {  	_ =	shalt  }
0x5c: {  	_ =	shalt  }
0x5d: {  	_ =	shalt  }
0x5e: {  	_ =	shalt  }
0x5f: {  	_ =	shalt  }
0x60: {  	_ =	shalt  }
0x61: {  	_ =	shalt  }
0x62: {  	_ =	shalt  }
0x63: {  	_ =	shalt  }
0x64: {  	_ =	shalt  }
0x65: {  	_ =	shalt  }
0x66: {  	_ =	shalt  }
0x67: {  	_ =	shalt  }
0x68: {  	_ =	shalt  }
0x69: {  	_ =	shalt  }
0x6a: {  	_ =	shalt  }
0x6b: {  	_ =	shalt  }
0x6c: {  	_ =	shalt  }
0x6d: {  	_ =	shalt  }
0x6e: {  	_ =	shalt  }
0x6f: {  	_ =	shalt  }
0x70: {  	_ =	shalt  }
0x71: {  	_ =	shalt  }
0x72: {  	_ =	shalt  }
0x73: {  	_ =	shalt  }
0x74: {  	_ =	shalt  }
0x75: {  	_ =	shalt  }
0x76: {  	_ =	shalt  }
0x77: {  	_ =	shalt  }
0x78: {  	_ =	shalt  }
0x79: {  	_ =	shalt  }
0x7a: {  	_ =	shalt  }
0x7b: {  	_ =	shalt  }
0x7c: {  	_ =	shalt  }
0x7d: {  	_ =	shalt  }
0x7e: {  	_ =	shalt  }
0x7f: {  	_ =	shalt  }
0x80: {  	_ =	shalt  }
0x81: {  	_ =	shalt  }
0x82: {  	_ =	shalt  }
0x83: {  	_ =	shalt  }
0x84: {  	_ =	shalt  }
0x85: {  	_ =	shalt  }
0x86: {  	_ =	shalt  }
0x87: {  	_ =	shalt  }
.Lfunc_end0:
.L_simem_size_0:
called_computation.7_lowered:
.L_overlay_start_0:
0x88: {  	s2 =	sld [smem:$0x3FD9]  }
0x89: {  	s3 =	sld [smem:$0x3FFE];
	_ =	sdelay $0x1  }
0x8a: {  	s1 =	srdreg.scid  }
0x8b: {  	s0 =	sand.u32 $0x1, s1  }
0x8c: {  	s16 =	sshll.u32 s0, $0xA;
	s2 =	sadd.s32 s3, s2  }
0x8d: {  	s2 =	sadd.s32 s2, s16  }
0x8e: {  	[smem:$0x3FBD] =	sst s2  }
0x8f: {  	_ = 	snop  }
0x90: {  	(tm) =	ssettm $0x1  }
0x91: {  	s17 =	sld [smem:$0x3FFB];
	_ =	sdelay $0x3  }
0x92: {  	_ =	strace s17  }
0x93: {  	s2 =	sld [smem:$0x3FFC];
	_ =	sdelay $0x3  }
0x94: {  	_ =	strace s2  }
0x95: {  	s2 =	sld [smem:$0x3FFD];
	_ =	sdelay $0x3  }
0x96: {  	_ =	strace s2  }
0x97: {  	_ =	strace $0x8FFFFFFF  }
0x98: {  	s18 =	sld [smem:$0x3FDB];
	_ =	sdelay $0x1  }
0x99: {  	s19 =	simm.s32 $_scs_section_size  }
0x9a: {  	s4 =	simm.s32 $_size__tile_overlayer_lowered;
	s5 =	simm.s32 $_tile_overlayer_lowered  }
0x9b: {  	s22 =	simm.s32 $0x1BFF;
	s21 =	sshll.u32 s5, $0x1;
	s2 =	sadd.s32 s19, s18  }
0x9c: {  	s6 =	simm.s32 $0x0;
	s20 =	sshll.u32 s4, $0x1;
	s4 =	sadd.s32 s21, s2  }
0x9d: {  	[timem:s6], [sflag:s22] =	dma.local [hbm:s4], s20  }
0x9e: {  	_ =	swait.ge [sflag:s22], s20  }
0x9f: {  	s3 =	ssub.s32 $0x0, s20;
	[sflag:s22] =	ssyncset.done $0x0  }
0xa0: {  	[sflag:s22] =	ssyncadd.s32 s3;
	_ =	sdelay $0x1  }
0xa1: {  	s23 =	simm.s32 $0x1B8B  }
0xa2: {  	_ =	swait.ge [sflag:s23], $0x1  }
0xa3: {  	[sflag:s23] =	ssyncset.done $0x0  }
0xa4: {  	s25 =	simm.s32 $0x1B8E;
	s24 =	sld [smem:$0x3FFE];
	[sflag:s23] =	ssyncadd.s32 $0xFFFFFFFF  }
0xa5: {  	s26 =	simm.s32 $execute0_lowered;
	[smem:$0x3FD2] =	sst s25  }
0xa6: {  	s4 =	sshll.u32 s26, $0x1;
	_ =	strace $0x8000005B;
	[dreg:$0x1] =	wrdreg $0xFFFFFFFF  }
0xa7: {  	s28 =	simm.s32 $_size_execute0_lowered;
	s2 =	sadd.s32 s2, s4;
	[dreg:$0x0] =	wrdreg $0x0  }
0xa8: {  	s4 =	sshll.u32 s28, $0x1;
	[dreg:$0x2] =	wrdreg s2  }
0xa9: {  	[dreg:$0x3] =	wrdreg s4  }
0xaa: {  	[dreg:$0x4] =	wrdreg $0xC0  }
0xab: {  	_ =	task [dreg:s6], $0x5FFFF  }
0xac: {  	[dreg:$0x1] =	wrdreg $0xFFFFFFFF  }
0xad: {  	[dreg:$0x0] =	wrdreg $0x60  }
0xae: {  	[dreg:$0x2] =	wrdreg s24  }
0xaf: {  	[dreg:$0x3] =	wrdreg $0xB4000  }
0xb0: {  	[dreg:$0x4] =	wrdreg $0x9  }
0xb1: {  	_ =	task.clear_ibuf [dreg:s6], $0x5FFFF;
	_ =	strace $0x9000005B  }
0xb2: {  	s29 =	simm.s32 $0x9;
	_ =	strace $0x8000005D  }
0xb3: {  	_ =	swait.ge [sflag:s29], $0x1  }
0xb4: {  	[sflag:s29] =	ssyncadd.s32 $0xFFFFFFFF  }
0xb5: {  	_ =	strace $0x9000005D  }
0xb6: {  	_ =	sfence  }
0xb7: {  	s30 =	sld [smem:$0x0];
	_ =	sdelay $0x2  }
0xb8: {  	s31 =	sshll.u32 s1, $0xD;
	s1 =	sshrl.u32 s1, $0x2  }
0xb9: {  	s3 =	sand.u32 $0x4000, s31;
	s1 =	sadd.s32 s1, s30  }
0xba: {  	s0 =	sor.u32 s3, s0;
	s1 =	sshll.u32 s1, $0x11  }
0xbb: {  	s0 =	sor.u32 s1, s0  }
0xbc: {  	s0 =	sadd.s32 $0x8F2B, s0  }
0xbd: {  	[sflag:s0] =	ssyncadd.remote.s32 $0x1  }
0xbe: {  	_ =	sfence.sel $0xFFFF  }
0xbf: {  	[dreg:$0x0] =	wrdreg $0xFFFFFFFF;
	(pc) =	sbr.abs _section_cstart, $3  }
0xc0: {  	[dreg:$0x1] =	wrdreg $0xFFFFFFFF  }
0xc1: {  	_ =	task.clear_ibuf [dreg:s6], $0x2FFFF;
	_ =	strace $0x9FFFFFFF  }
0xc2: {  	(tm) =	ssettm $0x7FFFFFFF  }
0xc3: {  	_ =	shalt  }
tec
execute0_lowered:
.L_overlay_start_1:
0x0: {  	(tag) =	ssettag $0x1  }
0x1: {  	s0 =	srdreg.scid  }
0x2: {  	s19 =	stileid.u32;
	s4 =	rddreg [dreg:$0x0]  }
0x3: {  	s0 =	sand.u32 $0x1, s0;
	s1 =	smul.u32 $0x280, s19;
	s8 =	sadd.s32 $0xE400, s4  }
0x4: {  	s2 =	sshll.u32 s0, $0x4;
	s3 =	smul.u32 $0x2800, s0;
	s6 =	ssub.s32 $0x2, s0  }
0x5: {  	s0 =	smul.u32 $0x140000, s0;
	s2 =	sor.u32 s19, s2;
	s9 =	sshrl.u32 s6, $0x1  }
0x6: {  	s10 =	sadd.s32 $0x80, s1;
	s12 =	sadd.s32 $0xC0, s1;
	s16 =	sadd.s32 $0x180, s1  }
0x7: {  	s17 =	sadd.s32 $0x1C0, s1;
	s18 =	sadd.s32 $0x200, s1;
	s5 =	smul.u32 $0x1400, s2  }
0x8: {  	s7 =	sadd.s32 s3, s1;
	s6 =	ssub.s32 s6, s9;
	s11 =	sadd.s32 s3, s10  }
0x9: {  	s13 =	sadd.s32 s3, s12;
	s15 =	sadd.s32 s3, s16;
	s2 =	smul.u32 $0x14000, s2  }
0xa: {  	s7 =	sshll.u32 s7, $0x4;
	s21 =	sshll.u32 s11, $0x4;
	s22 =	sshll.u32 s13, $0x4  }
0xb: {  	s13 =	sadd.s32 $0x140, s1;
	s26 =	sshll.u32 s15, $0x4;
	s15 =	sadd.s32 s3, s17  }
0xc: {  	s7 =	sadd.s32 s8, s7;
	s23 =	sadd.s32 s8, s22;
	s14 =	sadd.s32 s3, s13  }
0xd: {  	s22 =	sshrl.u32 s5, $0x3;
	[dreg:$0x3] =	wrdreg s7;
	s7 =	sor.u32 $0x40, s1  }
0xe: {  	[dreg:$0x6] =	wrdreg s23;
	s25 =	sshll.u32 s14, $0x4;
	s14 =	sadd.s32 s8, s26  }
0xf: {  	s23 =	sshll.u32 s5, $0x4;
	s20 =	sadd.s32 s3, s7;
	[dreg:$0x9] =	wrdreg s14  }
0x10: {  	s14 =	rddreg [dreg:$0x1];
	s5 =	sshll.u32 s7, $0x7;
	s9 =	sshll.u32 s20, $0x4  }
0x11: {  	s7 =	sshll.u32 s12, $0x7;
	s20 =	sadd.s32 s3, s18;
	s9 =	sadd.s32 s8, s9  }
0x12: {  	[dreg:$0x4] =	wrdreg s9;
	s9 =	sadd.s32 s8, s21;
	s21 =	sshll.u32 s20, $0x4  }
0x13: {  	[dreg:$0x5] =	wrdreg s9;
	s9 =	sadd.s32 $0x100, s1;
	s1 =	sadd.s32 $0x240, s1  }
0x14: {  	s24 =	sadd.s32 s3, s9;
	s3 =	sadd.s32 s3, s1;
	s12 =	sshll.u32 s9, $0x7  }
0x15: {  	s1 =	sshll.u32 s1, $0x7;
	s9 =	simm.s32 $0x5;
	s11 =	sshll.u32 s24, $0x4  }
0x16: {  	s3 =	sshll.u32 s3, $0x4;
	s24 =	smul.u32 $0x50000, s19;
	s11 =	sadd.s32 s8, s11  }
0x17: {  	s28 =	sadd.s32 s1, s14;
	s3 =	sadd.s32 s8, s3;
	[dreg:$0x7] =	wrdreg s11  }
0x18: {  	s11 =	sadd.s32 s8, s25;
	[dreg:$0xc] =	wrdreg s3;
	s3 =	sadd.s32 s22, s4  }
0x19: {  	s4 =	sadd.s32 $0x28E400, s4;
	s25 =	smul.u32 $0x14000, s19;
	s26 =	sshrl.u32 s24, $0x2  }
0x1a: {  	s19 =	sshll.u32 s13, $0x7;
	s24 =	sshll.u32 s17, $0x7;
	s17 =	simm.s32 $0x80  }
0x1b: {  	[dreg:$0x8] =	wrdreg s11;
	s11 =	sshll.u32 s15, $0x4;
	s20 =	sadd.s32 s4, s2  }
0x1c: {  	s2 =	sadd.s32 s23, s4;
	s0 =	sadd.s32 s0, s4;
	s15 =	sadd.s32 s26, s14  }
0x1d: {  	s3 =	sadd.s32 $0x9400, s3;
	s4 =	smax.u32 s6, $0x1;
	s6 =	sshll.u32 s10, $0x7  }
0x1e: {  	s10 =	sadd.s32 s7, s14;
	s22 =	sadd.s32 s19, s14;
	s19 =	simm.s32 $0x3  }
0x1f: {  	s11 =	sadd.s32 s8, s11;
	s0 =	sadd.s32 s25, s0;
	s2 =	sadd.s32 $0x1000, s2  }
0x20: {  	s25 =	sshll.u32 s18, $0x7;
	[dreg:$0xa] =	wrdreg s11;
	s11 =	sadd.s32 s8, s21  }
0x21: {  	s30 =	sadd.s32 $0x2000, s15;
	[dreg:$0xb] =	wrdreg s11;
	s11 =	simm.s32 $0x0  }
0x22: {  	s31 =	sadd.s32 $0x4000, s15;
	s13 =	sadd.s32 $0x6000, s15;
	[smem:$0x7FF] =	sst s11  }
0x23: {  	s1 =	sadd.s32 $0xA000, s15;
	_ =	strace $0x8000005C;
	[dreg:$0xd] =	wrdreg s3  }
0x24: {  	s7 =	sadd.s32 $0x13800, s20;
	s18 =	simm.s32 $0x5400;
	[dreg:$0xe] =	wrdreg s4  }
0x25: {  	s8 =	sadd.s32 s6, s14;
	s21 =	sshll.u32 s16, $0x7;
	[dreg:$0xf] =	wrdreg s2  }
0x26: {  	s26 =	sadd.s32 s25, s14;
	s29 =	sadd.s32 $0x2000, s0;
	[dreg:$0x11] =	wrdreg s8  }
0x27: {  	s0 =	sadd.s32 $0x8000, s15;
	s6 =	sadd.s32 $0x800, s20;
	[dreg:$0x12] =	wrdreg s10  }
0x28: {  	s16 =	simm.s32 $0x1;
	s23 =	sadd.s32 s21, s14;
	[dreg:$0x14] =	wrdreg s22  }
0x29: {  	s21 =	simm.s32 $0x0;
	s2 =	sadd.s32 s5, s14;
	[dreg:$0x15] =	wrdreg s23  }
0x2a: {  	[dreg:$0x17] =	wrdreg s26;
	s3 =	sadd.s32 $0xE000, s15;
	s4 =	sadd.s32 $0x10000, s15  }
0x2b: {  	s5 =	sadd.s32 $0x12000, s15;
	s26 =	smov.u32 s20;
	s8 =	simm.s32 $0x9400  }
0x2c: {  	s10 =	simm.s32 $0x1400;
	[dreg:$0x10] =	wrdreg s2;
	s2 =	sadd.s32 s12, s14  }
0x2d: {  	s20 =	simm.s32 $0x2;
	[dreg:$0x13] =	wrdreg s2;
	s2 =	sadd.s32 s24, s14  }
0x2e: {  	v0 =	vimm.f32 $0.0e+00;
	s12 =	simm.s32 $0x4;
	[dreg:$0x16] =	wrdreg s2;
	s2 =	sadd.s32 $0xC000, s15  }
.LBB2_1:
0x2f: {  	s22 =	simm.s32 $0x0;
	s23 =	simm.s32 $0x200  }
.LBB2_2:
0x30: {  	p0 =	sne.s32 s23, $0x7E00;
	[tilespmem:s22+$0x9470] =	vst v0  }
0x31: {  	[tilespmem:s22+$0x9400] =	vst v0  }
0x32: {  	[tilespmem:s22+$0x9410] =	vst v0  }
.Ltmp0:
0x33: {  	[tilespmem:s22+$0x9420] =	vst v0;
	(pc) =	sbr.rel @p0 .LBB2_2-.Ltmp0, $4  }
0x34: {  	[tilespmem:s22+$0x9430] =	vst v0  }
0x35: {  	[tilespmem:s22+$0x9440] =	vst v0  }
0x36: {  	[tilespmem:s22+$0x9450] =	vst v0  }
0x37: {  	[tilespmem:s22+$0x9460] =	vst v0;
	s22 =	sshra.s32 s23, $0x2;
	s23 =	sadd.s32 $0x200, s23  }
0x38: {  	[tilespmem:s22+$0x9470] =	vst v0  }
0x39: {  	[tilespmem:s22+$0x9400] =	vst v0  }
0x3a: {  	[tilespmem:s22+$0x9410] =	vst v0  }
0x3b: {  	[tilespmem:s22+$0x9420] =	vst v0  }
0x3c: {  	[tilespmem:s22+$0x9430] =	vst v0  }
0x3d: {  	[tilespmem:s22+$0x9440] =	vst v0  }
0x3e: {  	[tilespmem:s22+$0x9450] =	vst v0  }
0x3f: {  	[tilespmem:s22+$0x9460] =	vst v0  }
0x40: {  	[spmem:s15] =	stream.linear.scatter [tilespmem:s8], [sflag:$0x5], $0x2000, $0x38;
	[tilespmem:$0x1F400] =	vst v63  }
0x41: {  	_ =	swait.ge [sflag:s9], $0x2000  }
0x42: {  	[sflag:s9] =	ssyncset.done $0x0  }
0x43: {  	[sflag:s9] =	ssyncadd.s32 $0xFFFFE000  }
0x44: {  	[spmem:s30] =	stream.linear.scatter [tilespmem:s8], [sflag:$0x5], $0x2000, $0x38;
	[tilespmem:$0x1F400] =	vst v63  }
0x45: {  	_ =	swait.ge [sflag:s9], $0x2000  }
0x46: {  	[sflag:s9] =	ssyncset.done $0x0  }
0x47: {  	[sflag:s9] =	ssyncadd.s32 $0xFFFFE000  }
0x48: {  	[spmem:s31] =	stream.linear.scatter [tilespmem:s8], [sflag:$0x5], $0x2000, $0x38;
	[tilespmem:$0x1F400] =	vst v63  }
0x49: {  	_ =	swait.ge [sflag:s9], $0x2000  }
0x4a: {  	[sflag:s9] =	ssyncset.done $0x0  }
0x4b: {  	[sflag:s9] =	ssyncadd.s32 $0xFFFFE000  }
0x4c: {  	[spmem:s13] =	stream.linear.scatter [tilespmem:s8], [sflag:$0x5], $0x2000, $0x38;
	[tilespmem:$0x1F400] =	vst v63  }
0x4d: {  	_ =	swait.ge [sflag:s9], $0x2000  }
0x4e: {  	[sflag:s9] =	ssyncset.done $0x0  }
0x4f: {  	[sflag:s9] =	ssyncadd.s32 $0xFFFFE000  }
0x50: {  	[spmem:s0] =	stream.linear.scatter [tilespmem:s8], [sflag:$0x5], $0x2000, $0x38;
	[tilespmem:$0x1F400] =	vst v63  }
0x51: {  	_ =	swait.ge [sflag:s9], $0x2000  }
0x52: {  	[sflag:s9] =	ssyncset.done $0x0  }
0x53: {  	[sflag:s9] =	ssyncadd.s32 $0xFFFFE000  }
0x54: {  	[spmem:s1] =	stream.linear.scatter [tilespmem:s8], [sflag:$0x5], $0x2000, $0x38;
	[tilespmem:$0x1F400] =	vst v63  }
0x55: {  	_ =	swait.ge [sflag:s9], $0x2000  }
0x56: {  	[sflag:s9] =	ssyncset.done $0x0  }
0x57: {  	[sflag:s9] =	ssyncadd.s32 $0xFFFFE000  }
0x58: {  	[spmem:s2] =	stream.linear.scatter [tilespmem:s8], [sflag:$0x5], $0x2000, $0x38;
	[tilespmem:$0x1F400] =	vst v63  }
0x59: {  	_ =	swait.ge [sflag:s9], $0x2000  }
0x5a: {  	[sflag:s9] =	ssyncset.done $0x0  }
0x5b: {  	[sflag:s9] =	ssyncadd.s32 $0xFFFFE000  }
0x5c: {  	[spmem:s3] =	stream.linear.scatter [tilespmem:s8], [sflag:$0x5], $0x2000, $0x38;
	[tilespmem:$0x1F400] =	vst v63  }
0x5d: {  	_ =	swait.ge [sflag:s9], $0x2000  }
0x5e: {  	[sflag:s9] =	ssyncset.done $0x0  }
0x5f: {  	[sflag:s9] =	ssyncadd.s32 $0xFFFFE000  }
0x60: {  	[spmem:s4] =	stream.linear.scatter [tilespmem:s8], [sflag:$0x5], $0x2000, $0x38;
	[tilespmem:$0x1F400] =	vst v63  }
0x61: {  	_ =	swait.ge [sflag:s9], $0x2000  }
0x62: {  	[sflag:s9] =	ssyncset.done $0x0  }
0x63: {  	[sflag:s9] =	ssyncadd.s32 $0xFFFFE000  }
0x64: {  	[spmem:s5] =	stream.linear.scatter [tilespmem:s8], [sflag:$0x5], $0x2000, $0x38;
	[tilespmem:$0x1F400] =	vst v63  }
0x65: {  	_ =	swait.ge [sflag:s9], $0x2000  }
0x66: {  	[sflag:s9] =	ssyncset.done $0x0  }
0x67: {  	[sflag:s9] =	ssyncadd.s32 $0xFFFFE000  }
0x68: {  	[bflag:$0x0] =	sbarrier.arrive $0xFFFF  }
0x69: {  	s24 =	simm.s32 $0x0;
	s23 =	rddreg [dreg:$0xd]  }
0x6a: {  	[tilespmem:s24], [sflag:$0x5] =	stream.linear.gather [hbm4b:s23+s24], $0x1400, $0x38;
	[tilespmem:$0x1F400] =	vst v63  }
0x6b: {  	_ =	swait.ge [sflag:s9], $0x1400  }
0x6c: {  	[sflag:s9] =	ssyncset.done $0x0  }
0x6d: {  	[sflag:s9] =	ssyncadd.s32 $0xFFFFEC00  }
0x6e: {  	[tilespmem:s10], [sflag:$0x1] =	stream.linear.gather [hbm4b:s26+s24], $0x4000, $0x38;
	[tilespmem:$0x1F400] =	vst v63  }
0x6f: {  	_ =	swait.ge [sflag:s16], $0x4000  }
0x70: {  	[sflag:s16] =	ssyncset.done $0x0  }
0x71: {  	[sflag:s16] =	ssyncadd.s32 $0xFFFFC000  }
0x72: {  	[spmem:s14] =	stream.indirect.scatter.add.f32 [tilespmem:s10], [sflag:$0x3], $0x80, s24, s17, $0xb8;
	[tilespmem:$0x1F400] =	vst v63  }
0x73: {  	_ = 	snop  }
0x74: {  	[tilespmem:s18], [sflag:$0x2] =	stream.linear.gather [hbm4b:s6+s24], $0x4000, $0x38;
	[tilespmem:$0x1F400] =	vst v63  }
0x75: {  	_ =	swait.ge [sflag:s19], $0x4000  }
0x76: {  	[sflag:s19] =	ssyncset.done $0x0  }
0x77: {  	s25 =	rddreg [dreg:$0xf];
	[sflag:s19] =	ssyncadd.s32 $0xFFFFC000  }
0x78: {  	[tilespmem:s10], [sflag:$0x1] =	stream.linear.gather [hbm4b:s25+s24], $0x4000, $0x38;
	[tilespmem:$0x1F400] =	vst v63  }
0x79: {  	_ =	swait.ge [sflag:s20], $0x4000  }
0x7a: {  	[sflag:s20] =	ssyncset.done $0x0  }
0x7b: {  	[sflag:s20] =	ssyncadd.s32 $0xFFFFC000  }
0x7c: {  	[spmem:s14] =	stream.indirect.scatter.add.f32 [tilespmem:s18], [sflag:$0x4], $0x80, s17, s17, $0xb8;
	[tilespmem:$0x1F400] =	vst v63  }
0x7d: {  	_ =	swait.ge [sflag:s16], $0x4000  }
0x7e: {  	[sflag:s16] =	ssyncset.done $0x0  }
0x7f: {  	s24 =	simm.s32 $0x100;
	[sflag:s16] =	ssyncadd.s32 $0xFFFFC000  }
0x80: {  	[spmem:s14] =	stream.indirect.scatter.add.f32 [tilespmem:s10], [sflag:$0x3], $0x80, s24, s17, $0xb8;
	[tilespmem:$0x1F400] =	vst v63  }
0x81: {  	_ =	swait.ge [sflag:s12], $0x4000  }
0x82: {  	[sflag:s12] =	ssyncset.done $0x0  }
0x83: {  	s25 =	sadd.s32 $0xFFFFF800, s29;
	[sflag:s12] =	ssyncadd.s32 $0xFFFFC000  }
0x84: {  	[tilespmem:s18], [sflag:$0x2] =	stream.linear.gather [hbm4b:s25+s11], $0x4000, $0x38;
	[tilespmem:$0x1F400] =	vst v63  }
0x85: {  	_ =	swait.ge [sflag:s19], $0x4000  }
0x86: {  	[sflag:s19] =	ssyncset.done $0x0  }
0x87: {  	[sflag:s19] =	ssyncadd.s32 $0xFFFFC000  }
0x88: {  	[tilespmem:s10], [sflag:$0x1] =	stream.linear.gather [hbm4b:s29+s11], $0x4000, $0x38;
	[tilespmem:$0x1F400] =	vst v63  }
0x89: {  	_ =	swait.ge [sflag:s20], $0x4000  }
0x8a: {  	s22 =	simm.s32 $0x400;
	[sflag:s20] =	ssyncset.done $0x0  }
0x8b: {  	s23 =	sadd.s32 $0x1000, s29;
	s24 =	simm.s32 $0x180;
	[sflag:s20] =	ssyncadd.s32 $0xFFFFC000  }
.LBB2_4:
0x8c: {  	[spmem:s14] =	stream.indirect.scatter.add.f32 [tilespmem:s18], [sflag:$0x4], $0x80, s24, s17, $0xb8;
	[tilespmem:$0x1F400] =	vst v63  }
0x8d: {  	s24 =	smov.u32 s22  }
0x8e: {  	p0 =	sne.s32 s22, $0x4400;
	s22 =	sadd.s32 $0x400, s22;
	_ =	swait.ge [sflag:s16], $0x4000  }
0x8f: {  	s24 =	sshra.s32 s24, $0x2;
	[sflag:s16] =	ssyncset.done $0x0  }
0x90: {  	s25 =	sadd.s32 $0x100, s24;
	[sflag:s16] =	ssyncadd.s32 $0xFFFFC000  }
0x91: {  	[spmem:s14] =	stream.indirect.scatter.add.f32 [tilespmem:s10], [sflag:$0x3], $0x80, s25, s17, $0xb8;
	[tilespmem:$0x1F400] =	vst v63  }
0x92: {  	_ =	swait.ge [sflag:s12], $0x4000  }
0x93: {  	[sflag:s12] =	ssyncset.done $0x0  }
0x94: {  	s25 =	sadd.s32 $0xFFFFF800, s23;
	[sflag:s12] =	ssyncadd.s32 $0xFFFFC000  }
0x95: {  	[tilespmem:s18], [sflag:$0x2] =	stream.linear.gather [hbm4b:s25+s11], $0x4000, $0x38;
	[tilespmem:$0x1F400] =	vst v63  }
0x96: {  	_ =	swait.ge [sflag:s19], $0x4000  }
0x97: {  	[sflag:s19] =	ssyncset.done $0x0  }
.Ltmp1:
0x98: {  	[sflag:s19] =	ssyncadd.s32 $0xFFFFC000;
	(pc) =	sbr.rel @p0 .LBB2_4-.Ltmp1, $4  }
0x99: {  	[tilespmem:s10], [sflag:$0x1] =	stream.linear.gather [hbm4b:s23+s11], $0x4000, $0x38;
	[tilespmem:$0x1F400] =	vst v63  }
0x9a: {  	_ =	swait.ge [sflag:s20], $0x4000  }
0x9b: {  	[sflag:s20] =	ssyncset.done $0x0  }
0x9c: {  	s24 =	sadd.s32 $0x180, s24;
	s23 =	sadd.s32 $0x1000, s23;
	[sflag:s20] =	ssyncadd.s32 $0xFFFFC000  }
0x9d: {  	[spmem:s14] =	stream.indirect.scatter.add.f32 [tilespmem:s18], [sflag:$0x4], $0x80, s24, s17, $0xb8;
	[tilespmem:$0x1F400] =	vst v63  }
0x9e: {  	_ =	swait.ge [sflag:s16], $0x4000  }
0x9f: {  	[sflag:s16] =	ssyncset.done $0x0  }
0xa0: {  	s22 =	simm.s32 $0x1300;
	[sflag:s16] =	ssyncadd.s32 $0xFFFFC000  }
0xa1: {  	[spmem:s14] =	stream.indirect.scatter.add.f32 [tilespmem:s10], [sflag:$0x3], $0x80, s22, s17, $0xb8;
	[tilespmem:$0x1F400] =	vst v63  }
0xa2: {  	_ =	swait.ge [sflag:s12], $0x4000  }
0xa3: {  	[sflag:s12] =	ssyncset.done $0x0  }
0xa4: {  	[sflag:s12] =	ssyncadd.s32 $0xFFFFC000  }
0xa5: {  	[tilespmem:s18], [sflag:$0x2] =	stream.linear.gather [hbm4b:s7+s11], $0x4000, $0x38;
	[tilespmem:$0x1F400] =	vst v63  }
0xa6: {  	_ =	swait.ge [sflag:s19], $0x4000  }
0xa7: {  	[sflag:s19] =	ssyncset.done $0x0  }
0xa8: {  	[sflag:s19] =	ssyncadd.s32 $0xFFFFC000  }
0xa9: {  	_ =	swait.ge [sflag:s20], $0x4000  }
0xaa: {  	[sflag:s20] =	ssyncset.done $0x0  }
0xab: {  	s24 =	simm.s32 $0x1380;
	[sflag:s20] =	ssyncadd.s32 $0xFFFFC000  }
0xac: {  	[spmem:s14] =	stream.indirect.scatter.add.f32 [tilespmem:s18], [sflag:$0x4], $0x80, s24, s17, $0xb8;
	[tilespmem:$0x1F400] =	vst v63  }
0xad: {  	_ =	swait.ge [sflag:s12], $0x4000  }
0xae: {  	[sflag:s12] =	ssyncset.done $0x0  }
0xaf: {  	[sflag:s12] =	ssyncadd.s32 $0xFFFFC000  }
0xb0: {  	[bflag:$0x0] =	sbarrier.arrive $0xFFFF  }
0xb1: {  	[tilespmem:s8], [sflag:$0x5] =	stream.linear.gather [spmem:s15], $0x2000, $0x38;
	[tilespmem:$0x1F400] =	vst v63  }
0xb2: {  	_ =	swait.ge [sflag:s9], $0x2000  }
0xb3: {  	[sflag:s9] =	ssyncset.done $0x0  }
0xb4: {  	s25 =	rddreg [dreg:$0x3];
	[sflag:s9] =	ssyncadd.s32 $0xFFFFE000  }
0xb5: {  	[hbm4b:s25+s11] =	stream.linear.scatter [tilespmem:s8], [sflag:$0x5], $0x2000, $0x38;
	[tilespmem:$0x1F400] =	vst v63  }
0xb6: {  	_ =	swait.ge [sflag:s9], $0x2000  }
0xb7: {  	[sflag:s9] =	ssyncset.done $0x0  }
0xb8: {  	s23 =	rddreg [dreg:$0x10];
	[sflag:s9] =	ssyncadd.s32 $0xFFFFE000  }
0xb9: {  	[tilespmem:s8], [sflag:$0x5] =	stream.linear.gather [spmem:s23], $0x2000, $0x38;
	[tilespmem:$0x1F400] =	vst v63  }
0xba: {  	_ =	swait.ge [sflag:s9], $0x2000  }
0xbb: {  	[sflag:s9] =	ssyncset.done $0x0  }
0xbc: {  	s24 =	rddreg [dreg:$0x4];
	[sflag:s9] =	ssyncadd.s32 $0xFFFFE000  }
0xbd: {  	[hbm4b:s24+s11] =	stream.linear.scatter [tilespmem:s8], [sflag:$0x5], $0x2000, $0x38;
	[tilespmem:$0x1F400] =	vst v63  }
0xbe: {  	_ =	swait.ge [sflag:s9], $0x2000  }
0xbf: {  	[sflag:s9] =	ssyncset.done $0x0  }
0xc0: {  	s25 =	rddreg [dreg:$0x11];
	[sflag:s9] =	ssyncadd.s32 $0xFFFFE000  }
0xc1: {  	[tilespmem:s8], [sflag:$0x5] =	stream.linear.gather [spmem:s25], $0x2000, $0x38;
	[tilespmem:$0x1F400] =	vst v63  }
0xc2: {  	_ =	swait.ge [sflag:s9], $0x2000  }
0xc3: {  	[sflag:s9] =	ssyncset.done $0x0  }
0xc4: {  	s23 =	rddreg [dreg:$0x5];
	[sflag:s9] =	ssyncadd.s32 $0xFFFFE000  }
0xc5: {  	[hbm4b:s23+s11] =	stream.linear.scatter [tilespmem:s8], [sflag:$0x5], $0x2000, $0x38;
	[tilespmem:$0x1F400] =	vst v63  }
0xc6: {  	_ =	swait.ge [sflag:s9], $0x2000  }
0xc7: {  	[sflag:s9] =	ssyncset.done $0x0  }
0xc8: {  	s24 =	rddreg [dreg:$0x12];
	[sflag:s9] =	ssyncadd.s32 $0xFFFFE000  }
0xc9: {  	[tilespmem:s8], [sflag:$0x5] =	stream.linear.gather [spmem:s24], $0x2000, $0x38;
	[tilespmem:$0x1F400] =	vst v63  }
0xca: {  	_ =	swait.ge [sflag:s9], $0x2000  }
0xcb: {  	[sflag:s9] =	ssyncset.done $0x0  }
0xcc: {  	s25 =	rddreg [dreg:$0x6];
	[sflag:s9] =	ssyncadd.s32 $0xFFFFE000  }
0xcd: {  	[hbm4b:s25+s11] =	stream.linear.scatter [tilespmem:s8], [sflag:$0x5], $0x2000, $0x38;
	[tilespmem:$0x1F400] =	vst v63  }
0xce: {  	_ =	swait.ge [sflag:s9], $0x2000  }
0xcf: {  	[sflag:s9] =	ssyncset.done $0x0  }
0xd0: {  	s23 =	rddreg [dreg:$0x13];
	[sflag:s9] =	ssyncadd.s32 $0xFFFFE000  }
0xd1: {  	[tilespmem:s8], [sflag:$0x5] =	stream.linear.gather [spmem:s23], $0x2000, $0x38;
	[tilespmem:$0x1F400] =	vst v63  }
0xd2: {  	_ =	swait.ge [sflag:s9], $0x2000  }
0xd3: {  	[sflag:s9] =	ssyncset.done $0x0  }
0xd4: {  	s24 =	rddreg [dreg:$0x7];
	[sflag:s9] =	ssyncadd.s32 $0xFFFFE000  }
0xd5: {  	[hbm4b:s24+s11] =	stream.linear.scatter [tilespmem:s8], [sflag:$0x5], $0x2000, $0x38;
	[tilespmem:$0x1F400] =	vst v63  }
0xd6: {  	_ =	swait.ge [sflag:s9], $0x2000  }
0xd7: {  	[sflag:s9] =	ssyncset.done $0x0  }
0xd8: {  	s25 =	rddreg [dreg:$0x14];
	[sflag:s9] =	ssyncadd.s32 $0xFFFFE000  }
0xd9: {  	[tilespmem:s8], [sflag:$0x5] =	stream.linear.gather [spmem:s25], $0x2000, $0x38;
	[tilespmem:$0x1F400] =	vst v63  }
0xda: {  	_ =	swait.ge [sflag:s9], $0x2000  }
0xdb: {  	[sflag:s9] =	ssyncset.done $0x0  }
0xdc: {  	s23 =	rddreg [dreg:$0x8];
	[sflag:s9] =	ssyncadd.s32 $0xFFFFE000  }
0xdd: {  	[hbm4b:s23+s11] =	stream.linear.scatter [tilespmem:s8], [sflag:$0x5], $0x2000, $0x38;
	[tilespmem:$0x1F400] =	vst v63  }
0xde: {  	_ =	swait.ge [sflag:s9], $0x2000  }
0xdf: {  	[sflag:s9] =	ssyncset.done $0x0  }
0xe0: {  	s24 =	rddreg [dreg:$0x15];
	[sflag:s9] =	ssyncadd.s32 $0xFFFFE000  }
0xe1: {  	[tilespmem:s8], [sflag:$0x5] =	stream.linear.gather [spmem:s24], $0x2000, $0x38;
	[tilespmem:$0x1F400] =	vst v63  }
0xe2: {  	_ =	swait.ge [sflag:s9], $0x2000  }
0xe3: {  	[sflag:s9] =	ssyncset.done $0x0  }
0xe4: {  	s25 =	rddreg [dreg:$0x9];
	[sflag:s9] =	ssyncadd.s32 $0xFFFFE000  }
0xe5: {  	[hbm4b:s25+s11] =	stream.linear.scatter [tilespmem:s8], [sflag:$0x5], $0x2000, $0x38;
	[tilespmem:$0x1F400] =	vst v63  }
0xe6: {  	_ =	swait.ge [sflag:s9], $0x2000  }
0xe7: {  	[sflag:s9] =	ssyncset.done $0x0  }
0xe8: {  	s23 =	rddreg [dreg:$0x16];
	[sflag:s9] =	ssyncadd.s32 $0xFFFFE000  }
0xe9: {  	[tilespmem:s8], [sflag:$0x5] =	stream.linear.gather [spmem:s23], $0x2000, $0x38;
	[tilespmem:$0x1F400] =	vst v63  }
0xea: {  	_ =	swait.ge [sflag:s9], $0x2000  }
0xeb: {  	[sflag:s9] =	ssyncset.done $0x0  }
0xec: {  	s24 =	rddreg [dreg:$0xa];
	[sflag:s9] =	ssyncadd.s32 $0xFFFFE000  }
0xed: {  	[hbm4b:s24+s11] =	stream.linear.scatter [tilespmem:s8], [sflag:$0x5], $0x2000, $0x38;
	[tilespmem:$0x1F400] =	vst v63  }
0xee: {  	_ =	swait.ge [sflag:s9], $0x2000  }
0xef: {  	[sflag:s9] =	ssyncset.done $0x0  }
0xf0: {  	s25 =	rddreg [dreg:$0x17];
	[sflag:s9] =	ssyncadd.s32 $0xFFFFE000  }
0xf1: {  	[tilespmem:s8], [sflag:$0x5] =	stream.linear.gather [spmem:s25], $0x2000, $0x38;
	[tilespmem:$0x1F400] =	vst v63  }
0xf2: {  	_ =	swait.ge [sflag:s9], $0x2000  }
0xf3: {  	[sflag:s9] =	ssyncset.done $0x0  }
0xf4: {  	s23 =	rddreg [dreg:$0xb];
	[sflag:s9] =	ssyncadd.s32 $0xFFFFE000  }
0xf5: {  	[hbm4b:s23+s11] =	stream.linear.scatter [tilespmem:s8], [sflag:$0x5], $0x2000, $0x38;
	[tilespmem:$0x1F400] =	vst v63  }
0xf6: {  	_ =	swait.ge [sflag:s9], $0x2000  }
0xf7: {  	[sflag:s9] =	ssyncset.done $0x0  }
0xf8: {  	[sflag:s9] =	ssyncadd.s32 $0xFFFFE000  }
0xf9: {  	[tilespmem:s8], [sflag:$0x5] =	stream.linear.gather [spmem:s28], $0x2000, $0x38;
	[tilespmem:$0x1F400] =	vst v63  }
0xfa: {  	_ =	swait.ge [sflag:s9], $0x2000  }
0xfb: {  	[sflag:s9] =	ssyncset.done $0x0  }
0xfc: {  	s24 =	rddreg [dreg:$0xc];
	[sflag:s9] =	ssyncadd.s32 $0xFFFFE000  }
0xfd: {  	[hbm4b:s24+s11] =	stream.linear.scatter [tilespmem:s8], [sflag:$0x5], $0x2000, $0x38;
	[tilespmem:$0x1F400] =	vst v63  }
0xfe: {  	_ =	swait.ge [sflag:s9], $0x2000  }
0xff: {  	s21 =	sadd.s32 $0x1, s21;
	s25 =	rddreg [dreg:$0xe]  }
0x100: {  	p0 =	sne.s32 s21, s25  }
.Ltmp2:
0x101: {  	_ = 	snop;
	(pc) =	sbr.rel @p0 .LBB2_1-.Ltmp2, $3  }
0x102: {  	_ =	sdelay $0x1  }
0x103: {  	[sflag:s9] =	ssyncset.done $0x0  }
0x104: {  	[sflag:s9] =	ssyncadd.s32 $0xFFFFE000  }
0x105: {  	_ =	sfence.sel $0x180000  }
0x106: {  	[bflag:$0x0] =	sbarrier.arrive $0xFFFF  }
0x107: {  	_ =	strace $0x9000005C  }
0x108: {  	s0 =	stileid.u32;
	[bflag:$0x2] =	sbarrier.arrive $0xFFFF  }
0x109: {  	p0 =	sne.s32 s0, $0x0;
	s0 =	rddreg [dreg:$0x2]  }
0x10a: {  	s0 =	sadd.s32 @!p0 $0x100000, s0  }
0x10b: {  	[sflag:s0] =	ssyncadd.tile.s32 @!p0 $0x1;
	_ =	shalt  }
.Lfunc_end2:
_tile_overlayer_lowered:
.L_overlay_start_2:
0x10c: {  	(tag) =	ssettag $0x2  }
0x10d: {  	s0 =	rddreg [dreg:$0x0];
	s2 =	stileid.u32  }
0x10e: {  	s1 =	rddreg [dreg:$0x1];
	p0 =	sne.s32 s2, $0x0  }
0x10f: {  	s3 =	rddreg [dreg:$0x2];
	[bflag:$0x3] =	sbarrier.arrive $0xFFFF;
	s2 =	simm.s32 @!p0 $0x1C05  }
0x110: {  	[timem:s3], [sflag:s2] =	dma.local @!p0 [hbm:s0], s1  }
0x111: {  	s0 =	simm.s32 @!p0 $0x5  }
0x112: {  	_ =	swait.ge @!p0 [sflag:s0], s1  }
0x113: {  	s1 =	ssub.s32 @!p0 $0x0, s1;
	[sflag:s0] =	ssyncset.done @!p0 $0x0  }
0x114: {  	[sflag:s0] =	ssyncadd.s32 @!p0 s1  }
0x115: {  	[bflag:$0x3] =	sbarrier.arrive $0xFFFF  }
0x116: {  	_ =	shalt  }

</sc_bundles>
